<compile_context>
chip_gen: v7x
topology: tpu7x:2x2x1
jax: 0.10.2.dev20260603
libtpu: 0.0.44.dev20260713+nightly
codegen_flags: <defaults>
</compile_context>

<pallas_src>
import functools

import jax
import jax.numpy as jnp
from jax import lax
from jax.experimental import pallas as pl
from jax.experimental.pallas import tpu as pltpu
from jax.experimental.pallas import tpu_sc as plsc

NUM_FIELDS = 26
ROWS_PER_TABLE = 100001
D_MODEL = 128
BATCH = 16384

_info = plsc.get_sparse_core_info()
NC = _info.num_cores
NS = _info.num_subcores
LANES = _info.num_lanes
NW = NC * NS
BPW = BATCH // NW
NB = 64
NBLK = BPW // NB
NBUF = 10
GRP = 4
_BATCHES = [list(range(s, min(s + GRP, NUM_FIELDS)))
            for s in range(0, NUM_FIELDS, GRP)]


def _slot(f):
    return f % 8 if f < 24 else 8 + (f - 24)

_mesh = plsc.VectorSubcoreMesh(core_axis_name="c", subcore_axis_name="s")


@functools.partial(
    pl.kernel,
    mesh=_mesh,
    out_type=jax.ShapeDtypeStruct((BATCH, D_MODEL), jnp.float32),
    scratch_types=[
        pltpu.VMEM((NUM_FIELDS, BPW), jnp.int32),
        pltpu.VMEM((NBUF, NB, D_MODEL), jnp.float32),
        pltpu.VMEM((NB, D_MODEL), jnp.float32),
        pltpu.SemaphoreType.DMA,
        pltpu.SemaphoreType.DMA,
        pltpu.SemaphoreType.DMA,
        pltpu.SemaphoreType.DMA,
        pltpu.SemaphoreType.DMA,
        pltpu.SemaphoreType.DMA,
        pltpu.SemaphoreType.DMA,
        pltpu.SemaphoreType.DMA,
        pltpu.SemaphoreType.DMA,
        pltpu.SemaphoreType.DMA,
    ],
)
def _emb_kernel(idx_hbm, tab_hbm, out_hbm, idx_v, gbuf, acc,
                s0, s1, s2, s3, s4, s5, s6, s7, s8, s9):
    wid = lax.axis_index("s") * NC + lax.axis_index("c")
    base = wid * BPW
    sems = (s0, s1, s2, s3, s4, s5, s6, s7, s8, s9)
    pltpu.sync_copy(idx_hbm.at[:, pl.ds(base, BPW)], idx_v)

    def issue(f, blk):
        pltpu.async_copy(
            tab_hbm.at[f].at[idx_v.at[f, pl.ds(blk * NB, NB)]],
            gbuf.at[_slot(f)], sems[_slot(f)])

    def wait(f, blk):
        pltpu.make_async_copy(
            tab_hbm.at[f].at[idx_v.at[f, pl.ds(blk * NB, NB)]],
            gbuf.at[_slot(f)], sems[_slot(f)]).wait()

    def accum(fields, first):
        bufs = [gbuf.at[_slot(f)] for f in fields]

        def body(r, carry):
            for c in range(D_MODEL // LANES):
                sl = pl.ds(c * LANES, LANES)
                vs = [b[r, sl] for b in bufs]
                while len(vs) > 1:
                    vs = [vs[i] + vs[i + 1] for i in range(0, len(vs) - 1, 2)] \
                        + ([vs[-1]] if len(vs) % 2 else [])
                if first:
                    acc[r, sl] = vs[0]
                else:
                    plsc.addupdate(acc.at[r, sl], vs[0])
            return carry

        lax.fori_loop(0, NB, body, 0)

    for f in _BATCHES[0] + _BATCHES[1] + _BATCHES[-1]:
        issue(f, 0)

    def block_body(blk, carry):
        nbat = len(_BATCHES)
        for bi, fields in enumerate(_BATCHES):
            for f in fields:
                wait(f, blk)
            accum(fields, first=(bi == 0))
            if bi + 2 < nbat - 1:
                for f in _BATCHES[bi + 2]:
                    issue(f, blk)
            else:
                nxt = bi - 4 if bi < nbat - 1 else nbat - 1
                @pl.when(blk + 1 < NBLK)
                def _():
                    for f in _BATCHES[nxt]:
                        issue(f, blk + 1)
        pltpu.sync_copy(acc, out_hbm.at[pl.ds(base + blk * NB, NB)])
        return carry

    lax.fori_loop(0, NBLK, block_body, 0)


def kernel(x, tables):
    idx_t = x.T
    return _emb_kernel(idx_t, tables)

# --- scband reference (transcript-rebuilt; emitter-appended) ---
"""Pipeline reference for scband-discrete-embedding-67345087201723 (READ-ONLY COPY).

The authoritative reference and input builder live on the scoring server;
editing this copy changes nothing except your own understanding.
"""

import jax, jax.numpy as jnp
import numpy as np

NUM_FIELDS = 26
VOCAB = 100000
D_MODEL = 128
BATCH = 16384


def setup_inputs(seed: int = 0) -> dict:
    key = jax.random.key(seed)
    k_idx, k_tab = jax.random.split(key)
    # indices per field, values in [0, VOCAB] are valid since each table has VOCAB+1 rows
    x = jax.random.randint(k_idx, (BATCH, NUM_FIELDS), 0, VOCAB, dtype=jnp.int32)
    # xavier_uniform init for each embedding table of shape (VOCAB+1, D_MODEL)
    fan_in, fan_out = VOCAB + 1, D_MODEL
    bound = float(np.sqrt(6.0 / (fan_in + fan_out)))
    tables = jax.random.uniform(
        k_tab, (NUM_FIELDS, VOCAB + 1, D_MODEL), minval=-bound, maxval=bound, dtype=jnp.float32
    )
    return {"x": x, "tables": tables}


def reference(x, tables):
    # per-field embedding lookup: tables[i][x[:, i]] for each field i
    gathered = jax.vmap(lambda t, idx: jnp.take(t, idx, axis=0), in_axes=(0, 1))(tables, x)
    # gathered: (NUM_FIELDS, BATCH, D_MODEL); stack+sum over fields
    return jnp.sum(gathered, axis=0)

if __name__ == "__main__":
    import jax
    _d = setup_inputs()
    print(jax.jit(kernel)(*tuple(_d.values())))

</pallas_src>

<mosaic_0001>
#map = affine_map<(d0, d1) -> (0, 0)>
#map1 = affine_map<(d0, d1) -> (0, 0, 0)>
module attributes {stable_mosaic.version = 14 : i64} {
  func.func @_emb_kernel(%arg0: i32, %arg1: i32, %arg2: memref<26x16384xi32, #tpu.memory_space<hbm>>, %arg3: memref<26x100001x128xf32, #tpu.memory_space<hbm>>, %arg4: memref<16384x128xf32, #tpu.memory_space<hbm>>, %arg5: memref<26x512xi32, #tpu.memory_space<vmem>>, %arg6: memref<10x64x128xf32, #tpu.memory_space<vmem>>, %arg7: memref<64x128xf32, #tpu.memory_space<vmem>>, %arg8: memref<!tpu.dma_semaphore, #tpu.memory_space<semaphore_mem>>, %arg9: memref<!tpu.dma_semaphore, #tpu.memory_space<semaphore_mem>>, %arg10: memref<!tpu.dma_semaphore, #tpu.memory_space<semaphore_mem>>, %arg11: memref<!tpu.dma_semaphore, #tpu.memory_space<semaphore_mem>>, %arg12: memref<!tpu.dma_semaphore, #tpu.memory_space<semaphore_mem>>, %arg13: memref<!tpu.dma_semaphore, #tpu.memory_space<semaphore_mem>>, %arg14: memref<!tpu.dma_semaphore, #tpu.memory_space<semaphore_mem>>, %arg15: memref<!tpu.dma_semaphore, #tpu.memory_space<semaphore_mem>>, %arg16: memref<!tpu.dma_semaphore, #tpu.memory_space<semaphore_mem>>, %arg17: memref<!tpu.dma_semaphore, #tpu.memory_space<semaphore_mem>>) attributes {dimension_semantics = [#tpu.dimension_semantics<core_parallel>, #tpu.dimension_semantics<subcore_parallel>], iteration_bounds = array<i64: 2, 16>, scalar_prefetch = 0 : i64, scratch_operands = 13 : i64, tpu.core_type = #tpu.core_type<sc_vector_subcore>, window_params = [{transform_indices = #map}, {transform_indices = #map1}, {transform_indices = #map}]} {
    %mul3A = arith.constant 2 : i32
    %mul3A_0 = arith.muli %arg1, %mul3A : i32
    %add3A = arith.addi %mul3A_0, %arg0 : i32
    %mul3A_1 = arith.constant 512 : i32
    %mul3A_2 = arith.muli %add3A, %mul3A_1 : i32
    "tpu.region"() ({
      %run_scoped3A = tpu.sem_alloc : memref<!tpu.dma_semaphore, #tpu.memory_space<semaphore_mem>>
      %dma_start3A_177 = arith.constant 0 : i32
      %dma_start3A_178 = tpu.memref_slice %arg2[%dma_start3A_177, %mul3A_2] : memref<26x16384xi32, #tpu.memory_space<hbm>> -> memref<26x512xi32, #tpu.memory_space<hbm>>
      %dma_start3A_179 = arith.constant 0 : i32
      %dma_start3A_180 = tpu.memref_slice %arg2[%dma_start3A_179, %mul3A_2] : memref<26x16384xi32, #tpu.memory_space<hbm>> -> memref<26x512xi32, #tpu.memory_space<hbm>>
      tpu.enqueue_dma source(%dma_start3A_180 : memref<26x512xi32, #tpu.memory_space<hbm>>) target(%arg5 : memref<26x512xi32, #tpu.memory_space<vmem>>) target_semaphore(%run_scoped3A : memref<!tpu.dma_semaphore, #tpu.memory_space<semaphore_mem>>)
      %dma_wait3A = arith.constant 0 : i32
      %dma_wait3A_181 = tpu.memref_slice %arg2[%dma_wait3A, %mul3A_2] : memref<26x16384xi32, #tpu.memory_space<hbm>> -> memref<26x512xi32, #tpu.memory_space<hbm>>
      %dma_wait3A_182 = arith.constant 0 : i32
      %dma_wait3A_183 = tpu.memref_slice %arg2[%dma_wait3A_182, %mul3A_2] : memref<26x16384xi32, #tpu.memory_space<hbm>> -> memref<26x512xi32, #tpu.memory_space<hbm>>
      tpu.wait_dma2 semaphore(%run_scoped3A : memref<!tpu.dma_semaphore, #tpu.memory_space<semaphore_mem>>) src(%dma_wait3A_183 : memref<26x512xi32, #tpu.memory_space<hbm>>) dst(%arg5 : memref<26x512xi32, #tpu.memory_space<vmem>>)
      tpu.yield
    }) : () -> ()
    %dma_start3A = arith.constant 0 : i32
    %dma_start3A_3 = arith.constant 0 : i32
    %dma_start3A_4 = arith.constant 0 : i32
    %dma_start3A_5 = arith.constant 0 : i32
    %dma_start3A_6 = arith.constant 0 : i32
    %dma_start3A_7 = tpu.memref_slice %arg6[%dma_start3A_4, %dma_start3A_5, %dma_start3A_6] : memref<10x64x128xf32, #tpu.memory_space<vmem>> -> memref<1x64x128xf32, #tpu.memory_space<vmem>>
    %dma_start3A_8 = tpu.memref_squeeze %dma_start3A_7 : memref<1x64x128xf32, #tpu.memory_space<vmem>> -> memref<64x128xf32, #tpu.memory_space<vmem>>
    %dma_start3A_9 = arith.constant 0 : i32
    %dma_start3A_10 = tpu.memref_slice %arg5[%dma_start3A_3, %dma_start3A_9] : memref<26x512xi32, #tpu.memory_space<vmem>> -> memref<1x64xi32, #tpu.memory_space<vmem>>
    %dma_start3A_11 = tpu.memref_squeeze %dma_start3A_10 : memref<1x64xi32, #tpu.memory_space<vmem>> -> memref<64xi32, #tpu.memory_space<vmem>>
    %dma_start3A_12 = arith.constant 0 : i32
    %dma_start3A_13 = arith.constant 0 : i32
    %dma_start3A_14 = tpu.memref_slice %arg3[%dma_start3A, %dma_start3A_12, %dma_start3A_13] : memref<26x100001x128xf32, #tpu.memory_space<hbm>> -> memref<1x100001x128xf32, #tpu.memory_space<hbm>>
    %dma_start3A_15 = tpu.memref_squeeze %dma_start3A_14 : memref<1x100001x128xf32, #tpu.memory_space<hbm>> -> memref<100001x128xf32, #tpu.memory_space<hbm>>
    %dma_start3A_16 = arith.constant 0 : i32
    %dma_start3A_17 = arith.constant 0 : i32
    %dma_start3A_18 = tpu.memref_slice %dma_start3A_15[%dma_start3A_16, %dma_start3A_17] : memref<100001x128xf32, #tpu.memory_space<hbm>> -> memref<100001x128xf32, #tpu.memory_space<hbm>>
    tpu.enqueue_indirect_dma source(%dma_start3A_18 : memref<100001x128xf32, #tpu.memory_space<hbm>>) target(%dma_start3A_8 : memref<64x128xf32, #tpu.memory_space<vmem>>) offsets(%dma_start3A_11 : memref<64xi32, #tpu.memory_space<vmem>>) semaphore(%arg8 : memref<!tpu.dma_semaphore, #tpu.memory_space<semaphore_mem>>)
    %dma_start3A_19 = arith.constant 1 : i32
    %dma_start3A_20 = arith.constant 1 : i32
    %dma_start3A_21 = arith.constant 1 : i32
    %dma_start3A_22 = arith.constant 0 : i32
    %dma_start3A_23 = arith.constant 0 : i32
    %dma_start3A_24 = tpu.memref_slice %arg6[%dma_start3A_21, %dma_start3A_22, %dma_start3A_23] : memref<10x64x128xf32, #tpu.memory_space<vmem>> -> memref<1x64x128xf32, #tpu.memory_space<vmem>>
    %dma_start3A_25 = tpu.memref_squeeze %dma_start3A_24 : memref<1x64x128xf32, #tpu.memory_space<vmem>> -> memref<64x128xf32, #tpu.memory_space<vmem>>
    %dma_start3A_26 = arith.constant 0 : i32
    %dma_start3A_27 = tpu.memref_slice %arg5[%dma_start3A_20, %dma_start3A_26] : memref<26x512xi32, #tpu.memory_space<vmem>> -> memref<1x64xi32, #tpu.memory_space<vmem>>
    %dma_start3A_28 = tpu.memref_squeeze %dma_start3A_27 : memref<1x64xi32, #tpu.memory_space<vmem>> -> memref<64xi32, #tpu.memory_space<vmem>>
    %dma_start3A_29 = arith.constant 0 : i32
    %dma_start3A_30 = arith.constant 0 : i32
    %dma_start3A_31 = tpu.memref_slice %arg3[%dma_start3A_19, %dma_start3A_29, %dma_start3A_30] : memref<26x100001x128xf32, #tpu.memory_space<hbm>> -> memref<1x100001x128xf32, #tpu.memory_space<hbm>>
    %dma_start3A_32 = tpu.memref_squeeze %dma_start3A_31 : memref<1x100001x128xf32, #tpu.memory_space<hbm>> -> memref<100001x128xf32, #tpu.memory_space<hbm>>
    %dma_start3A_33 = arith.constant 0 : i32
    %dma_start3A_34 = arith.constant 0 : i32
    %dma_start3A_35 = tpu.memref_slice %dma_start3A_32[%dma_start3A_33, %dma_start3A_34] : memref<100001x128xf32, #tpu.memory_space<hbm>> -> memref<100001x128xf32, #tpu.memory_space<hbm>>
    tpu.enqueue_indirect_dma source(%dma_start3A_35 : memref<100001x128xf32, #tpu.memory_space<hbm>>) target(%dma_start3A_25 : memref<64x128xf32, #tpu.memory_space<vmem>>) offsets(%dma_start3A_28 : memref<64xi32, #tpu.memory_space<vmem>>) semaphore(%arg9 : memref<!tpu.dma_semaphore, #tpu.memory_space<semaphore_mem>>)
    %dma_start3A_36 = arith.constant 2 : i32
    %dma_start3A_37 = arith.constant 2 : i32
    %dma_start3A_38 = arith.constant 2 : i32
    %dma_start3A_39 = arith.constant 0 : i32
    %dma_start3A_40 = arith.constant 0 : i32
    %dma_start3A_41 = tpu.memref_slice %arg6[%dma_start3A_38, %dma_start3A_39, %dma_start3A_40] : memref<10x64x128xf32, #tpu.memory_space<vmem>> -> memref<1x64x128xf32, #tpu.memory_space<vmem>>
    %dma_start3A_42 = tpu.memref_squeeze %dma_start3A_41 : memref<1x64x128xf32, #tpu.memory_space<vmem>> -> memref<64x128xf32, #tpu.memory_space<vmem>>
    %dma_start3A_43 = arith.constant 0 : i32
    %dma_start3A_44 = tpu.memref_slice %arg5[%dma_start3A_37, %dma_start3A_43] : memref<26x512xi32, #tpu.memory_space<vmem>> -> memref<1x64xi32, #tpu.memory_space<vmem>>
    %dma_start3A_45 = tpu.memref_squeeze %dma_start3A_44 : memref<1x64xi32, #tpu.memory_space<vmem>> -> memref<64xi32, #tpu.memory_space<vmem>>
    %dma_start3A_46 = arith.constant 0 : i32
    %dma_start3A_47 = arith.constant 0 : i32
    %dma_start3A_48 = tpu.memref_slice %arg3[%dma_start3A_36, %dma_start3A_46, %dma_start3A_47] : memref<26x100001x128xf32, #tpu.memory_space<hbm>> -> memref<1x100001x128xf32, #tpu.memory_space<hbm>>
    %dma_start3A_49 = tpu.memref_squeeze %dma_start3A_48 : memref<1x100001x128xf32, #tpu.memory_space<hbm>> -> memref<100001x128xf32, #tpu.memory_space<hbm>>
    %dma_start3A_50 = arith.constant 0 : i32
    %dma_start3A_51 = arith.constant 0 : i32
    %dma_start3A_52 = tpu.memref_slice %dma_start3A_49[%dma_start3A_50, %dma_start3A_51] : memref<100001x128xf32, #tpu.memory_space<hbm>> -> memref<100001x128xf32, #tpu.memory_space<hbm>>
    tpu.enqueue_indirect_dma source(%dma_start3A_52 : memref<100001x128xf32, #tpu.memory_space<hbm>>) target(%dma_start3A_42 : memref<64x128xf32, #tpu.memory_space<vmem>>) offsets(%dma_start3A_45 : memref<64xi32, #tpu.memory_space<vmem>>) semaphore(%arg10 : memref<!tpu.dma_semaphore, #tpu.memory_space<semaphore_mem>>)
    %dma_start3A_53 = arith.constant 3 : i32
    %dma_start3A_54 = arith.constant 3 : i32
    %dma_start3A_55 = arith.constant 3 : i32
    %dma_start3A_56 = arith.constant 0 : i32
    %dma_start3A_57 = arith.constant 0 : i32
    %dma_start3A_58 = tpu.memref_slice %arg6[%dma_start3A_55, %dma_start3A_56, %dma_start3A_57] : memref<10x64x128xf32, #tpu.memory_space<vmem>> -> memref<1x64x128xf32, #tpu.memory_space<vmem>>
    %dma_start3A_59 = tpu.memref_squeeze %dma_start3A_58 : memref<1x64x128xf32, #tpu.memory_space<vmem>> -> memref<64x128xf32, #tpu.memory_space<vmem>>
    %dma_start3A_60 = arith.constant 0 : i32
    %dma_start3A_61 = tpu.memref_slice %arg5[%dma_start3A_54, %dma_start3A_60] : memref<26x512xi32, #tpu.memory_space<vmem>> -> memref<1x64xi32, #tpu.memory_space<vmem>>
    %dma_start3A_62 = tpu.memref_squeeze %dma_start3A_61 : memref<1x64xi32, #tpu.memory_space<vmem>> -> memref<64xi32, #tpu.memory_space<vmem>>
    %dma_start3A_63 = arith.constant 0 : i32
    %dma_start3A_64 = arith.constant 0 : i32
    %dma_start3A_65 = tpu.memref_slice %arg3[%dma_start3A_53, %dma_start3A_63, %dma_start3A_64] : memref<26x100001x128xf32, #tpu.memory_space<hbm>> -> memref<1x100001x128xf32, #tpu.memory_space<hbm>>
    %dma_start3A_66 = tpu.memref_squeeze %dma_start3A_65 : memref<1x100001x128xf32, #tpu.memory_space<hbm>> -> memref<100001x128xf32, #tpu.memory_space<hbm>>
    %dma_start3A_67 = arith.constant 0 : i32
    %dma_start3A_68 = arith.constant 0 : i32
    %dma_start3A_69 = tpu.memref_slice %dma_start3A_66[%dma_start3A_67, %dma_start3A_68] : memref<100001x128xf32, #tpu.memory_space<hbm>> -> memref<100001x128xf32, #tpu.memory_space<hbm>>
    tpu.enqueue_indirect_dma source(%dma_start3A_69 : memref<100001x128xf32, #tpu.memory_space<hbm>>) target(%dma_start3A_59 : memref<64x128xf32, #tpu.memory_space<vmem>>) offsets(%dma_start3A_62 : memref<64xi32, #tpu.memory_space<vmem>>) semaphore(%arg11 : memref<!tpu.dma_semaphore, #tpu.memory_space<semaphore_mem>>)
    %dma_start3A_70 = arith.constant 4 : i32
    %dma_start3A_71 = arith.constant 4 : i32
    %dma_start3A_72 = arith.constant 4 : i32
    %dma_start3A_73 = arith.constant 0 : i32
    %dma_start3A_74 = arith.constant 0 : i32
    %dma_start3A_75 = tpu.memref_slice %arg6[%dma_start3A_72, %dma_start3A_73, %dma_start3A_74] : memref<10x64x128xf32, #tpu.memory_space<vmem>> -> memref<1x64x128xf32, #tpu.memory_space<vmem>>
    %dma_start3A_76 = tpu.memref_squeeze %dma_start3A_75 : memref<1x64x128xf32, #tpu.memory_space<vmem>> -> memref<64x128xf32, #tpu.memory_space<vmem>>
    %dma_start3A_77 = arith.constant 0 : i32
    %dma_start3A_78 = tpu.memref_slice %arg5[%dma_start3A_71, %dma_start3A_77] : memref<26x512xi32, #tpu.memory_space<vmem>> -> memref<1x64xi32, #tpu.memory_space<vmem>>
    %dma_start3A_79 = tpu.memref_squeeze %dma_start3A_78 : memref<1x64xi32, #tpu.memory_space<vmem>> -> memref<64xi32, #tpu.memory_space<vmem>>
    %dma_start3A_80 = arith.constant 0 : i32
    %dma_start3A_81 = arith.constant 0 : i32
    %dma_start3A_82 = tpu.memref_slice %arg3[%dma_start3A_70, %dma_start3A_80, %dma_start3A_81] : memref<26x100001x128xf32, #tpu.memory_space<hbm>> -> memref<1x100001x128xf32, #tpu.memory_space<hbm>>
    %dma_start3A_83 = tpu.memref_squeeze %dma_start3A_82 : memref<1x100001x128xf32, #tpu.memory_space<hbm>> -> memref<100001x128xf32, #tpu.memory_space<hbm>>
    %dma_start3A_84 = arith.constant 0 : i32
    %dma_start3A_85 = arith.constant 0 : i32
    %dma_start3A_86 = tpu.memref_slice %dma_start3A_83[%dma_start3A_84, %dma_start3A_85] : memref<100001x128xf32, #tpu.memory_space<hbm>> -> memref<100001x128xf32, #tpu.memory_space<hbm>>
    tpu.enqueue_indirect_dma source(%dma_start3A_86 : memref<100001x128xf32, #tpu.memory_space<hbm>>) target(%dma_start3A_76 : memref<64x128xf32, #tpu.memory_space<vmem>>) offsets(%dma_start3A_79 : memref<64xi32, #tpu.memory_space<vmem>>) semaphore(%arg12 : memref<!tpu.dma_semaphore, #tpu.memory_space<semaphore_mem>>)
    %dma_start3A_87 = arith.constant 5 : i32
    %dma_start3A_88 = arith.constant 5 : i32
    %dma_start3A_89 = arith.constant 5 : i32
    %dma_start3A_90 = arith.constant 0 : i32
    %dma_start3A_91 = arith.constant 0 : i32
    %dma_start3A_92 = tpu.memref_slice %arg6[%dma_start3A_89, %dma_start3A_90, %dma_start3A_91] : memref<10x64x128xf32, #tpu.memory_space<vmem>> -> memref<1x64x128xf32, #tpu.memory_space<vmem>>
    %dma_start3A_93 = tpu.memref_squeeze %dma_start3A_92 : memref<1x64x128xf32, #tpu.memory_space<vmem>> -> memref<64x128xf32, #tpu.memory_space<vmem>>
    %dma_start3A_94 = arith.constant 0 : i32
    %dma_start3A_95 = tpu.memref_slice %arg5[%dma_start3A_88, %dma_start3A_94] : memref<26x512xi32, #tpu.memory_space<vmem>> -> memref<1x64xi32, #tpu.memory_space<vmem>>
    %dma_start3A_96 = tpu.memref_squeeze %dma_start3A_95 : memref<1x64xi32, #tpu.memory_space<vmem>> -> memref<64xi32, #tpu.memory_space<vmem>>
    %dma_start3A_97 = arith.constant 0 : i32
    %dma_start3A_98 = arith.constant 0 : i32
    %dma_start3A_99 = tpu.memref_slice %arg3[%dma_start3A_87, %dma_start3A_97, %dma_start3A_98] : memref<26x100001x128xf32, #tpu.memory_space<hbm>> -> memref<1x100001x128xf32, #tpu.memory_space<hbm>>
    %dma_start3A_100 = tpu.memref_squeeze %dma_start3A_99 : memref<1x100001x128xf32, #tpu.memory_space<hbm>> -> memref<100001x128xf32, #tpu.memory_space<hbm>>
    %dma_start3A_101 = arith.constant 0 : i32
    %dma_start3A_102 = arith.constant 0 : i32
    %dma_start3A_103 = tpu.memref_slice %dma_start3A_100[%dma_start3A_101, %dma_start3A_102] : memref<100001x128xf32, #tpu.memory_space<hbm>> -> memref<100001x128xf32, #tpu.memory_space<hbm>>
    tpu.enqueue_indirect_dma source(%dma_start3A_103 : memref<100001x128xf32, #tpu.memory_space<hbm>>) target(%dma_start3A_93 : memref<64x128xf32, #tpu.memory_space<vmem>>) offsets(%dma_start3A_96 : memref<64xi32, #tpu.memory_space<vmem>>) semaphore(%arg13 : memref<!tpu.dma_semaphore, #tpu.memory_space<semaphore_mem>>)
    %dma_start3A_104 = arith.constant 6 : i32
    %dma_start3A_105 = arith.constant 6 : i32
    %dma_start3A_106 = arith.constant 6 : i32
    %dma_start3A_107 = arith.constant 0 : i32
    %dma_start3A_108 = arith.constant 0 : i32
    %dma_start3A_109 = tpu.memref_slice %arg6[%dma_start3A_106, %dma_start3A_107, %dma_start3A_108] : memref<10x64x128xf32, #tpu.memory_space<vmem>> -> memref<1x64x128xf32, #tpu.memory_space<vmem>>
    %dma_start3A_110 = tpu.memref_squeeze %dma_start3A_109 : memref<1x64x128xf32, #tpu.memory_space<vmem>> -> memref<64x128xf32, #tpu.memory_space<vmem>>
    %dma_start3A_111 = arith.constant 0 : i32
    %dma_start3A_112 = tpu.memref_slice %arg5[%dma_start3A_105, %dma_start3A_111] : memref<26x512xi32, #tpu.memory_space<vmem>> -> memref<1x64xi32, #tpu.memory_space<vmem>>
    %dma_start3A_113 = tpu.memref_squeeze %dma_start3A_112 : memref<1x64xi32, #tpu.memory_space<vmem>> -> memref<64xi32, #tpu.memory_space<vmem>>
    %dma_start3A_114 = arith.constant 0 : i32
    %dma_start3A_115 = arith.constant 0 : i32
    %dma_start3A_116 = tpu.memref_slice %arg3[%dma_start3A_104, %dma_start3A_114, %dma_start3A_115] : memref<26x100001x128xf32, #tpu.memory_space<hbm>> -> memref<1x100001x128xf32, #tpu.memory_space<hbm>>
    %dma_start3A_117 = tpu.memref_squeeze %dma_start3A_116 : memref<1x100001x128xf32, #tpu.memory_space<hbm>> -> memref<100001x128xf32, #tpu.memory_space<hbm>>
    %dma_start3A_118 = arith.constant 0 : i32
    %dma_start3A_119 = arith.constant 0 : i32
    %dma_start3A_120 = tpu.memref_slice %dma_start3A_117[%dma_start3A_118, %dma_start3A_119] : memref<100001x128xf32, #tpu.memory_space<hbm>> -> memref<100001x128xf32, #tpu.memory_space<hbm>>
    tpu.enqueue_indirect_dma source(%dma_start3A_120 : memref<100001x128xf32, #tpu.memory_space<hbm>>) target(%dma_start3A_110 : memref<64x128xf32, #tpu.memory_space<vmem>>) offsets(%dma_start3A_113 : memref<64xi32, #tpu.memory_space<vmem>>) semaphore(%arg14 : memref<!tpu.dma_semaphore, #tpu.memory_space<semaphore_mem>>)
    %dma_start3A_121 = arith.constant 7 : i32
    %dma_start3A_122 = arith.constant 7 : i32
    %dma_start3A_123 = arith.constant 7 : i32
    %dma_start3A_124 = arith.constant 0 : i32
    %dma_start3A_125 = arith.constant 0 : i32
    %dma_start3A_126 = tpu.memref_slice %arg6[%dma_start3A_123, %dma_start3A_124, %dma_start3A_125] : memref<10x64x128xf32, #tpu.memory_space<vmem>> -> memref<1x64x128xf32, #tpu.memory_space<vmem>>
    %dma_start3A_127 = tpu.memref_squeeze %dma_start3A_126 : memref<1x64x128xf32, #tpu.memory_space<vmem>> -> memref<64x128xf32, #tpu.memory_space<vmem>>
    %dma_start3A_128 = arith.constant 0 : i32
    %dma_start3A_129 = tpu.memref_slice %arg5[%dma_start3A_122, %dma_start3A_128] : memref<26x512xi32, #tpu.memory_space<vmem>> -> memref<1x64xi32, #tpu.memory_space<vmem>>
    %dma_start3A_130 = tpu.memref_squeeze %dma_start3A_129 : memref<1x64xi32, #tpu.memory_space<vmem>> -> memref<64xi32, #tpu.memory_space<vmem>>
    %dma_start3A_131 = arith.constant 0 : i32
    %dma_start3A_132 = arith.constant 0 : i32
    %dma_start3A_133 = tpu.memref_slice %arg3[%dma_start3A_121, %dma_start3A_131, %dma_start3A_132] : memref<26x100001x128xf32, #tpu.memory_space<hbm>> -> memref<1x100001x128xf32, #tpu.memory_space<hbm>>
    %dma_start3A_134 = tpu.memref_squeeze %dma_start3A_133 : memref<1x100001x128xf32, #tpu.memory_space<hbm>> -> memref<100001x128xf32, #tpu.memory_space<hbm>>
    %dma_start3A_135 = arith.constant 0 : i32
    %dma_start3A_136 = arith.constant 0 : i32
    %dma_start3A_137 = tpu.memref_slice %dma_start3A_134[%dma_start3A_135, %dma_start3A_136] : memref<100001x128xf32, #tpu.memory_space<hbm>> -> memref<100001x128xf32, #tpu.memory_space<hbm>>
    tpu.enqueue_indirect_dma source(%dma_start3A_137 : memref<100001x128xf32, #tpu.memory_space<hbm>>) target(%dma_start3A_127 : memref<64x128xf32, #tpu.memory_space<vmem>>) offsets(%dma_start3A_130 : memref<64xi32, #tpu.memory_space<vmem>>) semaphore(%arg15 : memref<!tpu.dma_semaphore, #tpu.memory_space<semaphore_mem>>)
    %dma_start3A_138 = arith.constant 24 : i32
    %dma_start3A_139 = arith.constant 24 : i32
    %dma_start3A_140 = arith.constant 8 : i32
    %dma_start3A_141 = arith.constant 0 : i32
    %dma_start3A_142 = arith.constant 0 : i32
    %dma_start3A_143 = tpu.memref_slice %arg6[%dma_start3A_140, %dma_start3A_141, %dma_start3A_142] : memref<10x64x128xf32, #tpu.memory_space<vmem>> -> memref<1x64x128xf32, #tpu.memory_space<vmem>>
    %dma_start3A_144 = tpu.memref_squeeze %dma_start3A_143 : memref<1x64x128xf32, #tpu.memory_space<vmem>> -> memref<64x128xf32, #tpu.memory_space<vmem>>
    %dma_start3A_145 = arith.constant 0 : i32
    %dma_start3A_146 = tpu.memref_slice %arg5[%dma_start3A_139, %dma_start3A_145] : memref<26x512xi32, #tpu.memory_space<vmem>> -> memref<1x64xi32, #tpu.memory_space<vmem>>
    %dma_start3A_147 = tpu.memref_squeeze %dma_start3A_146 : memref<1x64xi32, #tpu.memory_space<vmem>> -> memref<64xi32, #tpu.memory_space<vmem>>
    %dma_start3A_148 = arith.constant 0 : i32
    %dma_start3A_149 = arith.constant 0 : i32
    %dma_start3A_150 = tpu.memref_slice %arg3[%dma_start3A_138, %dma_start3A_148, %dma_start3A_149] : memref<26x100001x128xf32, #tpu.memory_space<hbm>> -> memref<1x100001x128xf32, #tpu.memory_space<hbm>>
    %dma_start3A_151 = tpu.memref_squeeze %dma_start3A_150 : memref<1x100001x128xf32, #tpu.memory_space<hbm>> -> memref<100001x128xf32, #tpu.memory_space<hbm>>
    %dma_start3A_152 = arith.constant 0 : i32
    %dma_start3A_153 = arith.constant 0 : i32
    %dma_start3A_154 = tpu.memref_slice %dma_start3A_151[%dma_start3A_152, %dma_start3A_153] : memref<100001x128xf32, #tpu.memory_space<hbm>> -> memref<100001x128xf32, #tpu.memory_space<hbm>>
    tpu.enqueue_indirect_dma source(%dma_start3A_154 : memref<100001x128xf32, #tpu.memory_space<hbm>>) target(%dma_start3A_144 : memref<64x128xf32, #tpu.memory_space<vmem>>) offsets(%dma_start3A_147 : memref<64xi32, #tpu.memory_space<vmem>>) semaphore(%arg16 : memref<!tpu.dma_semaphore, #tpu.memory_space<semaphore_mem>>)
    %dma_start3A_155 = arith.constant 25 : i32
    %dma_start3A_156 = arith.constant 25 : i32
    %dma_start3A_157 = arith.constant 9 : i32
    %dma_start3A_158 = arith.constant 0 : i32
    %dma_start3A_159 = arith.constant 0 : i32
    %dma_start3A_160 = tpu.memref_slice %arg6[%dma_start3A_157, %dma_start3A_158, %dma_start3A_159] : memref<10x64x128xf32, #tpu.memory_space<vmem>> -> memref<1x64x128xf32, #tpu.memory_space<vmem>>
    %dma_start3A_161 = tpu.memref_squeeze %dma_start3A_160 : memref<1x64x128xf32, #tpu.memory_space<vmem>> -> memref<64x128xf32, #tpu.memory_space<vmem>>
    %dma_start3A_162 = arith.constant 0 : i32
    %dma_start3A_163 = tpu.memref_slice %arg5[%dma_start3A_156, %dma_start3A_162] : memref<26x512xi32, #tpu.memory_space<vmem>> -> memref<1x64xi32, #tpu.memory_space<vmem>>
    %dma_start3A_164 = tpu.memref_squeeze %dma_start3A_163 : memref<1x64xi32, #tpu.memory_space<vmem>> -> memref<64xi32, #tpu.memory_space<vmem>>
    %dma_start3A_165 = arith.constant 0 : i32
    %dma_start3A_166 = arith.constant 0 : i32
    %dma_start3A_167 = tpu.memref_slice %arg3[%dma_start3A_155, %dma_start3A_165, %dma_start3A_166] : memref<26x100001x128xf32, #tpu.memory_space<hbm>> -> memref<1x100001x128xf32, #tpu.memory_space<hbm>>
    %dma_start3A_168 = tpu.memref_squeeze %dma_start3A_167 : memref<1x100001x128xf32, #tpu.memory_space<hbm>> -> memref<100001x128xf32, #tpu.memory_space<hbm>>
    %dma_start3A_169 = arith.constant 0 : i32
    %dma_start3A_170 = arith.constant 0 : i32
    %dma_start3A_171 = tpu.memref_slice %dma_start3A_168[%dma_start3A_169, %dma_start3A_170] : memref<100001x128xf32, #tpu.memory_space<hbm>> -> memref<100001x128xf32, #tpu.memory_space<hbm>>
    tpu.enqueue_indirect_dma source(%dma_start3A_171 : memref<100001x128xf32, #tpu.memory_space<hbm>>) target(%dma_start3A_161 : memref<64x128xf32, #tpu.memory_space<vmem>>) offsets(%dma_start3A_164 : memref<64xi32, #tpu.memory_space<vmem>>) semaphore(%arg17 : memref<!tpu.dma_semaphore, #tpu.memory_space<semaphore_mem>>)
    %scan3A = arith.constant 0 : i32
    %scan3A_172 = arith.constant 0 : i32
    %scan3A_173 = arith.constant 8 : i32
    %scan3A_174 = arith.addi %scan3A_172, %scan3A_173 : i32
    %scan3A_175 = arith.constant 1 : i32
    scf.for %scan3A_177 = %scan3A_172 to %scan3A_174 step %scan3A_175  : i32 {
      %mul3A_178 = arith.constant 64 : i32
      %mul3A_179 = arith.muli %scan3A_177, %mul3A_178 : i32
      %dma_wait3A = arith.constant 0 : i32
      %dma_wait3A_180 = arith.constant 0 : i32
      %dma_wait3A_181 = arith.constant 0 : i32
      %dma_wait3A_182 = arith.constant 0 : i32
      %dma_wait3A_183 = arith.constant 0 : i32
      %dma_wait3A_184 = tpu.memref_slice %arg6[%dma_wait3A_181, %dma_wait3A_182, %dma_wait3A_183] : memref<10x64x128xf32, #tpu.memory_space<vmem>> -> memref<1x64x128xf32, #tpu.memory_space<vmem>>
      %dma_wait3A_185 = tpu.memref_squeeze %dma_wait3A_184 : memref<1x64x128xf32, #tpu.memory_space<vmem>> -> memref<64x128xf32, #tpu.memory_space<vmem>>
      %dma_wait3A_186 = tpu.memref_slice %arg5[%dma_wait3A_180, %mul3A_179] : memref<26x512xi32, #tpu.memory_space<vmem>> -> memref<1x64xi32, #tpu.memory_space<vmem>>
      %dma_wait3A_187 = tpu.memref_squeeze %dma_wait3A_186 : memref<1x64xi32, #tpu.memory_space<vmem>> -> memref<64xi32, #tpu.memory_space<vmem>>
      %dma_wait3A_188 = arith.constant 0 : i32
      %dma_wait3A_189 = arith.constant 0 : i32
      %dma_wait3A_190 = tpu.memref_slice %arg3[%dma_wait3A, %dma_wait3A_188, %dma_wait3A_189] : memref<26x100001x128xf32, #tpu.memory_space<hbm>> -> memref<1x100001x128xf32, #tpu.memory_space<hbm>>
      %dma_wait3A_191 = tpu.memref_squeeze %dma_wait3A_190 : memref<1x100001x128xf32, #tpu.memory_space<hbm>> -> memref<100001x128xf32, #tpu.memory_space<hbm>>
      %dma_wait3A_192 = arith.constant 0 : i32
      %dma_wait3A_193 = arith.constant 0 : i32
      %dma_wait3A_194 = tpu.memref_slice %dma_wait3A_191[%dma_wait3A_192, %dma_wait3A_193] : memref<100001x128xf32, #tpu.memory_space<hbm>> -> memref<100001x128xf32, #tpu.memory_space<hbm>>
      tpu.wait_indirect_dma semaphore(%arg8 : memref<!tpu.dma_semaphore, #tpu.memory_space<semaphore_mem>>) src(%dma_wait3A_194 : memref<100001x128xf32, #tpu.memory_space<hbm>>) dst(%dma_wait3A_185 : memref<64x128xf32, #tpu.memory_space<vmem>>)
      %mul3A_195 = arith.constant 64 : i32
      %mul3A_196 = arith.muli %scan3A_177, %mul3A_195 : i32
      %dma_wait3A_197 = arith.constant 1 : i32
      %dma_wait3A_198 = arith.constant 1 : i32
      %dma_wait3A_199 = arith.constant 1 : i32
      %dma_wait3A_200 = arith.constant 0 : i32
      %dma_wait3A_201 = arith.constant 0 : i32
      %dma_wait3A_202 = tpu.memref_slice %arg6[%dma_wait3A_199, %dma_wait3A_200, %dma_wait3A_201] : memref<10x64x128xf32, #tpu.memory_space<vmem>> -> memref<1x64x128xf32, #tpu.memory_space<vmem>>
      %dma_wait3A_203 = tpu.memref_squeeze %dma_wait3A_202 : memref<1x64x128xf32, #tpu.memory_space<vmem>> -> memref<64x128xf32, #tpu.memory_space<vmem>>
      %dma_wait3A_204 = tpu.memref_slice %arg5[%dma_wait3A_198, %mul3A_196] : memref<26x512xi32, #tpu.memory_space<vmem>> -> memref<1x64xi32, #tpu.memory_space<vmem>>
      %dma_wait3A_205 = tpu.memref_squeeze %dma_wait3A_204 : memref<1x64xi32, #tpu.memory_space<vmem>> -> memref<64xi32, #tpu.memory_space<vmem>>
      %dma_wait3A_206 = arith.constant 0 : i32
      %dma_wait3A_207 = arith.constant 0 : i32
      %dma_wait3A_208 = tpu.memref_slice %arg3[%dma_wait3A_197, %dma_wait3A_206, %dma_wait3A_207] : memref<26x100001x128xf32, #tpu.memory_space<hbm>> -> memref<1x100001x128xf32, #tpu.memory_space<hbm>>
      %dma_wait3A_209 = tpu.memref_squeeze %dma_wait3A_208 : memref<1x100001x128xf32, #tpu.memory_space<hbm>> -> memref<100001x128xf32, #tpu.memory_space<hbm>>
      %dma_wait3A_210 = arith.constant 0 : i32
      %dma_wait3A_211 = arith.constant 0 : i32
      %dma_wait3A_212 = tpu.memref_slice %dma_wait3A_209[%dma_wait3A_210, %dma_wait3A_211] : memref<100001x128xf32, #tpu.memory_space<hbm>> -> memref<100001x128xf32, #tpu.memory_space<hbm>>
      tpu.wait_indirect_dma semaphore(%arg9 : memref<!tpu.dma_semaphore, #tpu.memory_space<semaphore_mem>>) src(%dma_wait3A_212 : memref<100001x128xf32, #tpu.memory_space<hbm>>) dst(%dma_wait3A_203 : memref<64x128xf32, #tpu.memory_space<vmem>>)
      %mul3A_213 = arith.constant 64 : i32
      %mul3A_214 = arith.muli %scan3A_177, %mul3A_213 : i32
      %dma_wait3A_215 = arith.constant 2 : i32
      %dma_wait3A_216 = arith.constant 2 : i32
      %dma_wait3A_217 = arith.constant 2 : i32
      %dma_wait3A_218 = arith.constant 0 : i32
      %dma_wait3A_219 = arith.constant 0 : i32
      %dma_wait3A_220 = tpu.memref_slice %arg6[%dma_wait3A_217, %dma_wait3A_218, %dma_wait3A_219] : memref<10x64x128xf32, #tpu.memory_space<vmem>> -> memref<1x64x128xf32, #tpu.memory_space<vmem>>
      %dma_wait3A_221 = tpu.memref_squeeze %dma_wait3A_220 : memref<1x64x128xf32, #tpu.memory_space<vmem>> -> memref<64x128xf32, #tpu.memory_space<vmem>>
      %dma_wait3A_222 = tpu.memref_slice %arg5[%dma_wait3A_216, %mul3A_214] : memref<26x512xi32, #tpu.memory_space<vmem>> -> memref<1x64xi32, #tpu.memory_space<vmem>>
      %dma_wait3A_223 = tpu.memref_squeeze %dma_wait3A_222 : memref<1x64xi32, #tpu.memory_space<vmem>> -> memref<64xi32, #tpu.memory_space<vmem>>
      %dma_wait3A_224 = arith.constant 0 : i32
      %dma_wait3A_225 = arith.constant 0 : i32
      %dma_wait3A_226 = tpu.memref_slice %arg3[%dma_wait3A_215, %dma_wait3A_224, %dma_wait3A_225] : memref<26x100001x128xf32, #tpu.memory_space<hbm>> -> memref<1x100001x128xf32, #tpu.memory_space<hbm>>
      %dma_wait3A_227 = tpu.memref_squeeze %dma_wait3A_226 : memref<1x100001x128xf32, #tpu.memory_space<hbm>> -> memref<100001x128xf32, #tpu.memory_space<hbm>>
      %dma_wait3A_228 = arith.constant 0 : i32
      %dma_wait3A_229 = arith.constant 0 : i32
      %dma_wait3A_230 = tpu.memref_slice %dma_wait3A_227[%dma_wait3A_228, %dma_wait3A_229] : memref<100001x128xf32, #tpu.memory_space<hbm>> -> memref<100001x128xf32, #tpu.memory_space<hbm>>
      tpu.wait_indirect_dma semaphore(%arg10 : memref<!tpu.dma_semaphore, #tpu.memory_space<semaphore_mem>>) src(%dma_wait3A_230 : memref<100001x128xf32, #tpu.memory_space<hbm>>) dst(%dma_wait3A_221 : memref<64x128xf32, #tpu.memory_space<vmem>>)
      %mul3A_231 = arith.constant 64 : i32
      %mul3A_232 = arith.muli %scan3A_177, %mul3A_231 : i32
      %dma_wait3A_233 = arith.constant 3 : i32
      %dma_wait3A_234 = arith.constant 3 : i32
      %dma_wait3A_235 = arith.constant 3 : i32
      %dma_wait3A_236 = arith.constant 0 : i32
      %dma_wait3A_237 = arith.constant 0 : i32
      %dma_wait3A_238 = tpu.memref_slice %arg6[%dma_wait3A_235, %dma_wait3A_236, %dma_wait3A_237] : memref<10x64x128xf32, #tpu.memory_space<vmem>> -> memref<1x64x128xf32, #tpu.memory_space<vmem>>
      %dma_wait3A_239 = tpu.memref_squeeze %dma_wait3A_238 : memref<1x64x128xf32, #tpu.memory_space<vmem>> -> memref<64x128xf32, #tpu.memory_space<vmem>>
      %dma_wait3A_240 = tpu.memref_slice %arg5[%dma_wait3A_234, %mul3A_232] : memref<26x512xi32, #tpu.memory_space<vmem>> -> memref<1x64xi32, #tpu.memory_space<vmem>>
      %dma_wait3A_241 = tpu.memref_squeeze %dma_wait3A_240 : memref<1x64xi32, #tpu.memory_space<vmem>> -> memref<64xi32, #tpu.memory_space<vmem>>
      %dma_wait3A_242 = arith.constant 0 : i32
      %dma_wait3A_243 = arith.constant 0 : i32
      %dma_wait3A_244 = tpu.memref_slice %arg3[%dma_wait3A_233, %dma_wait3A_242, %dma_wait3A_243] : memref<26x100001x128xf32, #tpu.memory_space<hbm>> -> memref<1x100001x128xf32, #tpu.memory_space<hbm>>
      %dma_wait3A_245 = tpu.memref_squeeze %dma_wait3A_244 : memref<1x100001x128xf32, #tpu.memory_space<hbm>> -> memref<100001x128xf32, #tpu.memory_space<hbm>>
      %dma_wait3A_246 = arith.constant 0 : i32
      %dma_wait3A_247 = arith.constant 0 : i32
      %dma_wait3A_248 = tpu.memref_slice %dma_wait3A_245[%dma_wait3A_246, %dma_wait3A_247] : memref<100001x128xf32, #tpu.memory_space<hbm>> -> memref<100001x128xf32, #tpu.memory_space<hbm>>
      tpu.wait_indirect_dma semaphore(%arg11 : memref<!tpu.dma_semaphore, #tpu.memory_space<semaphore_mem>>) src(%dma_wait3A_248 : memref<100001x128xf32, #tpu.memory_space<hbm>>) dst(%dma_wait3A_239 : memref<64x128xf32, #tpu.memory_space<vmem>>)
      %scan3A_249 = arith.constant 0 : i32
      %scan3A_250 = arith.constant 0 : i32
      %scan3A_251 = arith.constant 1 : i32
      %scan3A_252 = arith.constant 2 : i32
      %scan3A_253 = arith.constant 3 : i32
      %scan3A_254 = arith.constant 0 : i32
      %scan3A_255 = arith.constant 64 : i32
      %scan3A_256 = arith.addi %scan3A_254, %scan3A_255 : i32
      %scan3A_257 = arith.constant 1 : i32
      scf.for %scan3A_1022 = %scan3A_254 to %scan3A_256 step %scan3A_257  : i32 {
        %get3A = arith.constant 0 : i32
        %get3A_1023 = arith.constant 0 : i32
        %get3A_1024 = tpu.memref_slice %arg6[%scan3A_250, %get3A, %get3A_1023] : memref<10x64x128xf32, #tpu.memory_space<vmem>> -> memref<1x64x128xf32, #tpu.memory_space<vmem>>
        %get3A_1025 = tpu.memref_squeeze %get3A_1024 : memref<1x64x128xf32, #tpu.memory_space<vmem>> -> memref<64x128xf32, #tpu.memory_space<vmem>>
        %get3A_1026 = arith.index_cast %scan3A_1022 : i32 to index
        %get3A_1027 = arith.constant 0 : index
        %get3A_1028 = tpu.vector_load %get3A_1025[%get3A_1026, %get3A_1027] {strides = array<i32>} : memref<64x128xf32, #tpu.memory_space<vmem>>, vector<1x16xf32>,
        %get3A_1029 = vector.shape_cast %get3A_1028 : vector<1x16xf32> to vector<16xf32>
        %get3A_1030 = arith.constant 0 : i32
        %get3A_1031 = arith.constant 0 : i32
        %get3A_1032 = tpu.memref_slice %arg6[%scan3A_251, %get3A_1030, %get3A_1031] : memref<10x64x128xf32, #tpu.memory_space<vmem>> -> memref<1x64x128xf32, #tpu.memory_space<vmem>>
        %get3A_1033 = tpu.memref_squeeze %get3A_1032 : memref<1x64x128xf32, #tpu.memory_space<vmem>> -> memref<64x128xf32, #tpu.memory_space<vmem>>
        %get3A_1034 = arith.index_cast %scan3A_1022 : i32 to index
        %get3A_1035 = arith.constant 0 : index
        %get3A_1036 = tpu.vector_load %get3A_1033[%get3A_1034, %get3A_1035] {strides = array<i32>} : memref<64x128xf32, #tpu.memory_space<vmem>>, vector<1x16xf32>,
        %get3A_1037 = vector.shape_cast %get3A_1036 : vector<1x16xf32> to vector<16xf32>
        %get3A_1038 = arith.constant 0 : i32
        %get3A_1039 = arith.constant 0 : i32
        %get3A_1040 = tpu.memref_slice %arg6[%scan3A_252, %get3A_1038, %get3A_1039] : memref<10x64x128xf32, #tpu.memory_space<vmem>> -> memref<1x64x128xf32, #tpu.memory_space<vmem>>
        %get3A_1041 = tpu.memref_squeeze %get3A_1040 : memref<1x64x128xf32, #tpu.memory_space<vmem>> -> memref<64x128xf32, #tpu.memory_space<vmem>>
        %get3A_1042 = arith.index_cast %scan3A_1022 : i32 to index
        %get3A_1043 = arith.constant 0 : index
        %get3A_1044 = tpu.vector_load %get3A_1041[%get3A_1042, %get3A_1043] {strides = array<i32>} : memref<64x128xf32, #tpu.memory_space<vmem>>, vector<1x16xf32>,
        %get3A_1045 = vector.shape_cast %get3A_1044 : vector<1x16xf32> to vector<16xf32>
        %get3A_1046 = arith.constant 0 : i32
        %get3A_1047 = arith.constant 0 : i32
        %get3A_1048 = tpu.memref_slice %arg6[%scan3A_253, %get3A_1046, %get3A_1047] : memref<10x64x128xf32, #tpu.memory_space<vmem>> -> memref<1x64x128xf32, #tpu.memory_space<vmem>>
        %get3A_1049 = tpu.memref_squeeze %get3A_1048 : memref<1x64x128xf32, #tpu.memory_space<vmem>> -> memref<64x128xf32, #tpu.memory_space<vmem>>
        %get3A_1050 = arith.index_cast %scan3A_1022 : i32 to index
        %get3A_1051 = arith.constant 0 : index
        %get3A_1052 = tpu.vector_load %get3A_1049[%get3A_1050, %get3A_1051] {strides = array<i32>} : memref<64x128xf32, #tpu.memory_space<vmem>>, vector<1x16xf32>,
        %get3A_1053 = vector.shape_cast %get3A_1052 : vector<1x16xf32> to vector<16xf32>
        %add3A_1054 = arith.addf %get3A_1029, %get3A_1037 : vector<16xf32>
        %add3A_1055 = arith.addf %get3A_1045, %get3A_1053 : vector<16xf32>
        %add3A_1056 = arith.addf %add3A_1054, %add3A_1055 : vector<16xf32>
        %swap3A = arith.index_cast %scan3A_1022 : i32 to index
        %swap3A_1057 = arith.constant 0 : index
        %swap3A_1058 = tpu.vector_load %arg7[%swap3A, %swap3A_1057] {strides = array<i32>} : memref<64x128xf32, #tpu.memory_space<vmem>>, vector<1x16xf32>,
        %swap3A_1059 = vector.shape_cast %swap3A_1058 : vector<1x16xf32> to vector<16xf32>
        %swap3A_1060 = vector.shape_cast %add3A_1056 : vector<16xf32> to vector<1x16xf32>
        tpu.vector_store %arg7[%swap3A, %swap3A_1057], %swap3A_1060 {strides = array<i32>} : memref<64x128xf32, #tpu.memory_space<vmem>>, vector<1x16xf32>,
        %get3A_1061 = arith.constant 0 : i32
        %get3A_1062 = arith.constant 0 : i32
        %get3A_1063 = tpu.memref_slice %arg6[%scan3A_250, %get3A_1061, %get3A_1062] : memref<10x64x128xf32, #tpu.memory_space<vmem>> -> memref<1x64x128xf32, #tpu.memory_space<vmem>>
        %get3A_1064 = tpu.memref_squeeze %get3A_1063 : memref<1x64x128xf32, #tpu.memory_space<vmem>> -> memref<64x128xf32, #tpu.memory_space<vmem>>
        %get3A_1065 = arith.index_cast %scan3A_1022 : i32 to index
        %get3A_1066 = arith.constant 16 : index
        %get3A_1067 = tpu.vector_load %get3A_1064[%get3A_1065, %get3A_1066] {strides = array<i32>} : memref<64x128xf32, #tpu.memory_space<vmem>>, vector<1x16xf32>,
        %get3A_1068 = vector.shape_cast %get3A_1067 : vector<1x16xf32> to vector<16xf32>
        %get3A_1069 = arith.constant 0 : i32
        %get3A_1070 = arith.constant 0 : i32
        %get3A_1071 = tpu.memref_slice %arg6[%scan3A_251, %get3A_1069, %get3A_1070] : memref<10x64x128xf32, #tpu.memory_space<vmem>> -> memref<1x64x128xf32, #tpu.memory_space<vmem>>
        %get3A_1072 = tpu.memref_squeeze %get3A_1071 : memref<1x64x128xf32, #tpu.memory_space<vmem>> -> memref<64x128xf32, #tpu.memory_space<vmem>>
        %get3A_1073 = arith.index_cast %scan3A_1022 : i32 to index
        %get3A_1074 = arith.constant 16 : index
        %get3A_1075 = tpu.vector_load %get3A_1072[%get3A_1073, %get3A_1074] {strides = array<i32>} : memref<64x128xf32, #tpu.memory_space<vmem>>, vector<1x16xf32>,
        %get3A_1076 = vector.shape_cast %get3A_1075 : vector<1x16xf32> to vector<16xf32>
        %get3A_1077 = arith.constant 0 : i32
        %get3A_1078 = arith.constant 0 : i32
        %get3A_1079 = tpu.memref_slice %arg6[%scan3A_252, %get3A_1077, %get3A_1078] : memref<10x64x128xf32, #tpu.memory_space<vmem>> -> memref<1x64x128xf32, #tpu.memory_space<vmem>>
        %get3A_1080 = tpu.memref_squeeze %get3A_1079 : memref<1x64x128xf32, #tpu.memory_space<vmem>> -> memref<64x128xf32, #tpu.memory_space<vmem>>
        %get3A_1081 = arith.index_cast %scan3A_1022 : i32 to index
        %get3A_1082 = arith.constant 16 : index
        %get3A_1083 = tpu.vector_load %get3A_1080[%get3A_1081, %get3A_1082] {strides = array<i32>} : memref<64x128xf32, #tpu.memory_space<vmem>>, vector<1x16xf32>,
        %get3A_1084 = vector.shape_cast %get3A_1083 : vector<1x16xf32> to vector<16xf32>
        %get3A_1085 = arith.constant 0 : i32
        %get3A_1086 = arith.constant 0 : i32
        %get3A_1087 = tpu.memref_slice %arg6[%scan3A_253, %get3A_1085, %get3A_1086] : memref<10x64x128xf32, #tpu.memory_space<vmem>> -> memref<1x64x128xf32, #tpu.memory_space<vmem>>
        %get3A_1088 = tpu.memref_squeeze %get3A_1087 : memref<1x64x128xf32, #tpu.memory_space<vmem>> -> memref<64x128xf32, #tpu.memory_space<vmem>>
        %get3A_1089 = arith.index_cast %scan3A_1022 : i32 to index
        %get3A_1090 = arith.constant 16 : index
        %get3A_1091 = tpu.vector_load %get3A_1088[%get3A_1089, %get3A_1090] {strides = array<i32>} : memref<64x128xf32, #tpu.memory_space<vmem>>, vector<1x16xf32>,
        %get3A_1092 = vector.shape_cast %get3A_1091 : vector<1x16xf32> to vector<16xf32>
        %add3A_1093 = arith.addf %get3A_1068, %get3A_1076 : vector<16xf32>
        %add3A_1094 = arith.addf %get3A_1084, %get3A_1092 : vector<16xf32>
        %add3A_1095 = arith.addf %add3A_1093, %add3A_1094 : vector<16xf32>
        %swap3A_1096 = arith.index_cast %scan3A_1022 : i32 to index
        %swap3A_1097 = arith.constant 16 : index
        %swap3A_1098 = tpu.vector_load %arg7[%swap3A_1096, %swap3A_1097] {strides = array<i32>} : memref<64x128xf32, #tpu.memory_space<vmem>>, vector<1x16xf32>,
        %swap3A_1099 = vector.shape_cast %swap3A_1098 : vector<1x16xf32> to vector<16xf32>
        %swap3A_1100 = vector.shape_cast %add3A_1095 : vector<16xf32> to vector<1x16xf32>
        tpu.vector_store %arg7[%swap3A_1096, %swap3A_1097], %swap3A_1100 {strides = array<i32>} : memref<64x128xf32, #tpu.memory_space<vmem>>, vector<1x16xf32>,
        %get3A_1101 = arith.constant 0 : i32
        %get3A_1102 = arith.constant 0 : i32
        %get3A_1103 = tpu.memref_slice %arg6[%scan3A_250, %get3A_1101, %get3A_1102] : memref<10x64x128xf32, #tpu.memory_space<vmem>> -> memref<1x64x128xf32, #tpu.memory_space<vmem>>
        %get3A_1104 = tpu.memref_squeeze %get3A_1103 : memref<1x64x128xf32, #tpu.memory_space<vmem>> -> memref<64x128xf32, #tpu.memory_space<vmem>>
        %get3A_1105 = arith.index_cast %scan3A_1022 : i32 to index
        %get3A_1106 = arith.constant 32 : index
        %get3A_1107 = tpu.vector_load %get3A_1104[%get3A_1105, %get3A_1106] {strides = array<i32>} : memref<64x128xf32, #tpu.memory_space<vmem>>, vector<1x16xf32>,
        %get3A_1108 = vector.shape_cast %get3A_1107 : vector<1x16xf32> to vector<16xf32>
        %get3A_1109 = arith.constant 0 : i32
        %get3A_1110 = arith.constant 0 : i32
        %get3A_1111 = tpu.memref_slice %arg6[%scan3A_251, %get3A_1109, %get3A_1110] : memref<10x64x128xf32, #tpu.memory_space<vmem>> -> memref<1x64x128xf32, #tpu.memory_space<vmem>>
        %get3A_1112 = tpu.memref_squeeze %get3A_1111 : memref<1x64x128xf32, #tpu.memory_space<vmem>> -> memref<64x128xf32, #tpu.memory_space<vmem>>
        %get3A_1113 = arith.index_cast %scan3A_1022 : i32 to index
        %get3A_1114 = arith.constant 32 : index
        %get3A_1115 = tpu.vector_load %get3A_1112[%get3A_1113, %get3A_1114] {strides = array<i32>} : memref<64x128xf32, #tpu.memory_space<vmem>>, vector<1x16xf32>,
        %get3A_1116 = vector.shape_cast %get3A_1115 : vector<1x16xf32> to vector<16xf32>
        %get3A_1117 = arith.constant 0 : i32
        %get3A_1118 = arith.constant 0 : i32
        %get3A_1119 = tpu.memref_slice %arg6[%scan3A_252, %get3A_1117, %get3A_1118] : memref<10x64x128xf32, #tpu.memory_space<vmem>> -> memref<1x64x128xf32, #tpu.memory_space<vmem>>
        %get3A_1120 = tpu.memref_squeeze %get3A_1119 : memref<1x64x128xf32, #tpu.memory_space<vmem>> -> memref<64x128xf32, #tpu.memory_space<vmem>>
        %get3A_1121 = arith.index_cast %scan3A_1022 : i32 to index
        %get3A_1122 = arith.constant 32 : index
        %get3A_1123 = tpu.vector_load %get3A_1120[%get3A_1121, %get3A_1122] {strides = array<i32>} : memref<64x128xf32, #tpu.memory_space<vmem>>, vector<1x16xf32>,
        %get3A_1124 = vector.shape_cast %get3A_1123 : vector<1x16xf32> to vector<16xf32>
        %get3A_1125 = arith.constant 0 : i32
        %get3A_1126 = arith.constant 0 : i32
        %get3A_1127 = tpu.memref_slice %arg6[%scan3A_253, %get3A_1125, %get3A_1126] : memref<10x64x128xf32, #tpu.memory_space<vmem>> -> memref<1x64x128xf32, #tpu.memory_space<vmem>>
        %get3A_1128 = tpu.memref_squeeze %get3A_1127 : memref<1x64x128xf32, #tpu.memory_space<vmem>> -> memref<64x128xf32, #tpu.memory_space<vmem>>
        %get3A_1129 = arith.index_cast %scan3A_1022 : i32 to index
        %get3A_1130 = arith.constant 32 : index
        %get3A_1131 = tpu.vector_load %get3A_1128[%get3A_1129, %get3A_1130] {strides = array<i32>} : memref<64x128xf32, #tpu.memory_space<vmem>>, vector<1x16xf32>,
        %get3A_1132 = vector.shape_cast %get3A_1131 : vector<1x16xf32> to vector<16xf32>
        %add3A_1133 = arith.addf %get3A_1108, %get3A_1116 : vector<16xf32>
        %add3A_1134 = arith.addf %get3A_1124, %get3A_1132 : vector<16xf32>
        %add3A_1135 = arith.addf %add3A_1133, %add3A_1134 : vector<16xf32>
        %swap3A_1136 = arith.index_cast %scan3A_1022 : i32 to index
        %swap3A_1137 = arith.constant 32 : index
        %swap3A_1138 = tpu.vector_load %arg7[%swap3A_1136, %swap3A_1137] {strides = array<i32>} : memref<64x128xf32, #tpu.memory_space<vmem>>, vector<1x16xf32>,
        %swap3A_1139 = vector.shape_cast %swap3A_1138 : vector<1x16xf32> to vector<16xf32>
        %swap3A_1140 = vector.shape_cast %add3A_1135 : vector<16xf32> to vector<1x16xf32>
        tpu.vector_store %arg7[%swap3A_1136, %swap3A_1137], %swap3A_1140 {strides = array<i32>} : memref<64x128xf32, #tpu.memory_space<vmem>>, vector<1x16xf32>,
        %get3A_1141 = arith.constant 0 : i32
        %get3A_1142 = arith.constant 0 : i32
        %get3A_1143 = tpu.memref_slice %arg6[%scan3A_250, %get3A_1141, %get3A_1142] : memref<10x64x128xf32, #tpu.memory_space<vmem>> -> memref<1x64x128xf32, #tpu.memory_space<vmem>>
        %get3A_1144 = tpu.memref_squeeze %get3A_1143 : memref<1x64x128xf32, #tpu.memory_space<vmem>> -> memref<64x128xf32, #tpu.memory_space<vmem>>
        %get3A_1145 = arith.index_cast %scan3A_1022 : i32 to index
        %get3A_1146 = arith.constant 48 : index
        %get3A_1147 = tpu.vector_load %get3A_1144[%get3A_1145, %get3A_1146] {strides = array<i32>} : memref<64x128xf32, #tpu.memory_space<vmem>>, vector<1x16xf32>,
        %get3A_1148 = vector.shape_cast %get3A_1147 : vector<1x16xf32> to vector<16xf32>
        %get3A_1149 = arith.constant 0 : i32
        %get3A_1150 = arith.constant 0 : i32
        %get3A_1151 = tpu.memref_slice %arg6[%scan3A_251, %get3A_1149, %get3A_1150] : memref<10x64x128xf32, #tpu.memory_space<vmem>> -> memref<1x64x128xf32, #tpu.memory_space<vmem>>
        %get3A_1152 = tpu.memref_squeeze %get3A_1151 : memref<1x64x128xf32, #tpu.memory_space<vmem>> -> memref<64x128xf32, #tpu.memory_space<vmem>>
        %get3A_1153 = arith.index_cast %scan3A_1022 : i32 to index
        %get3A_1154 = arith.constant 48 : index
        %get3A_1155 = tpu.vector_load %get3A_1152[%get3A_1153, %get3A_1154] {strides = array<i32>} : memref<64x128xf32, #tpu.memory_space<vmem>>, vector<1x16xf32>,
        %get3A_1156 = vector.shape_cast %get3A_1155 : vector<1x16xf32> to vector<16xf32>
        %get3A_1157 = arith.constant 0 : i32
        %get3A_1158 = arith.constant 0 : i32
        %get3A_1159 = tpu.memref_slice %arg6[%scan3A_252, %get3A_1157, %get3A_1158] : memref<10x64x128xf32, #tpu.memory_space<vmem>> -> memref<1x64x128xf32, #tpu.memory_space<vmem>>
        %get3A_1160 = tpu.memref_squeeze %get3A_1159 : memref<1x64x128xf32, #tpu.memory_space<vmem>> -> memref<64x128xf32, #tpu.memory_space<vmem>>
        %get3A_1161 = arith.index_cast %scan3A_1022 : i32 to index
        %get3A_1162 = arith.constant 48 : index
        %get3A_1163 = tpu.vector_load %get3A_1160[%get3A_1161, %get3A_1162] {strides = array<i32>} : memref<64x128xf32, #tpu.memory_space<vmem>>, vector<1x16xf32>,
        %get3A_1164 = vector.shape_cast %get3A_1163 : vector<1x16xf32> to vector<16xf32>
        %get3A_1165 = arith.constant 0 : i32
        %get3A_1166 = arith.constant 0 : i32
        %get3A_1167 = tpu.memref_slice %arg6[%scan3A_253, %get3A_1165, %get3A_1166] : memref<10x64x128xf32, #tpu.memory_space<vmem>> -> memref<1x64x128xf32, #tpu.memory_space<vmem>>
        %get3A_1168 = tpu.memref_squeeze %get3A_1167 : memref<1x64x128xf32, #tpu.memory_space<vmem>> -> memref<64x128xf32, #tpu.memory_space<vmem>>
        %get3A_1169 = arith.index_cast %scan3A_1022 : i32 to index
        %get3A_1170 = arith.constant 48 : index
        %get3A_1171 = tpu.vector_load %get3A_1168[%get3A_1169, %get3A_1170] {strides = array<i32>} : memref<64x128xf32, #tpu.memory_space<vmem>>, vector<1x16xf32>,
        %get3A_1172 = vector.shape_cast %get3A_1171 : vector<1x16xf32> to vector<16xf32>
        %add3A_1173 = arith.addf %get3A_1148, %get3A_1156 : vector<16xf32>
        %add3A_1174 = arith.addf %get3A_1164, %get3A_1172 : vector<16xf32>
        %add3A_1175 = arith.addf %add3A_1173, %add3A_1174 : vector<16xf32>
        %swap3A_1176 = arith.index_cast %scan3A_1022 : i32 to index
        %swap3A_1177 = arith.constant 48 : index
        %swap3A_1178 = tpu.vector_load %arg7[%swap3A_1176, %swap3A_1177] {strides = array<i32>} : memref<64x128xf32, #tpu.memory_space<vmem>>, vector<1x16xf32>,
        %swap3A_1179 = vector.shape_cast %swap3A_1178 : vector<1x16xf32> to vector<16xf32>
        %swap3A_1180 = vector.shape_cast %add3A_1175 : vector<16xf32> to vector<1x16xf32>
        tpu.vector_store %arg7[%swap3A_1176, %swap3A_1177], %swap3A_1180 {strides = array<i32>} : memref<64x128xf32, #tpu.memory_space<vmem>>, vector<1x16xf32>,
        %get3A_1181 = arith.constant 0 : i32
        %get3A_1182 = arith.constant 0 : i32
        %get3A_1183 = tpu.memref_slice %arg6[%scan3A_250, %get3A_1181, %get3A_1182] : memref<10x64x128xf32, #tpu.memory_space<vmem>> -> memref<1x64x128xf32, #tpu.memory_space<vmem>>
        %get3A_1184 = tpu.memref_squeeze %get3A_1183 : memref<1x64x128xf32, #tpu.memory_space<vmem>> -> memref<64x128xf32, #tpu.memory_space<vmem>>
        %get3A_1185 = arith.index_cast %scan3A_1022 : i32 to index
        %get3A_1186 = arith.constant 64 : index
        %get3A_1187 = tpu.vector_load %get3A_1184[%get3A_1185, %get3A_1186] {strides = array<i32>} : memref<64x128xf32, #tpu.memory_space<vmem>>, vector<1x16xf32>,
        %get3A_1188 = vector.shape_cast %get3A_1187 : vector<1x16xf32> to vector<16xf32>
        %get3A_1189 = arith.constant 0 : i32
        %get3A_1190 = arith.constant 0 : i32
        %get3A_1191 = tpu.memref_slice %arg6[%scan3A_251, %get3A_1189, %get3A_1190] : memref<10x64x128xf32, #tpu.memory_space<vmem>> -> memref<1x64x128xf32, #tpu.memory_space<vmem>>
        %get3A_1192 = tpu.memref_squeeze %get3A_1191 : memref<1x64x128xf32, #tpu.memory_space<vmem>> -> memref<64x128xf32, #tpu.memory_space<vmem>>
        %get3A_1193 = arith.index_cast %scan3A_1022 : i32 to index
        %get3A_1194 = arith.constant 64 : index
        %get3A_1195 = tpu.vector_load %get3A_1192[%get3A_1193, %get3A_1194] {strides = array<i32>} : memref<64x128xf32, #tpu.memory_space<vmem>>, vector<1x16xf32>,
        %get3A_1196 = vector.shape_cast %get3A_1195 : vector<1x16xf32> to vector<16xf32>
        %get3A_1197 = arith.constant 0 : i32
        %get3A_1198 = arith.constant 0 : i32
        %get3A_1199 = tpu.memref_slice %arg6[%scan3A_252, %get3A_1197, %get3A_1198] : memref<10x64x128xf32, #tpu.memory_space<vmem>> -> memref<1x64x128xf32, #tpu.memory_space<vmem>>
        %get3A_1200 = tpu.memref_squeeze %get3A_1199 : memref<1x64x128xf32, #tpu.memory_space<vmem>> -> memref<64x128xf32, #tpu.memory_space<vmem>>
        %get3A_1201 = arith.index_cast %scan3A_1022 : i32 to index
        %get3A_1202 = arith.constant 64 : index
        %get3A_1203 = tpu.vector_load %get3A_1200[%get3A_1201, %get3A_1202] {strides = array<i32>} : memref<64x128xf32, #tpu.memory_space<vmem>>, vector<1x16xf32>,
        %get3A_1204 = vector.shape_cast %get3A_1203 : vector<1x16xf32> to vector<16xf32>
        %get3A_1205 = arith.constant 0 : i32
        %get3A_1206 = arith.constant 0 : i32
        %get3A_1207 = tpu.memref_slice %arg6[%scan3A_253, %get3A_1205, %get3A_1206] : memref<10x64x128xf32, #tpu.memory_space<vmem>> -> memref<1x64x128xf32, #tpu.memory_space<vmem>>
        %get3A_1208 = tpu.memref_squeeze %get3A_1207 : memref<1x64x128xf32, #tpu.memory_space<vmem>> -> memref<64x128xf32, #tpu.memory_space<vmem>>
        %get3A_1209 = arith.index_cast %scan3A_1022 : i32 to index
        %get3A_1210 = arith.constant 64 : index
        %get3A_1211 = tpu.vector_load %get3A_1208[%get3A_1209, %get3A_1210] {strides = array<i32>} : memref<64x128xf32, #tpu.memory_space<vmem>>, vector<1x16xf32>,
        %get3A_1212 = vector.shape_cast %get3A_1211 : vector<1x16xf32> to vector<16xf32>
        %add3A_1213 = arith.addf %get3A_1188, %get3A_1196 : vector<16xf32>
        %add3A_1214 = arith.addf %get3A_1204, %get3A_1212 : vector<16xf32>
        %add3A_1215 = arith.addf %add3A_1213, %add3A_1214 : vector<16xf32>
        %swap3A_1216 = arith.index_cast %scan3A_1022 : i32 to index
        %swap3A_1217 = arith.constant 64 : index
        %swap3A_1218 = tpu.vector_load %arg7[%swap3A_1216, %swap3A_1217] {strides = array<i32>} : memref<64x128xf32, #tpu.memory_space<vmem>>, vector<1x16xf32>,
        %swap3A_1219 = vector.shape_cast %swap3A_1218 : vector<1x16xf32> to vector<16xf32>
        %swap3A_1220 = vector.shape_cast %add3A_1215 : vector<16xf32> to vector<1x16xf32>
        tpu.vector_store %arg7[%swap3A_1216, %swap3A_1217], %swap3A_1220 {strides = array<i32>} : memref<64x128xf32, #tpu.memory_space<vmem>>, vector<1x16xf32>,
        %get3A_1221 = arith.constant 0 : i32
        %get3A_1222 = arith.constant 0 : i32
        %get3A_1223 = tpu.memref_slice %arg6[%scan3A_250, %get3A_1221, %get3A_1222] : memref<10x64x128xf32, #tpu.memory_space<vmem>> -> memref<1x64x128xf32, #tpu.memory_space<vmem>>
        %get3A_1224 = tpu.memref_squeeze %get3A_1223 : memref<1x64x128xf32, #tpu.memory_space<vmem>> -> memref<64x128xf32, #tpu.memory_space<vmem>>
        %get3A_1225 = arith.index_cast %scan3A_1022 : i32 to index
        %get3A_1226 = arith.constant 80 : index
        %get3A_1227 = tpu.vector_load %get3A_1224[%get3A_1225, %get3A_1226] {strides = array<i32>} : memref<64x128xf32, #tpu.memory_space<vmem>>, vector<1x16xf32>,
        %get3A_1228 = vector.shape_cast %get3A_1227 : vector<1x16xf32> to vector<16xf32>
        %get3A_1229 = arith.constant 0 : i32
        %get3A_1230 = arith.constant 0 : i32
        %get3A_1231 = tpu.memref_slice %arg6[%scan3A_251, %get3A_1229, %get3A_1230] : memref<10x64x128xf32, #tpu.memory_space<vmem>> -> memref<1x64x128xf32, #tpu.memory_space<vmem>>
        %get3A_1232 = tpu.memref_squeeze %get3A_1231 : memref<1x64x128xf32, #tpu.memory_space<vmem>> -> memref<64x128xf32, #tpu.memory_space<vmem>>
        %get3A_1233 = arith.index_cast %scan3A_1022 : i32 to index
        %get3A_1234 = arith.constant 80 : index
        %get3A_1235 = tpu.vector_load %get3A_1232[%get3A_1233, %get3A_1234] {strides = array<i32>} : memref<64x128xf32, #tpu.memory_space<vmem>>, vector<1x16xf32>,
        %get3A_1236 = vector.shape_cast %get3A_1235 : vector<1x16xf32> to vector<16xf32>
        %get3A_1237 = arith.constant 0 : i32
        %get3A_1238 = arith.constant 0 : i32
        %get3A_1239 = tpu.memref_slice %arg6[%scan3A_252, %get3A_1237, %get3A_1238] : memref<10x64x128xf32, #tpu.memory_space<vmem>> -> memref<1x64x128xf32, #tpu.memory_space<vmem>>
        %get3A_1240 = tpu.memref_squeeze %get3A_1239 : memref<1x64x128xf32, #tpu.memory_space<vmem>> -> memref<64x128xf32, #tpu.memory_space<vmem>>
        %get3A_1241 = arith.index_cast %scan3A_1022 : i32 to index
        %get3A_1242 = arith.constant 80 : index
        %get3A_1243 = tpu.vector_load %get3A_1240[%get3A_1241, %get3A_1242] {strides = array<i32>} : memref<64x128xf32, #tpu.memory_space<vmem>>, vector<1x16xf32>,
        %get3A_1244 = vector.shape_cast %get3A_1243 : vector<1x16xf32> to vector<16xf32>
        %get3A_1245 = arith.constant 0 : i32
        %get3A_1246 = arith.constant 0 : i32
        %get3A_1247 = tpu.memref_slice %arg6[%scan3A_253, %get3A_1245, %get3A_1246] : memref<10x64x128xf32, #tpu.memory_space<vmem>> -> memref<1x64x128xf32, #tpu.memory_space<vmem>>
        %get3A_1248 = tpu.memref_squeeze %get3A_1247 : memref<1x64x128xf32, #tpu.memory_space<vmem>> -> memref<64x128xf32, #tpu.memory_space<vmem>>
        %get3A_1249 = arith.index_cast %scan3A_1022 : i32 to index
        %get3A_1250 = arith.constant 80 : index
        %get3A_1251 = tpu.vector_load %get3A_1248[%get3A_1249, %get3A_1250] {strides = array<i32>} : memref<64x128xf32, #tpu.memory_space<vmem>>, vector<1x16xf32>,
        %get3A_1252 = vector.shape_cast %get3A_1251 : vector<1x16xf32> to vector<16xf32>
        %add3A_1253 = arith.addf %get3A_1228, %get3A_1236 : vector<16xf32>
        %add3A_1254 = arith.addf %get3A_1244, %get3A_1252 : vector<16xf32>
        %add3A_1255 = arith.addf %add3A_1253, %add3A_1254 : vector<16xf32>
        %swap3A_1256 = arith.index_cast %scan3A_1022 : i32 to index
        %swap3A_1257 = arith.constant 80 : index
        %swap3A_1258 = tpu.vector_load %arg7[%swap3A_1256, %swap3A_1257] {strides = array<i32>} : memref<64x128xf32, #tpu.memory_space<vmem>>, vector<1x16xf32>,
        %swap3A_1259 = vector.shape_cast %swap3A_1258 : vector<1x16xf32> to vector<16xf32>
        %swap3A_1260 = vector.shape_cast %add3A_1255 : vector<16xf32> to vector<1x16xf32>
        tpu.vector_store %arg7[%swap3A_1256, %swap3A_1257], %swap3A_1260 {strides = array<i32>} : memref<64x128xf32, #tpu.memory_space<vmem>>, vector<1x16xf32>,
        %get3A_1261 = arith.constant 0 : i32
        %get3A_1262 = arith.constant 0 : i32
        %get3A_1263 = tpu.memref_slice %arg6[%scan3A_250, %get3A_1261, %get3A_1262] : memref<10x64x128xf32, #tpu.memory_space<vmem>> -> memref<1x64x128xf32, #tpu.memory_space<vmem>>
        %get3A_1264 = tpu.memref_squeeze %get3A_1263 : memref<1x64x128xf32, #tpu.memory_space<vmem>> -> memref<64x128xf32, #tpu.memory_space<vmem>>
        %get3A_1265 = arith.index_cast %scan3A_1022 : i32 to index
        %get3A_1266 = arith.constant 96 : index
        %get3A_1267 = tpu.vector_load %get3A_1264[%get3A_1265, %get3A_1266] {strides = array<i32>} : memref<64x128xf32, #tpu.memory_space<vmem>>, vector<1x16xf32>,
        %get3A_1268 = vector.shape_cast %get3A_1267 : vector<1x16xf32> to vector<16xf32>
        %get3A_1269 = arith.constant 0 : i32
        %get3A_1270 = arith.constant 0 : i32
        %get3A_1271 = tpu.memref_slice %arg6[%scan3A_251, %get3A_1269, %get3A_1270] : memref<10x64x128xf32, #tpu.memory_space<vmem>> -> memref<1x64x128xf32, #tpu.memory_space<vmem>>
        %get3A_1272 = tpu.memref_squeeze %get3A_1271 : memref<1x64x128xf32, #tpu.memory_space<vmem>> -> memref<64x128xf32, #tpu.memory_space<vmem>>
        %get3A_1273 = arith.index_cast %scan3A_1022 : i32 to index
        %get3A_1274 = arith.constant 96 : index
        %get3A_1275 = tpu.vector_load %get3A_1272[%get3A_1273, %get3A_1274] {strides = array<i32>} : memref<64x128xf32, #tpu.memory_space<vmem>>, vector<1x16xf32>,
        %get3A_1276 = vector.shape_cast %get3A_1275 : vector<1x16xf32> to vector<16xf32>
        %get3A_1277 = arith.constant 0 : i32
        %get3A_1278 = arith.constant 0 : i32
        %get3A_1279 = tpu.memref_slice %arg6[%scan3A_252, %get3A_1277, %get3A_1278] : memref<10x64x128xf32, #tpu.memory_space<vmem>> -> memref<1x64x128xf32, #tpu.memory_space<vmem>>
        %get3A_1280 = tpu.memref_squeeze %get3A_1279 : memref<1x64x128xf32, #tpu.memory_space<vmem>> -> memref<64x128xf32, #tpu.memory_space<vmem>>
        %get3A_1281 = arith.index_cast %scan3A_1022 : i32 to index
        %get3A_1282 = arith.constant 96 : index
        %get3A_1283 = tpu.vector_load %get3A_1280[%get3A_1281, %get3A_1282] {strides = array<i32>} : memref<64x128xf32, #tpu.memory_space<vmem>>, vector<1x16xf32>,
        %get3A_1284 = vector.shape_cast %get3A_1283 : vector<1x16xf32> to vector<16xf32>
        %get3A_1285 = arith.constant 0 : i32
        %get3A_1286 = arith.constant 0 : i32
        %get3A_1287 = tpu.memref_slice %arg6[%scan3A_253, %get3A_1285, %get3A_1286] : memref<10x64x128xf32, #tpu.memory_space<vmem>> -> memref<1x64x128xf32, #tpu.memory_space<vmem>>
        %get3A_1288 = tpu.memref_squeeze %get3A_1287 : memref<1x64x128xf32, #tpu.memory_space<vmem>> -> memref<64x128xf32, #tpu.memory_space<vmem>>
        %get3A_1289 = arith.index_cast %scan3A_1022 : i32 to index
        %get3A_1290 = arith.constant 96 : index
        %get3A_1291 = tpu.vector_load %get3A_1288[%get3A_1289, %get3A_1290] {strides = array<i32>} : memref<64x128xf32, #tpu.memory_space<vmem>>, vector<1x16xf32>,
        %get3A_1292 = vector.shape_cast %get3A_1291 : vector<1x16xf32> to vector<16xf32>
        %add3A_1293 = arith.addf %get3A_1268, %get3A_1276 : vector<16xf32>
        %add3A_1294 = arith.addf %get3A_1284, %get3A_1292 : vector<16xf32>
        %add3A_1295 = arith.addf %add3A_1293, %add3A_1294 : vector<16xf32>
        %swap3A_1296 = arith.index_cast %scan3A_1022 : i32 to index
        %swap3A_1297 = arith.constant 96 : index
        %swap3A_1298 = tpu.vector_load %arg7[%swap3A_1296, %swap3A_1297] {strides = array<i32>} : memref<64x128xf32, #tpu.memory_space<vmem>>, vector<1x16xf32>,
        %swap3A_1299 = vector.shape_cast %swap3A_1298 : vector<1x16xf32> to vector<16xf32>
        %swap3A_1300 = vector.shape_cast %add3A_1295 : vector<16xf32> to vector<1x16xf32>
        tpu.vector_store %arg7[%swap3A_1296, %swap3A_1297], %swap3A_1300 {strides = array<i32>} : memref<64x128xf32, #tpu.memory_space<vmem>>, vector<1x16xf32>,
        %get3A_1301 = arith.constant 0 : i32
        %get3A_1302 = arith.constant 0 : i32
        %get3A_1303 = tpu.memref_slice %arg6[%scan3A_250, %get3A_1301, %get3A_1302] : memref<10x64x128xf32, #tpu.memory_space<vmem>> -> memref<1x64x128xf32, #tpu.memory_space<vmem>>
        %get3A_1304 = tpu.memref_squeeze %get3A_1303 : memref<1x64x128xf32, #tpu.memory_space<vmem>> -> memref<64x128xf32, #tpu.memory_space<vmem>>
        %get3A_1305 = arith.index_cast %scan3A_1022 : i32 to index
        %get3A_1306 = arith.constant 112 : index
        %get3A_1307 = tpu.vector_load %get3A_1304[%get3A_1305, %get3A_1306] {strides = array<i32>} : memref<64x128xf32, #tpu.memory_space<vmem>>, vector<1x16xf32>,
        %get3A_1308 = vector.shape_cast %get3A_1307 : vector<1x16xf32> to vector<16xf32>
        %get3A_1309 = arith.constant 0 : i32
        %get3A_1310 = arith.constant 0 : i32
        %get3A_1311 = tpu.memref_slice %arg6[%scan3A_251, %get3A_1309, %get3A_1310] : memref<10x64x128xf32, #tpu.memory_space<vmem>> -> memref<1x64x128xf32, #tpu.memory_space<vmem>>
        %get3A_1312 = tpu.memref_squeeze %get3A_1311 : memref<1x64x128xf32, #tpu.memory_space<vmem>> -> memref<64x128xf32, #tpu.memory_space<vmem>>
        %get3A_1313 = arith.index_cast %scan3A_1022 : i32 to index
        %get3A_1314 = arith.constant 112 : index
        %get3A_1315 = tpu.vector_load %get3A_1312[%get3A_1313, %get3A_1314] {strides = array<i32>} : memref<64x128xf32, #tpu.memory_space<vmem>>, vector<1x16xf32>,
        %get3A_1316 = vector.shape_cast %get3A_1315 : vector<1x16xf32> to vector<16xf32>
        %get3A_1317 = arith.constant 0 : i32
        %get3A_1318 = arith.constant 0 : i32
        %get3A_1319 = tpu.memref_slice %arg6[%scan3A_252, %get3A_1317, %get3A_1318] : memref<10x64x128xf32, #tpu.memory_space<vmem>> -> memref<1x64x128xf32, #tpu.memory_space<vmem>>
        %get3A_1320 = tpu.memref_squeeze %get3A_1319 : memref<1x64x128xf32, #tpu.memory_space<vmem>> -> memref<64x128xf32, #tpu.memory_space<vmem>>
        %get3A_1321 = arith.index_cast %scan3A_1022 : i32 to index
        %get3A_1322 = arith.constant 112 : index
        %get3A_1323 = tpu.vector_load %get3A_1320[%get3A_1321, %get3A_1322] {strides = array<i32>} : memref<64x128xf32, #tpu.memory_space<vmem>>, vector<1x16xf32>,
        %get3A_1324 = vector.shape_cast %get3A_1323 : vector<1x16xf32> to vector<16xf32>
        %get3A_1325 = arith.constant 0 : i32
        %get3A_1326 = arith.constant 0 : i32
        %get3A_1327 = tpu.memref_slice %arg6[%scan3A_253, %get3A_1325, %get3A_1326] : memref<10x64x128xf32, #tpu.memory_space<vmem>> -> memref<1x64x128xf32, #tpu.memory_space<vmem>>
        %get3A_1328 = tpu.memref_squeeze %get3A_1327 : memref<1x64x128xf32, #tpu.memory_space<vmem>> -> memref<64x128xf32, #tpu.memory_space<vmem>>
        %get3A_1329 = arith.index_cast %scan3A_1022 : i32 to index
        %get3A_1330 = arith.constant 112 : index
        %get3A_1331 = tpu.vector_load %get3A_1328[%get3A_1329, %get3A_1330] {strides = array<i32>} : memref<64x128xf32, #tpu.memory_space<vmem>>, vector<1x16xf32>,
        %get3A_1332 = vector.shape_cast %get3A_1331 : vector<1x16xf32> to vector<16xf32>
        %add3A_1333 = arith.addf %get3A_1308, %get3A_1316 : vector<16xf32>
        %add3A_1334 = arith.addf %get3A_1324, %get3A_1332 : vector<16xf32>
        %add3A_1335 = arith.addf %add3A_1333, %add3A_1334 : vector<16xf32>
        %swap3A_1336 = arith.index_cast %scan3A_1022 : i32 to index
        %swap3A_1337 = arith.constant 112 : index
        %swap3A_1338 = tpu.vector_load %arg7[%swap3A_1336, %swap3A_1337] {strides = array<i32>} : memref<64x128xf32, #tpu.memory_space<vmem>>, vector<1x16xf32>,
        %swap3A_1339 = vector.shape_cast %swap3A_1338 : vector<1x16xf32> to vector<16xf32>
        %swap3A_1340 = vector.shape_cast %add3A_1335 : vector<16xf32> to vector<1x16xf32>
        tpu.vector_store %arg7[%swap3A_1336, %swap3A_1337], %swap3A_1340 {strides = array<i32>} : memref<64x128xf32, #tpu.memory_space<vmem>>, vector<1x16xf32>,
      }
      %scan3A_258 = arith.constant 64 : i32
      %mul3A_259 = arith.constant 64 : i32
      %mul3A_260 = arith.muli %scan3A_177, %mul3A_259 : i32
      %dma_start3A_261 = arith.constant 8 : i32
      %dma_start3A_262 = arith.constant 8 : i32
      %dma_start3A_263 = arith.constant 0 : i32
      %dma_start3A_264 = arith.constant 0 : i32
      %dma_start3A_265 = arith.constant 0 : i32
      %dma_start3A_266 = tpu.memref_slice %arg6[%dma_start3A_263, %dma_start3A_264, %dma_start3A_265] : memref<10x64x128xf32, #tpu.memory_space<vmem>> -> memref<1x64x128xf32, #tpu.memory_space<vmem>>
      %dma_start3A_267 = tpu.memref_squeeze %dma_start3A_266 : memref<1x64x128xf32, #tpu.memory_space<vmem>> -> memref<64x128xf32, #tpu.memory_space<vmem>>
      %dma_start3A_268 = tpu.memref_slice %arg5[%dma_start3A_262, %mul3A_260] : memref<26x512xi32, #tpu.memory_space<vmem>> -> memref<1x64xi32, #tpu.memory_space<vmem>>
      %dma_start3A_269 = tpu.memref_squeeze %dma_start3A_268 : memref<1x64xi32, #tpu.memory_space<vmem>> -> memref<64xi32, #tpu.memory_space<vmem>>
      %dma_start3A_270 = arith.constant 0 : i32
      %dma_start3A_271 = arith.constant 0 : i32
      %dma_start3A_272 = tpu.memref_slice %arg3[%dma_start3A_261, %dma_start3A_270, %dma_start3A_271] : memref<26x100001x128xf32, #tpu.memory_space<hbm>> -> memref<1x100001x128xf32, #tpu.memory_space<hbm>>
      %dma_start3A_273 = tpu.memref_squeeze %dma_start3A_272 : memref<1x100001x128xf32, #tpu.memory_space<hbm>> -> memref<100001x128xf32, #tpu.memory_space<hbm>>
      %dma_start3A_274 = arith.constant 0 : i32
      %dma_start3A_275 = arith.constant 0 : i32
      %dma_start3A_276 = tpu.memref_slice %dma_start3A_273[%dma_start3A_274, %dma_start3A_275] : memref<100001x128xf32, #tpu.memory_space<hbm>> -> memref<100001x128xf32, #tpu.memory_space<hbm>>
      tpu.enqueue_indirect_dma source(%dma_start3A_276 : memref<100001x128xf32, #tpu.memory_space<hbm>>) target(%dma_start3A_267 : memref<64x128xf32, #tpu.memory_space<vmem>>) offsets(%dma_start3A_269 : memref<64xi32, #tpu.memory_space<vmem>>) semaphore(%arg8 : memref<!tpu.dma_semaphore, #tpu.memory_space<semaphore_mem>>)
      %mul3A_277 = arith.constant 64 : i32
      %mul3A_278 = arith.muli %scan3A_177, %mul3A_277 : i32
      %dma_start3A_279 = arith.constant 9 : i32
      %dma_start3A_280 = arith.constant 9 : i32
      %dma_start3A_281 = arith.constant 1 : i32
      %dma_start3A_282 = arith.constant 0 : i32
      %dma_start3A_283 = arith.constant 0 : i32
      %dma_start3A_284 = tpu.memref_slice %arg6[%dma_start3A_281, %dma_start3A_282, %dma_start3A_283] : memref<10x64x128xf32, #tpu.memory_space<vmem>> -> memref<1x64x128xf32, #tpu.memory_space<vmem>>
      %dma_start3A_285 = tpu.memref_squeeze %dma_start3A_284 : memref<1x64x128xf32, #tpu.memory_space<vmem>> -> memref<64x128xf32, #tpu.memory_space<vmem>>
      %dma_start3A_286 = tpu.memref_slice %arg5[%dma_start3A_280, %mul3A_278] : memref<26x512xi32, #tpu.memory_space<vmem>> -> memref<1x64xi32, #tpu.memory_space<vmem>>
      %dma_start3A_287 = tpu.memref_squeeze %dma_start3A_286 : memref<1x64xi32, #tpu.memory_space<vmem>> -> memref<64xi32, #tpu.memory_space<vmem>>
      %dma_start3A_288 = arith.constant 0 : i32
      %dma_start3A_289 = arith.constant 0 : i32
      %dma_start3A_290 = tpu.memref_slice %arg3[%dma_start3A_279, %dma_start3A_288, %dma_start3A_289] : memref<26x100001x128xf32, #tpu.memory_space<hbm>> -> memref<1x100001x128xf32, #tpu.memory_space<hbm>>
      %dma_start3A_291 = tpu.memref_squeeze %dma_start3A_290 : memref<1x100001x128xf32, #tpu.memory_space<hbm>> -> memref<100001x128xf32, #tpu.memory_space<hbm>>
      %dma_start3A_292 = arith.constant 0 : i32
      %dma_start3A_293 = arith.constant 0 : i32
      %dma_start3A_294 = tpu.memref_slice %dma_start3A_291[%dma_start3A_292, %dma_start3A_293] : memref<100001x128xf32, #tpu.memory_space<hbm>> -> memref<100001x128xf32, #tpu.memory_space<hbm>>
      tpu.enqueue_indirect_dma source(%dma_start3A_294 : memref<100001x128xf32, #tpu.memory_space<hbm>>) target(%dma_start3A_285 : memref<64x128xf32, #tpu.memory_space<vmem>>) offsets(%dma_start3A_287 : memref<64xi32, #tpu.memory_space<vmem>>) semaphore(%arg9 : memref<!tpu.dma_semaphore, #tpu.memory_space<semaphore_mem>>)
      %mul3A_295 = arith.constant 64 : i32
      %mul3A_296 = arith.muli %scan3A_177, %mul3A_295 : i32
      %dma_start3A_297 = arith.constant 10 : i32
      %dma_start3A_298 = arith.constant 10 : i32
      %dma_start3A_299 = arith.constant 2 : i32
      %dma_start3A_300 = arith.constant 0 : i32
      %dma_start3A_301 = arith.constant 0 : i32
      %dma_start3A_302 = tpu.memref_slice %arg6[%dma_start3A_299, %dma_start3A_300, %dma_start3A_301] : memref<10x64x128xf32, #tpu.memory_space<vmem>> -> memref<1x64x128xf32, #tpu.memory_space<vmem>>
      %dma_start3A_303 = tpu.memref_squeeze %dma_start3A_302 : memref<1x64x128xf32, #tpu.memory_space<vmem>> -> memref<64x128xf32, #tpu.memory_space<vmem>>
      %dma_start3A_304 = tpu.memref_slice %arg5[%dma_start3A_298, %mul3A_296] : memref<26x512xi32, #tpu.memory_space<vmem>> -> memref<1x64xi32, #tpu.memory_space<vmem>>
      %dma_start3A_305 = tpu.memref_squeeze %dma_start3A_304 : memref<1x64xi32, #tpu.memory_space<vmem>> -> memref<64xi32, #tpu.memory_space<vmem>>
      %dma_start3A_306 = arith.constant 0 : i32
      %dma_start3A_307 = arith.constant 0 : i32
      %dma_start3A_308 = tpu.memref_slice %arg3[%dma_start3A_297, %dma_start3A_306, %dma_start3A_307] : memref<26x100001x128xf32, #tpu.memory_space<hbm>> -> memref<1x100001x128xf32, #tpu.memory_space<hbm>>
      %dma_start3A_309 = tpu.memref_squeeze %dma_start3A_308 : memref<1x100001x128xf32, #tpu.memory_space<hbm>> -> memref<100001x128xf32, #tpu.memory_space<hbm>>
      %dma_start3A_310 = arith.constant 0 : i32
      %dma_start3A_311 = arith.constant 0 : i32
      %dma_start3A_312 = tpu.memref_slice %dma_start3A_309[%dma_start3A_310, %dma_start3A_311] : memref<100001x128xf32, #tpu.memory_space<hbm>> -> memref<100001x128xf32, #tpu.memory_space<hbm>>
      tpu.enqueue_indirect_dma source(%dma_start3A_312 : memref<100001x128xf32, #tpu.memory_space<hbm>>) target(%dma_start3A_303 : memref<64x128xf32, #tpu.memory_space<vmem>>) offsets(%dma_start3A_305 : memref<64xi32, #tpu.memory_space<vmem>>) semaphore(%arg10 : memref<!tpu.dma_semaphore, #tpu.memory_space<semaphore_mem>>)
      %mul3A_313 = arith.constant 64 : i32
      %mul3A_314 = arith.muli %scan3A_177, %mul3A_313 : i32
      %dma_start3A_315 = arith.constant 11 : i32
      %dma_start3A_316 = arith.constant 11 : i32
      %dma_start3A_317 = arith.constant 3 : i32
      %dma_start3A_318 = arith.constant 0 : i32
      %dma_start3A_319 = arith.constant 0 : i32
      %dma_start3A_320 = tpu.memref_slice %arg6[%dma_start3A_317, %dma_start3A_318, %dma_start3A_319] : memref<10x64x128xf32, #tpu.memory_space<vmem>> -> memref<1x64x128xf32, #tpu.memory_space<vmem>>
      %dma_start3A_321 = tpu.memref_squeeze %dma_start3A_320 : memref<1x64x128xf32, #tpu.memory_space<vmem>> -> memref<64x128xf32, #tpu.memory_space<vmem>>
      %dma_start3A_322 = tpu.memref_slice %arg5[%dma_start3A_316, %mul3A_314] : memref<26x512xi32, #tpu.memory_space<vmem>> -> memref<1x64xi32, #tpu.memory_space<vmem>>
      %dma_start3A_323 = tpu.memref_squeeze %dma_start3A_322 : memref<1x64xi32, #tpu.memory_space<vmem>> -> memref<64xi32, #tpu.memory_space<vmem>>
      %dma_start3A_324 = arith.constant 0 : i32
      %dma_start3A_325 = arith.constant 0 : i32
      %dma_start3A_326 = tpu.memref_slice %arg3[%dma_start3A_315, %dma_start3A_324, %dma_start3A_325] : memref<26x100001x128xf32, #tpu.memory_space<hbm>> -> memref<1x100001x128xf32, #tpu.memory_space<hbm>>
      %dma_start3A_327 = tpu.memref_squeeze %dma_start3A_326 : memref<1x100001x128xf32, #tpu.memory_space<hbm>> -> memref<100001x128xf32, #tpu.memory_space<hbm>>
      %dma_start3A_328 = arith.constant 0 : i32
      %dma_start3A_329 = arith.constant 0 : i32
      %dma_start3A_330 = tpu.memref_slice %dma_start3A_327[%dma_start3A_328, %dma_start3A_329] : memref<100001x128xf32, #tpu.memory_space<hbm>> -> memref<100001x128xf32, #tpu.memory_space<hbm>>
      tpu.enqueue_indirect_dma source(%dma_start3A_330 : memref<100001x128xf32, #tpu.memory_space<hbm>>) target(%dma_start3A_321 : memref<64x128xf32, #tpu.memory_space<vmem>>) offsets(%dma_start3A_323 : memref<64xi32, #tpu.memory_space<vmem>>) semaphore(%arg11 : memref<!tpu.dma_semaphore, #tpu.memory_space<semaphore_mem>>)
      %mul3A_331 = arith.constant 64 : i32
      %mul3A_332 = arith.muli %scan3A_177, %mul3A_331 : i32
      %dma_wait3A_333 = arith.constant 4 : i32
      %dma_wait3A_334 = arith.constant 4 : i32
      %dma_wait3A_335 = arith.constant 4 : i32
      %dma_wait3A_336 = arith.constant 0 : i32
      %dma_wait3A_337 = arith.constant 0 : i32
      %dma_wait3A_338 = tpu.memref_slice %arg6[%dma_wait3A_335, %dma_wait3A_336, %dma_wait3A_337] : memref<10x64x128xf32, #tpu.memory_space<vmem>> -> memref<1x64x128xf32, #tpu.memory_space<vmem>>
      %dma_wait3A_339 = tpu.memref_squeeze %dma_wait3A_338 : memref<1x64x128xf32, #tpu.memory_space<vmem>> -> memref<64x128xf32, #tpu.memory_space<vmem>>
      %dma_wait3A_340 = tpu.memref_slice %arg5[%dma_wait3A_334, %mul3A_332] : memref<26x512xi32, #tpu.memory_space<vmem>> -> memref<1x64xi32, #tpu.memory_space<vmem>>
      %dma_wait3A_341 = tpu.memref_squeeze %dma_wait3A_340 : memref<1x64xi32, #tpu.memory_space<vmem>> -> memref<64xi32, #tpu.memory_space<vmem>>
      %dma_wait3A_342 = arith.constant 0 : i32
      %dma_wait3A_343 = arith.constant 0 : i32
      %dma_wait3A_344 = tpu.memref_slice %arg3[%dma_wait3A_333, %dma_wait3A_342, %dma_wait3A_343] : memref<26x100001x128xf32, #tpu.memory_space<hbm>> -> memref<1x100001x128xf32, #tpu.memory_space<hbm>>
      %dma_wait3A_345 = tpu.memref_squeeze %dma_wait3A_344 : memref<1x100001x128xf32, #tpu.memory_space<hbm>> -> memref<100001x128xf32, #tpu.memory_space<hbm>>
      %dma_wait3A_346 = arith.constant 0 : i32
      %dma_wait3A_347 = arith.constant 0 : i32
      %dma_wait3A_348 = tpu.memref_slice %dma_wait3A_345[%dma_wait3A_346, %dma_wait3A_347] : memref<100001x128xf32, #tpu.memory_space<hbm>> -> memref<100001x128xf32, #tpu.memory_space<hbm>>
      tpu.wait_indirect_dma semaphore(%arg12 : memref<!tpu.dma_semaphore, #tpu.memory_space<semaphore_mem>>) src(%dma_wait3A_348 : memref<100001x128xf32, #tpu.memory_space<hbm>>) dst(%dma_wait3A_339 : memref<64x128xf32, #tpu.memory_space<vmem>>)
      %mul3A_349 = arith.constant 64 : i32
      %mul3A_350 = arith.muli %scan3A_177, %mul3A_349 : i32
      %dma_wait3A_351 = arith.constant 5 : i32
      %dma_wait3A_352 = arith.constant 5 : i32
      %dma_wait3A_353 = arith.constant 5 : i32
      %dma_wait3A_354 = arith.constant 0 : i32
      %dma_wait3A_355 = arith.constant 0 : i32
      %dma_wait3A_356 = tpu.memref_slice %arg6[%dma_wait3A_353, %dma_wait3A_354, %dma_wait3A_355] : memref<10x64x128xf32, #tpu.memory_space<vmem>> -> memref<1x64x128xf32, #tpu.memory_space<vmem>>
      %dma_wait3A_357 = tpu.memref_squeeze %dma_wait3A_356 : memref<1x64x128xf32, #tpu.memory_space<vmem>> -> memref<64x128xf32, #tpu.memory_space<vmem>>
      %dma_wait3A_358 = tpu.memref_slice %arg5[%dma_wait3A_352, %mul3A_350] : memref<26x512xi32, #tpu.memory_space<vmem>> -> memref<1x64xi32, #tpu.memory_space<vmem>>
      %dma_wait3A_359 = tpu.memref_squeeze %dma_wait3A_358 : memref<1x64xi32, #tpu.memory_space<vmem>> -> memref<64xi32, #tpu.memory_space<vmem>>
      %dma_wait3A_360 = arith.constant 0 : i32
      %dma_wait3A_361 = arith.constant 0 : i32
      %dma_wait3A_362 = tpu.memref_slice %arg3[%dma_wait3A_351, %dma_wait3A_360, %dma_wait3A_361] : memref<26x100001x128xf32, #tpu.memory_space<hbm>> -> memref<1x100001x128xf32, #tpu.memory_space<hbm>>
      %dma_wait3A_363 = tpu.memref_squeeze %dma_wait3A_362 : memref<1x100001x128xf32, #tpu.memory_space<hbm>> -> memref<100001x128xf32, #tpu.memory_space<hbm>>
      %dma_wait3A_364 = arith.constant 0 : i32
      %dma_wait3A_365 = arith.constant 0 : i32
      %dma_wait3A_366 = tpu.memref_slice %dma_wait3A_363[%dma_wait3A_364, %dma_wait3A_365] : memref<100001x128xf32, #tpu.memory_space<hbm>> -> memref<100001x128xf32, #tpu.memory_space<hbm>>
      tpu.wait_indirect_dma semaphore(%arg13 : memref<!tpu.dma_semaphore, #tpu.memory_space<semaphore_mem>>) src(%dma_wait3A_366 : memref<100001x128xf32, #tpu.memory_space<hbm>>) dst(%dma_wait3A_357 : memref<64x128xf32, #tpu.memory_space<vmem>>)
      %mul3A_367 = arith.constant 64 : i32
      %mul3A_368 = arith.muli %scan3A_177, %mul3A_367 : i32
      %dma_wait3A_369 = arith.constant 6 : i32
      %dma_wait3A_370 = arith.constant 6 : i32
      %dma_wait3A_371 = arith.constant 6 : i32
      %dma_wait3A_372 = arith.constant 0 : i32
      %dma_wait3A_373 = arith.constant 0 : i32
      %dma_wait3A_374 = tpu.memref_slice %arg6[%dma_wait3A_371, %dma_wait3A_372, %dma_wait3A_373] : memref<10x64x128xf32, #tpu.memory_space<vmem>> -> memref<1x64x128xf32, #tpu.memory_space<vmem>>
      %dma_wait3A_375 = tpu.memref_squeeze %dma_wait3A_374 : memref<1x64x128xf32, #tpu.memory_space<vmem>> -> memref<64x128xf32, #tpu.memory_space<vmem>>
      %dma_wait3A_376 = tpu.memref_slice %arg5[%dma_wait3A_370, %mul3A_368] : memref<26x512xi32, #tpu.memory_space<vmem>> -> memref<1x64xi32, #tpu.memory_space<vmem>>
      %dma_wait3A_377 = tpu.memref_squeeze %dma_wait3A_376 : memref<1x64xi32, #tpu.memory_space<vmem>> -> memref<64xi32, #tpu.memory_space<vmem>>
      %dma_wait3A_378 = arith.constant 0 : i32
      %dma_wait3A_379 = arith.constant 0 : i32
      %dma_wait3A_380 = tpu.memref_slice %arg3[%dma_wait3A_369, %dma_wait3A_378, %dma_wait3A_379] : memref<26x100001x128xf32, #tpu.memory_space<hbm>> -> memref<1x100001x128xf32, #tpu.memory_space<hbm>>
      %dma_wait3A_381 = tpu.memref_squeeze %dma_wait3A_380 : memref<1x100001x128xf32, #tpu.memory_space<hbm>> -> memref<100001x128xf32, #tpu.memory_space<hbm>>
      %dma_wait3A_382 = arith.constant 0 : i32
      %dma_wait3A_383 = arith.constant 0 : i32
      %dma_wait3A_384 = tpu.memref_slice %dma_wait3A_381[%dma_wait3A_382, %dma_wait3A_383] : memref<100001x128xf32, #tpu.memory_space<hbm>> -> memref<100001x128xf32, #tpu.memory_space<hbm>>
      tpu.wait_indirect_dma semaphore(%arg14 : memref<!tpu.dma_semaphore, #tpu.memory_space<semaphore_mem>>) src(%dma_wait3A_384 : memref<100001x128xf32, #tpu.memory_space<hbm>>) dst(%dma_wait3A_375 : memref<64x128xf32, #tpu.memory_space<vmem>>)
      %mul3A_385 = arith.constant 64 : i32
      %mul3A_386 = arith.muli %scan3A_177, %mul3A_385 : i32
      %dma_wait3A_387 = arith.constant 7 : i32
      %dma_wait3A_388 = arith.constant 7 : i32
      %dma_wait3A_389 = arith.constant 7 : i32
      %dma_wait3A_390 = arith.constant 0 : i32
      %dma_wait3A_391 = arith.constant 0 : i32
      %dma_wait3A_392 = tpu.memref_slice %arg6[%dma_wait3A_389, %dma_wait3A_390, %dma_wait3A_391] : memref<10x64x128xf32, #tpu.memory_space<vmem>> -> memref<1x64x128xf32, #tpu.memory_space<vmem>>
      %dma_wait3A_393 = tpu.memref_squeeze %dma_wait3A_392 : memref<1x64x128xf32, #tpu.memory_space<vmem>> -> memref<64x128xf32, #tpu.memory_space<vmem>>
      %dma_wait3A_394 = tpu.memref_slice %arg5[%dma_wait3A_388, %mul3A_386] : memref<26x512xi32, #tpu.memory_space<vmem>> -> memref<1x64xi32, #tpu.memory_space<vmem>>
      %dma_wait3A_395 = tpu.memref_squeeze %dma_wait3A_394 : memref<1x64xi32, #tpu.memory_space<vmem>> -> memref<64xi32, #tpu.memory_space<vmem>>
      %dma_wait3A_396 = arith.constant 0 : i32
      %dma_wait3A_397 = arith.constant 0 : i32
      %dma_wait3A_398 = tpu.memref_slice %arg3[%dma_wait3A_387, %dma_wait3A_396, %dma_wait3A_397] : memref<26x100001x128xf32, #tpu.memory_space<hbm>> -> memref<1x100001x128xf32, #tpu.memory_space<hbm>>
      %dma_wait3A_399 = tpu.memref_squeeze %dma_wait3A_398 : memref<1x100001x128xf32, #tpu.memory_space<hbm>> -> memref<100001x128xf32, #tpu.memory_space<hbm>>
      %dma_wait3A_400 = arith.constant 0 : i32
      %dma_wait3A_401 = arith.constant 0 : i32
      %dma_wait3A_402 = tpu.memref_slice %dma_wait3A_399[%dma_wait3A_400, %dma_wait3A_401] : memref<100001x128xf32, #tpu.memory_space<hbm>> -> memref<100001x128xf32, #tpu.memory_space<hbm>>
      tpu.wait_indirect_dma semaphore(%arg15 : memref<!tpu.dma_semaphore, #tpu.memory_space<semaphore_mem>>) src(%dma_wait3A_402 : memref<100001x128xf32, #tpu.memory_space<hbm>>) dst(%dma_wait3A_393 : memref<64x128xf32, #tpu.memory_space<vmem>>)
      %scan3A_403 = arith.constant 0 : i32
      %scan3A_404 = arith.constant 4 : i32
      %scan3A_405 = arith.constant 5 : i32
      %scan3A_406 = arith.constant 6 : i32
      %scan3A_407 = arith.constant 7 : i32
      %scan3A_408 = arith.constant 0 : i32
      %scan3A_409 = arith.constant 64 : i32
      %scan3A_410 = arith.addi %scan3A_408, %scan3A_409 : i32
      %scan3A_411 = arith.constant 1 : i32
      scf.for %scan3A_1022 = %scan3A_408 to %scan3A_410 step %scan3A_411  : i32 {
        %get3A = arith.constant 0 : i32
        %get3A_1023 = arith.constant 0 : i32
        %get3A_1024 = tpu.memref_slice %arg6[%scan3A_404, %get3A, %get3A_1023] : memref<10x64x128xf32, #tpu.memory_space<vmem>> -> memref<1x64x128xf32, #tpu.memory_space<vmem>>
        %get3A_1025 = tpu.memref_squeeze %get3A_1024 : memref<1x64x128xf32, #tpu.memory_space<vmem>> -> memref<64x128xf32, #tpu.memory_space<vmem>>
        %get3A_1026 = arith.index_cast %scan3A_1022 : i32 to index
        %get3A_1027 = arith.constant 0 : index
        %get3A_1028 = tpu.vector_load %get3A_1025[%get3A_1026, %get3A_1027] {strides = array<i32>} : memref<64x128xf32, #tpu.memory_space<vmem>>, vector<1x16xf32>,
        %get3A_1029 = vector.shape_cast %get3A_1028 : vector<1x16xf32> to vector<16xf32>
        %get3A_1030 = arith.constant 0 : i32
        %get3A_1031 = arith.constant 0 : i32
        %get3A_1032 = tpu.memref_slice %arg6[%scan3A_405, %get3A_1030, %get3A_1031] : memref<10x64x128xf32, #tpu.memory_space<vmem>> -> memref<1x64x128xf32, #tpu.memory_space<vmem>>
        %get3A_1033 = tpu.memref_squeeze %get3A_1032 : memref<1x64x128xf32, #tpu.memory_space<vmem>> -> memref<64x128xf32, #tpu.memory_space<vmem>>
        %get3A_1034 = arith.index_cast %scan3A_1022 : i32 to index
        %get3A_1035 = arith.constant 0 : index
        %get3A_1036 = tpu.vector_load %get3A_1033[%get3A_1034, %get3A_1035] {strides = array<i32>} : memref<64x128xf32, #tpu.memory_space<vmem>>, vector<1x16xf32>,
        %get3A_1037 = vector.shape_cast %get3A_1036 : vector<1x16xf32> to vector<16xf32>
        %get3A_1038 = arith.constant 0 : i32
        %get3A_1039 = arith.constant 0 : i32
        %get3A_1040 = tpu.memref_slice %arg6[%scan3A_406, %get3A_1038, %get3A_1039] : memref<10x64x128xf32, #tpu.memory_space<vmem>> -> memref<1x64x128xf32, #tpu.memory_space<vmem>>
        %get3A_1041 = tpu.memref_squeeze %get3A_1040 : memref<1x64x128xf32, #tpu.memory_space<vmem>> -> memref<64x128xf32, #tpu.memory_space<vmem>>
        %get3A_1042 = arith.index_cast %scan3A_1022 : i32 to index
        %get3A_1043 = arith.constant 0 : index
        %get3A_1044 = tpu.vector_load %get3A_1041[%get3A_1042, %get3A_1043] {strides = array<i32>} : memref<64x128xf32, #tpu.memory_space<vmem>>, vector<1x16xf32>,
        %get3A_1045 = vector.shape_cast %get3A_1044 : vector<1x16xf32> to vector<16xf32>
        %get3A_1046 = arith.constant 0 : i32
        %get3A_1047 = arith.constant 0 : i32
        %get3A_1048 = tpu.memref_slice %arg6[%scan3A_407, %get3A_1046, %get3A_1047] : memref<10x64x128xf32, #tpu.memory_space<vmem>> -> memref<1x64x128xf32, #tpu.memory_space<vmem>>
        %get3A_1049 = tpu.memref_squeeze %get3A_1048 : memref<1x64x128xf32, #tpu.memory_space<vmem>> -> memref<64x128xf32, #tpu.memory_space<vmem>>
        %get3A_1050 = arith.index_cast %scan3A_1022 : i32 to index
        %get3A_1051 = arith.constant 0 : index
        %get3A_1052 = tpu.vector_load %get3A_1049[%get3A_1050, %get3A_1051] {strides = array<i32>} : memref<64x128xf32, #tpu.memory_space<vmem>>, vector<1x16xf32>,
        %get3A_1053 = vector.shape_cast %get3A_1052 : vector<1x16xf32> to vector<16xf32>
        %add3A_1054 = arith.addf %get3A_1029, %get3A_1037 : vector<16xf32>
        %add3A_1055 = arith.addf %get3A_1045, %get3A_1053 : vector<16xf32>
        %add3A_1056 = arith.addf %add3A_1054, %add3A_1055 : vector<16xf32>
        %swap3A = arith.index_cast %scan3A_1022 : i32 to index
        %swap3A_1057 = arith.constant 0 : index
        %swap3A_1058 = tpu.vector_load %arg7[%swap3A, %swap3A_1057] {strides = array<i32>} : memref<64x128xf32, #tpu.memory_space<vmem>>, vector<1x16xf32>,
        %swap3A_1059 = vector.shape_cast %swap3A_1058 : vector<1x16xf32> to vector<16xf32>
        %swap3A_1060 = vector.shape_cast %add3A_1056 : vector<16xf32> to vector<1x16xf32>
        tpu.vector_store %arg7[%swap3A, %swap3A_1057], %swap3A_1060 {add = true, strides = array<i32>} : memref<64x128xf32, #tpu.memory_space<vmem>>, vector<1x16xf32>,
        %get3A_1061 = arith.constant 0 : i32
        %get3A_1062 = arith.constant 0 : i32
        %get3A_1063 = tpu.memref_slice %arg6[%scan3A_404, %get3A_1061, %get3A_1062] : memref<10x64x128xf32, #tpu.memory_space<vmem>> -> memref<1x64x128xf32, #tpu.memory_space<vmem>>
        %get3A_1064 = tpu.memref_squeeze %get3A_1063 : memref<1x64x128xf32, #tpu.memory_space<vmem>> -> memref<64x128xf32, #tpu.memory_space<vmem>>
        %get3A_1065 = arith.index_cast %scan3A_1022 : i32 to index
        %get3A_1066 = arith.constant 16 : index
        %get3A_1067 = tpu.vector_load %get3A_1064[%get3A_1065, %get3A_1066] {strides = array<i32>} : memref<64x128xf32, #tpu.memory_space<vmem>>, vector<1x16xf32>,
        %get3A_1068 = vector.shape_cast %get3A_1067 : vector<1x16xf32> to vector<16xf32>
        %get3A_1069 = arith.constant 0 : i32
        %get3A_1070 = arith.constant 0 : i32
        %get3A_1071 = tpu.memref_slice %arg6[%scan3A_405, %get3A_1069, %get3A_1070] : memref<10x64x128xf32, #tpu.memory_space<vmem>> -> memref<1x64x128xf32, #tpu.memory_space<vmem>>
        %get3A_1072 = tpu.memref_squeeze %get3A_1071 : memref<1x64x128xf32, #tpu.memory_space<vmem>> -> memref<64x128xf32, #tpu.memory_space<vmem>>
        %get3A_1073 = arith.index_cast %scan3A_1022 : i32 to index
        %get3A_1074 = arith.constant 16 : index
        %get3A_1075 = tpu.vector_load %get3A_1072[%get3A_1073, %get3A_1074] {strides = array<i32>} : memref<64x128xf32, #tpu.memory_space<vmem>>, vector<1x16xf32>,
        %get3A_1076 = vector.shape_cast %get3A_1075 : vector<1x16xf32> to vector<16xf32>
        %get3A_1077 = arith.constant 0 : i32
        %get3A_1078 = arith.constant 0 : i32
        %get3A_1079 = tpu.memref_slice %arg6[%scan3A_406, %get3A_1077, %get3A_1078] : memref<10x64x128xf32, #tpu.memory_space<vmem>> -> memref<1x64x128xf32, #tpu.memory_space<vmem>>
        %get3A_1080 = tpu.memref_squeeze %get3A_1079 : memref<1x64x128xf32, #tpu.memory_space<vmem>> -> memref<64x128xf32, #tpu.memory_space<vmem>>
        %get3A_1081 = arith.index_cast %scan3A_1022 : i32 to index
        %get3A_1082 = arith.constant 16 : index
        %get3A_1083 = tpu.vector_load %get3A_1080[%get3A_1081, %get3A_1082] {strides = array<i32>} : memref<64x128xf32, #tpu.memory_space<vmem>>, vector<1x16xf32>,
        %get3A_1084 = vector.shape_cast %get3A_1083 : vector<1x16xf32> to vector<16xf32>
        %get3A_1085 = arith.constant 0 : i32
        %get3A_1086 = arith.constant 0 : i32
        %get3A_1087 = tpu.memref_slice %arg6[%scan3A_407, %get3A_1085, %get3A_1086] : memref<10x64x128xf32, #tpu.memory_space<vmem>> -> memref<1x64x128xf32, #tpu.memory_space<vmem>>
        %get3A_1088 = tpu.memref_squeeze %get3A_1087 : memref<1x64x128xf32, #tpu.memory_space<vmem>> -> memref<64x128xf32, #tpu.memory_space<vmem>>
        %get3A_1089 = arith.index_cast %scan3A_1022 : i32 to index
        %get3A_1090 = arith.constant 16 : index
        %get3A_1091 = tpu.vector_load %get3A_1088[%get3A_1089, %get3A_1090] {strides = array<i32>} : memref<64x128xf32, #tpu.memory_space<vmem>>, vector<1x16xf32>,
        %get3A_1092 = vector.shape_cast %get3A_1091 : vector<1x16xf32> to vector<16xf32>
        %add3A_1093 = arith.addf %get3A_1068, %get3A_1076 : vector<16xf32>
        %add3A_1094 = arith.addf %get3A_1084, %get3A_1092 : vector<16xf32>
        %add3A_1095 = arith.addf %add3A_1093, %add3A_1094 : vector<16xf32>
        %swap3A_1096 = arith.index_cast %scan3A_1022 : i32 to index
        %swap3A_1097 = arith.constant 16 : index
        %swap3A_1098 = tpu.vector_load %arg7[%swap3A_1096, %swap3A_1097] {strides = array<i32>} : memref<64x128xf32, #tpu.memory_space<vmem>>, vector<1x16xf32>,
        %swap3A_1099 = vector.shape_cast %swap3A_1098 : vector<1x16xf32> to vector<16xf32>
        %swap3A_1100 = vector.shape_cast %add3A_1095 : vector<16xf32> to vector<1x16xf32>
        tpu.vector_store %arg7[%swap3A_1096, %swap3A_1097], %swap3A_1100 {add = true, strides = array<i32>} : memref<64x128xf32, #tpu.memory_space<vmem>>, vector<1x16xf32>,
        %get3A_1101 = arith.constant 0 : i32
        %get3A_1102 = arith.constant 0 : i32
        %get3A_1103 = tpu.memref_slice %arg6[%scan3A_404, %get3A_1101, %get3A_1102] : memref<10x64x128xf32, #tpu.memory_space<vmem>> -> memref<1x64x128xf32, #tpu.memory_space<vmem>>
        %get3A_1104 = tpu.memref_squeeze %get3A_1103 : memref<1x64x128xf32, #tpu.memory_space<vmem>> -> memref<64x128xf32, #tpu.memory_space<vmem>>
        %get3A_1105 = arith.index_cast %scan3A_1022 : i32 to index
        %get3A_1106 = arith.constant 32 : index
        %get3A_1107 = tpu.vector_load %get3A_1104[%get3A_1105, %get3A_1106] {strides = array<i32>} : memref<64x128xf32, #tpu.memory_space<vmem>>, vector<1x16xf32>,
        %get3A_1108 = vector.shape_cast %get3A_1107 : vector<1x16xf32> to vector<16xf32>
        %get3A_1109 = arith.constant 0 : i32
        %get3A_1110 = arith.constant 0 : i32
        %get3A_1111 = tpu.memref_slice %arg6[%scan3A_405, %get3A_1109, %get3A_1110] : memref<10x64x128xf32, #tpu.memory_space<vmem>> -> memref<1x64x128xf32, #tpu.memory_space<vmem>>
        %get3A_1112 = tpu.memref_squeeze %get3A_1111 : memref<1x64x128xf32, #tpu.memory_space<vmem>> -> memref<64x128xf32, #tpu.memory_space<vmem>>
        %get3A_1113 = arith.index_cast %scan3A_1022 : i32 to index
        %get3A_1114 = arith.constant 32 : index
        %get3A_1115 = tpu.vector_load %get3A_1112[%get3A_1113, %get3A_1114] {strides = array<i32>} : memref<64x128xf32, #tpu.memory_space<vmem>>, vector<1x16xf32>,
        %get3A_1116 = vector.shape_cast %get3A_1115 : vector<1x16xf32> to vector<16xf32>
        %get3A_1117 = arith.constant 0 : i32
        %get3A_1118 = arith.constant 0 : i32
        %get3A_1119 = tpu.memref_slice %arg6[%scan3A_406, %get3A_1117, %get3A_1118] : memref<10x64x128xf32, #tpu.memory_space<vmem>> -> memref<1x64x128xf32, #tpu.memory_space<vmem>>
        %get3A_1120 = tpu.memref_squeeze %get3A_1119 : memref<1x64x128xf32, #tpu.memory_space<vmem>> -> memref<64x128xf32, #tpu.memory_space<vmem>>
        %get3A_1121 = arith.index_cast %scan3A_1022 : i32 to index
        %get3A_1122 = arith.constant 32 : index
        %get3A_1123 = tpu.vector_load %get3A_1120[%get3A_1121, %get3A_1122] {strides = array<i32>} : memref<64x128xf32, #tpu.memory_space<vmem>>, vector<1x16xf32>,
        %get3A_1124 = vector.shape_cast %get3A_1123 : vector<1x16xf32> to vector<16xf32>
        %get3A_1125 = arith.constant 0 : i32
        %get3A_1126 = arith.constant 0 : i32
        %get3A_1127 = tpu.memref_slice %arg6[%scan3A_407, %get3A_1125, %get3A_1126] : memref<10x64x128xf32, #tpu.memory_space<vmem>> -> memref<1x64x128xf32, #tpu.memory_space<vmem>>
        %get3A_1128 = tpu.memref_squeeze %get3A_1127 : memref<1x64x128xf32, #tpu.memory_space<vmem>> -> memref<64x128xf32, #tpu.memory_space<vmem>>
        %get3A_1129 = arith.index_cast %scan3A_1022 : i32 to index
        %get3A_1130 = arith.constant 32 : index
        %get3A_1131 = tpu.vector_load %get3A_1128[%get3A_1129, %get3A_1130] {strides = array<i32>} : memref<64x128xf32, #tpu.memory_space<vmem>>, vector<1x16xf32>,
        %get3A_1132 = vector.shape_cast %get3A_1131 : vector<1x16xf32> to vector<16xf32>
        %add3A_1133 = arith.addf %get3A_1108, %get3A_1116 : vector<16xf32>
        %add3A_1134 = arith.addf %get3A_1124, %get3A_1132 : vector<16xf32>
        %add3A_1135 = arith.addf %add3A_1133, %add3A_1134 : vector<16xf32>
        %swap3A_1136 = arith.index_cast %scan3A_1022 : i32 to index
        %swap3A_1137 = arith.constant 32 : index
        %swap3A_1138 = tpu.vector_load %arg7[%swap3A_1136, %swap3A_1137] {strides = array<i32>} : memref<64x128xf32, #tpu.memory_space<vmem>>, vector<1x16xf32>,
        %swap3A_1139 = vector.shape_cast %swap3A_1138 : vector<1x16xf32> to vector<16xf32>
        %swap3A_1140 = vector.shape_cast %add3A_1135 : vector<16xf32> to vector<1x16xf32>
        tpu.vector_store %arg7[%swap3A_1136, %swap3A_1137], %swap3A_1140 {add = true, strides = array<i32>} : memref<64x128xf32, #tpu.memory_space<vmem>>, vector<1x16xf32>,
        %get3A_1141 = arith.constant 0 : i32
        %get3A_1142 = arith.constant 0 : i32
        %get3A_1143 = tpu.memref_slice %arg6[%scan3A_404, %get3A_1141, %get3A_1142] : memref<10x64x128xf32, #tpu.memory_space<vmem>> -> memref<1x64x128xf32, #tpu.memory_space<vmem>>
        %get3A_1144 = tpu.memref_squeeze %get3A_1143 : memref<1x64x128xf32, #tpu.memory_space<vmem>> -> memref<64x128xf32, #tpu.memory_space<vmem>>
        %get3A_1145 = arith.index_cast %scan3A_1022 : i32 to index
        %get3A_1146 = arith.constant 48 : index
        %get3A_1147 = tpu.vector_load %get3A_1144[%get3A_1145, %get3A_1146] {strides = array<i32>} : memref<64x128xf32, #tpu.memory_space<vmem>>, vector<1x16xf32>,
        %get3A_1148 = vector.shape_cast %get3A_1147 : vector<1x16xf32> to vector<16xf32>
        %get3A_1149 = arith.constant 0 : i32
        %get3A_1150 = arith.constant 0 : i32
        %get3A_1151 = tpu.memref_slice %arg6[%scan3A_405, %get3A_1149, %get3A_1150] : memref<10x64x128xf32, #tpu.memory_space<vmem>> -> memref<1x64x128xf32, #tpu.memory_space<vmem>>
        %get3A_1152 = tpu.memref_squeeze %get3A_1151 : memref<1x64x128xf32, #tpu.memory_space<vmem>> -> memref<64x128xf32, #tpu.memory_space<vmem>>
        %get3A_1153 = arith.index_cast %scan3A_1022 : i32 to index
        %get3A_1154 = arith.constant 48 : index
        %get3A_1155 = tpu.vector_load %get3A_1152[%get3A_1153, %get3A_1154] {strides = array<i32>} : memref<64x128xf32, #tpu.memory_space<vmem>>, vector<1x16xf32>,
        %get3A_1156 = vector.shape_cast %get3A_1155 : vector<1x16xf32> to vector<16xf32>
        %get3A_1157 = arith.constant 0 : i32
        %get3A_1158 = arith.constant 0 : i32
        %get3A_1159 = tpu.memref_slice %arg6[%scan3A_406, %get3A_1157, %get3A_1158] : memref<10x64x128xf32, #tpu.memory_space<vmem>> -> memref<1x64x128xf32, #tpu.memory_space<vmem>>
        %get3A_1160 = tpu.memref_squeeze %get3A_1159 : memref<1x64x128xf32, #tpu.memory_space<vmem>> -> memref<64x128xf32, #tpu.memory_space<vmem>>
        %get3A_1161 = arith.index_cast %scan3A_1022 : i32 to index
        %get3A_1162 = arith.constant 48 : index
        %get3A_1163 = tpu.vector_load %get3A_1160[%get3A_1161, %get3A_1162] {strides = array<i32>} : memref<64x128xf32, #tpu.memory_space<vmem>>, vector<1x16xf32>,
        %get3A_1164 = vector.shape_cast %get3A_1163 : vector<1x16xf32> to vector<16xf32>
        %get3A_1165 = arith.constant 0 : i32
        %get3A_1166 = arith.constant 0 : i32
        %get3A_1167 = tpu.memref_slice %arg6[%scan3A_407, %get3A_1165, %get3A_1166] : memref<10x64x128xf32, #tpu.memory_space<vmem>> -> memref<1x64x128xf32, #tpu.memory_space<vmem>>
        %get3A_1168 = tpu.memref_squeeze %get3A_1167 : memref<1x64x128xf32, #tpu.memory_space<vmem>> -> memref<64x128xf32, #tpu.memory_space<vmem>>
        %get3A_1169 = arith.index_cast %scan3A_1022 : i32 to index
        %get3A_1170 = arith.constant 48 : index
        %get3A_1171 = tpu.vector_load %get3A_1168[%get3A_1169, %get3A_1170] {strides = array<i32>} : memref<64x128xf32, #tpu.memory_space<vmem>>, vector<1x16xf32>,
        %get3A_1172 = vector.shape_cast %get3A_1171 : vector<1x16xf32> to vector<16xf32>
        %add3A_1173 = arith.addf %get3A_1148, %get3A_1156 : vector<16xf32>
        %add3A_1174 = arith.addf %get3A_1164, %get3A_1172 : vector<16xf32>
        %add3A_1175 = arith.addf %add3A_1173, %add3A_1174 : vector<16xf32>
        %swap3A_1176 = arith.index_cast %scan3A_1022 : i32 to index
        %swap3A_1177 = arith.constant 48 : index
        %swap3A_1178 = tpu.vector_load %arg7[%swap3A_1176, %swap3A_1177] {strides = array<i32>} : memref<64x128xf32, #tpu.memory_space<vmem>>, vector<1x16xf32>,
        %swap3A_1179 = vector.shape_cast %swap3A_1178 : vector<1x16xf32> to vector<16xf32>
        %swap3A_1180 = vector.shape_cast %add3A_1175 : vector<16xf32> to vector<1x16xf32>
        tpu.vector_store %arg7[%swap3A_1176, %swap3A_1177], %swap3A_1180 {add = true, strides = array<i32>} : memref<64x128xf32, #tpu.memory_space<vmem>>, vector<1x16xf32>,
        %get3A_1181 = arith.constant 0 : i32
        %get3A_1182 = arith.constant 0 : i32
        %get3A_1183 = tpu.memref_slice %arg6[%scan3A_404, %get3A_1181, %get3A_1182] : memref<10x64x128xf32, #tpu.memory_space<vmem>> -> memref<1x64x128xf32, #tpu.memory_space<vmem>>
        %get3A_1184 = tpu.memref_squeeze %get3A_1183 : memref<1x64x128xf32, #tpu.memory_space<vmem>> -> memref<64x128xf32, #tpu.memory_space<vmem>>
        %get3A_1185 = arith.index_cast %scan3A_1022 : i32 to index
        %get3A_1186 = arith.constant 64 : index
        %get3A_1187 = tpu.vector_load %get3A_1184[%get3A_1185, %get3A_1186] {strides = array<i32>} : memref<64x128xf32, #tpu.memory_space<vmem>>, vector<1x16xf32>,
        %get3A_1188 = vector.shape_cast %get3A_1187 : vector<1x16xf32> to vector<16xf32>
        %get3A_1189 = arith.constant 0 : i32
        %get3A_1190 = arith.constant 0 : i32
        %get3A_1191 = tpu.memref_slice %arg6[%scan3A_405, %get3A_1189, %get3A_1190] : memref<10x64x128xf32, #tpu.memory_space<vmem>> -> memref<1x64x128xf32, #tpu.memory_space<vmem>>
        %get3A_1192 = tpu.memref_squeeze %get3A_1191 : memref<1x64x128xf32, #tpu.memory_space<vmem>> -> memref<64x128xf32, #tpu.memory_space<vmem>>
        %get3A_1193 = arith.index_cast %scan3A_1022 : i32 to index
        %get3A_1194 = arith.constant 64 : index
        %get3A_1195 = tpu.vector_load %get3A_1192[%get3A_1193, %get3A_1194] {strides = array<i32>} : memref<64x128xf32, #tpu.memory_space<vmem>>, vector<1x16xf32>,
        %get3A_1196 = vector.shape_cast %get3A_1195 : vector<1x16xf32> to vector<16xf32>
        %get3A_1197 = arith.constant 0 : i32
        %get3A_1198 = arith.constant 0 : i32
        %get3A_1199 = tpu.memref_slice %arg6[%scan3A_406, %get3A_1197, %get3A_1198] : memref<10x64x128xf32, #tpu.memory_space<vmem>> -> memref<1x64x128xf32, #tpu.memory_space<vmem>>
        %get3A_1200 = tpu.memref_squeeze %get3A_1199 : memref<1x64x128xf32, #tpu.memory_space<vmem>> -> memref<64x128xf32, #tpu.memory_space<vmem>>
        %get3A_1201 = arith.index_cast %scan3A_1022 : i32 to index
        %get3A_1202 = arith.constant 64 : index
        %get3A_1203 = tpu.vector_load %get3A_1200[%get3A_1201, %get3A_1202] {strides = array<i32>} : memref<64x128xf32, #tpu.memory_space<vmem>>, vector<1x16xf32>,
        %get3A_1204 = vector.shape_cast %get3A_1203 : vector<1x16xf32> to vector<16xf32>
        %get3A_1205 = arith.constant 0 : i32
        %get3A_1206 = arith.constant 0 : i32
        %get3A_1207 = tpu.memref_slice %arg6[%scan3A_407, %get3A_1205, %get3A_1206] : memref<10x64x128xf32, #tpu.memory_space<vmem>> -> memref<1x64x128xf32, #tpu.memory_space<vmem>>
        %get3A_1208 = tpu.memref_squeeze %get3A_1207 : memref<1x64x128xf32, #tpu.memory_space<vmem>> -> memref<64x128xf32, #tpu.memory_space<vmem>>
        %get3A_1209 = arith.index_cast %scan3A_1022 : i32 to index
        %get3A_1210 = arith.constant 64 : index
        %get3A_1211 = tpu.vector_load %get3A_1208[%get3A_1209, %get3A_1210] {strides = array<i32>} : memref<64x128xf32, #tpu.memory_space<vmem>>, vector<1x16xf32>,
        %get3A_1212 = vector.shape_cast %get3A_1211 : vector<1x16xf32> to vector<16xf32>
        %add3A_1213 = arith.addf %get3A_1188, %get3A_1196 : vector<16xf32>
        %add3A_1214 = arith.addf %get3A_1204, %get3A_1212 : vector<16xf32>
        %add3A_1215 = arith.addf %add3A_1213, %add3A_1214 : vector<16xf32>
        %swap3A_1216 = arith.index_cast %scan3A_1022 : i32 to index
        %swap3A_1217 = arith.constant 64 : index
        %swap3A_1218 = tpu.vector_load %arg7[%swap3A_1216, %swap3A_1217] {strides = array<i32>} : memref<64x128xf32, #tpu.memory_space<vmem>>, vector<1x16xf32>,
        %swap3A_1219 = vector.shape_cast %swap3A_1218 : vector<1x16xf32> to vector<16xf32>
        %swap3A_1220 = vector.shape_cast %add3A_1215 : vector<16xf32> to vector<1x16xf32>
        tpu.vector_store %arg7[%swap3A_1216, %swap3A_1217], %swap3A_1220 {add = true, strides = array<i32>} : memref<64x128xf32, #tpu.memory_space<vmem>>, vector<1x16xf32>,
        %get3A_1221 = arith.constant 0 : i32
        %get3A_1222 = arith.constant 0 : i32
        %get3A_1223 = tpu.memref_slice %arg6[%scan3A_404, %get3A_1221, %get3A_1222] : memref<10x64x128xf32, #tpu.memory_space<vmem>> -> memref<1x64x128xf32, #tpu.memory_space<vmem>>
        %get3A_1224 = tpu.memref_squeeze %get3A_1223 : memref<1x64x128xf32, #tpu.memory_space<vmem>> -> memref<64x128xf32, #tpu.memory_space<vmem>>
        %get3A_1225 = arith.index_cast %scan3A_1022 : i32 to index
        %get3A_1226 = arith.constant 80 : index
        %get3A_1227 = tpu.vector_load %get3A_1224[%get3A_1225, %get3A_1226] {strides = array<i32>} : memref<64x128xf32, #tpu.memory_space<vmem>>, vector<1x16xf32>,
        %get3A_1228 = vector.shape_cast %get3A_1227 : vector<1x16xf32> to vector<16xf32>
        %get3A_1229 = arith.constant 0 : i32
        %get3A_1230 = arith.constant 0 : i32
        %get3A_1231 = tpu.memref_slice %arg6[%scan3A_405, %get3A_1229, %get3A_1230] : memref<10x64x128xf32, #tpu.memory_space<vmem>> -> memref<1x64x128xf32, #tpu.memory_space<vmem>>
        %get3A_1232 = tpu.memref_squeeze %get3A_1231 : memref<1x64x128xf32, #tpu.memory_space<vmem>> -> memref<64x128xf32, #tpu.memory_space<vmem>>
        %get3A_1233 = arith.index_cast %scan3A_1022 : i32 to index
        %get3A_1234 = arith.constant 80 : index
        %get3A_1235 = tpu.vector_load %get3A_1232[%get3A_1233, %get3A_1234] {strides = array<i32>} : memref<64x128xf32, #tpu.memory_space<vmem>>, vector<1x16xf32>,
        %get3A_1236 = vector.shape_cast %get3A_1235 : vector<1x16xf32> to vector<16xf32>
        %get3A_1237 = arith.constant 0 : i32
        %get3A_1238 = arith.constant 0 : i32
        %get3A_1239 = tpu.memref_slice %arg6[%scan3A_406, %get3A_1237, %get3A_1238] : memref<10x64x128xf32, #tpu.memory_space<vmem>> -> memref<1x64x128xf32, #tpu.memory_space<vmem>>
        %get3A_1240 = tpu.memref_squeeze %get3A_1239 : memref<1x64x128xf32, #tpu.memory_space<vmem>> -> memref<64x128xf32, #tpu.memory_space<vmem>>
        %get3A_1241 = arith.index_cast %scan3A_1022 : i32 to index
        %get3A_1242 = arith.constant 80 : index
        %get3A_1243 = tpu.vector_load %get3A_1240[%get3A_1241, %get3A_1242] {strides = array<i32>} : memref<64x128xf32, #tpu.memory_space<vmem>>, vector<1x16xf32>,
        %get3A_1244 = vector.shape_cast %get3A_1243 : vector<1x16xf32> to vector<16xf32>
        %get3A_1245 = arith.constant 0 : i32
        %get3A_1246 = arith.constant 0 : i32
        %get3A_1247 = tpu.memref_slice %arg6[%scan3A_407, %get3A_1245, %get3A_1246] : memref<10x64x128xf32, #tpu.memory_space<vmem>> -> memref<1x64x128xf32, #tpu.memory_space<vmem>>
        %get3A_1248 = tpu.memref_squeeze %get3A_1247 : memref<1x64x128xf32, #tpu.memory_space<vmem>> -> memref<64x128xf32, #tpu.memory_space<vmem>>
        %get3A_1249 = arith.index_cast %scan3A_1022 : i32 to index
        %get3A_1250 = arith.constant 80 : index
        %get3A_1251 = tpu.vector_load %get3A_1248[%get3A_1249, %get3A_1250] {strides = array<i32>} : memref<64x128xf32, #tpu.memory_space<vmem>>, vector<1x16xf32>,
        %get3A_1252 = vector.shape_cast %get3A_1251 : vector<1x16xf32> to vector<16xf32>
        %add3A_1253 = arith.addf %get3A_1228, %get3A_1236 : vector<16xf32>
        %add3A_1254 = arith.addf %get3A_1244, %get3A_1252 : vector<16xf32>
        %add3A_1255 = arith.addf %add3A_1253, %add3A_1254 : vector<16xf32>
        %swap3A_1256 = arith.index_cast %scan3A_1022 : i32 to index
        %swap3A_1257 = arith.constant 80 : index
        %swap3A_1258 = tpu.vector_load %arg7[%swap3A_1256, %swap3A_1257] {strides = array<i32>} : memref<64x128xf32, #tpu.memory_space<vmem>>, vector<1x16xf32>,
        %swap3A_1259 = vector.shape_cast %swap3A_1258 : vector<1x16xf32> to vector<16xf32>
        %swap3A_1260 = vector.shape_cast %add3A_1255 : vector<16xf32> to vector<1x16xf32>
        tpu.vector_store %arg7[%swap3A_1256, %swap3A_1257], %swap3A_1260 {add = true, strides = array<i32>} : memref<64x128xf32, #tpu.memory_space<vmem>>, vector<1x16xf32>,
        %get3A_1261 = arith.constant 0 : i32
        %get3A_1262 = arith.constant 0 : i32
        %get3A_1263 = tpu.memref_slice %arg6[%scan3A_404, %get3A_1261, %get3A_1262] : memref<10x64x128xf32, #tpu.memory_space<vmem>> -> memref<1x64x128xf32, #tpu.memory_space<vmem>>
        %get3A_1264 = tpu.memref_squeeze %get3A_1263 : memref<1x64x128xf32, #tpu.memory_space<vmem>> -> memref<64x128xf32, #tpu.memory_space<vmem>>
        %get3A_1265 = arith.index_cast %scan3A_1022 : i32 to index
        %get3A_1266 = arith.constant 96 : index
        %get3A_1267 = tpu.vector_load %get3A_1264[%get3A_1265, %get3A_1266] {strides = array<i32>} : memref<64x128xf32, #tpu.memory_space<vmem>>, vector<1x16xf32>,
        %get3A_1268 = vector.shape_cast %get3A_1267 : vector<1x16xf32> to vector<16xf32>
        %get3A_1269 = arith.constant 0 : i32
        %get3A_1270 = arith.constant 0 : i32
        %get3A_1271 = tpu.memref_slice %arg6[%scan3A_405, %get3A_1269, %get3A_1270] : memref<10x64x128xf32, #tpu.memory_space<vmem>> -> memref<1x64x128xf32, #tpu.memory_space<vmem>>
        %get3A_1272 = tpu.memref_squeeze %get3A_1271 : memref<1x64x128xf32, #tpu.memory_space<vmem>> -> memref<64x128xf32, #tpu.memory_space<vmem>>
        %get3A_1273 = arith.index_cast %scan3A_1022 : i32 to index
        %get3A_1274 = arith.constant 96 : index
        %get3A_1275 = tpu.vector_load %get3A_1272[%get3A_1273, %get3A_1274] {strides = array<i32>} : memref<64x128xf32, #tpu.memory_space<vmem>>, vector<1x16xf32>,
        %get3A_1276 = vector.shape_cast %get3A_1275 : vector<1x16xf32> to vector<16xf32>
        %get3A_1277 = arith.constant 0 : i32
        %get3A_1278 = arith.constant 0 : i32
        %get3A_1279 = tpu.memref_slice %arg6[%scan3A_406, %get3A_1277, %get3A_1278] : memref<10x64x128xf32, #tpu.memory_space<vmem>> -> memref<1x64x128xf32, #tpu.memory_space<vmem>>
        %get3A_1280 = tpu.memref_squeeze %get3A_1279 : memref<1x64x128xf32, #tpu.memory_space<vmem>> -> memref<64x128xf32, #tpu.memory_space<vmem>>
        %get3A_1281 = arith.index_cast %scan3A_1022 : i32 to index
        %get3A_1282 = arith.constant 96 : index
        %get3A_1283 = tpu.vector_load %get3A_1280[%get3A_1281, %get3A_1282] {strides = array<i32>} : memref<64x128xf32, #tpu.memory_space<vmem>>, vector<1x16xf32>,
        %get3A_1284 = vector.shape_cast %get3A_1283 : vector<1x16xf32> to vector<16xf32>
        %get3A_1285 = arith.constant 0 : i32
        %get3A_1286 = arith.constant 0 : i32
        %get3A_1287 = tpu.memref_slice %arg6[%scan3A_407, %get3A_1285, %get3A_1286] : memref<10x64x128xf32, #tpu.memory_space<vmem>> -> memref<1x64x128xf32, #tpu.memory_space<vmem>>
        %get3A_1288 = tpu.memref_squeeze %get3A_1287 : memref<1x64x128xf32, #tpu.memory_space<vmem>> -> memref<64x128xf32, #tpu.memory_space<vmem>>
        %get3A_1289 = arith.index_cast %scan3A_1022 : i32 to index
        %get3A_1290 = arith.constant 96 : index
        %get3A_1291 = tpu.vector_load %get3A_1288[%get3A_1289, %get3A_1290] {strides = array<i32>} : memref<64x128xf32, #tpu.memory_space<vmem>>, vector<1x16xf32>,
        %get3A_1292 = vector.shape_cast %get3A_1291 : vector<1x16xf32> to vector<16xf32>
        %add3A_1293 = arith.addf %get3A_1268, %get3A_1276 : vector<16xf32>
        %add3A_1294 = arith.addf %get3A_1284, %get3A_1292 : vector<16xf32>
        %add3A_1295 = arith.addf %add3A_1293, %add3A_1294 : vector<16xf32>
        %swap3A_1296 = arith.index_cast %scan3A_1022 : i32 to index
        %swap3A_1297 = arith.constant 96 : index
        %swap3A_1298 = tpu.vector_load %arg7[%swap3A_1296, %swap3A_1297] {strides = array<i32>} : memref<64x128xf32, #tpu.memory_space<vmem>>, vector<1x16xf32>,
        %swap3A_1299 = vector.shape_cast %swap3A_1298 : vector<1x16xf32> to vector<16xf32>
        %swap3A_1300 = vector.shape_cast %add3A_1295 : vector<16xf32> to vector<1x16xf32>
        tpu.vector_store %arg7[%swap3A_1296, %swap3A_1297], %swap3A_1300 {add = true, strides = array<i32>} : memref<64x128xf32, #tpu.memory_space<vmem>>, vector<1x16xf32>,
        %get3A_1301 = arith.constant 0 : i32
        %get3A_1302 = arith.constant 0 : i32
        %get3A_1303 = tpu.memref_slice %arg6[%scan3A_404, %get3A_1301, %get3A_1302] : memref<10x64x128xf32, #tpu.memory_space<vmem>> -> memref<1x64x128xf32, #tpu.memory_space<vmem>>
        %get3A_1304 = tpu.memref_squeeze %get3A_1303 : memref<1x64x128xf32, #tpu.memory_space<vmem>> -> memref<64x128xf32, #tpu.memory_space<vmem>>
        %get3A_1305 = arith.index_cast %scan3A_1022 : i32 to index
        %get3A_1306 = arith.constant 112 : index
        %get3A_1307 = tpu.vector_load %get3A_1304[%get3A_1305, %get3A_1306] {strides = array<i32>} : memref<64x128xf32, #tpu.memory_space<vmem>>, vector<1x16xf32>,
        %get3A_1308 = vector.shape_cast %get3A_1307 : vector<1x16xf32> to vector<16xf32>
        %get3A_1309 = arith.constant 0 : i32
        %get3A_1310 = arith.constant 0 : i32
        %get3A_1311 = tpu.memref_slice %arg6[%scan3A_405, %get3A_1309, %get3A_1310] : memref<10x64x128xf32, #tpu.memory_space<vmem>> -> memref<1x64x128xf32, #tpu.memory_space<vmem>>
        %get3A_1312 = tpu.memref_squeeze %get3A_1311 : memref<1x64x128xf32, #tpu.memory_space<vmem>> -> memref<64x128xf32, #tpu.memory_space<vmem>>
        %get3A_1313 = arith.index_cast %scan3A_1022 : i32 to index
        %get3A_1314 = arith.constant 112 : index
        %get3A_1315 = tpu.vector_load %get3A_1312[%get3A_1313, %get3A_1314] {strides = array<i32>} : memref<64x128xf32, #tpu.memory_space<vmem>>, vector<1x16xf32>,
        %get3A_1316 = vector.shape_cast %get3A_1315 : vector<1x16xf32> to vector<16xf32>
        %get3A_1317 = arith.constant 0 : i32
        %get3A_1318 = arith.constant 0 : i32
        %get3A_1319 = tpu.memref_slice %arg6[%scan3A_406, %get3A_1317, %get3A_1318] : memref<10x64x128xf32, #tpu.memory_space<vmem>> -> memref<1x64x128xf32, #tpu.memory_space<vmem>>
        %get3A_1320 = tpu.memref_squeeze %get3A_1319 : memref<1x64x128xf32, #tpu.memory_space<vmem>> -> memref<64x128xf32, #tpu.memory_space<vmem>>
        %get3A_1321 = arith.index_cast %scan3A_1022 : i32 to index
        %get3A_1322 = arith.constant 112 : index
        %get3A_1323 = tpu.vector_load %get3A_1320[%get3A_1321, %get3A_1322] {strides = array<i32>} : memref<64x128xf32, #tpu.memory_space<vmem>>, vector<1x16xf32>,
        %get3A_1324 = vector.shape_cast %get3A_1323 : vector<1x16xf32> to vector<16xf32>
        %get3A_1325 = arith.constant 0 : i32
        %get3A_1326 = arith.constant 0 : i32
        %get3A_1327 = tpu.memref_slice %arg6[%scan3A_407, %get3A_1325, %get3A_1326] : memref<10x64x128xf32, #tpu.memory_space<vmem>> -> memref<1x64x128xf32, #tpu.memory_space<vmem>>
        %get3A_1328 = tpu.memref_squeeze %get3A_1327 : memref<1x64x128xf32, #tpu.memory_space<vmem>> -> memref<64x128xf32, #tpu.memory_space<vmem>>
        %get3A_1329 = arith.index_cast %scan3A_1022 : i32 to index
        %get3A_1330 = arith.constant 112 : index
        %get3A_1331 = tpu.vector_load %get3A_1328[%get3A_1329, %get3A_1330] {strides = array<i32>} : memref<64x128xf32, #tpu.memory_space<vmem>>, vector<1x16xf32>,
        %get3A_1332 = vector.shape_cast %get3A_1331 : vector<1x16xf32> to vector<16xf32>
        %add3A_1333 = arith.addf %get3A_1308, %get3A_1316 : vector<16xf32>
        %add3A_1334 = arith.addf %get3A_1324, %get3A_1332 : vector<16xf32>
        %add3A_1335 = arith.addf %add3A_1333, %add3A_1334 : vector<16xf32>
        %swap3A_1336 = arith.index_cast %scan3A_1022 : i32 to index
        %swap3A_1337 = arith.constant 112 : index
        %swap3A_1338 = tpu.vector_load %arg7[%swap3A_1336, %swap3A_1337] {strides = array<i32>} : memref<64x128xf32, #tpu.memory_space<vmem>>, vector<1x16xf32>,
        %swap3A_1339 = vector.shape_cast %swap3A_1338 : vector<1x16xf32> to vector<16xf32>
        %swap3A_1340 = vector.shape_cast %add3A_1335 : vector<16xf32> to vector<1x16xf32>
        tpu.vector_store %arg7[%swap3A_1336, %swap3A_1337], %swap3A_1340 {add = true, strides = array<i32>} : memref<64x128xf32, #tpu.memory_space<vmem>>, vector<1x16xf32>,
      }
      %scan3A_412 = arith.constant 64 : i32
      %mul3A_413 = arith.constant 64 : i32
      %mul3A_414 = arith.muli %scan3A_177, %mul3A_413 : i32
      %dma_start3A_415 = arith.constant 12 : i32
      %dma_start3A_416 = arith.constant 12 : i32
      %dma_start3A_417 = arith.constant 4 : i32
      %dma_start3A_418 = arith.constant 0 : i32
      %dma_start3A_419 = arith.constant 0 : i32
      %dma_start3A_420 = tpu.memref_slice %arg6[%dma_start3A_417, %dma_start3A_418, %dma_start3A_419] : memref<10x64x128xf32, #tpu.memory_space<vmem>> -> memref<1x64x128xf32, #tpu.memory_space<vmem>>
      %dma_start3A_421 = tpu.memref_squeeze %dma_start3A_420 : memref<1x64x128xf32, #tpu.memory_space<vmem>> -> memref<64x128xf32, #tpu.memory_space<vmem>>
      %dma_start3A_422 = tpu.memref_slice %arg5[%dma_start3A_416, %mul3A_414] : memref<26x512xi32, #tpu.memory_space<vmem>> -> memref<1x64xi32, #tpu.memory_space<vmem>>
      %dma_start3A_423 = tpu.memref_squeeze %dma_start3A_422 : memref<1x64xi32, #tpu.memory_space<vmem>> -> memref<64xi32, #tpu.memory_space<vmem>>
      %dma_start3A_424 = arith.constant 0 : i32
      %dma_start3A_425 = arith.constant 0 : i32
      %dma_start3A_426 = tpu.memref_slice %arg3[%dma_start3A_415, %dma_start3A_424, %dma_start3A_425] : memref<26x100001x128xf32, #tpu.memory_space<hbm>> -> memref<1x100001x128xf32, #tpu.memory_space<hbm>>
      %dma_start3A_427 = tpu.memref_squeeze %dma_start3A_426 : memref<1x100001x128xf32, #tpu.memory_space<hbm>> -> memref<100001x128xf32, #tpu.memory_space<hbm>>
      %dma_start3A_428 = arith.constant 0 : i32
      %dma_start3A_429 = arith.constant 0 : i32
      %dma_start3A_430 = tpu.memref_slice %dma_start3A_427[%dma_start3A_428, %dma_start3A_429] : memref<100001x128xf32, #tpu.memory_space<hbm>> -> memref<100001x128xf32, #tpu.memory_space<hbm>>
      tpu.enqueue_indirect_dma source(%dma_start3A_430 : memref<100001x128xf32, #tpu.memory_space<hbm>>) target(%dma_start3A_421 : memref<64x128xf32, #tpu.memory_space<vmem>>) offsets(%dma_start3A_423 : memref<64xi32, #tpu.memory_space<vmem>>) semaphore(%arg12 : memref<!tpu.dma_semaphore, #tpu.memory_space<semaphore_mem>>)
      %mul3A_431 = arith.constant 64 : i32
      %mul3A_432 = arith.muli %scan3A_177, %mul3A_431 : i32
      %dma_start3A_433 = arith.constant 13 : i32
      %dma_start3A_434 = arith.constant 13 : i32
      %dma_start3A_435 = arith.constant 5 : i32
      %dma_start3A_436 = arith.constant 0 : i32
      %dma_start3A_437 = arith.constant 0 : i32
      %dma_start3A_438 = tpu.memref_slice %arg6[%dma_start3A_435, %dma_start3A_436, %dma_start3A_437] : memref<10x64x128xf32, #tpu.memory_space<vmem>> -> memref<1x64x128xf32, #tpu.memory_space<vmem>>
      %dma_start3A_439 = tpu.memref_squeeze %dma_start3A_438 : memref<1x64x128xf32, #tpu.memory_space<vmem>> -> memref<64x128xf32, #tpu.memory_space<vmem>>
      %dma_start3A_440 = tpu.memref_slice %arg5[%dma_start3A_434, %mul3A_432] : memref<26x512xi32, #tpu.memory_space<vmem>> -> memref<1x64xi32, #tpu.memory_space<vmem>>
      %dma_start3A_441 = tpu.memref_squeeze %dma_start3A_440 : memref<1x64xi32, #tpu.memory_space<vmem>> -> memref<64xi32, #tpu.memory_space<vmem>>
      %dma_start3A_442 = arith.constant 0 : i32
      %dma_start3A_443 = arith.constant 0 : i32
      %dma_start3A_444 = tpu.memref_slice %arg3[%dma_start3A_433, %dma_start3A_442, %dma_start3A_443] : memref<26x100001x128xf32, #tpu.memory_space<hbm>> -> memref<1x100001x128xf32, #tpu.memory_space<hbm>>
      %dma_start3A_445 = tpu.memref_squeeze %dma_start3A_444 : memref<1x100001x128xf32, #tpu.memory_space<hbm>> -> memref<100001x128xf32, #tpu.memory_space<hbm>>
      %dma_start3A_446 = arith.constant 0 : i32
      %dma_start3A_447 = arith.constant 0 : i32
      %dma_start3A_448 = tpu.memref_slice %dma_start3A_445[%dma_start3A_446, %dma_start3A_447] : memref<100001x128xf32, #tpu.memory_space<hbm>> -> memref<100001x128xf32, #tpu.memory_space<hbm>>
      tpu.enqueue_indirect_dma source(%dma_start3A_448 : memref<100001x128xf32, #tpu.memory_space<hbm>>) target(%dma_start3A_439 : memref<64x128xf32, #tpu.memory_space<vmem>>) offsets(%dma_start3A_441 : memref<64xi32, #tpu.memory_space<vmem>>) semaphore(%arg13 : memref<!tpu.dma_semaphore, #tpu.memory_space<semaphore_mem>>)
      %mul3A_449 = arith.constant 64 : i32
      %mul3A_450 = arith.muli %scan3A_177, %mul3A_449 : i32
      %dma_start3A_451 = arith.constant 14 : i32
      %dma_start3A_452 = arith.constant 14 : i32
      %dma_start3A_453 = arith.constant 6 : i32
      %dma_start3A_454 = arith.constant 0 : i32
      %dma_start3A_455 = arith.constant 0 : i32
      %dma_start3A_456 = tpu.memref_slice %arg6[%dma_start3A_453, %dma_start3A_454, %dma_start3A_455] : memref<10x64x128xf32, #tpu.memory_space<vmem>> -> memref<1x64x128xf32, #tpu.memory_space<vmem>>
      %dma_start3A_457 = tpu.memref_squeeze %dma_start3A_456 : memref<1x64x128xf32, #tpu.memory_space<vmem>> -> memref<64x128xf32, #tpu.memory_space<vmem>>
      %dma_start3A_458 = tpu.memref_slice %arg5[%dma_start3A_452, %mul3A_450] : memref<26x512xi32, #tpu.memory_space<vmem>> -> memref<1x64xi32, #tpu.memory_space<vmem>>
      %dma_start3A_459 = tpu.memref_squeeze %dma_start3A_458 : memref<1x64xi32, #tpu.memory_space<vmem>> -> memref<64xi32, #tpu.memory_space<vmem>>
      %dma_start3A_460 = arith.constant 0 : i32
      %dma_start3A_461 = arith.constant 0 : i32
      %dma_start3A_462 = tpu.memref_slice %arg3[%dma_start3A_451, %dma_start3A_460, %dma_start3A_461] : memref<26x100001x128xf32, #tpu.memory_space<hbm>> -> memref<1x100001x128xf32, #tpu.memory_space<hbm>>
      %dma_start3A_463 = tpu.memref_squeeze %dma_start3A_462 : memref<1x100001x128xf32, #tpu.memory_space<hbm>> -> memref<100001x128xf32, #tpu.memory_space<hbm>>
      %dma_start3A_464 = arith.constant 0 : i32
      %dma_start3A_465 = arith.constant 0 : i32
      %dma_start3A_466 = tpu.memref_slice %dma_start3A_463[%dma_start3A_464, %dma_start3A_465] : memref<100001x128xf32, #tpu.memory_space<hbm>> -> memref<100001x128xf32, #tpu.memory_space<hbm>>
      tpu.enqueue_indirect_dma source(%dma_start3A_466 : memref<100001x128xf32, #tpu.memory_space<hbm>>) target(%dma_start3A_457 : memref<64x128xf32, #tpu.memory_space<vmem>>) offsets(%dma_start3A_459 : memref<64xi32, #tpu.memory_space<vmem>>) semaphore(%arg14 : memref<!tpu.dma_semaphore, #tpu.memory_space<semaphore_mem>>)
      %mul3A_467 = arith.constant 64 : i32
      %mul3A_468 = arith.muli %scan3A_177, %mul3A_467 : i32
      %dma_start3A_469 = arith.constant 15 : i32
      %dma_start3A_470 = arith.constant 15 : i32
      %dma_start3A_471 = arith.constant 7 : i32
      %dma_start3A_472 = arith.constant 0 : i32
      %dma_start3A_473 = arith.constant 0 : i32
      %dma_start3A_474 = tpu.memref_slice %arg6[%dma_start3A_471, %dma_start3A_472, %dma_start3A_473] : memref<10x64x128xf32, #tpu.memory_space<vmem>> -> memref<1x64x128xf32, #tpu.memory_space<vmem>>
      %dma_start3A_475 = tpu.memref_squeeze %dma_start3A_474 : memref<1x64x128xf32, #tpu.memory_space<vmem>> -> memref<64x128xf32, #tpu.memory_space<vmem>>
      %dma_start3A_476 = tpu.memref_slice %arg5[%dma_start3A_470, %mul3A_468] : memref<26x512xi32, #tpu.memory_space<vmem>> -> memref<1x64xi32, #tpu.memory_space<vmem>>
      %dma_start3A_477 = tpu.memref_squeeze %dma_start3A_476 : memref<1x64xi32, #tpu.memory_space<vmem>> -> memref<64xi32, #tpu.memory_space<vmem>>
      %dma_start3A_478 = arith.constant 0 : i32
      %dma_start3A_479 = arith.constant 0 : i32
      %dma_start3A_480 = tpu.memref_slice %arg3[%dma_start3A_469, %dma_start3A_478, %dma_start3A_479] : memref<26x100001x128xf32, #tpu.memory_space<hbm>> -> memref<1x100001x128xf32, #tpu.memory_space<hbm>>
      %dma_start3A_481 = tpu.memref_squeeze %dma_start3A_480 : memref<1x100001x128xf32, #tpu.memory_space<hbm>> -> memref<100001x128xf32, #tpu.memory_space<hbm>>
      %dma_start3A_482 = arith.constant 0 : i32
      %dma_start3A_483 = arith.constant 0 : i32
      %dma_start3A_484 = tpu.memref_slice %dma_start3A_481[%dma_start3A_482, %dma_start3A_483] : memref<100001x128xf32, #tpu.memory_space<hbm>> -> memref<100001x128xf32, #tpu.memory_space<hbm>>
      tpu.enqueue_indirect_dma source(%dma_start3A_484 : memref<100001x128xf32, #tpu.memory_space<hbm>>) target(%dma_start3A_475 : memref<64x128xf32, #tpu.memory_space<vmem>>) offsets(%dma_start3A_477 : memref<64xi32, #tpu.memory_space<vmem>>) semaphore(%arg15 : memref<!tpu.dma_semaphore, #tpu.memory_space<semaphore_mem>>)
      %mul3A_485 = arith.constant 64 : i32
      %mul3A_486 = arith.muli %scan3A_177, %mul3A_485 : i32
      %dma_wait3A_487 = arith.constant 8 : i32
      %dma_wait3A_488 = arith.constant 8 : i32
      %dma_wait3A_489 = arith.constant 0 : i32
      %dma_wait3A_490 = arith.constant 0 : i32
      %dma_wait3A_491 = arith.constant 0 : i32
      %dma_wait3A_492 = tpu.memref_slice %arg6[%dma_wait3A_489, %dma_wait3A_490, %dma_wait3A_491] : memref<10x64x128xf32, #tpu.memory_space<vmem>> -> memref<1x64x128xf32, #tpu.memory_space<vmem>>
      %dma_wait3A_493 = tpu.memref_squeeze %dma_wait3A_492 : memref<1x64x128xf32, #tpu.memory_space<vmem>> -> memref<64x128xf32, #tpu.memory_space<vmem>>
      %dma_wait3A_494 = tpu.memref_slice %arg5[%dma_wait3A_488, %mul3A_486] : memref<26x512xi32, #tpu.memory_space<vmem>> -> memref<1x64xi32, #tpu.memory_space<vmem>>
      %dma_wait3A_495 = tpu.memref_squeeze %dma_wait3A_494 : memref<1x64xi32, #tpu.memory_space<vmem>> -> memref<64xi32, #tpu.memory_space<vmem>>
      %dma_wait3A_496 = arith.constant 0 : i32
      %dma_wait3A_497 = arith.constant 0 : i32
      %dma_wait3A_498 = tpu.memref_slice %arg3[%dma_wait3A_487, %dma_wait3A_496, %dma_wait3A_497] : memref<26x100001x128xf32, #tpu.memory_space<hbm>> -> memref<1x100001x128xf32, #tpu.memory_space<hbm>>
      %dma_wait3A_499 = tpu.memref_squeeze %dma_wait3A_498 : memref<1x100001x128xf32, #tpu.memory_space<hbm>> -> memref<100001x128xf32, #tpu.memory_space<hbm>>
      %dma_wait3A_500 = arith.constant 0 : i32
      %dma_wait3A_501 = arith.constant 0 : i32
      %dma_wait3A_502 = tpu.memref_slice %dma_wait3A_499[%dma_wait3A_500, %dma_wait3A_501] : memref<100001x128xf32, #tpu.memory_space<hbm>> -> memref<100001x128xf32, #tpu.memory_space<hbm>>
      tpu.wait_indirect_dma semaphore(%arg8 : memref<!tpu.dma_semaphore, #tpu.memory_space<semaphore_mem>>) src(%dma_wait3A_502 : memref<100001x128xf32, #tpu.memory_space<hbm>>) dst(%dma_wait3A_493 : memref<64x128xf32, #tpu.memory_space<vmem>>)
      %mul3A_503 = arith.constant 64 : i32
      %mul3A_504 = arith.muli %scan3A_177, %mul3A_503 : i32
      %dma_wait3A_505 = arith.constant 9 : i32
      %dma_wait3A_506 = arith.constant 9 : i32
      %dma_wait3A_507 = arith.constant 1 : i32
      %dma_wait3A_508 = arith.constant 0 : i32
      %dma_wait3A_509 = arith.constant 0 : i32
      %dma_wait3A_510 = tpu.memref_slice %arg6[%dma_wait3A_507, %dma_wait3A_508, %dma_wait3A_509] : memref<10x64x128xf32, #tpu.memory_space<vmem>> -> memref<1x64x128xf32, #tpu.memory_space<vmem>>
      %dma_wait3A_511 = tpu.memref_squeeze %dma_wait3A_510 : memref<1x64x128xf32, #tpu.memory_space<vmem>> -> memref<64x128xf32, #tpu.memory_space<vmem>>
      %dma_wait3A_512 = tpu.memref_slice %arg5[%dma_wait3A_506, %mul3A_504] : memref<26x512xi32, #tpu.memory_space<vmem>> -> memref<1x64xi32, #tpu.memory_space<vmem>>
      %dma_wait3A_513 = tpu.memref_squeeze %dma_wait3A_512 : memref<1x64xi32, #tpu.memory_space<vmem>> -> memref<64xi32, #tpu.memory_space<vmem>>
      %dma_wait3A_514 = arith.constant 0 : i32
      %dma_wait3A_515 = arith.constant 0 : i32
      %dma_wait3A_516 = tpu.memref_slice %arg3[%dma_wait3A_505, %dma_wait3A_514, %dma_wait3A_515] : memref<26x100001x128xf32, #tpu.memory_space<hbm>> -> memref<1x100001x128xf32, #tpu.memory_space<hbm>>
      %dma_wait3A_517 = tpu.memref_squeeze %dma_wait3A_516 : memref<1x100001x128xf32, #tpu.memory_space<hbm>> -> memref<100001x128xf32, #tpu.memory_space<hbm>>
      %dma_wait3A_518 = arith.constant 0 : i32
      %dma_wait3A_519 = arith.constant 0 : i32
      %dma_wait3A_520 = tpu.memref_slice %dma_wait3A_517[%dma_wait3A_518, %dma_wait3A_519] : memref<100001x128xf32, #tpu.memory_space<hbm>> -> memref<100001x128xf32, #tpu.memory_space<hbm>>
      tpu.wait_indirect_dma semaphore(%arg9 : memref<!tpu.dma_semaphore, #tpu.memory_space<semaphore_mem>>) src(%dma_wait3A_520 : memref<100001x128xf32, #tpu.memory_space<hbm>>) dst(%dma_wait3A_511 : memref<64x128xf32, #tpu.memory_space<vmem>>)
      %mul3A_521 = arith.constant 64 : i32
      %mul3A_522 = arith.muli %scan3A_177, %mul3A_521 : i32
      %dma_wait3A_523 = arith.constant 10 : i32
      %dma_wait3A_524 = arith.constant 10 : i32
      %dma_wait3A_525 = arith.constant 2 : i32
      %dma_wait3A_526 = arith.constant 0 : i32
      %dma_wait3A_527 = arith.constant 0 : i32
      %dma_wait3A_528 = tpu.memref_slice %arg6[%dma_wait3A_525, %dma_wait3A_526, %dma_wait3A_527] : memref<10x64x128xf32, #tpu.memory_space<vmem>> -> memref<1x64x128xf32, #tpu.memory_space<vmem>>
      %dma_wait3A_529 = tpu.memref_squeeze %dma_wait3A_528 : memref<1x64x128xf32, #tpu.memory_space<vmem>> -> memref<64x128xf32, #tpu.memory_space<vmem>>
      %dma_wait3A_530 = tpu.memref_slice %arg5[%dma_wait3A_524, %mul3A_522] : memref<26x512xi32, #tpu.memory_space<vmem>> -> memref<1x64xi32, #tpu.memory_space<vmem>>
      %dma_wait3A_531 = tpu.memref_squeeze %dma_wait3A_530 : memref<1x64xi32, #tpu.memory_space<vmem>> -> memref<64xi32, #tpu.memory_space<vmem>>
      %dma_wait3A_532 = arith.constant 0 : i32
      %dma_wait3A_533 = arith.constant 0 : i32
      %dma_wait3A_534 = tpu.memref_slice %arg3[%dma_wait3A_523, %dma_wait3A_532, %dma_wait3A_533] : memref<26x100001x128xf32, #tpu.memory_space<hbm>> -> memref<1x100001x128xf32, #tpu.memory_space<hbm>>
      %dma_wait3A_535 = tpu.memref_squeeze %dma_wait3A_534 : memref<1x100001x128xf32, #tpu.memory_space<hbm>> -> memref<100001x128xf32, #tpu.memory_space<hbm>>
      %dma_wait3A_536 = arith.constant 0 : i32
      %dma_wait3A_537 = arith.constant 0 : i32
      %dma_wait3A_538 = tpu.memref_slice %dma_wait3A_535[%dma_wait3A_536, %dma_wait3A_537] : memref<100001x128xf32, #tpu.memory_space<hbm>> -> memref<100001x128xf32, #tpu.memory_space<hbm>>
      tpu.wait_indirect_dma semaphore(%arg10 : memref<!tpu.dma_semaphore, #tpu.memory_space<semaphore_mem>>) src(%dma_wait3A_538 : memref<100001x128xf32, #tpu.memory_space<hbm>>) dst(%dma_wait3A_529 : memref<64x128xf32, #tpu.memory_space<vmem>>)
      %mul3A_539 = arith.constant 64 : i32
      %mul3A_540 = arith.muli %scan3A_177, %mul3A_539 : i32
      %dma_wait3A_541 = arith.constant 11 : i32
      %dma_wait3A_542 = arith.constant 11 : i32
      %dma_wait3A_543 = arith.constant 3 : i32
      %dma_wait3A_544 = arith.constant 0 : i32
      %dma_wait3A_545 = arith.constant 0 : i32
      %dma_wait3A_546 = tpu.memref_slice %arg6[%dma_wait3A_543, %dma_wait3A_544, %dma_wait3A_545] : memref<10x64x128xf32, #tpu.memory_space<vmem>> -> memref<1x64x128xf32, #tpu.memory_space<vmem>>
      %dma_wait3A_547 = tpu.memref_squeeze %dma_wait3A_546 : memref<1x64x128xf32, #tpu.memory_space<vmem>> -> memref<64x128xf32, #tpu.memory_space<vmem>>
      %dma_wait3A_548 = tpu.memref_slice %arg5[%dma_wait3A_542, %mul3A_540] : memref<26x512xi32, #tpu.memory_space<vmem>> -> memref<1x64xi32, #tpu.memory_space<vmem>>
      %dma_wait3A_549 = tpu.memref_squeeze %dma_wait3A_548 : memref<1x64xi32, #tpu.memory_space<vmem>> -> memref<64xi32, #tpu.memory_space<vmem>>
      %dma_wait3A_550 = arith.constant 0 : i32
      %dma_wait3A_551 = arith.constant 0 : i32
      %dma_wait3A_552 = tpu.memref_slice %arg3[%dma_wait3A_541, %dma_wait3A_550, %dma_wait3A_551] : memref<26x100001x128xf32, #tpu.memory_space<hbm>> -> memref<1x100001x128xf32, #tpu.memory_space<hbm>>
      %dma_wait3A_553 = tpu.memref_squeeze %dma_wait3A_552 : memref<1x100001x128xf32, #tpu.memory_space<hbm>> -> memref<100001x128xf32, #tpu.memory_space<hbm>>
      %dma_wait3A_554 = arith.constant 0 : i32
      %dma_wait3A_555 = arith.constant 0 : i32
      %dma_wait3A_556 = tpu.memref_slice %dma_wait3A_553[%dma_wait3A_554, %dma_wait3A_555] : memref<100001x128xf32, #tpu.memory_space<hbm>> -> memref<100001x128xf32, #tpu.memory_space<hbm>>
      tpu.wait_indirect_dma semaphore(%arg11 : memref<!tpu.dma_semaphore, #tpu.memory_space<semaphore_mem>>) src(%dma_wait3A_556 : memref<100001x128xf32, #tpu.memory_space<hbm>>) dst(%dma_wait3A_547 : memref<64x128xf32, #tpu.memory_space<vmem>>)
      %scan3A_557 = arith.constant 0 : i32
      %scan3A_558 = arith.constant 0 : i32
      %scan3A_559 = arith.constant 1 : i32
      %scan3A_560 = arith.constant 2 : i32
      %scan3A_561 = arith.constant 3 : i32
      %scan3A_562 = arith.constant 0 : i32
      %scan3A_563 = arith.constant 64 : i32
      %scan3A_564 = arith.addi %scan3A_562, %scan3A_563 : i32
      %scan3A_565 = arith.constant 1 : i32
      scf.for %scan3A_1022 = %scan3A_562 to %scan3A_564 step %scan3A_565  : i32 {
        %get3A = arith.constant 0 : i32
        %get3A_1023 = arith.constant 0 : i32
        %get3A_1024 = tpu.memref_slice %arg6[%scan3A_558, %get3A, %get3A_1023] : memref<10x64x128xf32, #tpu.memory_space<vmem>> -> memref<1x64x128xf32, #tpu.memory_space<vmem>>
        %get3A_1025 = tpu.memref_squeeze %get3A_1024 : memref<1x64x128xf32, #tpu.memory_space<vmem>> -> memref<64x128xf32, #tpu.memory_space<vmem>>
        %get3A_1026 = arith.index_cast %scan3A_1022 : i32 to index
        %get3A_1027 = arith.constant 0 : index
        %get3A_1028 = tpu.vector_load %get3A_1025[%get3A_1026, %get3A_1027] {strides = array<i32>} : memref<64x128xf32, #tpu.memory_space<vmem>>, vector<1x16xf32>,
        %get3A_1029 = vector.shape_cast %get3A_1028 : vector<1x16xf32> to vector<16xf32>
        %get3A_1030 = arith.constant 0 : i32
        %get3A_1031 = arith.constant 0 : i32
        %get3A_1032 = tpu.memref_slice %arg6[%scan3A_559, %get3A_1030, %get3A_1031] : memref<10x64x128xf32, #tpu.memory_space<vmem>> -> memref<1x64x128xf32, #tpu.memory_space<vmem>>
        %get3A_1033 = tpu.memref_squeeze %get3A_1032 : memref<1x64x128xf32, #tpu.memory_space<vmem>> -> memref<64x128xf32, #tpu.memory_space<vmem>>
        %get3A_1034 = arith.index_cast %scan3A_1022 : i32 to index
        %get3A_1035 = arith.constant 0 : index
        %get3A_1036 = tpu.vector_load %get3A_1033[%get3A_1034, %get3A_1035] {strides = array<i32>} : memref<64x128xf32, #tpu.memory_space<vmem>>, vector<1x16xf32>,
        %get3A_1037 = vector.shape_cast %get3A_1036 : vector<1x16xf32> to vector<16xf32>
        %get3A_1038 = arith.constant 0 : i32
        %get3A_1039 = arith.constant 0 : i32
        %get3A_1040 = tpu.memref_slice %arg6[%scan3A_560, %get3A_1038, %get3A_1039] : memref<10x64x128xf32, #tpu.memory_space<vmem>> -> memref<1x64x128xf32, #tpu.memory_space<vmem>>
        %get3A_1041 = tpu.memref_squeeze %get3A_1040 : memref<1x64x128xf32, #tpu.memory_space<vmem>> -> memref<64x128xf32, #tpu.memory_space<vmem>>
        %get3A_1042 = arith.index_cast %scan3A_1022 : i32 to index
        %get3A_1043 = arith.constant 0 : index
        %get3A_1044 = tpu.vector_load %get3A_1041[%get3A_1042, %get3A_1043] {strides = array<i32>} : memref<64x128xf32, #tpu.memory_space<vmem>>, vector<1x16xf32>,
        %get3A_1045 = vector.shape_cast %get3A_1044 : vector<1x16xf32> to vector<16xf32>
        %get3A_1046 = arith.constant 0 : i32
        %get3A_1047 = arith.constant 0 : i32
        %get3A_1048 = tpu.memref_slice %arg6[%scan3A_561, %get3A_1046, %get3A_1047] : memref<10x64x128xf32, #tpu.memory_space<vmem>> -> memref<1x64x128xf32, #tpu.memory_space<vmem>>
        %get3A_1049 = tpu.memref_squeeze %get3A_1048 : memref<1x64x128xf32, #tpu.memory_space<vmem>> -> memref<64x128xf32, #tpu.memory_space<vmem>>
        %get3A_1050 = arith.index_cast %scan3A_1022 : i32 to index
        %get3A_1051 = arith.constant 0 : index
        %get3A_1052 = tpu.vector_load %get3A_1049[%get3A_1050, %get3A_1051] {strides = array<i32>} : memref<64x128xf32, #tpu.memory_space<vmem>>, vector<1x16xf32>,
        %get3A_1053 = vector.shape_cast %get3A_1052 : vector<1x16xf32> to vector<16xf32>
        %add3A_1054 = arith.addf %get3A_1029, %get3A_1037 : vector<16xf32>
        %add3A_1055 = arith.addf %get3A_1045, %get3A_1053 : vector<16xf32>
        %add3A_1056 = arith.addf %add3A_1054, %add3A_1055 : vector<16xf32>
        %swap3A = arith.index_cast %scan3A_1022 : i32 to index
        %swap3A_1057 = arith.constant 0 : index
        %swap3A_1058 = tpu.vector_load %arg7[%swap3A, %swap3A_1057] {strides = array<i32>} : memref<64x128xf32, #tpu.memory_space<vmem>>, vector<1x16xf32>,
        %swap3A_1059 = vector.shape_cast %swap3A_1058 : vector<1x16xf32> to vector<16xf32>
        %swap3A_1060 = vector.shape_cast %add3A_1056 : vector<16xf32> to vector<1x16xf32>
        tpu.vector_store %arg7[%swap3A, %swap3A_1057], %swap3A_1060 {add = true, strides = array<i32>} : memref<64x128xf32, #tpu.memory_space<vmem>>, vector<1x16xf32>,
        %get3A_1061 = arith.constant 0 : i32
        %get3A_1062 = arith.constant 0 : i32
        %get3A_1063 = tpu.memref_slice %arg6[%scan3A_558, %get3A_1061, %get3A_1062] : memref<10x64x128xf32, #tpu.memory_space<vmem>> -> memref<1x64x128xf32, #tpu.memory_space<vmem>>
        %get3A_1064 = tpu.memref_squeeze %get3A_1063 : memref<1x64x128xf32, #tpu.memory_space<vmem>> -> memref<64x128xf32, #tpu.memory_space<vmem>>
        %get3A_1065 = arith.index_cast %scan3A_1022 : i32 to index
        %get3A_1066 = arith.constant 16 : index
        %get3A_1067 = tpu.vector_load %get3A_1064[%get3A_1065, %get3A_1066] {strides = array<i32>} : memref<64x128xf32, #tpu.memory_space<vmem>>, vector<1x16xf32>,
        %get3A_1068 = vector.shape_cast %get3A_1067 : vector<1x16xf32> to vector<16xf32>
        %get3A_1069 = arith.constant 0 : i32
        %get3A_1070 = arith.constant 0 : i32
        %get3A_1071 = tpu.memref_slice %arg6[%scan3A_559, %get3A_1069, %get3A_1070] : memref<10x64x128xf32, #tpu.memory_space<vmem>> -> memref<1x64x128xf32, #tpu.memory_space<vmem>>
        %get3A_1072 = tpu.memref_squeeze %get3A_1071 : memref<1x64x128xf32, #tpu.memory_space<vmem>> -> memref<64x128xf32, #tpu.memory_space<vmem>>
        %get3A_1073 = arith.index_cast %scan3A_1022 : i32 to index
        %get3A_1074 = arith.constant 16 : index
        %get3A_1075 = tpu.vector_load %get3A_1072[%get3A_1073, %get3A_1074] {strides = array<i32>} : memref<64x128xf32, #tpu.memory_space<vmem>>, vector<1x16xf32>,
        %get3A_1076 = vector.shape_cast %get3A_1075 : vector<1x16xf32> to vector<16xf32>
        %get3A_1077 = arith.constant 0 : i32
        %get3A_1078 = arith.constant 0 : i32
        %get3A_1079 = tpu.memref_slice %arg6[%scan3A_560, %get3A_1077, %get3A_1078] : memref<10x64x128xf32, #tpu.memory_space<vmem>> -> memref<1x64x128xf32, #tpu.memory_space<vmem>>
        %get3A_1080 = tpu.memref_squeeze %get3A_1079 : memref<1x64x128xf32, #tpu.memory_space<vmem>> -> memref<64x128xf32, #tpu.memory_space<vmem>>
        %get3A_1081 = arith.index_cast %scan3A_1022 : i32 to index
        %get3A_1082 = arith.constant 16 : index
        %get3A_1083 = tpu.vector_load %get3A_1080[%get3A_1081, %get3A_1082] {strides = array<i32>} : memref<64x128xf32, #tpu.memory_space<vmem>>, vector<1x16xf32>,
        %get3A_1084 = vector.shape_cast %get3A_1083 : vector<1x16xf32> to vector<16xf32>
        %get3A_1085 = arith.constant 0 : i32
        %get3A_1086 = arith.constant 0 : i32
        %get3A_1087 = tpu.memref_slice %arg6[%scan3A_561, %get3A_1085, %get3A_1086] : memref<10x64x128xf32, #tpu.memory_space<vmem>> -> memref<1x64x128xf32, #tpu.memory_space<vmem>>
        %get3A_1088 = tpu.memref_squeeze %get3A_1087 : memref<1x64x128xf32, #tpu.memory_space<vmem>> -> memref<64x128xf32, #tpu.memory_space<vmem>>
        %get3A_1089 = arith.index_cast %scan3A_1022 : i32 to index
        %get3A_1090 = arith.constant 16 : index
        %get3A_1091 = tpu.vector_load %get3A_1088[%get3A_1089, %get3A_1090] {strides = array<i32>} : memref<64x128xf32, #tpu.memory_space<vmem>>, vector<1x16xf32>,
        %get3A_1092 = vector.shape_cast %get3A_1091 : vector<1x16xf32> to vector<16xf32>
        %add3A_1093 = arith.addf %get3A_1068, %get3A_1076 : vector<16xf32>
        %add3A_1094 = arith.addf %get3A_1084, %get3A_1092 : vector<16xf32>
        %add3A_1095 = arith.addf %add3A_1093, %add3A_1094 : vector<16xf32>
        %swap3A_1096 = arith.index_cast %scan3A_1022 : i32 to index
        %swap3A_1097 = arith.constant 16 : index
        %swap3A_1098 = tpu.vector_load %arg7[%swap3A_1096, %swap3A_1097] {strides = array<i32>} : memref<64x128xf32, #tpu.memory_space<vmem>>, vector<1x16xf32>,
        %swap3A_1099 = vector.shape_cast %swap3A_1098 : vector<1x16xf32> to vector<16xf32>
        %swap3A_1100 = vector.shape_cast %add3A_1095 : vector<16xf32> to vector<1x16xf32>
        tpu.vector_store %arg7[%swap3A_1096, %swap3A_1097], %swap3A_1100 {add = true, strides = array<i32>} : memref<64x128xf32, #tpu.memory_space<vmem>>, vector<1x16xf32>,
        %get3A_1101 = arith.constant 0 : i32
        %get3A_1102 = arith.constant 0 : i32
        %get3A_1103 = tpu.memref_slice %arg6[%scan3A_558, %get3A_1101, %get3A_1102] : memref<10x64x128xf32, #tpu.memory_space<vmem>> -> memref<1x64x128xf32, #tpu.memory_space<vmem>>
        %get3A_1104 = tpu.memref_squeeze %get3A_1103 : memref<1x64x128xf32, #tpu.memory_space<vmem>> -> memref<64x128xf32, #tpu.memory_space<vmem>>
        %get3A_1105 = arith.index_cast %scan3A_1022 : i32 to index
        %get3A_1106 = arith.constant 32 : index
        %get3A_1107 = tpu.vector_load %get3A_1104[%get3A_1105, %get3A_1106] {strides = array<i32>} : memref<64x128xf32, #tpu.memory_space<vmem>>, vector<1x16xf32>,
        %get3A_1108 = vector.shape_cast %get3A_1107 : vector<1x16xf32> to vector<16xf32>
        %get3A_1109 = arith.constant 0 : i32
        %get3A_1110 = arith.constant 0 : i32
        %get3A_1111 = tpu.memref_slice %arg6[%scan3A_559, %get3A_1109, %get3A_1110] : memref<10x64x128xf32, #tpu.memory_space<vmem>> -> memref<1x64x128xf32, #tpu.memory_space<vmem>>
        %get3A_1112 = tpu.memref_squeeze %get3A_1111 : memref<1x64x128xf32, #tpu.memory_space<vmem>> -> memref<64x128xf32, #tpu.memory_space<vmem>>
        %get3A_1113 = arith.index_cast %scan3A_1022 : i32 to index
        %get3A_1114 = arith.constant 32 : index
        %get3A_1115 = tpu.vector_load %get3A_1112[%get3A_1113, %get3A_1114] {strides = array<i32>} : memref<64x128xf32, #tpu.memory_space<vmem>>, vector<1x16xf32>,
        %get3A_1116 = vector.shape_cast %get3A_1115 : vector<1x16xf32> to vector<16xf32>
        %get3A_1117 = arith.constant 0 : i32
        %get3A_1118 = arith.constant 0 : i32
        %get3A_1119 = tpu.memref_slice %arg6[%scan3A_560, %get3A_1117, %get3A_1118] : memref<10x64x128xf32, #tpu.memory_space<vmem>> -> memref<1x64x128xf32, #tpu.memory_space<vmem>>
        %get3A_1120 = tpu.memref_squeeze %get3A_1119 : memref<1x64x128xf32, #tpu.memory_space<vmem>> -> memref<64x128xf32, #tpu.memory_space<vmem>>
        %get3A_1121 = arith.index_cast %scan3A_1022 : i32 to index
        %get3A_1122 = arith.constant 32 : index
        %get3A_1123 = tpu.vector_load %get3A_1120[%get3A_1121, %get3A_1122] {strides = array<i32>} : memref<64x128xf32, #tpu.memory_space<vmem>>, vector<1x16xf32>,
        %get3A_1124 = vector.shape_cast %get3A_1123 : vector<1x16xf32> to vector<16xf32>
        %get3A_1125 = arith.constant 0 : i32
        %get3A_1126 = arith.constant 0 : i32
        %get3A_1127 = tpu.memref_slice %arg6[%scan3A_561, %get3A_1125, %get3A_1126] : memref<10x64x128xf32, #tpu.memory_space<vmem>> -> memref<1x64x128xf32, #tpu.memory_space<vmem>>
        %get3A_1128 = tpu.memref_squeeze %get3A_1127 : memref<1x64x128xf32, #tpu.memory_space<vmem>> -> memref<64x128xf32, #tpu.memory_space<vmem>>
        %get3A_1129 = arith.index_cast %scan3A_1022 : i32 to index
        %get3A_1130 = arith.constant 32 : index
        %get3A_1131 = tpu.vector_load %get3A_1128[%get3A_1129, %get3A_1130] {strides = array<i32>} : memref<64x128xf32, #tpu.memory_space<vmem>>, vector<1x16xf32>,
        %get3A_1132 = vector.shape_cast %get3A_1131 : vector<1x16xf32> to vector<16xf32>
        %add3A_1133 = arith.addf %get3A_1108, %get3A_1116 : vector<16xf32>
        %add3A_1134 = arith.addf %get3A_1124, %get3A_1132 : vector<16xf32>
        %add3A_1135 = arith.addf %add3A_1133, %add3A_1134 : vector<16xf32>
        %swap3A_1136 = arith.index_cast %scan3A_1022 : i32 to index
        %swap3A_1137 = arith.constant 32 : index
        %swap3A_1138 = tpu.vector_load %arg7[%swap3A_1136, %swap3A_1137] {strides = array<i32>} : memref<64x128xf32, #tpu.memory_space<vmem>>, vector<1x16xf32>,
        %swap3A_1139 = vector.shape_cast %swap3A_1138 : vector<1x16xf32> to vector<16xf32>
        %swap3A_1140 = vector.shape_cast %add3A_1135 : vector<16xf32> to vector<1x16xf32>
        tpu.vector_store %arg7[%swap3A_1136, %swap3A_1137], %swap3A_1140 {add = true, strides = array<i32>} : memref<64x128xf32, #tpu.memory_space<vmem>>, vector<1x16xf32>,
        %get3A_1141 = arith.constant 0 : i32
        %get3A_1142 = arith.constant 0 : i32
        %get3A_1143 = tpu.memref_slice %arg6[%scan3A_558, %get3A_1141, %get3A_1142] : memref<10x64x128xf32, #tpu.memory_space<vmem>> -> memref<1x64x128xf32, #tpu.memory_space<vmem>>
        %get3A_1144 = tpu.memref_squeeze %get3A_1143 : memref<1x64x128xf32, #tpu.memory_space<vmem>> -> memref<64x128xf32, #tpu.memory_space<vmem>>
        %get3A_1145 = arith.index_cast %scan3A_1022 : i32 to index
        %get3A_1146 = arith.constant 48 : index
        %get3A_1147 = tpu.vector_load %get3A_1144[%get3A_1145, %get3A_1146] {strides = array<i32>} : memref<64x128xf32, #tpu.memory_space<vmem>>, vector<1x16xf32>,
        %get3A_1148 = vector.shape_cast %get3A_1147 : vector<1x16xf32> to vector<16xf32>
        %get3A_1149 = arith.constant 0 : i32
        %get3A_1150 = arith.constant 0 : i32
        %get3A_1151 = tpu.memref_slice %arg6[%scan3A_559, %get3A_1149, %get3A_1150] : memref<10x64x128xf32, #tpu.memory_space<vmem>> -> memref<1x64x128xf32, #tpu.memory_space<vmem>>
        %get3A_1152 = tpu.memref_squeeze %get3A_1151 : memref<1x64x128xf32, #tpu.memory_space<vmem>> -> memref<64x128xf32, #tpu.memory_space<vmem>>
        %get3A_1153 = arith.index_cast %scan3A_1022 : i32 to index
        %get3A_1154 = arith.constant 48 : index
        %get3A_1155 = tpu.vector_load %get3A_1152[%get3A_1153, %get3A_1154] {strides = array<i32>} : memref<64x128xf32, #tpu.memory_space<vmem>>, vector<1x16xf32>,
        %get3A_1156 = vector.shape_cast %get3A_1155 : vector<1x16xf32> to vector<16xf32>
        %get3A_1157 = arith.constant 0 : i32
        %get3A_1158 = arith.constant 0 : i32
        %get3A_1159 = tpu.memref_slice %arg6[%scan3A_560, %get3A_1157, %get3A_1158] : memref<10x64x128xf32, #tpu.memory_space<vmem>> -> memref<1x64x128xf32, #tpu.memory_space<vmem>>
        %get3A_1160 = tpu.memref_squeeze %get3A_1159 : memref<1x64x128xf32, #tpu.memory_space<vmem>> -> memref<64x128xf32, #tpu.memory_space<vmem>>
        %get3A_1161 = arith.index_cast %scan3A_1022 : i32 to index
        %get3A_1162 = arith.constant 48 : index
        %get3A_1163 = tpu.vector_load %get3A_1160[%get3A_1161, %get3A_1162] {strides = array<i32>} : memref<64x128xf32, #tpu.memory_space<vmem>>, vector<1x16xf32>,
        %get3A_1164 = vector.shape_cast %get3A_1163 : vector<1x16xf32> to vector<16xf32>
        %get3A_1165 = arith.constant 0 : i32
        %get3A_1166 = arith.constant 0 : i32
        %get3A_1167 = tpu.memref_slice %arg6[%scan3A_561, %get3A_1165, %get3A_1166] : memref<10x64x128xf32, #tpu.memory_space<vmem>> -> memref<1x64x128xf32, #tpu.memory_space<vmem>>
        %get3A_1168 = tpu.memref_squeeze %get3A_1167 : memref<1x64x128xf32, #tpu.memory_space<vmem>> -> memref<64x128xf32, #tpu.memory_space<vmem>>
        %get3A_1169 = arith.index_cast %scan3A_1022 : i32 to index
        %get3A_1170 = arith.constant 48 : index
        %get3A_1171 = tpu.vector_load %get3A_1168[%get3A_1169, %get3A_1170] {strides = array<i32>} : memref<64x128xf32, #tpu.memory_space<vmem>>, vector<1x16xf32>,
        %get3A_1172 = vector.shape_cast %get3A_1171 : vector<1x16xf32> to vector<16xf32>
        %add3A_1173 = arith.addf %get3A_1148, %get3A_1156 : vector<16xf32>
        %add3A_1174 = arith.addf %get3A_1164, %get3A_1172 : vector<16xf32>
        %add3A_1175 = arith.addf %add3A_1173, %add3A_1174 : vector<16xf32>
        %swap3A_1176 = arith.index_cast %scan3A_1022 : i32 to index
        %swap3A_1177 = arith.constant 48 : index
        %swap3A_1178 = tpu.vector_load %arg7[%swap3A_1176, %swap3A_1177] {strides = array<i32>} : memref<64x128xf32, #tpu.memory_space<vmem>>, vector<1x16xf32>,
        %swap3A_1179 = vector.shape_cast %swap3A_1178 : vector<1x16xf32> to vector<16xf32>
        %swap3A_1180 = vector.shape_cast %add3A_1175 : vector<16xf32> to vector<1x16xf32>
        tpu.vector_store %arg7[%swap3A_1176, %swap3A_1177], %swap3A_1180 {add = true, strides = array<i32>} : memref<64x128xf32, #tpu.memory_space<vmem>>, vector<1x16xf32>,
        %get3A_1181 = arith.constant 0 : i32
        %get3A_1182 = arith.constant 0 : i32
        %get3A_1183 = tpu.memref_slice %arg6[%scan3A_558, %get3A_1181, %get3A_1182] : memref<10x64x128xf32, #tpu.memory_space<vmem>> -> memref<1x64x128xf32, #tpu.memory_space<vmem>>
        %get3A_1184 = tpu.memref_squeeze %get3A_1183 : memref<1x64x128xf32, #tpu.memory_space<vmem>> -> memref<64x128xf32, #tpu.memory_space<vmem>>
        %get3A_1185 = arith.index_cast %scan3A_1022 : i32 to index
        %get3A_1186 = arith.constant 64 : index
        %get3A_1187 = tpu.vector_load %get3A_1184[%get3A_1185, %get3A_1186] {strides = array<i32>} : memref<64x128xf32, #tpu.memory_space<vmem>>, vector<1x16xf32>,
        %get3A_1188 = vector.shape_cast %get3A_1187 : vector<1x16xf32> to vector<16xf32>
        %get3A_1189 = arith.constant 0 : i32
        %get3A_1190 = arith.constant 0 : i32
        %get3A_1191 = tpu.memref_slice %arg6[%scan3A_559, %get3A_1189, %get3A_1190] : memref<10x64x128xf32, #tpu.memory_space<vmem>> -> memref<1x64x128xf32, #tpu.memory_space<vmem>>
        %get3A_1192 = tpu.memref_squeeze %get3A_1191 : memref<1x64x128xf32, #tpu.memory_space<vmem>> -> memref<64x128xf32, #tpu.memory_space<vmem>>
        %get3A_1193 = arith.index_cast %scan3A_1022 : i32 to index
        %get3A_1194 = arith.constant 64 : index
        %get3A_1195 = tpu.vector_load %get3A_1192[%get3A_1193, %get3A_1194] {strides = array<i32>} : memref<64x128xf32, #tpu.memory_space<vmem>>, vector<1x16xf32>,
        %get3A_1196 = vector.shape_cast %get3A_1195 : vector<1x16xf32> to vector<16xf32>
        %get3A_1197 = arith.constant 0 : i32
        %get3A_1198 = arith.constant 0 : i32
        %get3A_1199 = tpu.memref_slice %arg6[%scan3A_560, %get3A_1197, %get3A_1198] : memref<10x64x128xf32, #tpu.memory_space<vmem>> -> memref<1x64x128xf32, #tpu.memory_space<vmem>>
        %get3A_1200 = tpu.memref_squeeze %get3A_1199 : memref<1x64x128xf32, #tpu.memory_space<vmem>> -> memref<64x128xf32, #tpu.memory_space<vmem>>
        %get3A_1201 = arith.index_cast %scan3A_1022 : i32 to index
        %get3A_1202 = arith.constant 64 : index
        %get3A_1203 = tpu.vector_load %get3A_1200[%get3A_1201, %get3A_1202] {strides = array<i32>} : memref<64x128xf32, #tpu.memory_space<vmem>>, vector<1x16xf32>,
        %get3A_1204 = vector.shape_cast %get3A_1203 : vector<1x16xf32> to vector<16xf32>
        %get3A_1205 = arith.constant 0 : i32
        %get3A_1206 = arith.constant 0 : i32
        %get3A_1207 = tpu.memref_slice %arg6[%scan3A_561, %get3A_1205, %get3A_1206] : memref<10x64x128xf32, #tpu.memory_space<vmem>> -> memref<1x64x128xf32, #tpu.memory_space<vmem>>
        %get3A_1208 = tpu.memref_squeeze %get3A_1207 : memref<1x64x128xf32, #tpu.memory_space<vmem>> -> memref<64x128xf32, #tpu.memory_space<vmem>>
        %get3A_1209 = arith.index_cast %scan3A_1022 : i32 to index
        %get3A_1210 = arith.constant 64 : index
        %get3A_1211 = tpu.vector_load %get3A_1208[%get3A_1209, %get3A_1210] {strides = array<i32>} : memref<64x128xf32, #tpu.memory_space<vmem>>, vector<1x16xf32>,
        %get3A_1212 = vector.shape_cast %get3A_1211 : vector<1x16xf32> to vector<16xf32>
        %add3A_1213 = arith.addf %get3A_1188, %get3A_1196 : vector<16xf32>
        %add3A_1214 = arith.addf %get3A_1204, %get3A_1212 : vector<16xf32>
        %add3A_1215 = arith.addf %add3A_1213, %add3A_1214 : vector<16xf32>
        %swap3A_1216 = arith.index_cast %scan3A_1022 : i32 to index
        %swap3A_1217 = arith.constant 64 : index
        %swap3A_1218 = tpu.vector_load %arg7[%swap3A_1216, %swap3A_1217] {strides = array<i32>} : memref<64x128xf32, #tpu.memory_space<vmem>>, vector<1x16xf32>,
        %swap3A_1219 = vector.shape_cast %swap3A_1218 : vector<1x16xf32> to vector<16xf32>
        %swap3A_1220 = vector.shape_cast %add3A_1215 : vector<16xf32> to vector<1x16xf32>
        tpu.vector_store %arg7[%swap3A_1216, %swap3A_1217], %swap3A_1220 {add = true, strides = array<i32>} : memref<64x128xf32, #tpu.memory_space<vmem>>, vector<1x16xf32>,
        %get3A_1221 = arith.constant 0 : i32
        %get3A_1222 = arith.constant 0 : i32
        %get3A_1223 = tpu.memref_slice %arg6[%scan3A_558, %get3A_1221, %get3A_1222] : memref<10x64x128xf32, #tpu.memory_space<vmem>> -> memref<1x64x128xf32, #tpu.memory_space<vmem>>
        %get3A_1224 = tpu.memref_squeeze %get3A_1223 : memref<1x64x128xf32, #tpu.memory_space<vmem>> -> memref<64x128xf32, #tpu.memory_space<vmem>>
        %get3A_1225 = arith.index_cast %scan3A_1022 : i32 to index
        %get3A_1226 = arith.constant 80 : index
        %get3A_1227 = tpu.vector_load %get3A_1224[%get3A_1225, %get3A_1226] {strides = array<i32>} : memref<64x128xf32, #tpu.memory_space<vmem>>, vector<1x16xf32>,
        %get3A_1228 = vector.shape_cast %get3A_1227 : vector<1x16xf32> to vector<16xf32>
        %get3A_1229 = arith.constant 0 : i32
        %get3A_1230 = arith.constant 0 : i32
        %get3A_1231 = tpu.memref_slice %arg6[%scan3A_559, %get3A_1229, %get3A_1230] : memref<10x64x128xf32, #tpu.memory_space<vmem>> -> memref<1x64x128xf32, #tpu.memory_space<vmem>>
        %get3A_1232 = tpu.memref_squeeze %get3A_1231 : memref<1x64x128xf32, #tpu.memory_space<vmem>> -> memref<64x128xf32, #tpu.memory_space<vmem>>
        %get3A_1233 = arith.index_cast %scan3A_1022 : i32 to index
        %get3A_1234 = arith.constant 80 : index
        %get3A_1235 = tpu.vector_load %get3A_1232[%get3A_1233, %get3A_1234] {strides = array<i32>} : memref<64x128xf32, #tpu.memory_space<vmem>>, vector<1x16xf32>,
        %get3A_1236 = vector.shape_cast %get3A_1235 : vector<1x16xf32> to vector<16xf32>
        %get3A_1237 = arith.constant 0 : i32
        %get3A_1238 = arith.constant 0 : i32
        %get3A_1239 = tpu.memref_slice %arg6[%scan3A_560, %get3A_1237, %get3A_1238] : memref<10x64x128xf32, #tpu.memory_space<vmem>> -> memref<1x64x128xf32, #tpu.memory_space<vmem>>
        %get3A_1240 = tpu.memref_squeeze %get3A_1239 : memref<1x64x128xf32, #tpu.memory_space<vmem>> -> memref<64x128xf32, #tpu.memory_space<vmem>>
        %get3A_1241 = arith.index_cast %scan3A_1022 : i32 to index
        %get3A_1242 = arith.constant 80 : index
        %get3A_1243 = tpu.vector_load %get3A_1240[%get3A_1241, %get3A_1242] {strides = array<i32>} : memref<64x128xf32, #tpu.memory_space<vmem>>, vector<1x16xf32>,
        %get3A_1244 = vector.shape_cast %get3A_1243 : vector<1x16xf32> to vector<16xf32>
        %get3A_1245 = arith.constant 0 : i32
        %get3A_1246 = arith.constant 0 : i32
        %get3A_1247 = tpu.memref_slice %arg6[%scan3A_561, %get3A_1245, %get3A_1246] : memref<10x64x128xf32, #tpu.memory_space<vmem>> -> memref<1x64x128xf32, #tpu.memory_space<vmem>>
        %get3A_1248 = tpu.memref_squeeze %get3A_1247 : memref<1x64x128xf32, #tpu.memory_space<vmem>> -> memref<64x128xf32, #tpu.memory_space<vmem>>
        %get3A_1249 = arith.index_cast %scan3A_1022 : i32 to index
        %get3A_1250 = arith.constant 80 : index
        %get3A_1251 = tpu.vector_load %get3A_1248[%get3A_1249, %get3A_1250] {strides = array<i32>} : memref<64x128xf32, #tpu.memory_space<vmem>>, vector<1x16xf32>,
        %get3A_1252 = vector.shape_cast %get3A_1251 : vector<1x16xf32> to vector<16xf32>
        %add3A_1253 = arith.addf %get3A_1228, %get3A_1236 : vector<16xf32>
        %add3A_1254 = arith.addf %get3A_1244, %get3A_1252 : vector<16xf32>
        %add3A_1255 = arith.addf %add3A_1253, %add3A_1254 : vector<16xf32>
        %swap3A_1256 = arith.index_cast %scan3A_1022 : i32 to index
        %swap3A_1257 = arith.constant 80 : index
        %swap3A_1258 = tpu.vector_load %arg7[%swap3A_1256, %swap3A_1257] {strides = array<i32>} : memref<64x128xf32, #tpu.memory_space<vmem>>, vector<1x16xf32>,
        %swap3A_1259 = vector.shape_cast %swap3A_1258 : vector<1x16xf32> to vector<16xf32>
        %swap3A_1260 = vector.shape_cast %add3A_1255 : vector<16xf32> to vector<1x16xf32>
        tpu.vector_store %arg7[%swap3A_1256, %swap3A_1257], %swap3A_1260 {add = true, strides = array<i32>} : memref<64x128xf32, #tpu.memory_space<vmem>>, vector<1x16xf32>,
        %get3A_1261 = arith.constant 0 : i32
        %get3A_1262 = arith.constant 0 : i32
        %get3A_1263 = tpu.memref_slice %arg6[%scan3A_558, %get3A_1261, %get3A_1262] : memref<10x64x128xf32, #tpu.memory_space<vmem>> -> memref<1x64x128xf32, #tpu.memory_space<vmem>>
        %get3A_1264 = tpu.memref_squeeze %get3A_1263 : memref<1x64x128xf32, #tpu.memory_space<vmem>> -> memref<64x128xf32, #tpu.memory_space<vmem>>
        %get3A_1265 = arith.index_cast %scan3A_1022 : i32 to index
        %get3A_1266 = arith.constant 96 : index
        %get3A_1267 = tpu.vector_load %get3A_1264[%get3A_1265, %get3A_1266] {strides = array<i32>} : memref<64x128xf32, #tpu.memory_space<vmem>>, vector<1x16xf32>,
        %get3A_1268 = vector.shape_cast %get3A_1267 : vector<1x16xf32> to vector<16xf32>
        %get3A_1269 = arith.constant 0 : i32
        %get3A_1270 = arith.constant 0 : i32
        %get3A_1271 = tpu.memref_slice %arg6[%scan3A_559, %get3A_1269, %get3A_1270] : memref<10x64x128xf32, #tpu.memory_space<vmem>> -> memref<1x64x128xf32, #tpu.memory_space<vmem>>
        %get3A_1272 = tpu.memref_squeeze %get3A_1271 : memref<1x64x128xf32, #tpu.memory_space<vmem>> -> memref<64x128xf32, #tpu.memory_space<vmem>>
        %get3A_1273 = arith.index_cast %scan3A_1022 : i32 to index
        %get3A_1274 = arith.constant 96 : index
        %get3A_1275 = tpu.vector_load %get3A_1272[%get3A_1273, %get3A_1274] {strides = array<i32>} : memref<64x128xf32, #tpu.memory_space<vmem>>, vector<1x16xf32>,
        %get3A_1276 = vector.shape_cast %get3A_1275 : vector<1x16xf32> to vector<16xf32>
        %get3A_1277 = arith.constant 0 : i32
        %get3A_1278 = arith.constant 0 : i32
        %get3A_1279 = tpu.memref_slice %arg6[%scan3A_560, %get3A_1277, %get3A_1278] : memref<10x64x128xf32, #tpu.memory_space<vmem>> -> memref<1x64x128xf32, #tpu.memory_space<vmem>>
        %get3A_1280 = tpu.memref_squeeze %get3A_1279 : memref<1x64x128xf32, #tpu.memory_space<vmem>> -> memref<64x128xf32, #tpu.memory_space<vmem>>
        %get3A_1281 = arith.index_cast %scan3A_1022 : i32 to index
        %get3A_1282 = arith.constant 96 : index
        %get3A_1283 = tpu.vector_load %get3A_1280[%get3A_1281, %get3A_1282] {strides = array<i32>} : memref<64x128xf32, #tpu.memory_space<vmem>>, vector<1x16xf32>,
        %get3A_1284 = vector.shape_cast %get3A_1283 : vector<1x16xf32> to vector<16xf32>
        %get3A_1285 = arith.constant 0 : i32
        %get3A_1286 = arith.constant 0 : i32
        %get3A_1287 = tpu.memref_slice %arg6[%scan3A_561, %get3A_1285, %get3A_1286] : memref<10x64x128xf32, #tpu.memory_space<vmem>> -> memref<1x64x128xf32, #tpu.memory_space<vmem>>
        %get3A_1288 = tpu.memref_squeeze %get3A_1287 : memref<1x64x128xf32, #tpu.memory_space<vmem>> -> memref<64x128xf32, #tpu.memory_space<vmem>>
        %get3A_1289 = arith.index_cast %scan3A_1022 : i32 to index
        %get3A_1290 = arith.constant 96 : index
        %get3A_1291 = tpu.vector_load %get3A_1288[%get3A_1289, %get3A_1290] {strides = array<i32>} : memref<64x128xf32, #tpu.memory_space<vmem>>, vector<1x16xf32>,
        %get3A_1292 = vector.shape_cast %get3A_1291 : vector<1x16xf32> to vector<16xf32>
        %add3A_1293 = arith.addf %get3A_1268, %get3A_1276 : vector<16xf32>
        %add3A_1294 = arith.addf %get3A_1284, %get3A_1292 : vector<16xf32>
        %add3A_1295 = arith.addf %add3A_1293, %add3A_1294 : vector<16xf32>
        %swap3A_1296 = arith.index_cast %scan3A_1022 : i32 to index
        %swap3A_1297 = arith.constant 96 : index
        %swap3A_1298 = tpu.vector_load %arg7[%swap3A_1296, %swap3A_1297] {strides = array<i32>} : memref<64x128xf32, #tpu.memory_space<vmem>>, vector<1x16xf32>,
        %swap3A_1299 = vector.shape_cast %swap3A_1298 : vector<1x16xf32> to vector<16xf32>
        %swap3A_1300 = vector.shape_cast %add3A_1295 : vector<16xf32> to vector<1x16xf32>
        tpu.vector_store %arg7[%swap3A_1296, %swap3A_1297], %swap3A_1300 {add = true, strides = array<i32>} : memref<64x128xf32, #tpu.memory_space<vmem>>, vector<1x16xf32>,
        %get3A_1301 = arith.constant 0 : i32
        %get3A_1302 = arith.constant 0 : i32
        %get3A_1303 = tpu.memref_slice %arg6[%scan3A_558, %get3A_1301, %get3A_1302] : memref<10x64x128xf32, #tpu.memory_space<vmem>> -> memref<1x64x128xf32, #tpu.memory_space<vmem>>
        %get3A_1304 = tpu.memref_squeeze %get3A_1303 : memref<1x64x128xf32, #tpu.memory_space<vmem>> -> memref<64x128xf32, #tpu.memory_space<vmem>>
        %get3A_1305 = arith.index_cast %scan3A_1022 : i32 to index
        %get3A_1306 = arith.constant 112 : index
        %get3A_1307 = tpu.vector_load %get3A_1304[%get3A_1305, %get3A_1306] {strides = array<i32>} : memref<64x128xf32, #tpu.memory_space<vmem>>, vector<1x16xf32>,
        %get3A_1308 = vector.shape_cast %get3A_1307 : vector<1x16xf32> to vector<16xf32>
        %get3A_1309 = arith.constant 0 : i32
        %get3A_1310 = arith.constant 0 : i32
        %get3A_1311 = tpu.memref_slice %arg6[%scan3A_559, %get3A_1309, %get3A_1310] : memref<10x64x128xf32, #tpu.memory_space<vmem>> -> memref<1x64x128xf32, #tpu.memory_space<vmem>>
        %get3A_1312 = tpu.memref_squeeze %get3A_1311 : memref<1x64x128xf32, #tpu.memory_space<vmem>> -> memref<64x128xf32, #tpu.memory_space<vmem>>
        %get3A_1313 = arith.index_cast %scan3A_1022 : i32 to index
        %get3A_1314 = arith.constant 112 : index
        %get3A_1315 = tpu.vector_load %get3A_1312[%get3A_1313, %get3A_1314] {strides = array<i32>} : memref<64x128xf32, #tpu.memory_space<vmem>>, vector<1x16xf32>,
        %get3A_1316 = vector.shape_cast %get3A_1315 : vector<1x16xf32> to vector<16xf32>
        %get3A_1317 = arith.constant 0 : i32
        %get3A_1318 = arith.constant 0 : i32
        %get3A_1319 = tpu.memref_slice %arg6[%scan3A_560, %get3A_1317, %get3A_1318] : memref<10x64x128xf32, #tpu.memory_space<vmem>> -> memref<1x64x128xf32, #tpu.memory_space<vmem>>
        %get3A_1320 = tpu.memref_squeeze %get3A_1319 : memref<1x64x128xf32, #tpu.memory_space<vmem>> -> memref<64x128xf32, #tpu.memory_space<vmem>>
        %get3A_1321 = arith.index_cast %scan3A_1022 : i32 to index
        %get3A_1322 = arith.constant 112 : index
        %get3A_1323 = tpu.vector_load %get3A_1320[%get3A_1321, %get3A_1322] {strides = array<i32>} : memref<64x128xf32, #tpu.memory_space<vmem>>, vector<1x16xf32>,
        %get3A_1324 = vector.shape_cast %get3A_1323 : vector<1x16xf32> to vector<16xf32>
        %get3A_1325 = arith.constant 0 : i32
        %get3A_1326 = arith.constant 0 : i32
        %get3A_1327 = tpu.memref_slice %arg6[%scan3A_561, %get3A_1325, %get3A_1326] : memref<10x64x128xf32, #tpu.memory_space<vmem>> -> memref<1x64x128xf32, #tpu.memory_space<vmem>>
        %get3A_1328 = tpu.memref_squeeze %get3A_1327 : memref<1x64x128xf32, #tpu.memory_space<vmem>> -> memref<64x128xf32, #tpu.memory_space<vmem>>
        %get3A_1329 = arith.index_cast %scan3A_1022 : i32 to index
        %get3A_1330 = arith.constant 112 : index
        %get3A_1331 = tpu.vector_load %get3A_1328[%get3A_1329, %get3A_1330] {strides = array<i32>} : memref<64x128xf32, #tpu.memory_space<vmem>>, vector<1x16xf32>,
        %get3A_1332 = vector.shape_cast %get3A_1331 : vector<1x16xf32> to vector<16xf32>
        %add3A_1333 = arith.addf %get3A_1308, %get3A_1316 : vector<16xf32>
        %add3A_1334 = arith.addf %get3A_1324, %get3A_1332 : vector<16xf32>
        %add3A_1335 = arith.addf %add3A_1333, %add3A_1334 : vector<16xf32>
        %swap3A_1336 = arith.index_cast %scan3A_1022 : i32 to index
        %swap3A_1337 = arith.constant 112 : index
        %swap3A_1338 = tpu.vector_load %arg7[%swap3A_1336, %swap3A_1337] {strides = array<i32>} : memref<64x128xf32, #tpu.memory_space<vmem>>, vector<1x16xf32>,
        %swap3A_1339 = vector.shape_cast %swap3A_1338 : vector<1x16xf32> to vector<16xf32>
        %swap3A_1340 = vector.shape_cast %add3A_1335 : vector<16xf32> to vector<1x16xf32>
        tpu.vector_store %arg7[%swap3A_1336, %swap3A_1337], %swap3A_1340 {add = true, strides = array<i32>} : memref<64x128xf32, #tpu.memory_space<vmem>>, vector<1x16xf32>,
      }
      %scan3A_566 = arith.constant 64 : i32
      %mul3A_567 = arith.constant 64 : i32
      %mul3A_568 = arith.muli %scan3A_177, %mul3A_567 : i32
      %dma_start3A_569 = arith.constant 16 : i32
      %dma_start3A_570 = arith.constant 16 : i32
      %dma_start3A_571 = arith.constant 0 : i32
      %dma_start3A_572 = arith.constant 0 : i32
      %dma_start3A_573 = arith.constant 0 : i32
      %dma_start3A_574 = tpu.memref_slice %arg6[%dma_start3A_571, %dma_start3A_572, %dma_start3A_573] : memref<10x64x128xf32, #tpu.memory_space<vmem>> -> memref<1x64x128xf32, #tpu.memory_space<vmem>>
      %dma_start3A_575 = tpu.memref_squeeze %dma_start3A_574 : memref<1x64x128xf32, #tpu.memory_space<vmem>> -> memref<64x128xf32, #tpu.memory_space<vmem>>
      %dma_start3A_576 = tpu.memref_slice %arg5[%dma_start3A_570, %mul3A_568] : memref<26x512xi32, #tpu.memory_space<vmem>> -> memref<1x64xi32, #tpu.memory_space<vmem>>
      %dma_start3A_577 = tpu.memref_squeeze %dma_start3A_576 : memref<1x64xi32, #tpu.memory_space<vmem>> -> memref<64xi32, #tpu.memory_space<vmem>>
      %dma_start3A_578 = arith.constant 0 : i32
      %dma_start3A_579 = arith.constant 0 : i32
      %dma_start3A_580 = tpu.memref_slice %arg3[%dma_start3A_569, %dma_start3A_578, %dma_start3A_579] : memref<26x100001x128xf32, #tpu.memory_space<hbm>> -> memref<1x100001x128xf32, #tpu.memory_space<hbm>>
      %dma_start3A_581 = tpu.memref_squeeze %dma_start3A_580 : memref<1x100001x128xf32, #tpu.memory_space<hbm>> -> memref<100001x128xf32, #tpu.memory_space<hbm>>
      %dma_start3A_582 = arith.constant 0 : i32
      %dma_start3A_583 = arith.constant 0 : i32
      %dma_start3A_584 = tpu.memref_slice %dma_start3A_581[%dma_start3A_582, %dma_start3A_583] : memref<100001x128xf32, #tpu.memory_space<hbm>> -> memref<100001x128xf32, #tpu.memory_space<hbm>>
      tpu.enqueue_indirect_dma source(%dma_start3A_584 : memref<100001x128xf32, #tpu.memory_space<hbm>>) target(%dma_start3A_575 : memref<64x128xf32, #tpu.memory_space<vmem>>) offsets(%dma_start3A_577 : memref<64xi32, #tpu.memory_space<vmem>>) semaphore(%arg8 : memref<!tpu.dma_semaphore, #tpu.memory_space<semaphore_mem>>)
      %mul3A_585 = arith.constant 64 : i32
      %mul3A_586 = arith.muli %scan3A_177, %mul3A_585 : i32
      %dma_start3A_587 = arith.constant 17 : i32
      %dma_start3A_588 = arith.constant 17 : i32
      %dma_start3A_589 = arith.constant 1 : i32
      %dma_start3A_590 = arith.constant 0 : i32
      %dma_start3A_591 = arith.constant 0 : i32
      %dma_start3A_592 = tpu.memref_slice %arg6[%dma_start3A_589, %dma_start3A_590, %dma_start3A_591] : memref<10x64x128xf32, #tpu.memory_space<vmem>> -> memref<1x64x128xf32, #tpu.memory_space<vmem>>
      %dma_start3A_593 = tpu.memref_squeeze %dma_start3A_592 : memref<1x64x128xf32, #tpu.memory_space<vmem>> -> memref<64x128xf32, #tpu.memory_space<vmem>>
      %dma_start3A_594 = tpu.memref_slice %arg5[%dma_start3A_588, %mul3A_586] : memref<26x512xi32, #tpu.memory_space<vmem>> -> memref<1x64xi32, #tpu.memory_space<vmem>>
      %dma_start3A_595 = tpu.memref_squeeze %dma_start3A_594 : memref<1x64xi32, #tpu.memory_space<vmem>> -> memref<64xi32, #tpu.memory_space<vmem>>
      %dma_start3A_596 = arith.constant 0 : i32
      %dma_start3A_597 = arith.constant 0 : i32
      %dma_start3A_598 = tpu.memref_slice %arg3[%dma_start3A_587, %dma_start3A_596, %dma_start3A_597] : memref<26x100001x128xf32, #tpu.memory_space<hbm>> -> memref<1x100001x128xf32, #tpu.memory_space<hbm>>
      %dma_start3A_599 = tpu.memref_squeeze %dma_start3A_598 : memref<1x100001x128xf32, #tpu.memory_space<hbm>> -> memref<100001x128xf32, #tpu.memory_space<hbm>>
      %dma_start3A_600 = arith.constant 0 : i32
      %dma_start3A_601 = arith.constant 0 : i32
      %dma_start3A_602 = tpu.memref_slice %dma_start3A_599[%dma_start3A_600, %dma_start3A_601] : memref<100001x128xf32, #tpu.memory_space<hbm>> -> memref<100001x128xf32, #tpu.memory_space<hbm>>
      tpu.enqueue_indirect_dma source(%dma_start3A_602 : memref<100001x128xf32, #tpu.memory_space<hbm>>) target(%dma_start3A_593 : memref<64x128xf32, #tpu.memory_space<vmem>>) offsets(%dma_start3A_595 : memref<64xi32, #tpu.memory_space<vmem>>) semaphore(%arg9 : memref<!tpu.dma_semaphore, #tpu.memory_space<semaphore_mem>>)
      %mul3A_603 = arith.constant 64 : i32
      %mul3A_604 = arith.muli %scan3A_177, %mul3A_603 : i32
      %dma_start3A_605 = arith.constant 18 : i32
      %dma_start3A_606 = arith.constant 18 : i32
      %dma_start3A_607 = arith.constant 2 : i32
      %dma_start3A_608 = arith.constant 0 : i32
      %dma_start3A_609 = arith.constant 0 : i32
      %dma_start3A_610 = tpu.memref_slice %arg6[%dma_start3A_607, %dma_start3A_608, %dma_start3A_609] : memref<10x64x128xf32, #tpu.memory_space<vmem>> -> memref<1x64x128xf32, #tpu.memory_space<vmem>>
      %dma_start3A_611 = tpu.memref_squeeze %dma_start3A_610 : memref<1x64x128xf32, #tpu.memory_space<vmem>> -> memref<64x128xf32, #tpu.memory_space<vmem>>
      %dma_start3A_612 = tpu.memref_slice %arg5[%dma_start3A_606, %mul3A_604] : memref<26x512xi32, #tpu.memory_space<vmem>> -> memref<1x64xi32, #tpu.memory_space<vmem>>
      %dma_start3A_613 = tpu.memref_squeeze %dma_start3A_612 : memref<1x64xi32, #tpu.memory_space<vmem>> -> memref<64xi32, #tpu.memory_space<vmem>>
      %dma_start3A_614 = arith.constant 0 : i32
      %dma_start3A_615 = arith.constant 0 : i32
      %dma_start3A_616 = tpu.memref_slice %arg3[%dma_start3A_605, %dma_start3A_614, %dma_start3A_615] : memref<26x100001x128xf32, #tpu.memory_space<hbm>> -> memref<1x100001x128xf32, #tpu.memory_space<hbm>>
      %dma_start3A_617 = tpu.memref_squeeze %dma_start3A_616 : memref<1x100001x128xf32, #tpu.memory_space<hbm>> -> memref<100001x128xf32, #tpu.memory_space<hbm>>
      %dma_start3A_618 = arith.constant 0 : i32
      %dma_start3A_619 = arith.constant 0 : i32
      %dma_start3A_620 = tpu.memref_slice %dma_start3A_617[%dma_start3A_618, %dma_start3A_619] : memref<100001x128xf32, #tpu.memory_space<hbm>> -> memref<100001x128xf32, #tpu.memory_space<hbm>>
      tpu.enqueue_indirect_dma source(%dma_start3A_620 : memref<100001x128xf32, #tpu.memory_space<hbm>>) target(%dma_start3A_611 : memref<64x128xf32, #tpu.memory_space<vmem>>) offsets(%dma_start3A_613 : memref<64xi32, #tpu.memory_space<vmem>>) semaphore(%arg10 : memref<!tpu.dma_semaphore, #tpu.memory_space<semaphore_mem>>)
      %mul3A_621 = arith.constant 64 : i32
      %mul3A_622 = arith.muli %scan3A_177, %mul3A_621 : i32
      %dma_start3A_623 = arith.constant 19 : i32
      %dma_start3A_624 = arith.constant 19 : i32
      %dma_start3A_625 = arith.constant 3 : i32
      %dma_start3A_626 = arith.constant 0 : i32
      %dma_start3A_627 = arith.constant 0 : i32
      %dma_start3A_628 = tpu.memref_slice %arg6[%dma_start3A_625, %dma_start3A_626, %dma_start3A_627] : memref<10x64x128xf32, #tpu.memory_space<vmem>> -> memref<1x64x128xf32, #tpu.memory_space<vmem>>
      %dma_start3A_629 = tpu.memref_squeeze %dma_start3A_628 : memref<1x64x128xf32, #tpu.memory_space<vmem>> -> memref<64x128xf32, #tpu.memory_space<vmem>>
      %dma_start3A_630 = tpu.memref_slice %arg5[%dma_start3A_624, %mul3A_622] : memref<26x512xi32, #tpu.memory_space<vmem>> -> memref<1x64xi32, #tpu.memory_space<vmem>>
      %dma_start3A_631 = tpu.memref_squeeze %dma_start3A_630 : memref<1x64xi32, #tpu.memory_space<vmem>> -> memref<64xi32, #tpu.memory_space<vmem>>
      %dma_start3A_632 = arith.constant 0 : i32
      %dma_start3A_633 = arith.constant 0 : i32
      %dma_start3A_634 = tpu.memref_slice %arg3[%dma_start3A_623, %dma_start3A_632, %dma_start3A_633] : memref<26x100001x128xf32, #tpu.memory_space<hbm>> -> memref<1x100001x128xf32, #tpu.memory_space<hbm>>
      %dma_start3A_635 = tpu.memref_squeeze %dma_start3A_634 : memref<1x100001x128xf32, #tpu.memory_space<hbm>> -> memref<100001x128xf32, #tpu.memory_space<hbm>>
      %dma_start3A_636 = arith.constant 0 : i32
      %dma_start3A_637 = arith.constant 0 : i32
      %dma_start3A_638 = tpu.memref_slice %dma_start3A_635[%dma_start3A_636, %dma_start3A_637] : memref<100001x128xf32, #tpu.memory_space<hbm>> -> memref<100001x128xf32, #tpu.memory_space<hbm>>
      tpu.enqueue_indirect_dma source(%dma_start3A_638 : memref<100001x128xf32, #tpu.memory_space<hbm>>) target(%dma_start3A_629 : memref<64x128xf32, #tpu.memory_space<vmem>>) offsets(%dma_start3A_631 : memref<64xi32, #tpu.memory_space<vmem>>) semaphore(%arg11 : memref<!tpu.dma_semaphore, #tpu.memory_space<semaphore_mem>>)
      %mul3A_639 = arith.constant 64 : i32
      %mul3A_640 = arith.muli %scan3A_177, %mul3A_639 : i32
      %dma_wait3A_641 = arith.constant 12 : i32
      %dma_wait3A_642 = arith.constant 12 : i32
      %dma_wait3A_643 = arith.constant 4 : i32
      %dma_wait3A_644 = arith.constant 0 : i32
      %dma_wait3A_645 = arith.constant 0 : i32
      %dma_wait3A_646 = tpu.memref_slice %arg6[%dma_wait3A_643, %dma_wait3A_644, %dma_wait3A_645] : memref<10x64x128xf32, #tpu.memory_space<vmem>> -> memref<1x64x128xf32, #tpu.memory_space<vmem>>
      %dma_wait3A_647 = tpu.memref_squeeze %dma_wait3A_646 : memref<1x64x128xf32, #tpu.memory_space<vmem>> -> memref<64x128xf32, #tpu.memory_space<vmem>>
      %dma_wait3A_648 = tpu.memref_slice %arg5[%dma_wait3A_642, %mul3A_640] : memref<26x512xi32, #tpu.memory_space<vmem>> -> memref<1x64xi32, #tpu.memory_space<vmem>>
      %dma_wait3A_649 = tpu.memref_squeeze %dma_wait3A_648 : memref<1x64xi32, #tpu.memory_space<vmem>> -> memref<64xi32, #tpu.memory_space<vmem>>
      %dma_wait3A_650 = arith.constant 0 : i32
      %dma_wait3A_651 = arith.constant 0 : i32
      %dma_wait3A_652 = tpu.memref_slice %arg3[%dma_wait3A_641, %dma_wait3A_650, %dma_wait3A_651] : memref<26x100001x128xf32, #tpu.memory_space<hbm>> -> memref<1x100001x128xf32, #tpu.memory_space<hbm>>
      %dma_wait3A_653 = tpu.memref_squeeze %dma_wait3A_652 : memref<1x100001x128xf32, #tpu.memory_space<hbm>> -> memref<100001x128xf32, #tpu.memory_space<hbm>>
      %dma_wait3A_654 = arith.constant 0 : i32
      %dma_wait3A_655 = arith.constant 0 : i32
      %dma_wait3A_656 = tpu.memref_slice %dma_wait3A_653[%dma_wait3A_654, %dma_wait3A_655] : memref<100001x128xf32, #tpu.memory_space<hbm>> -> memref<100001x128xf32, #tpu.memory_space<hbm>>
      tpu.wait_indirect_dma semaphore(%arg12 : memref<!tpu.dma_semaphore, #tpu.memory_space<semaphore_mem>>) src(%dma_wait3A_656 : memref<100001x128xf32, #tpu.memory_space<hbm>>) dst(%dma_wait3A_647 : memref<64x128xf32, #tpu.memory_space<vmem>>)
      %mul3A_657 = arith.constant 64 : i32
      %mul3A_658 = arith.muli %scan3A_177, %mul3A_657 : i32
      %dma_wait3A_659 = arith.constant 13 : i32
      %dma_wait3A_660 = arith.constant 13 : i32
      %dma_wait3A_661 = arith.constant 5 : i32
      %dma_wait3A_662 = arith.constant 0 : i32
      %dma_wait3A_663 = arith.constant 0 : i32
      %dma_wait3A_664 = tpu.memref_slice %arg6[%dma_wait3A_661, %dma_wait3A_662, %dma_wait3A_663] : memref<10x64x128xf32, #tpu.memory_space<vmem>> -> memref<1x64x128xf32, #tpu.memory_space<vmem>>
      %dma_wait3A_665 = tpu.memref_squeeze %dma_wait3A_664 : memref<1x64x128xf32, #tpu.memory_space<vmem>> -> memref<64x128xf32, #tpu.memory_space<vmem>>
      %dma_wait3A_666 = tpu.memref_slice %arg5[%dma_wait3A_660, %mul3A_658] : memref<26x512xi32, #tpu.memory_space<vmem>> -> memref<1x64xi32, #tpu.memory_space<vmem>>
      %dma_wait3A_667 = tpu.memref_squeeze %dma_wait3A_666 : memref<1x64xi32, #tpu.memory_space<vmem>> -> memref<64xi32, #tpu.memory_space<vmem>>
      %dma_wait3A_668 = arith.constant 0 : i32
      %dma_wait3A_669 = arith.constant 0 : i32
      %dma_wait3A_670 = tpu.memref_slice %arg3[%dma_wait3A_659, %dma_wait3A_668, %dma_wait3A_669] : memref<26x100001x128xf32, #tpu.memory_space<hbm>> -> memref<1x100001x128xf32, #tpu.memory_space<hbm>>
      %dma_wait3A_671 = tpu.memref_squeeze %dma_wait3A_670 : memref<1x100001x128xf32, #tpu.memory_space<hbm>> -> memref<100001x128xf32, #tpu.memory_space<hbm>>
      %dma_wait3A_672 = arith.constant 0 : i32
      %dma_wait3A_673 = arith.constant 0 : i32
      %dma_wait3A_674 = tpu.memref_slice %dma_wait3A_671[%dma_wait3A_672, %dma_wait3A_673] : memref<100001x128xf32, #tpu.memory_space<hbm>> -> memref<100001x128xf32, #tpu.memory_space<hbm>>
      tpu.wait_indirect_dma semaphore(%arg13 : memref<!tpu.dma_semaphore, #tpu.memory_space<semaphore_mem>>) src(%dma_wait3A_674 : memref<100001x128xf32, #tpu.memory_space<hbm>>) dst(%dma_wait3A_665 : memref<64x128xf32, #tpu.memory_space<vmem>>)
      %mul3A_675 = arith.constant 64 : i32
      %mul3A_676 = arith.muli %scan3A_177, %mul3A_675 : i32
      %dma_wait3A_677 = arith.constant 14 : i32
      %dma_wait3A_678 = arith.constant 14 : i32
      %dma_wait3A_679 = arith.constant 6 : i32
      %dma_wait3A_680 = arith.constant 0 : i32
      %dma_wait3A_681 = arith.constant 0 : i32
      %dma_wait3A_682 = tpu.memref_slice %arg6[%dma_wait3A_679, %dma_wait3A_680, %dma_wait3A_681] : memref<10x64x128xf32, #tpu.memory_space<vmem>> -> memref<1x64x128xf32, #tpu.memory_space<vmem>>
      %dma_wait3A_683 = tpu.memref_squeeze %dma_wait3A_682 : memref<1x64x128xf32, #tpu.memory_space<vmem>> -> memref<64x128xf32, #tpu.memory_space<vmem>>
      %dma_wait3A_684 = tpu.memref_slice %arg5[%dma_wait3A_678, %mul3A_676] : memref<26x512xi32, #tpu.memory_space<vmem>> -> memref<1x64xi32, #tpu.memory_space<vmem>>
      %dma_wait3A_685 = tpu.memref_squeeze %dma_wait3A_684 : memref<1x64xi32, #tpu.memory_space<vmem>> -> memref<64xi32, #tpu.memory_space<vmem>>
      %dma_wait3A_686 = arith.constant 0 : i32
      %dma_wait3A_687 = arith.constant 0 : i32
      %dma_wait3A_688 = tpu.memref_slice %arg3[%dma_wait3A_677, %dma_wait3A_686, %dma_wait3A_687] : memref<26x100001x128xf32, #tpu.memory_space<hbm>> -> memref<1x100001x128xf32, #tpu.memory_space<hbm>>
      %dma_wait3A_689 = tpu.memref_squeeze %dma_wait3A_688 : memref<1x100001x128xf32, #tpu.memory_space<hbm>> -> memref<100001x128xf32, #tpu.memory_space<hbm>>
      %dma_wait3A_690 = arith.constant 0 : i32
      %dma_wait3A_691 = arith.constant 0 : i32
      %dma_wait3A_692 = tpu.memref_slice %dma_wait3A_689[%dma_wait3A_690, %dma_wait3A_691] : memref<100001x128xf32, #tpu.memory_space<hbm>> -> memref<100001x128xf32, #tpu.memory_space<hbm>>
      tpu.wait_indirect_dma semaphore(%arg14 : memref<!tpu.dma_semaphore, #tpu.memory_space<semaphore_mem>>) src(%dma_wait3A_692 : memref<100001x128xf32, #tpu.memory_space<hbm>>) dst(%dma_wait3A_683 : memref<64x128xf32, #tpu.memory_space<vmem>>)
      %mul3A_693 = arith.constant 64 : i32
      %mul3A_694 = arith.muli %scan3A_177, %mul3A_693 : i32
      %dma_wait3A_695 = arith.constant 15 : i32
      %dma_wait3A_696 = arith.constant 15 : i32
      %dma_wait3A_697 = arith.constant 7 : i32
      %dma_wait3A_698 = arith.constant 0 : i32
      %dma_wait3A_699 = arith.constant 0 : i32
      %dma_wait3A_700 = tpu.memref_slice %arg6[%dma_wait3A_697, %dma_wait3A_698, %dma_wait3A_699] : memref<10x64x128xf32, #tpu.memory_space<vmem>> -> memref<1x64x128xf32, #tpu.memory_space<vmem>>
      %dma_wait3A_701 = tpu.memref_squeeze %dma_wait3A_700 : memref<1x64x128xf32, #tpu.memory_space<vmem>> -> memref<64x128xf32, #tpu.memory_space<vmem>>
      %dma_wait3A_702 = tpu.memref_slice %arg5[%dma_wait3A_696, %mul3A_694] : memref<26x512xi32, #tpu.memory_space<vmem>> -> memref<1x64xi32, #tpu.memory_space<vmem>>
      %dma_wait3A_703 = tpu.memref_squeeze %dma_wait3A_702 : memref<1x64xi32, #tpu.memory_space<vmem>> -> memref<64xi32, #tpu.memory_space<vmem>>
      %dma_wait3A_704 = arith.constant 0 : i32
      %dma_wait3A_705 = arith.constant 0 : i32
      %dma_wait3A_706 = tpu.memref_slice %arg3[%dma_wait3A_695, %dma_wait3A_704, %dma_wait3A_705] : memref<26x100001x128xf32, #tpu.memory_space<hbm>> -> memref<1x100001x128xf32, #tpu.memory_space<hbm>>
      %dma_wait3A_707 = tpu.memref_squeeze %dma_wait3A_706 : memref<1x100001x128xf32, #tpu.memory_space<hbm>> -> memref<100001x128xf32, #tpu.memory_space<hbm>>
      %dma_wait3A_708 = arith.constant 0 : i32
      %dma_wait3A_709 = arith.constant 0 : i32
      %dma_wait3A_710 = tpu.memref_slice %dma_wait3A_707[%dma_wait3A_708, %dma_wait3A_709] : memref<100001x128xf32, #tpu.memory_space<hbm>> -> memref<100001x128xf32, #tpu.memory_space<hbm>>
      tpu.wait_indirect_dma semaphore(%arg15 : memref<!tpu.dma_semaphore, #tpu.memory_space<semaphore_mem>>) src(%dma_wait3A_710 : memref<100001x128xf32, #tpu.memory_space<hbm>>) dst(%dma_wait3A_701 : memref<64x128xf32, #tpu.memory_space<vmem>>)
      %scan3A_711 = arith.constant 0 : i32
      %scan3A_712 = arith.constant 4 : i32
      %scan3A_713 = arith.constant 5 : i32
      %scan3A_714 = arith.constant 6 : i32
      %scan3A_715 = arith.constant 7 : i32
      %scan3A_716 = arith.constant 0 : i32
      %scan3A_717 = arith.constant 64 : i32
      %scan3A_718 = arith.addi %scan3A_716, %scan3A_717 : i32
      %scan3A_719 = arith.constant 1 : i32
      scf.for %scan3A_1022 = %scan3A_716 to %scan3A_718 step %scan3A_719  : i32 {
        %get3A = arith.constant 0 : i32
        %get3A_1023 = arith.constant 0 : i32
        %get3A_1024 = tpu.memref_slice %arg6[%scan3A_712, %get3A, %get3A_1023] : memref<10x64x128xf32, #tpu.memory_space<vmem>> -> memref<1x64x128xf32, #tpu.memory_space<vmem>>
        %get3A_1025 = tpu.memref_squeeze %get3A_1024 : memref<1x64x128xf32, #tpu.memory_space<vmem>> -> memref<64x128xf32, #tpu.memory_space<vmem>>
        %get3A_1026 = arith.index_cast %scan3A_1022 : i32 to index
        %get3A_1027 = arith.constant 0 : index
        %get3A_1028 = tpu.vector_load %get3A_1025[%get3A_1026, %get3A_1027] {strides = array<i32>} : memref<64x128xf32, #tpu.memory_space<vmem>>, vector<1x16xf32>,
        %get3A_1029 = vector.shape_cast %get3A_1028 : vector<1x16xf32> to vector<16xf32>
        %get3A_1030 = arith.constant 0 : i32
        %get3A_1031 = arith.constant 0 : i32
        %get3A_1032 = tpu.memref_slice %arg6[%scan3A_713, %get3A_1030, %get3A_1031] : memref<10x64x128xf32, #tpu.memory_space<vmem>> -> memref<1x64x128xf32, #tpu.memory_space<vmem>>
        %get3A_1033 = tpu.memref_squeeze %get3A_1032 : memref<1x64x128xf32, #tpu.memory_space<vmem>> -> memref<64x128xf32, #tpu.memory_space<vmem>>
        %get3A_1034 = arith.index_cast %scan3A_1022 : i32 to index
        %get3A_1035 = arith.constant 0 : index
        %get3A_1036 = tpu.vector_load %get3A_1033[%get3A_1034, %get3A_1035] {strides = array<i32>} : memref<64x128xf32, #tpu.memory_space<vmem>>, vector<1x16xf32>,
        %get3A_1037 = vector.shape_cast %get3A_1036 : vector<1x16xf32> to vector<16xf32>
        %get3A_1038 = arith.constant 0 : i32
        %get3A_1039 = arith.constant 0 : i32
        %get3A_1040 = tpu.memref_slice %arg6[%scan3A_714, %get3A_1038, %get3A_1039] : memref<10x64x128xf32, #tpu.memory_space<vmem>> -> memref<1x64x128xf32, #tpu.memory_space<vmem>>
        %get3A_1041 = tpu.memref_squeeze %get3A_1040 : memref<1x64x128xf32, #tpu.memory_space<vmem>> -> memref<64x128xf32, #tpu.memory_space<vmem>>
        %get3A_1042 = arith.index_cast %scan3A_1022 : i32 to index
        %get3A_1043 = arith.constant 0 : index
        %get3A_1044 = tpu.vector_load %get3A_1041[%get3A_1042, %get3A_1043] {strides = array<i32>} : memref<64x128xf32, #tpu.memory_space<vmem>>, vector<1x16xf32>,
        %get3A_1045 = vector.shape_cast %get3A_1044 : vector<1x16xf32> to vector<16xf32>
        %get3A_1046 = arith.constant 0 : i32
        %get3A_1047 = arith.constant 0 : i32
        %get3A_1048 = tpu.memref_slice %arg6[%scan3A_715, %get3A_1046, %get3A_1047] : memref<10x64x128xf32, #tpu.memory_space<vmem>> -> memref<1x64x128xf32, #tpu.memory_space<vmem>>
        %get3A_1049 = tpu.memref_squeeze %get3A_1048 : memref<1x64x128xf32, #tpu.memory_space<vmem>> -> memref<64x128xf32, #tpu.memory_space<vmem>>
        %get3A_1050 = arith.index_cast %scan3A_1022 : i32 to index
        %get3A_1051 = arith.constant 0 : index
        %get3A_1052 = tpu.vector_load %get3A_1049[%get3A_1050, %get3A_1051] {strides = array<i32>} : memref<64x128xf32, #tpu.memory_space<vmem>>, vector<1x16xf32>,
        %get3A_1053 = vector.shape_cast %get3A_1052 : vector<1x16xf32> to vector<16xf32>
        %add3A_1054 = arith.addf %get3A_1029, %get3A_1037 : vector<16xf32>
        %add3A_1055 = arith.addf %get3A_1045, %get3A_1053 : vector<16xf32>
        %add3A_1056 = arith.addf %add3A_1054, %add3A_1055 : vector<16xf32>
        %swap3A = arith.index_cast %scan3A_1022 : i32 to index
        %swap3A_1057 = arith.constant 0 : index
        %swap3A_1058 = tpu.vector_load %arg7[%swap3A, %swap3A_1057] {strides = array<i32>} : memref<64x128xf32, #tpu.memory_space<vmem>>, vector<1x16xf32>,
        %swap3A_1059 = vector.shape_cast %swap3A_1058 : vector<1x16xf32> to vector<16xf32>
        %swap3A_1060 = vector.shape_cast %add3A_1056 : vector<16xf32> to vector<1x16xf32>
        tpu.vector_store %arg7[%swap3A, %swap3A_1057], %swap3A_1060 {add = true, strides = array<i32>} : memref<64x128xf32, #tpu.memory_space<vmem>>, vector<1x16xf32>,
        %get3A_1061 = arith.constant 0 : i32
        %get3A_1062 = arith.constant 0 : i32
        %get3A_1063 = tpu.memref_slice %arg6[%scan3A_712, %get3A_1061, %get3A_1062] : memref<10x64x128xf32, #tpu.memory_space<vmem>> -> memref<1x64x128xf32, #tpu.memory_space<vmem>>
        %get3A_1064 = tpu.memref_squeeze %get3A_1063 : memref<1x64x128xf32, #tpu.memory_space<vmem>> -> memref<64x128xf32, #tpu.memory_space<vmem>>
        %get3A_1065 = arith.index_cast %scan3A_1022 : i32 to index
        %get3A_1066 = arith.constant 16 : index
        %get3A_1067 = tpu.vector_load %get3A_1064[%get3A_1065, %get3A_1066] {strides = array<i32>} : memref<64x128xf32, #tpu.memory_space<vmem>>, vector<1x16xf32>,
        %get3A_1068 = vector.shape_cast %get3A_1067 : vector<1x16xf32> to vector<16xf32>
        %get3A_1069 = arith.constant 0 : i32
        %get3A_1070 = arith.constant 0 : i32
        %get3A_1071 = tpu.memref_slice %arg6[%scan3A_713, %get3A_1069, %get3A_1070] : memref<10x64x128xf32, #tpu.memory_space<vmem>> -> memref<1x64x128xf32, #tpu.memory_space<vmem>>
        %get3A_1072 = tpu.memref_squeeze %get3A_1071 : memref<1x64x128xf32, #tpu.memory_space<vmem>> -> memref<64x128xf32, #tpu.memory_space<vmem>>
        %get3A_1073 = arith.index_cast %scan3A_1022 : i32 to index
        %get3A_1074 = arith.constant 16 : index
        %get3A_1075 = tpu.vector_load %get3A_1072[%get3A_1073, %get3A_1074] {strides = array<i32>} : memref<64x128xf32, #tpu.memory_space<vmem>>, vector<1x16xf32>,
        %get3A_1076 = vector.shape_cast %get3A_1075 : vector<1x16xf32> to vector<16xf32>
        %get3A_1077 = arith.constant 0 : i32
        %get3A_1078 = arith.constant 0 : i32
        %get3A_1079 = tpu.memref_slice %arg6[%scan3A_714, %get3A_1077, %get3A_1078] : memref<10x64x128xf32, #tpu.memory_space<vmem>> -> memref<1x64x128xf32, #tpu.memory_space<vmem>>
        %get3A_1080 = tpu.memref_squeeze %get3A_1079 : memref<1x64x128xf32, #tpu.memory_space<vmem>> -> memref<64x128xf32, #tpu.memory_space<vmem>>
        %get3A_1081 = arith.index_cast %scan3A_1022 : i32 to index
        %get3A_1082 = arith.constant 16 : index
        %get3A_1083 = tpu.vector_load %get3A_1080[%get3A_1081, %get3A_1082] {strides = array<i32>} : memref<64x128xf32, #tpu.memory_space<vmem>>, vector<1x16xf32>,
        %get3A_1084 = vector.shape_cast %get3A_1083 : vector<1x16xf32> to vector<16xf32>
        %get3A_1085 = arith.constant 0 : i32
        %get3A_1086 = arith.constant 0 : i32
        %get3A_1087 = tpu.memref_slice %arg6[%scan3A_715, %get3A_1085, %get3A_1086] : memref<10x64x128xf32, #tpu.memory_space<vmem>> -> memref<1x64x128xf32, #tpu.memory_space<vmem>>
        %get3A_1088 = tpu.memref_squeeze %get3A_1087 : memref<1x64x128xf32, #tpu.memory_space<vmem>> -> memref<64x128xf32, #tpu.memory_space<vmem>>
        %get3A_1089 = arith.index_cast %scan3A_1022 : i32 to index
        %get3A_1090 = arith.constant 16 : index
        %get3A_1091 = tpu.vector_load %get3A_1088[%get3A_1089, %get3A_1090] {strides = array<i32>} : memref<64x128xf32, #tpu.memory_space<vmem>>, vector<1x16xf32>,
        %get3A_1092 = vector.shape_cast %get3A_1091 : vector<1x16xf32> to vector<16xf32>
        %add3A_1093 = arith.addf %get3A_1068, %get3A_1076 : vector<16xf32>
        %add3A_1094 = arith.addf %get3A_1084, %get3A_1092 : vector<16xf32>
        %add3A_1095 = arith.addf %add3A_1093, %add3A_1094 : vector<16xf32>
        %swap3A_1096 = arith.index_cast %scan3A_1022 : i32 to index
        %swap3A_1097 = arith.constant 16 : index
        %swap3A_1098 = tpu.vector_load %arg7[%swap3A_1096, %swap3A_1097] {strides = array<i32>} : memref<64x128xf32, #tpu.memory_space<vmem>>, vector<1x16xf32>,
        %swap3A_1099 = vector.shape_cast %swap3A_1098 : vector<1x16xf32> to vector<16xf32>
        %swap3A_1100 = vector.shape_cast %add3A_1095 : vector<16xf32> to vector<1x16xf32>
        tpu.vector_store %arg7[%swap3A_1096, %swap3A_1097], %swap3A_1100 {add = true, strides = array<i32>} : memref<64x128xf32, #tpu.memory_space<vmem>>, vector<1x16xf32>,
        %get3A_1101 = arith.constant 0 : i32
        %get3A_1102 = arith.constant 0 : i32
        %get3A_1103 = tpu.memref_slice %arg6[%scan3A_712, %get3A_1101, %get3A_1102] : memref<10x64x128xf32, #tpu.memory_space<vmem>> -> memref<1x64x128xf32, #tpu.memory_space<vmem>>
        %get3A_1104 = tpu.memref_squeeze %get3A_1103 : memref<1x64x128xf32, #tpu.memory_space<vmem>> -> memref<64x128xf32, #tpu.memory_space<vmem>>
        %get3A_1105 = arith.index_cast %scan3A_1022 : i32 to index
        %get3A_1106 = arith.constant 32 : index
        %get3A_1107 = tpu.vector_load %get3A_1104[%get3A_1105, %get3A_1106] {strides = array<i32>} : memref<64x128xf32, #tpu.memory_space<vmem>>, vector<1x16xf32>,
        %get3A_1108 = vector.shape_cast %get3A_1107 : vector<1x16xf32> to vector<16xf32>
        %get3A_1109 = arith.constant 0 : i32
        %get3A_1110 = arith.constant 0 : i32
        %get3A_1111 = tpu.memref_slice %arg6[%scan3A_713, %get3A_1109, %get3A_1110] : memref<10x64x128xf32, #tpu.memory_space<vmem>> -> memref<1x64x128xf32, #tpu.memory_space<vmem>>
        %get3A_1112 = tpu.memref_squeeze %get3A_1111 : memref<1x64x128xf32, #tpu.memory_space<vmem>> -> memref<64x128xf32, #tpu.memory_space<vmem>>
        %get3A_1113 = arith.index_cast %scan3A_1022 : i32 to index
        %get3A_1114 = arith.constant 32 : index
        %get3A_1115 = tpu.vector_load %get3A_1112[%get3A_1113, %get3A_1114] {strides = array<i32>} : memref<64x128xf32, #tpu.memory_space<vmem>>, vector<1x16xf32>,
        %get3A_1116 = vector.shape_cast %get3A_1115 : vector<1x16xf32> to vector<16xf32>
        %get3A_1117 = arith.constant 0 : i32
        %get3A_1118 = arith.constant 0 : i32
        %get3A_1119 = tpu.memref_slice %arg6[%scan3A_714, %get3A_1117, %get3A_1118] : memref<10x64x128xf32, #tpu.memory_space<vmem>> -> memref<1x64x128xf32, #tpu.memory_space<vmem>>
        %get3A_1120 = tpu.memref_squeeze %get3A_1119 : memref<1x64x128xf32, #tpu.memory_space<vmem>> -> memref<64x128xf32, #tpu.memory_space<vmem>>
        %get3A_1121 = arith.index_cast %scan3A_1022 : i32 to index
        %get3A_1122 = arith.constant 32 : index
        %get3A_1123 = tpu.vector_load %get3A_1120[%get3A_1121, %get3A_1122] {strides = array<i32>} : memref<64x128xf32, #tpu.memory_space<vmem>>, vector<1x16xf32>,
        %get3A_1124 = vector.shape_cast %get3A_1123 : vector<1x16xf32> to vector<16xf32>
        %get3A_1125 = arith.constant 0 : i32
        %get3A_1126 = arith.constant 0 : i32
        %get3A_1127 = tpu.memref_slice %arg6[%scan3A_715, %get3A_1125, %get3A_1126] : memref<10x64x128xf32, #tpu.memory_space<vmem>> -> memref<1x64x128xf32, #tpu.memory_space<vmem>>
        %get3A_1128 = tpu.memref_squeeze %get3A_1127 : memref<1x64x128xf32, #tpu.memory_space<vmem>> -> memref<64x128xf32, #tpu.memory_space<vmem>>
        %get3A_1129 = arith.index_cast %scan3A_1022 : i32 to index
        %get3A_1130 = arith.constant 32 : index
        %get3A_1131 = tpu.vector_load %get3A_1128[%get3A_1129, %get3A_1130] {strides = array<i32>} : memref<64x128xf32, #tpu.memory_space<vmem>>, vector<1x16xf32>,
        %get3A_1132 = vector.shape_cast %get3A_1131 : vector<1x16xf32> to vector<16xf32>
        %add3A_1133 = arith.addf %get3A_1108, %get3A_1116 : vector<16xf32>
        %add3A_1134 = arith.addf %get3A_1124, %get3A_1132 : vector<16xf32>
        %add3A_1135 = arith.addf %add3A_1133, %add3A_1134 : vector<16xf32>
        %swap3A_1136 = arith.index_cast %scan3A_1022 : i32 to index
        %swap3A_1137 = arith.constant 32 : index
        %swap3A_1138 = tpu.vector_load %arg7[%swap3A_1136, %swap3A_1137] {strides = array<i32>} : memref<64x128xf32, #tpu.memory_space<vmem>>, vector<1x16xf32>,
        %swap3A_1139 = vector.shape_cast %swap3A_1138 : vector<1x16xf32> to vector<16xf32>
        %swap3A_1140 = vector.shape_cast %add3A_1135 : vector<16xf32> to vector<1x16xf32>
        tpu.vector_store %arg7[%swap3A_1136, %swap3A_1137], %swap3A_1140 {add = true, strides = array<i32>} : memref<64x128xf32, #tpu.memory_space<vmem>>, vector<1x16xf32>,
        %get3A_1141 = arith.constant 0 : i32
        %get3A_1142 = arith.constant 0 : i32
        %get3A_1143 = tpu.memref_slice %arg6[%scan3A_712, %get3A_1141, %get3A_1142] : memref<10x64x128xf32, #tpu.memory_space<vmem>> -> memref<1x64x128xf32, #tpu.memory_space<vmem>>
        %get3A_1144 = tpu.memref_squeeze %get3A_1143 : memref<1x64x128xf32, #tpu.memory_space<vmem>> -> memref<64x128xf32, #tpu.memory_space<vmem>>
        %get3A_1145 = arith.index_cast %scan3A_1022 : i32 to index
        %get3A_1146 = arith.constant 48 : index
        %get3A_1147 = tpu.vector_load %get3A_1144[%get3A_1145, %get3A_1146] {strides = array<i32>} : memref<64x128xf32, #tpu.memory_space<vmem>>, vector<1x16xf32>,
        %get3A_1148 = vector.shape_cast %get3A_1147 : vector<1x16xf32> to vector<16xf32>
        %get3A_1149 = arith.constant 0 : i32
        %get3A_1150 = arith.constant 0 : i32
        %get3A_1151 = tpu.memref_slice %arg6[%scan3A_713, %get3A_1149, %get3A_1150] : memref<10x64x128xf32, #tpu.memory_space<vmem>> -> memref<1x64x128xf32, #tpu.memory_space<vmem>>
        %get3A_1152 = tpu.memref_squeeze %get3A_1151 : memref<1x64x128xf32, #tpu.memory_space<vmem>> -> memref<64x128xf32, #tpu.memory_space<vmem>>
        %get3A_1153 = arith.index_cast %scan3A_1022 : i32 to index
        %get3A_1154 = arith.constant 48 : index
        %get3A_1155 = tpu.vector_load %get3A_1152[%get3A_1153, %get3A_1154] {strides = array<i32>} : memref<64x128xf32, #tpu.memory_space<vmem>>, vector<1x16xf32>,
        %get3A_1156 = vector.shape_cast %get3A_1155 : vector<1x16xf32> to vector<16xf32>
        %get3A_1157 = arith.constant 0 : i32
        %get3A_1158 = arith.constant 0 : i32
        %get3A_1159 = tpu.memref_slice %arg6[%scan3A_714, %get3A_1157, %get3A_1158] : memref<10x64x128xf32, #tpu.memory_space<vmem>> -> memref<1x64x128xf32, #tpu.memory_space<vmem>>
        %get3A_1160 = tpu.memref_squeeze %get3A_1159 : memref<1x64x128xf32, #tpu.memory_space<vmem>> -> memref<64x128xf32, #tpu.memory_space<vmem>>
        %get3A_1161 = arith.index_cast %scan3A_1022 : i32 to index
        %get3A_1162 = arith.constant 48 : index
        %get3A_1163 = tpu.vector_load %get3A_1160[%get3A_1161, %get3A_1162] {strides = array<i32>} : memref<64x128xf32, #tpu.memory_space<vmem>>, vector<1x16xf32>,
        %get3A_1164 = vector.shape_cast %get3A_1163 : vector<1x16xf32> to vector<16xf32>
        %get3A_1165 = arith.constant 0 : i32
        %get3A_1166 = arith.constant 0 : i32
        %get3A_1167 = tpu.memref_slice %arg6[%scan3A_715, %get3A_1165, %get3A_1166] : memref<10x64x128xf32, #tpu.memory_space<vmem>> -> memref<1x64x128xf32, #tpu.memory_space<vmem>>
        %get3A_1168 = tpu.memref_squeeze %get3A_1167 : memref<1x64x128xf32, #tpu.memory_space<vmem>> -> memref<64x128xf32, #tpu.memory_space<vmem>>
        %get3A_1169 = arith.index_cast %scan3A_1022 : i32 to index
        %get3A_1170 = arith.constant 48 : index
        %get3A_1171 = tpu.vector_load %get3A_1168[%get3A_1169, %get3A_1170] {strides = array<i32>} : memref<64x128xf32, #tpu.memory_space<vmem>>, vector<1x16xf32>,
        %get3A_1172 = vector.shape_cast %get3A_1171 : vector<1x16xf32> to vector<16xf32>
        %add3A_1173 = arith.addf %get3A_1148, %get3A_1156 : vector<16xf32>
        %add3A_1174 = arith.addf %get3A_1164, %get3A_1172 : vector<16xf32>
        %add3A_1175 = arith.addf %add3A_1173, %add3A_1174 : vector<16xf32>
        %swap3A_1176 = arith.index_cast %scan3A_1022 : i32 to index
        %swap3A_1177 = arith.constant 48 : index
        %swap3A_1178 = tpu.vector_load %arg7[%swap3A_1176, %swap3A_1177] {strides = array<i32>} : memref<64x128xf32, #tpu.memory_space<vmem>>, vector<1x16xf32>,
        %swap3A_1179 = vector.shape_cast %swap3A_1178 : vector<1x16xf32> to vector<16xf32>
        %swap3A_1180 = vector.shape_cast %add3A_1175 : vector<16xf32> to vector<1x16xf32>
        tpu.vector_store %arg7[%swap3A_1176, %swap3A_1177], %swap3A_1180 {add = true, strides = array<i32>} : memref<64x128xf32, #tpu.memory_space<vmem>>, vector<1x16xf32>,
        %get3A_1181 = arith.constant 0 : i32
        %get3A_1182 = arith.constant 0 : i32
        %get3A_1183 = tpu.memref_slice %arg6[%scan3A_712, %get3A_1181, %get3A_1182] : memref<10x64x128xf32, #tpu.memory_space<vmem>> -> memref<1x64x128xf32, #tpu.memory_space<vmem>>
        %get3A_1184 = tpu.memref_squeeze %get3A_1183 : memref<1x64x128xf32, #tpu.memory_space<vmem>> -> memref<64x128xf32, #tpu.memory_space<vmem>>
        %get3A_1185 = arith.index_cast %scan3A_1022 : i32 to index
        %get3A_1186 = arith.constant 64 : index
        %get3A_1187 = tpu.vector_load %get3A_1184[%get3A_1185, %get3A_1186] {strides = array<i32>} : memref<64x128xf32, #tpu.memory_space<vmem>>, vector<1x16xf32>,
        %get3A_1188 = vector.shape_cast %get3A_1187 : vector<1x16xf32> to vector<16xf32>
        %get3A_1189 = arith.constant 0 : i32
        %get3A_1190 = arith.constant 0 : i32
        %get3A_1191 = tpu.memref_slice %arg6[%scan3A_713, %get3A_1189, %get3A_1190] : memref<10x64x128xf32, #tpu.memory_space<vmem>> -> memref<1x64x128xf32, #tpu.memory_space<vmem>>
        %get3A_1192 = tpu.memref_squeeze %get3A_1191 : memref<1x64x128xf32, #tpu.memory_space<vmem>> -> memref<64x128xf32, #tpu.memory_space<vmem>>
        %get3A_1193 = arith.index_cast %scan3A_1022 : i32 to index
        %get3A_1194 = arith.constant 64 : index
        %get3A_1195 = tpu.vector_load %get3A_1192[%get3A_1193, %get3A_1194] {strides = array<i32>} : memref<64x128xf32, #tpu.memory_space<vmem>>, vector<1x16xf32>,
        %get3A_1196 = vector.shape_cast %get3A_1195 : vector<1x16xf32> to vector<16xf32>
        %get3A_1197 = arith.constant 0 : i32
        %get3A_1198 = arith.constant 0 : i32
        %get3A_1199 = tpu.memref_slice %arg6[%scan3A_714, %get3A_1197, %get3A_1198] : memref<10x64x128xf32, #tpu.memory_space<vmem>> -> memref<1x64x128xf32, #tpu.memory_space<vmem>>
        %get3A_1200 = tpu.memref_squeeze %get3A_1199 : memref<1x64x128xf32, #tpu.memory_space<vmem>> -> memref<64x128xf32, #tpu.memory_space<vmem>>
        %get3A_1201 = arith.index_cast %scan3A_1022 : i32 to index
        %get3A_1202 = arith.constant 64 : index
        %get3A_1203 = tpu.vector_load %get3A_1200[%get3A_1201, %get3A_1202] {strides = array<i32>} : memref<64x128xf32, #tpu.memory_space<vmem>>, vector<1x16xf32>,
        %get3A_1204 = vector.shape_cast %get3A_1203 : vector<1x16xf32> to vector<16xf32>
        %get3A_1205 = arith.constant 0 : i32
        %get3A_1206 = arith.constant 0 : i32
        %get3A_1207 = tpu.memref_slice %arg6[%scan3A_715, %get3A_1205, %get3A_1206] : memref<10x64x128xf32, #tpu.memory_space<vmem>> -> memref<1x64x128xf32, #tpu.memory_space<vmem>>
        %get3A_1208 = tpu.memref_squeeze %get3A_1207 : memref<1x64x128xf32, #tpu.memory_space<vmem>> -> memref<64x128xf32, #tpu.memory_space<vmem>>
        %get3A_1209 = arith.index_cast %scan3A_1022 : i32 to index
        %get3A_1210 = arith.constant 64 : index
        %get3A_1211 = tpu.vector_load %get3A_1208[%get3A_1209, %get3A_1210] {strides = array<i32>} : memref<64x128xf32, #tpu.memory_space<vmem>>, vector<1x16xf32>,
        %get3A_1212 = vector.shape_cast %get3A_1211 : vector<1x16xf32> to vector<16xf32>
        %add3A_1213 = arith.addf %get3A_1188, %get3A_1196 : vector<16xf32>
        %add3A_1214 = arith.addf %get3A_1204, %get3A_1212 : vector<16xf32>
        %add3A_1215 = arith.addf %add3A_1213, %add3A_1214 : vector<16xf32>
        %swap3A_1216 = arith.index_cast %scan3A_1022 : i32 to index
        %swap3A_1217 = arith.constant 64 : index
        %swap3A_1218 = tpu.vector_load %arg7[%swap3A_1216, %swap3A_1217] {strides = array<i32>} : memref<64x128xf32, #tpu.memory_space<vmem>>, vector<1x16xf32>,
        %swap3A_1219 = vector.shape_cast %swap3A_1218 : vector<1x16xf32> to vector<16xf32>
        %swap3A_1220 = vector.shape_cast %add3A_1215 : vector<16xf32> to vector<1x16xf32>
        tpu.vector_store %arg7[%swap3A_1216, %swap3A_1217], %swap3A_1220 {add = true, strides = array<i32>} : memref<64x128xf32, #tpu.memory_space<vmem>>, vector<1x16xf32>,
        %get3A_1221 = arith.constant 0 : i32
        %get3A_1222 = arith.constant 0 : i32
        %get3A_1223 = tpu.memref_slice %arg6[%scan3A_712, %get3A_1221, %get3A_1222] : memref<10x64x128xf32, #tpu.memory_space<vmem>> -> memref<1x64x128xf32, #tpu.memory_space<vmem>>
        %get3A_1224 = tpu.memref_squeeze %get3A_1223 : memref<1x64x128xf32, #tpu.memory_space<vmem>> -> memref<64x128xf32, #tpu.memory_space<vmem>>
        %get3A_1225 = arith.index_cast %scan3A_1022 : i32 to index
        %get3A_1226 = arith.constant 80 : index
        %get3A_1227 = tpu.vector_load %get3A_1224[%get3A_1225, %get3A_1226] {strides = array<i32>} : memref<64x128xf32, #tpu.memory_space<vmem>>, vector<1x16xf32>,
        %get3A_1228 = vector.shape_cast %get3A_1227 : vector<1x16xf32> to vector<16xf32>
        %get3A_1229 = arith.constant 0 : i32
        %get3A_1230 = arith.constant 0 : i32
        %get3A_1231 = tpu.memref_slice %arg6[%scan3A_713, %get3A_1229, %get3A_1230] : memref<10x64x128xf32, #tpu.memory_space<vmem>> -> memref<1x64x128xf32, #tpu.memory_space<vmem>>
        %get3A_1232 = tpu.memref_squeeze %get3A_1231 : memref<1x64x128xf32, #tpu.memory_space<vmem>> -> memref<64x128xf32, #tpu.memory_space<vmem>>
        %get3A_1233 = arith.index_cast %scan3A_1022 : i32 to index
        %get3A_1234 = arith.constant 80 : index
        %get3A_1235 = tpu.vector_load %get3A_1232[%get3A_1233, %get3A_1234] {strides = array<i32>} : memref<64x128xf32, #tpu.memory_space<vmem>>, vector<1x16xf32>,
        %get3A_1236 = vector.shape_cast %get3A_1235 : vector<1x16xf32> to vector<16xf32>
        %get3A_1237 = arith.constant 0 : i32
        %get3A_1238 = arith.constant 0 : i32
        %get3A_1239 = tpu.memref_slice %arg6[%scan3A_714, %get3A_1237, %get3A_1238] : memref<10x64x128xf32, #tpu.memory_space<vmem>> -> memref<1x64x128xf32, #tpu.memory_space<vmem>>
        %get3A_1240 = tpu.memref_squeeze %get3A_1239 : memref<1x64x128xf32, #tpu.memory_space<vmem>> -> memref<64x128xf32, #tpu.memory_space<vmem>>
        %get3A_1241 = arith.index_cast %scan3A_1022 : i32 to index
        %get3A_1242 = arith.constant 80 : index
        %get3A_1243 = tpu.vector_load %get3A_1240[%get3A_1241, %get3A_1242] {strides = array<i32>} : memref<64x128xf32, #tpu.memory_space<vmem>>, vector<1x16xf32>,
        %get3A_1244 = vector.shape_cast %get3A_1243 : vector<1x16xf32> to vector<16xf32>
        %get3A_1245 = arith.constant 0 : i32
        %get3A_1246 = arith.constant 0 : i32
        %get3A_1247 = tpu.memref_slice %arg6[%scan3A_715, %get3A_1245, %get3A_1246] : memref<10x64x128xf32, #tpu.memory_space<vmem>> -> memref<1x64x128xf32, #tpu.memory_space<vmem>>
        %get3A_1248 = tpu.memref_squeeze %get3A_1247 : memref<1x64x128xf32, #tpu.memory_space<vmem>> -> memref<64x128xf32, #tpu.memory_space<vmem>>
        %get3A_1249 = arith.index_cast %scan3A_1022 : i32 to index
        %get3A_1250 = arith.constant 80 : index
        %get3A_1251 = tpu.vector_load %get3A_1248[%get3A_1249, %get3A_1250] {strides = array<i32>} : memref<64x128xf32, #tpu.memory_space<vmem>>, vector<1x16xf32>,
        %get3A_1252 = vector.shape_cast %get3A_1251 : vector<1x16xf32> to vector<16xf32>
        %add3A_1253 = arith.addf %get3A_1228, %get3A_1236 : vector<16xf32>
        %add3A_1254 = arith.addf %get3A_1244, %get3A_1252 : vector<16xf32>
        %add3A_1255 = arith.addf %add3A_1253, %add3A_1254 : vector<16xf32>
        %swap3A_1256 = arith.index_cast %scan3A_1022 : i32 to index
        %swap3A_1257 = arith.constant 80 : index
        %swap3A_1258 = tpu.vector_load %arg7[%swap3A_1256, %swap3A_1257] {strides = array<i32>} : memref<64x128xf32, #tpu.memory_space<vmem>>, vector<1x16xf32>,
        %swap3A_1259 = vector.shape_cast %swap3A_1258 : vector<1x16xf32> to vector<16xf32>
        %swap3A_1260 = vector.shape_cast %add3A_1255 : vector<16xf32> to vector<1x16xf32>
        tpu.vector_store %arg7[%swap3A_1256, %swap3A_1257], %swap3A_1260 {add = true, strides = array<i32>} : memref<64x128xf32, #tpu.memory_space<vmem>>, vector<1x16xf32>,
        %get3A_1261 = arith.constant 0 : i32
        %get3A_1262 = arith.constant 0 : i32
        %get3A_1263 = tpu.memref_slice %arg6[%scan3A_712, %get3A_1261, %get3A_1262] : memref<10x64x128xf32, #tpu.memory_space<vmem>> -> memref<1x64x128xf32, #tpu.memory_space<vmem>>
        %get3A_1264 = tpu.memref_squeeze %get3A_1263 : memref<1x64x128xf32, #tpu.memory_space<vmem>> -> memref<64x128xf32, #tpu.memory_space<vmem>>
        %get3A_1265 = arith.index_cast %scan3A_1022 : i32 to index
        %get3A_1266 = arith.constant 96 : index
        %get3A_1267 = tpu.vector_load %get3A_1264[%get3A_1265, %get3A_1266] {strides = array<i32>} : memref<64x128xf32, #tpu.memory_space<vmem>>, vector<1x16xf32>,
        %get3A_1268 = vector.shape_cast %get3A_1267 : vector<1x16xf32> to vector<16xf32>
        %get3A_1269 = arith.constant 0 : i32
        %get3A_1270 = arith.constant 0 : i32
        %get3A_1271 = tpu.memref_slice %arg6[%scan3A_713, %get3A_1269, %get3A_1270] : memref<10x64x128xf32, #tpu.memory_space<vmem>> -> memref<1x64x128xf32, #tpu.memory_space<vmem>>
        %get3A_1272 = tpu.memref_squeeze %get3A_1271 : memref<1x64x128xf32, #tpu.memory_space<vmem>> -> memref<64x128xf32, #tpu.memory_space<vmem>>
        %get3A_1273 = arith.index_cast %scan3A_1022 : i32 to index
        %get3A_1274 = arith.constant 96 : index
        %get3A_1275 = tpu.vector_load %get3A_1272[%get3A_1273, %get3A_1274] {strides = array<i32>} : memref<64x128xf32, #tpu.memory_space<vmem>>, vector<1x16xf32>,
        %get3A_1276 = vector.shape_cast %get3A_1275 : vector<1x16xf32> to vector<16xf32>
        %get3A_1277 = arith.constant 0 : i32
        %get3A_1278 = arith.constant 0 : i32
        %get3A_1279 = tpu.memref_slice %arg6[%scan3A_714, %get3A_1277, %get3A_1278] : memref<10x64x128xf32, #tpu.memory_space<vmem>> -> memref<1x64x128xf32, #tpu.memory_space<vmem>>
        %get3A_1280 = tpu.memref_squeeze %get3A_1279 : memref<1x64x128xf32, #tpu.memory_space<vmem>> -> memref<64x128xf32, #tpu.memory_space<vmem>>
        %get3A_1281 = arith.index_cast %scan3A_1022 : i32 to index
        %get3A_1282 = arith.constant 96 : index
        %get3A_1283 = tpu.vector_load %get3A_1280[%get3A_1281, %get3A_1282] {strides = array<i32>} : memref<64x128xf32, #tpu.memory_space<vmem>>, vector<1x16xf32>,
        %get3A_1284 = vector.shape_cast %get3A_1283 : vector<1x16xf32> to vector<16xf32>
        %get3A_1285 = arith.constant 0 : i32
        %get3A_1286 = arith.constant 0 : i32
        %get3A_1287 = tpu.memref_slice %arg6[%scan3A_715, %get3A_1285, %get3A_1286] : memref<10x64x128xf32, #tpu.memory_space<vmem>> -> memref<1x64x128xf32, #tpu.memory_space<vmem>>
        %get3A_1288 = tpu.memref_squeeze %get3A_1287 : memref<1x64x128xf32, #tpu.memory_space<vmem>> -> memref<64x128xf32, #tpu.memory_space<vmem>>
        %get3A_1289 = arith.index_cast %scan3A_1022 : i32 to index
        %get3A_1290 = arith.constant 96 : index
        %get3A_1291 = tpu.vector_load %get3A_1288[%get3A_1289, %get3A_1290] {strides = array<i32>} : memref<64x128xf32, #tpu.memory_space<vmem>>, vector<1x16xf32>,
        %get3A_1292 = vector.shape_cast %get3A_1291 : vector<1x16xf32> to vector<16xf32>
        %add3A_1293 = arith.addf %get3A_1268, %get3A_1276 : vector<16xf32>
        %add3A_1294 = arith.addf %get3A_1284, %get3A_1292 : vector<16xf32>
        %add3A_1295 = arith.addf %add3A_1293, %add3A_1294 : vector<16xf32>
        %swap3A_1296 = arith.index_cast %scan3A_1022 : i32 to index
        %swap3A_1297 = arith.constant 96 : index
        %swap3A_1298 = tpu.vector_load %arg7[%swap3A_1296, %swap3A_1297] {strides = array<i32>} : memref<64x128xf32, #tpu.memory_space<vmem>>, vector<1x16xf32>,
        %swap3A_1299 = vector.shape_cast %swap3A_1298 : vector<1x16xf32> to vector<16xf32>
        %swap3A_1300 = vector.shape_cast %add3A_1295 : vector<16xf32> to vector<1x16xf32>
        tpu.vector_store %arg7[%swap3A_1296, %swap3A_1297], %swap3A_1300 {add = true, strides = array<i32>} : memref<64x128xf32, #tpu.memory_space<vmem>>, vector<1x16xf32>,
        %get3A_1301 = arith.constant 0 : i32
        %get3A_1302 = arith.constant 0 : i32
        %get3A_1303 = tpu.memref_slice %arg6[%scan3A_712, %get3A_1301, %get3A_1302] : memref<10x64x128xf32, #tpu.memory_space<vmem>> -> memref<1x64x128xf32, #tpu.memory_space<vmem>>
        %get3A_1304 = tpu.memref_squeeze %get3A_1303 : memref<1x64x128xf32, #tpu.memory_space<vmem>> -> memref<64x128xf32, #tpu.memory_space<vmem>>
        %get3A_1305 = arith.index_cast %scan3A_1022 : i32 to index
        %get3A_1306 = arith.constant 112 : index
        %get3A_1307 = tpu.vector_load %get3A_1304[%get3A_1305, %get3A_1306] {strides = array<i32>} : memref<64x128xf32, #tpu.memory_space<vmem>>, vector<1x16xf32>,
        %get3A_1308 = vector.shape_cast %get3A_1307 : vector<1x16xf32> to vector<16xf32>
        %get3A_1309 = arith.constant 0 : i32
        %get3A_1310 = arith.constant 0 : i32
        %get3A_1311 = tpu.memref_slice %arg6[%scan3A_713, %get3A_1309, %get3A_1310] : memref<10x64x128xf32, #tpu.memory_space<vmem>> -> memref<1x64x128xf32, #tpu.memory_space<vmem>>
        %get3A_1312 = tpu.memref_squeeze %get3A_1311 : memref<1x64x128xf32, #tpu.memory_space<vmem>> -> memref<64x128xf32, #tpu.memory_space<vmem>>
        %get3A_1313 = arith.index_cast %scan3A_1022 : i32 to index
        %get3A_1314 = arith.constant 112 : index
        %get3A_1315 = tpu.vector_load %get3A_1312[%get3A_1313, %get3A_1314] {strides = array<i32>} : memref<64x128xf32, #tpu.memory_space<vmem>>, vector<1x16xf32>,
        %get3A_1316 = vector.shape_cast %get3A_1315 : vector<1x16xf32> to vector<16xf32>
        %get3A_1317 = arith.constant 0 : i32
        %get3A_1318 = arith.constant 0 : i32
        %get3A_1319 = tpu.memref_slice %arg6[%scan3A_714, %get3A_1317, %get3A_1318] : memref<10x64x128xf32, #tpu.memory_space<vmem>> -> memref<1x64x128xf32, #tpu.memory_space<vmem>>
        %get3A_1320 = tpu.memref_squeeze %get3A_1319 : memref<1x64x128xf32, #tpu.memory_space<vmem>> -> memref<64x128xf32, #tpu.memory_space<vmem>>
        %get3A_1321 = arith.index_cast %scan3A_1022 : i32 to index
        %get3A_1322 = arith.constant 112 : index
        %get3A_1323 = tpu.vector_load %get3A_1320[%get3A_1321, %get3A_1322] {strides = array<i32>} : memref<64x128xf32, #tpu.memory_space<vmem>>, vector<1x16xf32>,
        %get3A_1324 = vector.shape_cast %get3A_1323 : vector<1x16xf32> to vector<16xf32>
        %get3A_1325 = arith.constant 0 : i32
        %get3A_1326 = arith.constant 0 : i32
        %get3A_1327 = tpu.memref_slice %arg6[%scan3A_715, %get3A_1325, %get3A_1326] : memref<10x64x128xf32, #tpu.memory_space<vmem>> -> memref<1x64x128xf32, #tpu.memory_space<vmem>>
        %get3A_1328 = tpu.memref_squeeze %get3A_1327 : memref<1x64x128xf32, #tpu.memory_space<vmem>> -> memref<64x128xf32, #tpu.memory_space<vmem>>
        %get3A_1329 = arith.index_cast %scan3A_1022 : i32 to index
        %get3A_1330 = arith.constant 112 : index
        %get3A_1331 = tpu.vector_load %get3A_1328[%get3A_1329, %get3A_1330] {strides = array<i32>} : memref<64x128xf32, #tpu.memory_space<vmem>>, vector<1x16xf32>,
        %get3A_1332 = vector.shape_cast %get3A_1331 : vector<1x16xf32> to vector<16xf32>
        %add3A_1333 = arith.addf %get3A_1308, %get3A_1316 : vector<16xf32>
        %add3A_1334 = arith.addf %get3A_1324, %get3A_1332 : vector<16xf32>
        %add3A_1335 = arith.addf %add3A_1333, %add3A_1334 : vector<16xf32>
        %swap3A_1336 = arith.index_cast %scan3A_1022 : i32 to index
        %swap3A_1337 = arith.constant 112 : index
        %swap3A_1338 = tpu.vector_load %arg7[%swap3A_1336, %swap3A_1337] {strides = array<i32>} : memref<64x128xf32, #tpu.memory_space<vmem>>, vector<1x16xf32>,
        %swap3A_1339 = vector.shape_cast %swap3A_1338 : vector<1x16xf32> to vector<16xf32>
        %swap3A_1340 = vector.shape_cast %add3A_1335 : vector<16xf32> to vector<1x16xf32>
        tpu.vector_store %arg7[%swap3A_1336, %swap3A_1337], %swap3A_1340 {add = true, strides = array<i32>} : memref<64x128xf32, #tpu.memory_space<vmem>>, vector<1x16xf32>,
      }
      %scan3A_720 = arith.constant 64 : i32
      %mul3A_721 = arith.constant 64 : i32
      %mul3A_722 = arith.muli %scan3A_177, %mul3A_721 : i32
      %dma_start3A_723 = arith.constant 20 : i32
      %dma_start3A_724 = arith.constant 20 : i32
      %dma_start3A_725 = arith.constant 4 : i32
      %dma_start3A_726 = arith.constant 0 : i32
      %dma_start3A_727 = arith.constant 0 : i32
      %dma_start3A_728 = tpu.memref_slice %arg6[%dma_start3A_725, %dma_start3A_726, %dma_start3A_727] : memref<10x64x128xf32, #tpu.memory_space<vmem>> -> memref<1x64x128xf32, #tpu.memory_space<vmem>>
      %dma_start3A_729 = tpu.memref_squeeze %dma_start3A_728 : memref<1x64x128xf32, #tpu.memory_space<vmem>> -> memref<64x128xf32, #tpu.memory_space<vmem>>
      %dma_start3A_730 = tpu.memref_slice %arg5[%dma_start3A_724, %mul3A_722] : memref<26x512xi32, #tpu.memory_space<vmem>> -> memref<1x64xi32, #tpu.memory_space<vmem>>
      %dma_start3A_731 = tpu.memref_squeeze %dma_start3A_730 : memref<1x64xi32, #tpu.memory_space<vmem>> -> memref<64xi32, #tpu.memory_space<vmem>>
      %dma_start3A_732 = arith.constant 0 : i32
      %dma_start3A_733 = arith.constant 0 : i32
      %dma_start3A_734 = tpu.memref_slice %arg3[%dma_start3A_723, %dma_start3A_732, %dma_start3A_733] : memref<26x100001x128xf32, #tpu.memory_space<hbm>> -> memref<1x100001x128xf32, #tpu.memory_space<hbm>>
      %dma_start3A_735 = tpu.memref_squeeze %dma_start3A_734 : memref<1x100001x128xf32, #tpu.memory_space<hbm>> -> memref<100001x128xf32, #tpu.memory_space<hbm>>
      %dma_start3A_736 = arith.constant 0 : i32
      %dma_start3A_737 = arith.constant 0 : i32
      %dma_start3A_738 = tpu.memref_slice %dma_start3A_735[%dma_start3A_736, %dma_start3A_737] : memref<100001x128xf32, #tpu.memory_space<hbm>> -> memref<100001x128xf32, #tpu.memory_space<hbm>>
      tpu.enqueue_indirect_dma source(%dma_start3A_738 : memref<100001x128xf32, #tpu.memory_space<hbm>>) target(%dma_start3A_729 : memref<64x128xf32, #tpu.memory_space<vmem>>) offsets(%dma_start3A_731 : memref<64xi32, #tpu.memory_space<vmem>>) semaphore(%arg12 : memref<!tpu.dma_semaphore, #tpu.memory_space<semaphore_mem>>)
      %mul3A_739 = arith.constant 64 : i32
      %mul3A_740 = arith.muli %scan3A_177, %mul3A_739 : i32
      %dma_start3A_741 = arith.constant 21 : i32
      %dma_start3A_742 = arith.constant 21 : i32
      %dma_start3A_743 = arith.constant 5 : i32
      %dma_start3A_744 = arith.constant 0 : i32
      %dma_start3A_745 = arith.constant 0 : i32
      %dma_start3A_746 = tpu.memref_slice %arg6[%dma_start3A_743, %dma_start3A_744, %dma_start3A_745] : memref<10x64x128xf32, #tpu.memory_space<vmem>> -> memref<1x64x128xf32, #tpu.memory_space<vmem>>
      %dma_start3A_747 = tpu.memref_squeeze %dma_start3A_746 : memref<1x64x128xf32, #tpu.memory_space<vmem>> -> memref<64x128xf32, #tpu.memory_space<vmem>>
      %dma_start3A_748 = tpu.memref_slice %arg5[%dma_start3A_742, %mul3A_740] : memref<26x512xi32, #tpu.memory_space<vmem>> -> memref<1x64xi32, #tpu.memory_space<vmem>>
      %dma_start3A_749 = tpu.memref_squeeze %dma_start3A_748 : memref<1x64xi32, #tpu.memory_space<vmem>> -> memref<64xi32, #tpu.memory_space<vmem>>
      %dma_start3A_750 = arith.constant 0 : i32
      %dma_start3A_751 = arith.constant 0 : i32
      %dma_start3A_752 = tpu.memref_slice %arg3[%dma_start3A_741, %dma_start3A_750, %dma_start3A_751] : memref<26x100001x128xf32, #tpu.memory_space<hbm>> -> memref<1x100001x128xf32, #tpu.memory_space<hbm>>
      %dma_start3A_753 = tpu.memref_squeeze %dma_start3A_752 : memref<1x100001x128xf32, #tpu.memory_space<hbm>> -> memref<100001x128xf32, #tpu.memory_space<hbm>>
      %dma_start3A_754 = arith.constant 0 : i32
      %dma_start3A_755 = arith.constant 0 : i32
      %dma_start3A_756 = tpu.memref_slice %dma_start3A_753[%dma_start3A_754, %dma_start3A_755] : memref<100001x128xf32, #tpu.memory_space<hbm>> -> memref<100001x128xf32, #tpu.memory_space<hbm>>
      tpu.enqueue_indirect_dma source(%dma_start3A_756 : memref<100001x128xf32, #tpu.memory_space<hbm>>) target(%dma_start3A_747 : memref<64x128xf32, #tpu.memory_space<vmem>>) offsets(%dma_start3A_749 : memref<64xi32, #tpu.memory_space<vmem>>) semaphore(%arg13 : memref<!tpu.dma_semaphore, #tpu.memory_space<semaphore_mem>>)
      %mul3A_757 = arith.constant 64 : i32
      %mul3A_758 = arith.muli %scan3A_177, %mul3A_757 : i32
      %dma_start3A_759 = arith.constant 22 : i32
      %dma_start3A_760 = arith.constant 22 : i32
      %dma_start3A_761 = arith.constant 6 : i32
      %dma_start3A_762 = arith.constant 0 : i32
      %dma_start3A_763 = arith.constant 0 : i32
      %dma_start3A_764 = tpu.memref_slice %arg6[%dma_start3A_761, %dma_start3A_762, %dma_start3A_763] : memref<10x64x128xf32, #tpu.memory_space<vmem>> -> memref<1x64x128xf32, #tpu.memory_space<vmem>>
      %dma_start3A_765 = tpu.memref_squeeze %dma_start3A_764 : memref<1x64x128xf32, #tpu.memory_space<vmem>> -> memref<64x128xf32, #tpu.memory_space<vmem>>
      %dma_start3A_766 = tpu.memref_slice %arg5[%dma_start3A_760, %mul3A_758] : memref<26x512xi32, #tpu.memory_space<vmem>> -> memref<1x64xi32, #tpu.memory_space<vmem>>
      %dma_start3A_767 = tpu.memref_squeeze %dma_start3A_766 : memref<1x64xi32, #tpu.memory_space<vmem>> -> memref<64xi32, #tpu.memory_space<vmem>>
      %dma_start3A_768 = arith.constant 0 : i32
      %dma_start3A_769 = arith.constant 0 : i32
      %dma_start3A_770 = tpu.memref_slice %arg3[%dma_start3A_759, %dma_start3A_768, %dma_start3A_769] : memref<26x100001x128xf32, #tpu.memory_space<hbm>> -> memref<1x100001x128xf32, #tpu.memory_space<hbm>>
      %dma_start3A_771 = tpu.memref_squeeze %dma_start3A_770 : memref<1x100001x128xf32, #tpu.memory_space<hbm>> -> memref<100001x128xf32, #tpu.memory_space<hbm>>
      %dma_start3A_772 = arith.constant 0 : i32
      %dma_start3A_773 = arith.constant 0 : i32
      %dma_start3A_774 = tpu.memref_slice %dma_start3A_771[%dma_start3A_772, %dma_start3A_773] : memref<100001x128xf32, #tpu.memory_space<hbm>> -> memref<100001x128xf32, #tpu.memory_space<hbm>>
      tpu.enqueue_indirect_dma source(%dma_start3A_774 : memref<100001x128xf32, #tpu.memory_space<hbm>>) target(%dma_start3A_765 : memref<64x128xf32, #tpu.memory_space<vmem>>) offsets(%dma_start3A_767 : memref<64xi32, #tpu.memory_space<vmem>>) semaphore(%arg14 : memref<!tpu.dma_semaphore, #tpu.memory_space<semaphore_mem>>)
      %mul3A_775 = arith.constant 64 : i32
      %mul3A_776 = arith.muli %scan3A_177, %mul3A_775 : i32
      %dma_start3A_777 = arith.constant 23 : i32
      %dma_start3A_778 = arith.constant 23 : i32
      %dma_start3A_779 = arith.constant 7 : i32
      %dma_start3A_780 = arith.constant 0 : i32
      %dma_start3A_781 = arith.constant 0 : i32
      %dma_start3A_782 = tpu.memref_slice %arg6[%dma_start3A_779, %dma_start3A_780, %dma_start3A_781] : memref<10x64x128xf32, #tpu.memory_space<vmem>> -> memref<1x64x128xf32, #tpu.memory_space<vmem>>
      %dma_start3A_783 = tpu.memref_squeeze %dma_start3A_782 : memref<1x64x128xf32, #tpu.memory_space<vmem>> -> memref<64x128xf32, #tpu.memory_space<vmem>>
      %dma_start3A_784 = tpu.memref_slice %arg5[%dma_start3A_778, %mul3A_776] : memref<26x512xi32, #tpu.memory_space<vmem>> -> memref<1x64xi32, #tpu.memory_space<vmem>>
      %dma_start3A_785 = tpu.memref_squeeze %dma_start3A_784 : memref<1x64xi32, #tpu.memory_space<vmem>> -> memref<64xi32, #tpu.memory_space<vmem>>
      %dma_start3A_786 = arith.constant 0 : i32
      %dma_start3A_787 = arith.constant 0 : i32
      %dma_start3A_788 = tpu.memref_slice %arg3[%dma_start3A_777, %dma_start3A_786, %dma_start3A_787] : memref<26x100001x128xf32, #tpu.memory_space<hbm>> -> memref<1x100001x128xf32, #tpu.memory_space<hbm>>
      %dma_start3A_789 = tpu.memref_squeeze %dma_start3A_788 : memref<1x100001x128xf32, #tpu.memory_space<hbm>> -> memref<100001x128xf32, #tpu.memory_space<hbm>>
      %dma_start3A_790 = arith.constant 0 : i32
      %dma_start3A_791 = arith.constant 0 : i32
      %dma_start3A_792 = tpu.memref_slice %dma_start3A_789[%dma_start3A_790, %dma_start3A_791] : memref<100001x128xf32, #tpu.memory_space<hbm>> -> memref<100001x128xf32, #tpu.memory_space<hbm>>
      tpu.enqueue_indirect_dma source(%dma_start3A_792 : memref<100001x128xf32, #tpu.memory_space<hbm>>) target(%dma_start3A_783 : memref<64x128xf32, #tpu.memory_space<vmem>>) offsets(%dma_start3A_785 : memref<64xi32, #tpu.memory_space<vmem>>) semaphore(%arg15 : memref<!tpu.dma_semaphore, #tpu.memory_space<semaphore_mem>>)
      %mul3A_793 = arith.constant 64 : i32
      %mul3A_794 = arith.muli %scan3A_177, %mul3A_793 : i32
      %dma_wait3A_795 = arith.constant 16 : i32
      %dma_wait3A_796 = arith.constant 16 : i32
      %dma_wait3A_797 = arith.constant 0 : i32
      %dma_wait3A_798 = arith.constant 0 : i32
      %dma_wait3A_799 = arith.constant 0 : i32
      %dma_wait3A_800 = tpu.memref_slice %arg6[%dma_wait3A_797, %dma_wait3A_798, %dma_wait3A_799] : memref<10x64x128xf32, #tpu.memory_space<vmem>> -> memref<1x64x128xf32, #tpu.memory_space<vmem>>
      %dma_wait3A_801 = tpu.memref_squeeze %dma_wait3A_800 : memref<1x64x128xf32, #tpu.memory_space<vmem>> -> memref<64x128xf32, #tpu.memory_space<vmem>>
      %dma_wait3A_802 = tpu.memref_slice %arg5[%dma_wait3A_796, %mul3A_794] : memref<26x512xi32, #tpu.memory_space<vmem>> -> memref<1x64xi32, #tpu.memory_space<vmem>>
      %dma_wait3A_803 = tpu.memref_squeeze %dma_wait3A_802 : memref<1x64xi32, #tpu.memory_space<vmem>> -> memref<64xi32, #tpu.memory_space<vmem>>
      %dma_wait3A_804 = arith.constant 0 : i32
      %dma_wait3A_805 = arith.constant 0 : i32
      %dma_wait3A_806 = tpu.memref_slice %arg3[%dma_wait3A_795, %dma_wait3A_804, %dma_wait3A_805] : memref<26x100001x128xf32, #tpu.memory_space<hbm>> -> memref<1x100001x128xf32, #tpu.memory_space<hbm>>
      %dma_wait3A_807 = tpu.memref_squeeze %dma_wait3A_806 : memref<1x100001x128xf32, #tpu.memory_space<hbm>> -> memref<100001x128xf32, #tpu.memory_space<hbm>>
      %dma_wait3A_808 = arith.constant 0 : i32
      %dma_wait3A_809 = arith.constant 0 : i32
      %dma_wait3A_810 = tpu.memref_slice %dma_wait3A_807[%dma_wait3A_808, %dma_wait3A_809] : memref<100001x128xf32, #tpu.memory_space<hbm>> -> memref<100001x128xf32, #tpu.memory_space<hbm>>
      tpu.wait_indirect_dma semaphore(%arg8 : memref<!tpu.dma_semaphore, #tpu.memory_space<semaphore_mem>>) src(%dma_wait3A_810 : memref<100001x128xf32, #tpu.memory_space<hbm>>) dst(%dma_wait3A_801 : memref<64x128xf32, #tpu.memory_space<vmem>>)
      %mul3A_811 = arith.constant 64 : i32
      %mul3A_812 = arith.muli %scan3A_177, %mul3A_811 : i32
      %dma_wait3A_813 = arith.constant 17 : i32
      %dma_wait3A_814 = arith.constant 17 : i32
      %dma_wait3A_815 = arith.constant 1 : i32
      %dma_wait3A_816 = arith.constant 0 : i32
      %dma_wait3A_817 = arith.constant 0 : i32
      %dma_wait3A_818 = tpu.memref_slice %arg6[%dma_wait3A_815, %dma_wait3A_816, %dma_wait3A_817] : memref<10x64x128xf32, #tpu.memory_space<vmem>> -> memref<1x64x128xf32, #tpu.memory_space<vmem>>
      %dma_wait3A_819 = tpu.memref_squeeze %dma_wait3A_818 : memref<1x64x128xf32, #tpu.memory_space<vmem>> -> memref<64x128xf32, #tpu.memory_space<vmem>>
      %dma_wait3A_820 = tpu.memref_slice %arg5[%dma_wait3A_814, %mul3A_812] : memref<26x512xi32, #tpu.memory_space<vmem>> -> memref<1x64xi32, #tpu.memory_space<vmem>>
      %dma_wait3A_821 = tpu.memref_squeeze %dma_wait3A_820 : memref<1x64xi32, #tpu.memory_space<vmem>> -> memref<64xi32, #tpu.memory_space<vmem>>
      %dma_wait3A_822 = arith.constant 0 : i32
      %dma_wait3A_823 = arith.constant 0 : i32
      %dma_wait3A_824 = tpu.memref_slice %arg3[%dma_wait3A_813, %dma_wait3A_822, %dma_wait3A_823] : memref<26x100001x128xf32, #tpu.memory_space<hbm>> -> memref<1x100001x128xf32, #tpu.memory_space<hbm>>
      %dma_wait3A_825 = tpu.memref_squeeze %dma_wait3A_824 : memref<1x100001x128xf32, #tpu.memory_space<hbm>> -> memref<100001x128xf32, #tpu.memory_space<hbm>>
      %dma_wait3A_826 = arith.constant 0 : i32
      %dma_wait3A_827 = arith.constant 0 : i32
      %dma_wait3A_828 = tpu.memref_slice %dma_wait3A_825[%dma_wait3A_826, %dma_wait3A_827] : memref<100001x128xf32, #tpu.memory_space<hbm>> -> memref<100001x128xf32, #tpu.memory_space<hbm>>
      tpu.wait_indirect_dma semaphore(%arg9 : memref<!tpu.dma_semaphore, #tpu.memory_space<semaphore_mem>>) src(%dma_wait3A_828 : memref<100001x128xf32, #tpu.memory_space<hbm>>) dst(%dma_wait3A_819 : memref<64x128xf32, #tpu.memory_space<vmem>>)
      %mul3A_829 = arith.constant 64 : i32
      %mul3A_830 = arith.muli %scan3A_177, %mul3A_829 : i32
      %dma_wait3A_831 = arith.constant 18 : i32
      %dma_wait3A_832 = arith.constant 18 : i32
      %dma_wait3A_833 = arith.constant 2 : i32
      %dma_wait3A_834 = arith.constant 0 : i32
      %dma_wait3A_835 = arith.constant 0 : i32
      %dma_wait3A_836 = tpu.memref_slice %arg6[%dma_wait3A_833, %dma_wait3A_834, %dma_wait3A_835] : memref<10x64x128xf32, #tpu.memory_space<vmem>> -> memref<1x64x128xf32, #tpu.memory_space<vmem>>
      %dma_wait3A_837 = tpu.memref_squeeze %dma_wait3A_836 : memref<1x64x128xf32, #tpu.memory_space<vmem>> -> memref<64x128xf32, #tpu.memory_space<vmem>>
      %dma_wait3A_838 = tpu.memref_slice %arg5[%dma_wait3A_832, %mul3A_830] : memref<26x512xi32, #tpu.memory_space<vmem>> -> memref<1x64xi32, #tpu.memory_space<vmem>>
      %dma_wait3A_839 = tpu.memref_squeeze %dma_wait3A_838 : memref<1x64xi32, #tpu.memory_space<vmem>> -> memref<64xi32, #tpu.memory_space<vmem>>
      %dma_wait3A_840 = arith.constant 0 : i32
      %dma_wait3A_841 = arith.constant 0 : i32
      %dma_wait3A_842 = tpu.memref_slice %arg3[%dma_wait3A_831, %dma_wait3A_840, %dma_wait3A_841] : memref<26x100001x128xf32, #tpu.memory_space<hbm>> -> memref<1x100001x128xf32, #tpu.memory_space<hbm>>
      %dma_wait3A_843 = tpu.memref_squeeze %dma_wait3A_842 : memref<1x100001x128xf32, #tpu.memory_space<hbm>> -> memref<100001x128xf32, #tpu.memory_space<hbm>>
      %dma_wait3A_844 = arith.constant 0 : i32
      %dma_wait3A_845 = arith.constant 0 : i32
      %dma_wait3A_846 = tpu.memref_slice %dma_wait3A_843[%dma_wait3A_844, %dma_wait3A_845] : memref<100001x128xf32, #tpu.memory_space<hbm>> -> memref<100001x128xf32, #tpu.memory_space<hbm>>
      tpu.wait_indirect_dma semaphore(%arg10 : memref<!tpu.dma_semaphore, #tpu.memory_space<semaphore_mem>>) src(%dma_wait3A_846 : memref<100001x128xf32, #tpu.memory_space<hbm>>) dst(%dma_wait3A_837 : memref<64x128xf32, #tpu.memory_space<vmem>>)
      %mul3A_847 = arith.constant 64 : i32
      %mul3A_848 = arith.muli %scan3A_177, %mul3A_847 : i32
      %dma_wait3A_849 = arith.constant 19 : i32
      %dma_wait3A_850 = arith.constant 19 : i32
      %dma_wait3A_851 = arith.constant 3 : i32
      %dma_wait3A_852 = arith.constant 0 : i32
      %dma_wait3A_853 = arith.constant 0 : i32
      %dma_wait3A_854 = tpu.memref_slice %arg6[%dma_wait3A_851, %dma_wait3A_852, %dma_wait3A_853] : memref<10x64x128xf32, #tpu.memory_space<vmem>> -> memref<1x64x128xf32, #tpu.memory_space<vmem>>
      %dma_wait3A_855 = tpu.memref_squeeze %dma_wait3A_854 : memref<1x64x128xf32, #tpu.memory_space<vmem>> -> memref<64x128xf32, #tpu.memory_space<vmem>>
      %dma_wait3A_856 = tpu.memref_slice %arg5[%dma_wait3A_850, %mul3A_848] : memref<26x512xi32, #tpu.memory_space<vmem>> -> memref<1x64xi32, #tpu.memory_space<vmem>>
      %dma_wait3A_857 = tpu.memref_squeeze %dma_wait3A_856 : memref<1x64xi32, #tpu.memory_space<vmem>> -> memref<64xi32, #tpu.memory_space<vmem>>
      %dma_wait3A_858 = arith.constant 0 : i32
      %dma_wait3A_859 = arith.constant 0 : i32
      %dma_wait3A_860 = tpu.memref_slice %arg3[%dma_wait3A_849, %dma_wait3A_858, %dma_wait3A_859] : memref<26x100001x128xf32, #tpu.memory_space<hbm>> -> memref<1x100001x128xf32, #tpu.memory_space<hbm>>
      %dma_wait3A_861 = tpu.memref_squeeze %dma_wait3A_860 : memref<1x100001x128xf32, #tpu.memory_space<hbm>> -> memref<100001x128xf32, #tpu.memory_space<hbm>>
      %dma_wait3A_862 = arith.constant 0 : i32
      %dma_wait3A_863 = arith.constant 0 : i32
      %dma_wait3A_864 = tpu.memref_slice %dma_wait3A_861[%dma_wait3A_862, %dma_wait3A_863] : memref<100001x128xf32, #tpu.memory_space<hbm>> -> memref<100001x128xf32, #tpu.memory_space<hbm>>
      tpu.wait_indirect_dma semaphore(%arg11 : memref<!tpu.dma_semaphore, #tpu.memory_space<semaphore_mem>>) src(%dma_wait3A_864 : memref<100001x128xf32, #tpu.memory_space<hbm>>) dst(%dma_wait3A_855 : memref<64x128xf32, #tpu.memory_space<vmem>>)
      %scan3A_865 = arith.constant 0 : i32
      %scan3A_866 = arith.constant 0 : i32
      %scan3A_867 = arith.constant 1 : i32
      %scan3A_868 = arith.constant 2 : i32
      %scan3A_869 = arith.constant 3 : i32
      %scan3A_870 = arith.constant 0 : i32
      %scan3A_871 = arith.constant 64 : i32
      %scan3A_872 = arith.addi %scan3A_870, %scan3A_871 : i32
      %scan3A_873 = arith.constant 1 : i32
      scf.for %scan3A_1022 = %scan3A_870 to %scan3A_872 step %scan3A_873  : i32 {
        %get3A = arith.constant 0 : i32
        %get3A_1023 = arith.constant 0 : i32
        %get3A_1024 = tpu.memref_slice %arg6[%scan3A_866, %get3A, %get3A_1023] : memref<10x64x128xf32, #tpu.memory_space<vmem>> -> memref<1x64x128xf32, #tpu.memory_space<vmem>>
        %get3A_1025 = tpu.memref_squeeze %get3A_1024 : memref<1x64x128xf32, #tpu.memory_space<vmem>> -> memref<64x128xf32, #tpu.memory_space<vmem>>
        %get3A_1026 = arith.index_cast %scan3A_1022 : i32 to index
        %get3A_1027 = arith.constant 0 : index
        %get3A_1028 = tpu.vector_load %get3A_1025[%get3A_1026, %get3A_1027] {strides = array<i32>} : memref<64x128xf32, #tpu.memory_space<vmem>>, vector<1x16xf32>,
        %get3A_1029 = vector.shape_cast %get3A_1028 : vector<1x16xf32> to vector<16xf32>
        %get3A_1030 = arith.constant 0 : i32
        %get3A_1031 = arith.constant 0 : i32
        %get3A_1032 = tpu.memref_slice %arg6[%scan3A_867, %get3A_1030, %get3A_1031] : memref<10x64x128xf32, #tpu.memory_space<vmem>> -> memref<1x64x128xf32, #tpu.memory_space<vmem>>
        %get3A_1033 = tpu.memref_squeeze %get3A_1032 : memref<1x64x128xf32, #tpu.memory_space<vmem>> -> memref<64x128xf32, #tpu.memory_space<vmem>>
        %get3A_1034 = arith.index_cast %scan3A_1022 : i32 to index
        %get3A_1035 = arith.constant 0 : index
        %get3A_1036 = tpu.vector_load %get3A_1033[%get3A_1034, %get3A_1035] {strides = array<i32>} : memref<64x128xf32, #tpu.memory_space<vmem>>, vector<1x16xf32>,
        %get3A_1037 = vector.shape_cast %get3A_1036 : vector<1x16xf32> to vector<16xf32>
        %get3A_1038 = arith.constant 0 : i32
        %get3A_1039 = arith.constant 0 : i32
        %get3A_1040 = tpu.memref_slice %arg6[%scan3A_868, %get3A_1038, %get3A_1039] : memref<10x64x128xf32, #tpu.memory_space<vmem>> -> memref<1x64x128xf32, #tpu.memory_space<vmem>>
        %get3A_1041 = tpu.memref_squeeze %get3A_1040 : memref<1x64x128xf32, #tpu.memory_space<vmem>> -> memref<64x128xf32, #tpu.memory_space<vmem>>
        %get3A_1042 = arith.index_cast %scan3A_1022 : i32 to index
        %get3A_1043 = arith.constant 0 : index
        %get3A_1044 = tpu.vector_load %get3A_1041[%get3A_1042, %get3A_1043] {strides = array<i32>} : memref<64x128xf32, #tpu.memory_space<vmem>>, vector<1x16xf32>,
        %get3A_1045 = vector.shape_cast %get3A_1044 : vector<1x16xf32> to vector<16xf32>
        %get3A_1046 = arith.constant 0 : i32
        %get3A_1047 = arith.constant 0 : i32
        %get3A_1048 = tpu.memref_slice %arg6[%scan3A_869, %get3A_1046, %get3A_1047] : memref<10x64x128xf32, #tpu.memory_space<vmem>> -> memref<1x64x128xf32, #tpu.memory_space<vmem>>
        %get3A_1049 = tpu.memref_squeeze %get3A_1048 : memref<1x64x128xf32, #tpu.memory_space<vmem>> -> memref<64x128xf32, #tpu.memory_space<vmem>>
        %get3A_1050 = arith.index_cast %scan3A_1022 : i32 to index
        %get3A_1051 = arith.constant 0 : index
        %get3A_1052 = tpu.vector_load %get3A_1049[%get3A_1050, %get3A_1051] {strides = array<i32>} : memref<64x128xf32, #tpu.memory_space<vmem>>, vector<1x16xf32>,
        %get3A_1053 = vector.shape_cast %get3A_1052 : vector<1x16xf32> to vector<16xf32>
        %add3A_1054 = arith.addf %get3A_1029, %get3A_1037 : vector<16xf32>
        %add3A_1055 = arith.addf %get3A_1045, %get3A_1053 : vector<16xf32>
        %add3A_1056 = arith.addf %add3A_1054, %add3A_1055 : vector<16xf32>
        %swap3A = arith.index_cast %scan3A_1022 : i32 to index
        %swap3A_1057 = arith.constant 0 : index
        %swap3A_1058 = tpu.vector_load %arg7[%swap3A, %swap3A_1057] {strides = array<i32>} : memref<64x128xf32, #tpu.memory_space<vmem>>, vector<1x16xf32>,
        %swap3A_1059 = vector.shape_cast %swap3A_1058 : vector<1x16xf32> to vector<16xf32>
        %swap3A_1060 = vector.shape_cast %add3A_1056 : vector<16xf32> to vector<1x16xf32>
        tpu.vector_store %arg7[%swap3A, %swap3A_1057], %swap3A_1060 {add = true, strides = array<i32>} : memref<64x128xf32, #tpu.memory_space<vmem>>, vector<1x16xf32>,
        %get3A_1061 = arith.constant 0 : i32
        %get3A_1062 = arith.constant 0 : i32
        %get3A_1063 = tpu.memref_slice %arg6[%scan3A_866, %get3A_1061, %get3A_1062] : memref<10x64x128xf32, #tpu.memory_space<vmem>> -> memref<1x64x128xf32, #tpu.memory_space<vmem>>
        %get3A_1064 = tpu.memref_squeeze %get3A_1063 : memref<1x64x128xf32, #tpu.memory_space<vmem>> -> memref<64x128xf32, #tpu.memory_space<vmem>>
        %get3A_1065 = arith.index_cast %scan3A_1022 : i32 to index
        %get3A_1066 = arith.constant 16 : index
        %get3A_1067 = tpu.vector_load %get3A_1064[%get3A_1065, %get3A_1066] {strides = array<i32>} : memref<64x128xf32, #tpu.memory_space<vmem>>, vector<1x16xf32>,
        %get3A_1068 = vector.shape_cast %get3A_1067 : vector<1x16xf32> to vector<16xf32>
        %get3A_1069 = arith.constant 0 : i32
        %get3A_1070 = arith.constant 0 : i32
        %get3A_1071 = tpu.memref_slice %arg6[%scan3A_867, %get3A_1069, %get3A_1070] : memref<10x64x128xf32, #tpu.memory_space<vmem>> -> memref<1x64x128xf32, #tpu.memory_space<vmem>>
        %get3A_1072 = tpu.memref_squeeze %get3A_1071 : memref<1x64x128xf32, #tpu.memory_space<vmem>> -> memref<64x128xf32, #tpu.memory_space<vmem>>
        %get3A_1073 = arith.index_cast %scan3A_1022 : i32 to index
        %get3A_1074 = arith.constant 16 : index
        %get3A_1075 = tpu.vector_load %get3A_1072[%get3A_1073, %get3A_1074] {strides = array<i32>} : memref<64x128xf32, #tpu.memory_space<vmem>>, vector<1x16xf32>,
        %get3A_1076 = vector.shape_cast %get3A_1075 : vector<1x16xf32> to vector<16xf32>
        %get3A_1077 = arith.constant 0 : i32
        %get3A_1078 = arith.constant 0 : i32
        %get3A_1079 = tpu.memref_slice %arg6[%scan3A_868, %get3A_1077, %get3A_1078] : memref<10x64x128xf32, #tpu.memory_space<vmem>> -> memref<1x64x128xf32, #tpu.memory_space<vmem>>
        %get3A_1080 = tpu.memref_squeeze %get3A_1079 : memref<1x64x128xf32, #tpu.memory_space<vmem>> -> memref<64x128xf32, #tpu.memory_space<vmem>>
        %get3A_1081 = arith.index_cast %scan3A_1022 : i32 to index
        %get3A_1082 = arith.constant 16 : index
        %get3A_1083 = tpu.vector_load %get3A_1080[%get3A_1081, %get3A_1082] {strides = array<i32>} : memref<64x128xf32, #tpu.memory_space<vmem>>, vector<1x16xf32>,
        %get3A_1084 = vector.shape_cast %get3A_1083 : vector<1x16xf32> to vector<16xf32>
        %get3A_1085 = arith.constant 0 : i32
        %get3A_1086 = arith.constant 0 : i32
        %get3A_1087 = tpu.memref_slice %arg6[%scan3A_869, %get3A_1085, %get3A_1086] : memref<10x64x128xf32, #tpu.memory_space<vmem>> -> memref<1x64x128xf32, #tpu.memory_space<vmem>>
        %get3A_1088 = tpu.memref_squeeze %get3A_1087 : memref<1x64x128xf32, #tpu.memory_space<vmem>> -> memref<64x128xf32, #tpu.memory_space<vmem>>
        %get3A_1089 = arith.index_cast %scan3A_1022 : i32 to index
        %get3A_1090 = arith.constant 16 : index
        %get3A_1091 = tpu.vector_load %get3A_1088[%get3A_1089, %get3A_1090] {strides = array<i32>} : memref<64x128xf32, #tpu.memory_space<vmem>>, vector<1x16xf32>,
        %get3A_1092 = vector.shape_cast %get3A_1091 : vector<1x16xf32> to vector<16xf32>
        %add3A_1093 = arith.addf %get3A_1068, %get3A_1076 : vector<16xf32>
        %add3A_1094 = arith.addf %get3A_1084, %get3A_1092 : vector<16xf32>
        %add3A_1095 = arith.addf %add3A_1093, %add3A_1094 : vector<16xf32>
        %swap3A_1096 = arith.index_cast %scan3A_1022 : i32 to index
        %swap3A_1097 = arith.constant 16 : index
        %swap3A_1098 = tpu.vector_load %arg7[%swap3A_1096, %swap3A_1097] {strides = array<i32>} : memref<64x128xf32, #tpu.memory_space<vmem>>, vector<1x16xf32>,
        %swap3A_1099 = vector.shape_cast %swap3A_1098 : vector<1x16xf32> to vector<16xf32>
        %swap3A_1100 = vector.shape_cast %add3A_1095 : vector<16xf32> to vector<1x16xf32>
        tpu.vector_store %arg7[%swap3A_1096, %swap3A_1097], %swap3A_1100 {add = true, strides = array<i32>} : memref<64x128xf32, #tpu.memory_space<vmem>>, vector<1x16xf32>,
        %get3A_1101 = arith.constant 0 : i32
        %get3A_1102 = arith.constant 0 : i32
        %get3A_1103 = tpu.memref_slice %arg6[%scan3A_866, %get3A_1101, %get3A_1102] : memref<10x64x128xf32, #tpu.memory_space<vmem>> -> memref<1x64x128xf32, #tpu.memory_space<vmem>>
        %get3A_1104 = tpu.memref_squeeze %get3A_1103 : memref<1x64x128xf32, #tpu.memory_space<vmem>> -> memref<64x128xf32, #tpu.memory_space<vmem>>
        %get3A_1105 = arith.index_cast %scan3A_1022 : i32 to index
        %get3A_1106 = arith.constant 32 : index
        %get3A_1107 = tpu.vector_load %get3A_1104[%get3A_1105, %get3A_1106] {strides = array<i32>} : memref<64x128xf32, #tpu.memory_space<vmem>>, vector<1x16xf32>,
        %get3A_1108 = vector.shape_cast %get3A_1107 : vector<1x16xf32> to vector<16xf32>
        %get3A_1109 = arith.constant 0 : i32
        %get3A_1110 = arith.constant 0 : i32
        %get3A_1111 = tpu.memref_slice %arg6[%scan3A_867, %get3A_1109, %get3A_1110] : memref<10x64x128xf32, #tpu.memory_space<vmem>> -> memref<1x64x128xf32, #tpu.memory_space<vmem>>
        %get3A_1112 = tpu.memref_squeeze %get3A_1111 : memref<1x64x128xf32, #tpu.memory_space<vmem>> -> memref<64x128xf32, #tpu.memory_space<vmem>>
        %get3A_1113 = arith.index_cast %scan3A_1022 : i32 to index
        %get3A_1114 = arith.constant 32 : index
        %get3A_1115 = tpu.vector_load %get3A_1112[%get3A_1113, %get3A_1114] {strides = array<i32>} : memref<64x128xf32, #tpu.memory_space<vmem>>, vector<1x16xf32>,
        %get3A_1116 = vector.shape_cast %get3A_1115 : vector<1x16xf32> to vector<16xf32>
        %get3A_1117 = arith.constant 0 : i32
        %get3A_1118 = arith.constant 0 : i32
        %get3A_1119 = tpu.memref_slice %arg6[%scan3A_868, %get3A_1117, %get3A_1118] : memref<10x64x128xf32, #tpu.memory_space<vmem>> -> memref<1x64x128xf32, #tpu.memory_space<vmem>>
        %get3A_1120 = tpu.memref_squeeze %get3A_1119 : memref<1x64x128xf32, #tpu.memory_space<vmem>> -> memref<64x128xf32, #tpu.memory_space<vmem>>
        %get3A_1121 = arith.index_cast %scan3A_1022 : i32 to index
        %get3A_1122 = arith.constant 32 : index
        %get3A_1123 = tpu.vector_load %get3A_1120[%get3A_1121, %get3A_1122] {strides = array<i32>} : memref<64x128xf32, #tpu.memory_space<vmem>>, vector<1x16xf32>,
        %get3A_1124 = vector.shape_cast %get3A_1123 : vector<1x16xf32> to vector<16xf32>
        %get3A_1125 = arith.constant 0 : i32
        %get3A_1126 = arith.constant 0 : i32
        %get3A_1127 = tpu.memref_slice %arg6[%scan3A_869, %get3A_1125, %get3A_1126] : memref<10x64x128xf32, #tpu.memory_space<vmem>> -> memref<1x64x128xf32, #tpu.memory_space<vmem>>
        %get3A_1128 = tpu.memref_squeeze %get3A_1127 : memref<1x64x128xf32, #tpu.memory_space<vmem>> -> memref<64x128xf32, #tpu.memory_space<vmem>>
        %get3A_1129 = arith.index_cast %scan3A_1022 : i32 to index
        %get3A_1130 = arith.constant 32 : index
        %get3A_1131 = tpu.vector_load %get3A_1128[%get3A_1129, %get3A_1130] {strides = array<i32>} : memref<64x128xf32, #tpu.memory_space<vmem>>, vector<1x16xf32>,
        %get3A_1132 = vector.shape_cast %get3A_1131 : vector<1x16xf32> to vector<16xf32>
        %add3A_1133 = arith.addf %get3A_1108, %get3A_1116 : vector<16xf32>
        %add3A_1134 = arith.addf %get3A_1124, %get3A_1132 : vector<16xf32>
        %add3A_1135 = arith.addf %add3A_1133, %add3A_1134 : vector<16xf32>
        %swap3A_1136 = arith.index_cast %scan3A_1022 : i32 to index
        %swap3A_1137 = arith.constant 32 : index
        %swap3A_1138 = tpu.vector_load %arg7[%swap3A_1136, %swap3A_1137] {strides = array<i32>} : memref<64x128xf32, #tpu.memory_space<vmem>>, vector<1x16xf32>,
        %swap3A_1139 = vector.shape_cast %swap3A_1138 : vector<1x16xf32> to vector<16xf32>
        %swap3A_1140 = vector.shape_cast %add3A_1135 : vector<16xf32> to vector<1x16xf32>
        tpu.vector_store %arg7[%swap3A_1136, %swap3A_1137], %swap3A_1140 {add = true, strides = array<i32>} : memref<64x128xf32, #tpu.memory_space<vmem>>, vector<1x16xf32>,
        %get3A_1141 = arith.constant 0 : i32
        %get3A_1142 = arith.constant 0 : i32
        %get3A_1143 = tpu.memref_slice %arg6[%scan3A_866, %get3A_1141, %get3A_1142] : memref<10x64x128xf32, #tpu.memory_space<vmem>> -> memref<1x64x128xf32, #tpu.memory_space<vmem>>
        %get3A_1144 = tpu.memref_squeeze %get3A_1143 : memref<1x64x128xf32, #tpu.memory_space<vmem>> -> memref<64x128xf32, #tpu.memory_space<vmem>>
        %get3A_1145 = arith.index_cast %scan3A_1022 : i32 to index
        %get3A_1146 = arith.constant 48 : index
        %get3A_1147 = tpu.vector_load %get3A_1144[%get3A_1145, %get3A_1146] {strides = array<i32>} : memref<64x128xf32, #tpu.memory_space<vmem>>, vector<1x16xf32>,
        %get3A_1148 = vector.shape_cast %get3A_1147 : vector<1x16xf32> to vector<16xf32>
        %get3A_1149 = arith.constant 0 : i32
        %get3A_1150 = arith.constant 0 : i32
        %get3A_1151 = tpu.memref_slice %arg6[%scan3A_867, %get3A_1149, %get3A_1150] : memref<10x64x128xf32, #tpu.memory_space<vmem>> -> memref<1x64x128xf32, #tpu.memory_space<vmem>>
        %get3A_1152 = tpu.memref_squeeze %get3A_1151 : memref<1x64x128xf32, #tpu.memory_space<vmem>> -> memref<64x128xf32, #tpu.memory_space<vmem>>
        %get3A_1153 = arith.index_cast %scan3A_1022 : i32 to index
        %get3A_1154 = arith.constant 48 : index
        %get3A_1155 = tpu.vector_load %get3A_1152[%get3A_1153, %get3A_1154] {strides = array<i32>} : memref<64x128xf32, #tpu.memory_space<vmem>>, vector<1x16xf32>,
        %get3A_1156 = vector.shape_cast %get3A_1155 : vector<1x16xf32> to vector<16xf32>
        %get3A_1157 = arith.constant 0 : i32
        %get3A_1158 = arith.constant 0 : i32
        %get3A_1159 = tpu.memref_slice %arg6[%scan3A_868, %get3A_1157, %get3A_1158] : memref<10x64x128xf32, #tpu.memory_space<vmem>> -> memref<1x64x128xf32, #tpu.memory_space<vmem>>
        %get3A_1160 = tpu.memref_squeeze %get3A_1159 : memref<1x64x128xf32, #tpu.memory_space<vmem>> -> memref<64x128xf32, #tpu.memory_space<vmem>>
        %get3A_1161 = arith.index_cast %scan3A_1022 : i32 to index
        %get3A_1162 = arith.constant 48 : index
        %get3A_1163 = tpu.vector_load %get3A_1160[%get3A_1161, %get3A_1162] {strides = array<i32>} : memref<64x128xf32, #tpu.memory_space<vmem>>, vector<1x16xf32>,
        %get3A_1164 = vector.shape_cast %get3A_1163 : vector<1x16xf32> to vector<16xf32>
        %get3A_1165 = arith.constant 0 : i32
        %get3A_1166 = arith.constant 0 : i32
        %get3A_1167 = tpu.memref_slice %arg6[%scan3A_869, %get3A_1165, %get3A_1166] : memref<10x64x128xf32, #tpu.memory_space<vmem>> -> memref<1x64x128xf32, #tpu.memory_space<vmem>>
        %get3A_1168 = tpu.memref_squeeze %get3A_1167 : memref<1x64x128xf32, #tpu.memory_space<vmem>> -> memref<64x128xf32, #tpu.memory_space<vmem>>
        %get3A_1169 = arith.index_cast %scan3A_1022 : i32 to index
        %get3A_1170 = arith.constant 48 : index
        %get3A_1171 = tpu.vector_load %get3A_1168[%get3A_1169, %get3A_1170] {strides = array<i32>} : memref<64x128xf32, #tpu.memory_space<vmem>>, vector<1x16xf32>,
        %get3A_1172 = vector.shape_cast %get3A_1171 : vector<1x16xf32> to vector<16xf32>
        %add3A_1173 = arith.addf %get3A_1148, %get3A_1156 : vector<16xf32>
        %add3A_1174 = arith.addf %get3A_1164, %get3A_1172 : vector<16xf32>
        %add3A_1175 = arith.addf %add3A_1173, %add3A_1174 : vector<16xf32>
        %swap3A_1176 = arith.index_cast %scan3A_1022 : i32 to index
        %swap3A_1177 = arith.constant 48 : index
        %swap3A_1178 = tpu.vector_load %arg7[%swap3A_1176, %swap3A_1177] {strides = array<i32>} : memref<64x128xf32, #tpu.memory_space<vmem>>, vector<1x16xf32>,
        %swap3A_1179 = vector.shape_cast %swap3A_1178 : vector<1x16xf32> to vector<16xf32>
        %swap3A_1180 = vector.shape_cast %add3A_1175 : vector<16xf32> to vector<1x16xf32>
        tpu.vector_store %arg7[%swap3A_1176, %swap3A_1177], %swap3A_1180 {add = true, strides = array<i32>} : memref<64x128xf32, #tpu.memory_space<vmem>>, vector<1x16xf32>,
        %get3A_1181 = arith.constant 0 : i32
        %get3A_1182 = arith.constant 0 : i32
        %get3A_1183 = tpu.memref_slice %arg6[%scan3A_866, %get3A_1181, %get3A_1182] : memref<10x64x128xf32, #tpu.memory_space<vmem>> -> memref<1x64x128xf32, #tpu.memory_space<vmem>>
        %get3A_1184 = tpu.memref_squeeze %get3A_1183 : memref<1x64x128xf32, #tpu.memory_space<vmem>> -> memref<64x128xf32, #tpu.memory_space<vmem>>
        %get3A_1185 = arith.index_cast %scan3A_1022 : i32 to index
        %get3A_1186 = arith.constant 64 : index
        %get3A_1187 = tpu.vector_load %get3A_1184[%get3A_1185, %get3A_1186] {strides = array<i32>} : memref<64x128xf32, #tpu.memory_space<vmem>>, vector<1x16xf32>,
        %get3A_1188 = vector.shape_cast %get3A_1187 : vector<1x16xf32> to vector<16xf32>
        %get3A_1189 = arith.constant 0 : i32
        %get3A_1190 = arith.constant 0 : i32
        %get3A_1191 = tpu.memref_slice %arg6[%scan3A_867, %get3A_1189, %get3A_1190] : memref<10x64x128xf32, #tpu.memory_space<vmem>> -> memref<1x64x128xf32, #tpu.memory_space<vmem>>
        %get3A_1192 = tpu.memref_squeeze %get3A_1191 : memref<1x64x128xf32, #tpu.memory_space<vmem>> -> memref<64x128xf32, #tpu.memory_space<vmem>>
        %get3A_1193 = arith.index_cast %scan3A_1022 : i32 to index
        %get3A_1194 = arith.constant 64 : index
        %get3A_1195 = tpu.vector_load %get3A_1192[%get3A_1193, %get3A_1194] {strides = array<i32>} : memref<64x128xf32, #tpu.memory_space<vmem>>, vector<1x16xf32>,
        %get3A_1196 = vector.shape_cast %get3A_1195 : vector<1x16xf32> to vector<16xf32>
        %get3A_1197 = arith.constant 0 : i32
        %get3A_1198 = arith.constant 0 : i32
        %get3A_1199 = tpu.memref_slice %arg6[%scan3A_868, %get3A_1197, %get3A_1198] : memref<10x64x128xf32, #tpu.memory_space<vmem>> -> memref<1x64x128xf32, #tpu.memory_space<vmem>>
        %get3A_1200 = tpu.memref_squeeze %get3A_1199 : memref<1x64x128xf32, #tpu.memory_space<vmem>> -> memref<64x128xf32, #tpu.memory_space<vmem>>
        %get3A_1201 = arith.index_cast %scan3A_1022 : i32 to index
        %get3A_1202 = arith.constant 64 : index
        %get3A_1203 = tpu.vector_load %get3A_1200[%get3A_1201, %get3A_1202] {strides = array<i32>} : memref<64x128xf32, #tpu.memory_space<vmem>>, vector<1x16xf32>,
        %get3A_1204 = vector.shape_cast %get3A_1203 : vector<1x16xf32> to vector<16xf32>
        %get3A_1205 = arith.constant 0 : i32
        %get3A_1206 = arith.constant 0 : i32
        %get3A_1207 = tpu.memref_slice %arg6[%scan3A_869, %get3A_1205, %get3A_1206] : memref<10x64x128xf32, #tpu.memory_space<vmem>> -> memref<1x64x128xf32, #tpu.memory_space<vmem>>
        %get3A_1208 = tpu.memref_squeeze %get3A_1207 : memref<1x64x128xf32, #tpu.memory_space<vmem>> -> memref<64x128xf32, #tpu.memory_space<vmem>>
        %get3A_1209 = arith.index_cast %scan3A_1022 : i32 to index
        %get3A_1210 = arith.constant 64 : index
        %get3A_1211 = tpu.vector_load %get3A_1208[%get3A_1209, %get3A_1210] {strides = array<i32>} : memref<64x128xf32, #tpu.memory_space<vmem>>, vector<1x16xf32>,
        %get3A_1212 = vector.shape_cast %get3A_1211 : vector<1x16xf32> to vector<16xf32>
        %add3A_1213 = arith.addf %get3A_1188, %get3A_1196 : vector<16xf32>
        %add3A_1214 = arith.addf %get3A_1204, %get3A_1212 : vector<16xf32>
        %add3A_1215 = arith.addf %add3A_1213, %add3A_1214 : vector<16xf32>
        %swap3A_1216 = arith.index_cast %scan3A_1022 : i32 to index
        %swap3A_1217 = arith.constant 64 : index
        %swap3A_1218 = tpu.vector_load %arg7[%swap3A_1216, %swap3A_1217] {strides = array<i32>} : memref<64x128xf32, #tpu.memory_space<vmem>>, vector<1x16xf32>,
        %swap3A_1219 = vector.shape_cast %swap3A_1218 : vector<1x16xf32> to vector<16xf32>
        %swap3A_1220 = vector.shape_cast %add3A_1215 : vector<16xf32> to vector<1x16xf32>
        tpu.vector_store %arg7[%swap3A_1216, %swap3A_1217], %swap3A_1220 {add = true, strides = array<i32>} : memref<64x128xf32, #tpu.memory_space<vmem>>, vector<1x16xf32>,
        %get3A_1221 = arith.constant 0 : i32
        %get3A_1222 = arith.constant 0 : i32
        %get3A_1223 = tpu.memref_slice %arg6[%scan3A_866, %get3A_1221, %get3A_1222] : memref<10x64x128xf32, #tpu.memory_space<vmem>> -> memref<1x64x128xf32, #tpu.memory_space<vmem>>
        %get3A_1224 = tpu.memref_squeeze %get3A_1223 : memref<1x64x128xf32, #tpu.memory_space<vmem>> -> memref<64x128xf32, #tpu.memory_space<vmem>>
        %get3A_1225 = arith.index_cast %scan3A_1022 : i32 to index
        %get3A_1226 = arith.constant 80 : index
        %get3A_1227 = tpu.vector_load %get3A_1224[%get3A_1225, %get3A_1226] {strides = array<i32>} : memref<64x128xf32, #tpu.memory_space<vmem>>, vector<1x16xf32>,
        %get3A_1228 = vector.shape_cast %get3A_1227 : vector<1x16xf32> to vector<16xf32>
        %get3A_1229 = arith.constant 0 : i32
        %get3A_1230 = arith.constant 0 : i32
        %get3A_1231 = tpu.memref_slice %arg6[%scan3A_867, %get3A_1229, %get3A_1230] : memref<10x64x128xf32, #tpu.memory_space<vmem>> -> memref<1x64x128xf32, #tpu.memory_space<vmem>>
        %get3A_1232 = tpu.memref_squeeze %get3A_1231 : memref<1x64x128xf32, #tpu.memory_space<vmem>> -> memref<64x128xf32, #tpu.memory_space<vmem>>
        %get3A_1233 = arith.index_cast %scan3A_1022 : i32 to index
        %get3A_1234 = arith.constant 80 : index
        %get3A_1235 = tpu.vector_load %get3A_1232[%get3A_1233, %get3A_1234] {strides = array<i32>} : memref<64x128xf32, #tpu.memory_space<vmem>>, vector<1x16xf32>,
        %get3A_1236 = vector.shape_cast %get3A_1235 : vector<1x16xf32> to vector<16xf32>
        %get3A_1237 = arith.constant 0 : i32
        %get3A_1238 = arith.constant 0 : i32
        %get3A_1239 = tpu.memref_slice %arg6[%scan3A_868, %get3A_1237, %get3A_1238] : memref<10x64x128xf32, #tpu.memory_space<vmem>> -> memref<1x64x128xf32, #tpu.memory_space<vmem>>
        %get3A_1240 = tpu.memref_squeeze %get3A_1239 : memref<1x64x128xf32, #tpu.memory_space<vmem>> -> memref<64x128xf32, #tpu.memory_space<vmem>>
        %get3A_1241 = arith.index_cast %scan3A_1022 : i32 to index
        %get3A_1242 = arith.constant 80 : index
        %get3A_1243 = tpu.vector_load %get3A_1240[%get3A_1241, %get3A_1242] {strides = array<i32>} : memref<64x128xf32, #tpu.memory_space<vmem>>, vector<1x16xf32>,
        %get3A_1244 = vector.shape_cast %get3A_1243 : vector<1x16xf32> to vector<16xf32>
        %get3A_1245 = arith.constant 0 : i32
        %get3A_1246 = arith.constant 0 : i32
        %get3A_1247 = tpu.memref_slice %arg6[%scan3A_869, %get3A_1245, %get3A_1246] : memref<10x64x128xf32, #tpu.memory_space<vmem>> -> memref<1x64x128xf32, #tpu.memory_space<vmem>>
        %get3A_1248 = tpu.memref_squeeze %get3A_1247 : memref<1x64x128xf32, #tpu.memory_space<vmem>> -> memref<64x128xf32, #tpu.memory_space<vmem>>
        %get3A_1249 = arith.index_cast %scan3A_1022 : i32 to index
        %get3A_1250 = arith.constant 80 : index
        %get3A_1251 = tpu.vector_load %get3A_1248[%get3A_1249, %get3A_1250] {strides = array<i32>} : memref<64x128xf32, #tpu.memory_space<vmem>>, vector<1x16xf32>,
        %get3A_1252 = vector.shape_cast %get3A_1251 : vector<1x16xf32> to vector<16xf32>
        %add3A_1253 = arith.addf %get3A_1228, %get3A_1236 : vector<16xf32>
        %add3A_1254 = arith.addf %get3A_1244, %get3A_1252 : vector<16xf32>
        %add3A_1255 = arith.addf %add3A_1253, %add3A_1254 : vector<16xf32>
        %swap3A_1256 = arith.index_cast %scan3A_1022 : i32 to index
        %swap3A_1257 = arith.constant 80 : index
        %swap3A_1258 = tpu.vector_load %arg7[%swap3A_1256, %swap3A_1257] {strides = array<i32>} : memref<64x128xf32, #tpu.memory_space<vmem>>, vector<1x16xf32>,
        %swap3A_1259 = vector.shape_cast %swap3A_1258 : vector<1x16xf32> to vector<16xf32>
        %swap3A_1260 = vector.shape_cast %add3A_1255 : vector<16xf32> to vector<1x16xf32>
        tpu.vector_store %arg7[%swap3A_1256, %swap3A_1257], %swap3A_1260 {add = true, strides = array<i32>} : memref<64x128xf32, #tpu.memory_space<vmem>>, vector<1x16xf32>,
        %get3A_1261 = arith.constant 0 : i32
        %get3A_1262 = arith.constant 0 : i32
        %get3A_1263 = tpu.memref_slice %arg6[%scan3A_866, %get3A_1261, %get3A_1262] : memref<10x64x128xf32, #tpu.memory_space<vmem>> -> memref<1x64x128xf32, #tpu.memory_space<vmem>>
        %get3A_1264 = tpu.memref_squeeze %get3A_1263 : memref<1x64x128xf32, #tpu.memory_space<vmem>> -> memref<64x128xf32, #tpu.memory_space<vmem>>
        %get3A_1265 = arith.index_cast %scan3A_1022 : i32 to index
        %get3A_1266 = arith.constant 96 : index
        %get3A_1267 = tpu.vector_load %get3A_1264[%get3A_1265, %get3A_1266] {strides = array<i32>} : memref<64x128xf32, #tpu.memory_space<vmem>>, vector<1x16xf32>,
        %get3A_1268 = vector.shape_cast %get3A_1267 : vector<1x16xf32> to vector<16xf32>
        %get3A_1269 = arith.constant 0 : i32
        %get3A_1270 = arith.constant 0 : i32
        %get3A_1271 = tpu.memref_slice %arg6[%scan3A_867, %get3A_1269, %get3A_1270] : memref<10x64x128xf32, #tpu.memory_space<vmem>> -> memref<1x64x128xf32, #tpu.memory_space<vmem>>
        %get3A_1272 = tpu.memref_squeeze %get3A_1271 : memref<1x64x128xf32, #tpu.memory_space<vmem>> -> memref<64x128xf32, #tpu.memory_space<vmem>>
        %get3A_1273 = arith.index_cast %scan3A_1022 : i32 to index
        %get3A_1274 = arith.constant 96 : index
        %get3A_1275 = tpu.vector_load %get3A_1272[%get3A_1273, %get3A_1274] {strides = array<i32>} : memref<64x128xf32, #tpu.memory_space<vmem>>, vector<1x16xf32>,
        %get3A_1276 = vector.shape_cast %get3A_1275 : vector<1x16xf32> to vector<16xf32>
        %get3A_1277 = arith.constant 0 : i32
        %get3A_1278 = arith.constant 0 : i32
        %get3A_1279 = tpu.memref_slice %arg6[%scan3A_868, %get3A_1277, %get3A_1278] : memref<10x64x128xf32, #tpu.memory_space<vmem>> -> memref<1x64x128xf32, #tpu.memory_space<vmem>>
        %get3A_1280 = tpu.memref_squeeze %get3A_1279 : memref<1x64x128xf32, #tpu.memory_space<vmem>> -> memref<64x128xf32, #tpu.memory_space<vmem>>
        %get3A_1281 = arith.index_cast %scan3A_1022 : i32 to index
        %get3A_1282 = arith.constant 96 : index
        %get3A_1283 = tpu.vector_load %get3A_1280[%get3A_1281, %get3A_1282] {strides = array<i32>} : memref<64x128xf32, #tpu.memory_space<vmem>>, vector<1x16xf32>,
        %get3A_1284 = vector.shape_cast %get3A_1283 : vector<1x16xf32> to vector<16xf32>
        %get3A_1285 = arith.constant 0 : i32
        %get3A_1286 = arith.constant 0 : i32
        %get3A_1287 = tpu.memref_slice %arg6[%scan3A_869, %get3A_1285, %get3A_1286] : memref<10x64x128xf32, #tpu.memory_space<vmem>> -> memref<1x64x128xf32, #tpu.memory_space<vmem>>
        %get3A_1288 = tpu.memref_squeeze %get3A_1287 : memref<1x64x128xf32, #tpu.memory_space<vmem>> -> memref<64x128xf32, #tpu.memory_space<vmem>>
        %get3A_1289 = arith.index_cast %scan3A_1022 : i32 to index
        %get3A_1290 = arith.constant 96 : index
        %get3A_1291 = tpu.vector_load %get3A_1288[%get3A_1289, %get3A_1290] {strides = array<i32>} : memref<64x128xf32, #tpu.memory_space<vmem>>, vector<1x16xf32>,
        %get3A_1292 = vector.shape_cast %get3A_1291 : vector<1x16xf32> to vector<16xf32>
        %add3A_1293 = arith.addf %get3A_1268, %get3A_1276 : vector<16xf32>
        %add3A_1294 = arith.addf %get3A_1284, %get3A_1292 : vector<16xf32>
        %add3A_1295 = arith.addf %add3A_1293, %add3A_1294 : vector<16xf32>
        %swap3A_1296 = arith.index_cast %scan3A_1022 : i32 to index
        %swap3A_1297 = arith.constant 96 : index
        %swap3A_1298 = tpu.vector_load %arg7[%swap3A_1296, %swap3A_1297] {strides = array<i32>} : memref<64x128xf32, #tpu.memory_space<vmem>>, vector<1x16xf32>,
        %swap3A_1299 = vector.shape_cast %swap3A_1298 : vector<1x16xf32> to vector<16xf32>
        %swap3A_1300 = vector.shape_cast %add3A_1295 : vector<16xf32> to vector<1x16xf32>
        tpu.vector_store %arg7[%swap3A_1296, %swap3A_1297], %swap3A_1300 {add = true, strides = array<i32>} : memref<64x128xf32, #tpu.memory_space<vmem>>, vector<1x16xf32>,
        %get3A_1301 = arith.constant 0 : i32
        %get3A_1302 = arith.constant 0 : i32
        %get3A_1303 = tpu.memref_slice %arg6[%scan3A_866, %get3A_1301, %get3A_1302] : memref<10x64x128xf32, #tpu.memory_space<vmem>> -> memref<1x64x128xf32, #tpu.memory_space<vmem>>
        %get3A_1304 = tpu.memref_squeeze %get3A_1303 : memref<1x64x128xf32, #tpu.memory_space<vmem>> -> memref<64x128xf32, #tpu.memory_space<vmem>>
        %get3A_1305 = arith.index_cast %scan3A_1022 : i32 to index
        %get3A_1306 = arith.constant 112 : index
        %get3A_1307 = tpu.vector_load %get3A_1304[%get3A_1305, %get3A_1306] {strides = array<i32>} : memref<64x128xf32, #tpu.memory_space<vmem>>, vector<1x16xf32>,
        %get3A_1308 = vector.shape_cast %get3A_1307 : vector<1x16xf32> to vector<16xf32>
        %get3A_1309 = arith.constant 0 : i32
        %get3A_1310 = arith.constant 0 : i32
        %get3A_1311 = tpu.memref_slice %arg6[%scan3A_867, %get3A_1309, %get3A_1310] : memref<10x64x128xf32, #tpu.memory_space<vmem>> -> memref<1x64x128xf32, #tpu.memory_space<vmem>>
        %get3A_1312 = tpu.memref_squeeze %get3A_1311 : memref<1x64x128xf32, #tpu.memory_space<vmem>> -> memref<64x128xf32, #tpu.memory_space<vmem>>
        %get3A_1313 = arith.index_cast %scan3A_1022 : i32 to index
        %get3A_1314 = arith.constant 112 : index
        %get3A_1315 = tpu.vector_load %get3A_1312[%get3A_1313, %get3A_1314] {strides = array<i32>} : memref<64x128xf32, #tpu.memory_space<vmem>>, vector<1x16xf32>,
        %get3A_1316 = vector.shape_cast %get3A_1315 : vector<1x16xf32> to vector<16xf32>
        %get3A_1317 = arith.constant 0 : i32
        %get3A_1318 = arith.constant 0 : i32
        %get3A_1319 = tpu.memref_slice %arg6[%scan3A_868, %get3A_1317, %get3A_1318] : memref<10x64x128xf32, #tpu.memory_space<vmem>> -> memref<1x64x128xf32, #tpu.memory_space<vmem>>
        %get3A_1320 = tpu.memref_squeeze %get3A_1319 : memref<1x64x128xf32, #tpu.memory_space<vmem>> -> memref<64x128xf32, #tpu.memory_space<vmem>>
        %get3A_1321 = arith.index_cast %scan3A_1022 : i32 to index
        %get3A_1322 = arith.constant 112 : index
        %get3A_1323 = tpu.vector_load %get3A_1320[%get3A_1321, %get3A_1322] {strides = array<i32>} : memref<64x128xf32, #tpu.memory_space<vmem>>, vector<1x16xf32>,
        %get3A_1324 = vector.shape_cast %get3A_1323 : vector<1x16xf32> to vector<16xf32>
        %get3A_1325 = arith.constant 0 : i32
        %get3A_1326 = arith.constant 0 : i32
        %get3A_1327 = tpu.memref_slice %arg6[%scan3A_869, %get3A_1325, %get3A_1326] : memref<10x64x128xf32, #tpu.memory_space<vmem>> -> memref<1x64x128xf32, #tpu.memory_space<vmem>>
        %get3A_1328 = tpu.memref_squeeze %get3A_1327 : memref<1x64x128xf32, #tpu.memory_space<vmem>> -> memref<64x128xf32, #tpu.memory_space<vmem>>
        %get3A_1329 = arith.index_cast %scan3A_1022 : i32 to index
        %get3A_1330 = arith.constant 112 : index
        %get3A_1331 = tpu.vector_load %get3A_1328[%get3A_1329, %get3A_1330] {strides = array<i32>} : memref<64x128xf32, #tpu.memory_space<vmem>>, vector<1x16xf32>,
        %get3A_1332 = vector.shape_cast %get3A_1331 : vector<1x16xf32> to vector<16xf32>
        %add3A_1333 = arith.addf %get3A_1308, %get3A_1316 : vector<16xf32>
        %add3A_1334 = arith.addf %get3A_1324, %get3A_1332 : vector<16xf32>
        %add3A_1335 = arith.addf %add3A_1333, %add3A_1334 : vector<16xf32>
        %swap3A_1336 = arith.index_cast %scan3A_1022 : i32 to index
        %swap3A_1337 = arith.constant 112 : index
        %swap3A_1338 = tpu.vector_load %arg7[%swap3A_1336, %swap3A_1337] {strides = array<i32>} : memref<64x128xf32, #tpu.memory_space<vmem>>, vector<1x16xf32>,
        %swap3A_1339 = vector.shape_cast %swap3A_1338 : vector<1x16xf32> to vector<16xf32>
        %swap3A_1340 = vector.shape_cast %add3A_1335 : vector<16xf32> to vector<1x16xf32>
        tpu.vector_store %arg7[%swap3A_1336, %swap3A_1337], %swap3A_1340 {add = true, strides = array<i32>} : memref<64x128xf32, #tpu.memory_space<vmem>>, vector<1x16xf32>,
      }
      %scan3A_874 = arith.constant 64 : i32
      %add3A_875 = arith.constant 1 : i32
      %add3A_876 = arith.addi %scan3A_177, %add3A_875 : i32
      %lt3A = arith.constant 8 : i32
      %lt3A_877 = arith.cmpi slt, %add3A_876, %lt3A : i32
      %convert_element_type3A = arith.extui %lt3A_877 : i1 to i32
      %cond3A = arith.constant 0 : i32
      %cond3A_878 = arith.cmpi ne, %convert_element_type3A, %cond3A : i32
      scf.if %cond3A_878 {
        %add3A_1022 = arith.constant 1 : i32
        %add3A_1023 = arith.addi %scan3A_177, %add3A_1022 : i32
        %mul3A_1024 = arith.constant 64 : i32
        %mul3A_1025 = arith.muli %add3A_1023, %mul3A_1024 : i32
        %dma_start3A_1026 = arith.constant 0 : i32
        %dma_start3A_1027 = arith.constant 0 : i32
        %dma_start3A_1028 = arith.constant 0 : i32
        %dma_start3A_1029 = arith.constant 0 : i32
        %dma_start3A_1030 = arith.constant 0 : i32
        %dma_start3A_1031 = tpu.memref_slice %arg6[%dma_start3A_1028, %dma_start3A_1029, %dma_start3A_1030] : memref<10x64x128xf32, #tpu.memory_space<vmem>> -> memref<1x64x128xf32, #tpu.memory_space<vmem>>
        %dma_start3A_1032 = tpu.memref_squeeze %dma_start3A_1031 : memref<1x64x128xf32, #tpu.memory_space<vmem>> -> memref<64x128xf32, #tpu.memory_space<vmem>>
        %dma_start3A_1033 = tpu.memref_slice %arg5[%dma_start3A_1027, %mul3A_1025] : memref<26x512xi32, #tpu.memory_space<vmem>> -> memref<1x64xi32, #tpu.memory_space<vmem>>
        %dma_start3A_1034 = tpu.memref_squeeze %dma_start3A_1033 : memref<1x64xi32, #tpu.memory_space<vmem>> -> memref<64xi32, #tpu.memory_space<vmem>>
        %dma_start3A_1035 = arith.constant 0 : i32
        %dma_start3A_1036 = arith.constant 0 : i32
        %dma_start3A_1037 = tpu.memref_slice %arg3[%dma_start3A_1026, %dma_start3A_1035, %dma_start3A_1036] : memref<26x100001x128xf32, #tpu.memory_space<hbm>> -> memref<1x100001x128xf32, #tpu.memory_space<hbm>>
        %dma_start3A_1038 = tpu.memref_squeeze %dma_start3A_1037 : memref<1x100001x128xf32, #tpu.memory_space<hbm>> -> memref<100001x128xf32, #tpu.memory_space<hbm>>
        %dma_start3A_1039 = arith.constant 0 : i32
        %dma_start3A_1040 = arith.constant 0 : i32
        %dma_start3A_1041 = tpu.memref_slice %dma_start3A_1038[%dma_start3A_1039, %dma_start3A_1040] : memref<100001x128xf32, #tpu.memory_space<hbm>> -> memref<100001x128xf32, #tpu.memory_space<hbm>>
        tpu.enqueue_indirect_dma source(%dma_start3A_1041 : memref<100001x128xf32, #tpu.memory_space<hbm>>) target(%dma_start3A_1032 : memref<64x128xf32, #tpu.memory_space<vmem>>) offsets(%dma_start3A_1034 : memref<64xi32, #tpu.memory_space<vmem>>) semaphore(%arg8 : memref<!tpu.dma_semaphore, #tpu.memory_space<semaphore_mem>>)
        %add3A_1042 = arith.constant 1 : i32
        %add3A_1043 = arith.addi %scan3A_177, %add3A_1042 : i32
        %mul3A_1044 = arith.constant 64 : i32
        %mul3A_1045 = arith.muli %add3A_1043, %mul3A_1044 : i32
        %dma_start3A_1046 = arith.constant 1 : i32
        %dma_start3A_1047 = arith.constant 1 : i32
        %dma_start3A_1048 = arith.constant 1 : i32
        %dma_start3A_1049 = arith.constant 0 : i32
        %dma_start3A_1050 = arith.constant 0 : i32
        %dma_start3A_1051 = tpu.memref_slice %arg6[%dma_start3A_1048, %dma_start3A_1049, %dma_start3A_1050] : memref<10x64x128xf32, #tpu.memory_space<vmem>> -> memref<1x64x128xf32, #tpu.memory_space<vmem>>
        %dma_start3A_1052 = tpu.memref_squeeze %dma_start3A_1051 : memref<1x64x128xf32, #tpu.memory_space<vmem>> -> memref<64x128xf32, #tpu.memory_space<vmem>>
        %dma_start3A_1053 = tpu.memref_slice %arg5[%dma_start3A_1047, %mul3A_1045] : memref<26x512xi32, #tpu.memory_space<vmem>> -> memref<1x64xi32, #tpu.memory_space<vmem>>
        %dma_start3A_1054 = tpu.memref_squeeze %dma_start3A_1053 : memref<1x64xi32, #tpu.memory_space<vmem>> -> memref<64xi32, #tpu.memory_space<vmem>>
        %dma_start3A_1055 = arith.constant 0 : i32
        %dma_start3A_1056 = arith.constant 0 : i32
        %dma_start3A_1057 = tpu.memref_slice %arg3[%dma_start3A_1046, %dma_start3A_1055, %dma_start3A_1056] : memref<26x100001x128xf32, #tpu.memory_space<hbm>> -> memref<1x100001x128xf32, #tpu.memory_space<hbm>>
        %dma_start3A_1058 = tpu.memref_squeeze %dma_start3A_1057 : memref<1x100001x128xf32, #tpu.memory_space<hbm>> -> memref<100001x128xf32, #tpu.memory_space<hbm>>
        %dma_start3A_1059 = arith.constant 0 : i32
        %dma_start3A_1060 = arith.constant 0 : i32
        %dma_start3A_1061 = tpu.memref_slice %dma_start3A_1058[%dma_start3A_1059, %dma_start3A_1060] : memref<100001x128xf32, #tpu.memory_space<hbm>> -> memref<100001x128xf32, #tpu.memory_space<hbm>>
        tpu.enqueue_indirect_dma source(%dma_start3A_1061 : memref<100001x128xf32, #tpu.memory_space<hbm>>) target(%dma_start3A_1052 : memref<64x128xf32, #tpu.memory_space<vmem>>) offsets(%dma_start3A_1054 : memref<64xi32, #tpu.memory_space<vmem>>) semaphore(%arg9 : memref<!tpu.dma_semaphore, #tpu.memory_space<semaphore_mem>>)
        %add3A_1062 = arith.constant 1 : i32
        %add3A_1063 = arith.addi %scan3A_177, %add3A_1062 : i32
        %mul3A_1064 = arith.constant 64 : i32
        %mul3A_1065 = arith.muli %add3A_1063, %mul3A_1064 : i32
        %dma_start3A_1066 = arith.constant 2 : i32
        %dma_start3A_1067 = arith.constant 2 : i32
        %dma_start3A_1068 = arith.constant 2 : i32
        %dma_start3A_1069 = arith.constant 0 : i32
        %dma_start3A_1070 = arith.constant 0 : i32
        %dma_start3A_1071 = tpu.memref_slice %arg6[%dma_start3A_1068, %dma_start3A_1069, %dma_start3A_1070] : memref<10x64x128xf32, #tpu.memory_space<vmem>> -> memref<1x64x128xf32, #tpu.memory_space<vmem>>
        %dma_start3A_1072 = tpu.memref_squeeze %dma_start3A_1071 : memref<1x64x128xf32, #tpu.memory_space<vmem>> -> memref<64x128xf32, #tpu.memory_space<vmem>>
        %dma_start3A_1073 = tpu.memref_slice %arg5[%dma_start3A_1067, %mul3A_1065] : memref<26x512xi32, #tpu.memory_space<vmem>> -> memref<1x64xi32, #tpu.memory_space<vmem>>
        %dma_start3A_1074 = tpu.memref_squeeze %dma_start3A_1073 : memref<1x64xi32, #tpu.memory_space<vmem>> -> memref<64xi32, #tpu.memory_space<vmem>>
        %dma_start3A_1075 = arith.constant 0 : i32
        %dma_start3A_1076 = arith.constant 0 : i32
        %dma_start3A_1077 = tpu.memref_slice %arg3[%dma_start3A_1066, %dma_start3A_1075, %dma_start3A_1076] : memref<26x100001x128xf32, #tpu.memory_space<hbm>> -> memref<1x100001x128xf32, #tpu.memory_space<hbm>>
        %dma_start3A_1078 = tpu.memref_squeeze %dma_start3A_1077 : memref<1x100001x128xf32, #tpu.memory_space<hbm>> -> memref<100001x128xf32, #tpu.memory_space<hbm>>
        %dma_start3A_1079 = arith.constant 0 : i32
        %dma_start3A_1080 = arith.constant 0 : i32
        %dma_start3A_1081 = tpu.memref_slice %dma_start3A_1078[%dma_start3A_1079, %dma_start3A_1080] : memref<100001x128xf32, #tpu.memory_space<hbm>> -> memref<100001x128xf32, #tpu.memory_space<hbm>>
        tpu.enqueue_indirect_dma source(%dma_start3A_1081 : memref<100001x128xf32, #tpu.memory_space<hbm>>) target(%dma_start3A_1072 : memref<64x128xf32, #tpu.memory_space<vmem>>) offsets(%dma_start3A_1074 : memref<64xi32, #tpu.memory_space<vmem>>) semaphore(%arg10 : memref<!tpu.dma_semaphore, #tpu.memory_space<semaphore_mem>>)
        %add3A_1082 = arith.constant 1 : i32
        %add3A_1083 = arith.addi %scan3A_177, %add3A_1082 : i32
        %mul3A_1084 = arith.constant 64 : i32
        %mul3A_1085 = arith.muli %add3A_1083, %mul3A_1084 : i32
        %dma_start3A_1086 = arith.constant 3 : i32
        %dma_start3A_1087 = arith.constant 3 : i32
        %dma_start3A_1088 = arith.constant 3 : i32
        %dma_start3A_1089 = arith.constant 0 : i32
        %dma_start3A_1090 = arith.constant 0 : i32
        %dma_start3A_1091 = tpu.memref_slice %arg6[%dma_start3A_1088, %dma_start3A_1089, %dma_start3A_1090] : memref<10x64x128xf32, #tpu.memory_space<vmem>> -> memref<1x64x128xf32, #tpu.memory_space<vmem>>
        %dma_start3A_1092 = tpu.memref_squeeze %dma_start3A_1091 : memref<1x64x128xf32, #tpu.memory_space<vmem>> -> memref<64x128xf32, #tpu.memory_space<vmem>>
        %dma_start3A_1093 = tpu.memref_slice %arg5[%dma_start3A_1087, %mul3A_1085] : memref<26x512xi32, #tpu.memory_space<vmem>> -> memref<1x64xi32, #tpu.memory_space<vmem>>
        %dma_start3A_1094 = tpu.memref_squeeze %dma_start3A_1093 : memref<1x64xi32, #tpu.memory_space<vmem>> -> memref<64xi32, #tpu.memory_space<vmem>>
        %dma_start3A_1095 = arith.constant 0 : i32
        %dma_start3A_1096 = arith.constant 0 : i32
        %dma_start3A_1097 = tpu.memref_slice %arg3[%dma_start3A_1086, %dma_start3A_1095, %dma_start3A_1096] : memref<26x100001x128xf32, #tpu.memory_space<hbm>> -> memref<1x100001x128xf32, #tpu.memory_space<hbm>>
        %dma_start3A_1098 = tpu.memref_squeeze %dma_start3A_1097 : memref<1x100001x128xf32, #tpu.memory_space<hbm>> -> memref<100001x128xf32, #tpu.memory_space<hbm>>
        %dma_start3A_1099 = arith.constant 0 : i32
        %dma_start3A_1100 = arith.constant 0 : i32
        %dma_start3A_1101 = tpu.memref_slice %dma_start3A_1098[%dma_start3A_1099, %dma_start3A_1100] : memref<100001x128xf32, #tpu.memory_space<hbm>> -> memref<100001x128xf32, #tpu.memory_space<hbm>>
        tpu.enqueue_indirect_dma source(%dma_start3A_1101 : memref<100001x128xf32, #tpu.memory_space<hbm>>) target(%dma_start3A_1092 : memref<64x128xf32, #tpu.memory_space<vmem>>) offsets(%dma_start3A_1094 : memref<64xi32, #tpu.memory_space<vmem>>) semaphore(%arg11 : memref<!tpu.dma_semaphore, #tpu.memory_space<semaphore_mem>>)
      } else {
      }
      %mul3A_879 = arith.constant 64 : i32
      %mul3A_880 = arith.muli %scan3A_177, %mul3A_879 : i32
      %dma_wait3A_881 = arith.constant 20 : i32
      %dma_wait3A_882 = arith.constant 20 : i32
      %dma_wait3A_883 = arith.constant 4 : i32
      %dma_wait3A_884 = arith.constant 0 : i32
      %dma_wait3A_885 = arith.constant 0 : i32
      %dma_wait3A_886 = tpu.memref_slice %arg6[%dma_wait3A_883, %dma_wait3A_884, %dma_wait3A_885] : memref<10x64x128xf32, #tpu.memory_space<vmem>> -> memref<1x64x128xf32, #tpu.memory_space<vmem>>
      %dma_wait3A_887 = tpu.memref_squeeze %dma_wait3A_886 : memref<1x64x128xf32, #tpu.memory_space<vmem>> -> memref<64x128xf32, #tpu.memory_space<vmem>>
      %dma_wait3A_888 = tpu.memref_slice %arg5[%dma_wait3A_882, %mul3A_880] : memref<26x512xi32, #tpu.memory_space<vmem>> -> memref<1x64xi32, #tpu.memory_space<vmem>>
      %dma_wait3A_889 = tpu.memref_squeeze %dma_wait3A_888 : memref<1x64xi32, #tpu.memory_space<vmem>> -> memref<64xi32, #tpu.memory_space<vmem>>
      %dma_wait3A_890 = arith.constant 0 : i32
      %dma_wait3A_891 = arith.constant 0 : i32
      %dma_wait3A_892 = tpu.memref_slice %arg3[%dma_wait3A_881, %dma_wait3A_890, %dma_wait3A_891] : memref<26x100001x128xf32, #tpu.memory_space<hbm>> -> memref<1x100001x128xf32, #tpu.memory_space<hbm>>
      %dma_wait3A_893 = tpu.memref_squeeze %dma_wait3A_892 : memref<1x100001x128xf32, #tpu.memory_space<hbm>> -> memref<100001x128xf32, #tpu.memory_space<hbm>>
      %dma_wait3A_894 = arith.constant 0 : i32
      %dma_wait3A_895 = arith.constant 0 : i32
      %dma_wait3A_896 = tpu.memref_slice %dma_wait3A_893[%dma_wait3A_894, %dma_wait3A_895] : memref<100001x128xf32, #tpu.memory_space<hbm>> -> memref<100001x128xf32, #tpu.memory_space<hbm>>
      tpu.wait_indirect_dma semaphore(%arg12 : memref<!tpu.dma_semaphore, #tpu.memory_space<semaphore_mem>>) src(%dma_wait3A_896 : memref<100001x128xf32, #tpu.memory_space<hbm>>) dst(%dma_wait3A_887 : memref<64x128xf32, #tpu.memory_space<vmem>>)
      %mul3A_897 = arith.constant 64 : i32
      %mul3A_898 = arith.muli %scan3A_177, %mul3A_897 : i32
      %dma_wait3A_899 = arith.constant 21 : i32
      %dma_wait3A_900 = arith.constant 21 : i32
      %dma_wait3A_901 = arith.constant 5 : i32
      %dma_wait3A_902 = arith.constant 0 : i32
      %dma_wait3A_903 = arith.constant 0 : i32
      %dma_wait3A_904 = tpu.memref_slice %arg6[%dma_wait3A_901, %dma_wait3A_902, %dma_wait3A_903] : memref<10x64x128xf32, #tpu.memory_space<vmem>> -> memref<1x64x128xf32, #tpu.memory_space<vmem>>
      %dma_wait3A_905 = tpu.memref_squeeze %dma_wait3A_904 : memref<1x64x128xf32, #tpu.memory_space<vmem>> -> memref<64x128xf32, #tpu.memory_space<vmem>>
      %dma_wait3A_906 = tpu.memref_slice %arg5[%dma_wait3A_900, %mul3A_898] : memref<26x512xi32, #tpu.memory_space<vmem>> -> memref<1x64xi32, #tpu.memory_space<vmem>>
      %dma_wait3A_907 = tpu.memref_squeeze %dma_wait3A_906 : memref<1x64xi32, #tpu.memory_space<vmem>> -> memref<64xi32, #tpu.memory_space<vmem>>
      %dma_wait3A_908 = arith.constant 0 : i32
      %dma_wait3A_909 = arith.constant 0 : i32
      %dma_wait3A_910 = tpu.memref_slice %arg3[%dma_wait3A_899, %dma_wait3A_908, %dma_wait3A_909] : memref<26x100001x128xf32, #tpu.memory_space<hbm>> -> memref<1x100001x128xf32, #tpu.memory_space<hbm>>
      %dma_wait3A_911 = tpu.memref_squeeze %dma_wait3A_910 : memref<1x100001x128xf32, #tpu.memory_space<hbm>> -> memref<100001x128xf32, #tpu.memory_space<hbm>>
      %dma_wait3A_912 = arith.constant 0 : i32
      %dma_wait3A_913 = arith.constant 0 : i32
      %dma_wait3A_914 = tpu.memref_slice %dma_wait3A_911[%dma_wait3A_912, %dma_wait3A_913] : memref<100001x128xf32, #tpu.memory_space<hbm>> -> memref<100001x128xf32, #tpu.memory_space<hbm>>
      tpu.wait_indirect_dma semaphore(%arg13 : memref<!tpu.dma_semaphore, #tpu.memory_space<semaphore_mem>>) src(%dma_wait3A_914 : memref<100001x128xf32, #tpu.memory_space<hbm>>) dst(%dma_wait3A_905 : memref<64x128xf32, #tpu.memory_space<vmem>>)
      %mul3A_915 = arith.constant 64 : i32
      %mul3A_916 = arith.muli %scan3A_177, %mul3A_915 : i32
      %dma_wait3A_917 = arith.constant 22 : i32
      %dma_wait3A_918 = arith.constant 22 : i32
      %dma_wait3A_919 = arith.constant 6 : i32
      %dma_wait3A_920 = arith.constant 0 : i32
      %dma_wait3A_921 = arith.constant 0 : i32
      %dma_wait3A_922 = tpu.memref_slice %arg6[%dma_wait3A_919, %dma_wait3A_920, %dma_wait3A_921] : memref<10x64x128xf32, #tpu.memory_space<vmem>> -> memref<1x64x128xf32, #tpu.memory_space<vmem>>
      %dma_wait3A_923 = tpu.memref_squeeze %dma_wait3A_922 : memref<1x64x128xf32, #tpu.memory_space<vmem>> -> memref<64x128xf32, #tpu.memory_space<vmem>>
      %dma_wait3A_924 = tpu.memref_slice %arg5[%dma_wait3A_918, %mul3A_916] : memref<26x512xi32, #tpu.memory_space<vmem>> -> memref<1x64xi32, #tpu.memory_space<vmem>>
      %dma_wait3A_925 = tpu.memref_squeeze %dma_wait3A_924 : memref<1x64xi32, #tpu.memory_space<vmem>> -> memref<64xi32, #tpu.memory_space<vmem>>
      %dma_wait3A_926 = arith.constant 0 : i32
      %dma_wait3A_927 = arith.constant 0 : i32
      %dma_wait3A_928 = tpu.memref_slice %arg3[%dma_wait3A_917, %dma_wait3A_926, %dma_wait3A_927] : memref<26x100001x128xf32, #tpu.memory_space<hbm>> -> memref<1x100001x128xf32, #tpu.memory_space<hbm>>
      %dma_wait3A_929 = tpu.memref_squeeze %dma_wait3A_928 : memref<1x100001x128xf32, #tpu.memory_space<hbm>> -> memref<100001x128xf32, #tpu.memory_space<hbm>>
      %dma_wait3A_930 = arith.constant 0 : i32
      %dma_wait3A_931 = arith.constant 0 : i32
      %dma_wait3A_932 = tpu.memref_slice %dma_wait3A_929[%dma_wait3A_930, %dma_wait3A_931] : memref<100001x128xf32, #tpu.memory_space<hbm>> -> memref<100001x128xf32, #tpu.memory_space<hbm>>
      tpu.wait_indirect_dma semaphore(%arg14 : memref<!tpu.dma_semaphore, #tpu.memory_space<semaphore_mem>>) src(%dma_wait3A_932 : memref<100001x128xf32, #tpu.memory_space<hbm>>) dst(%dma_wait3A_923 : memref<64x128xf32, #tpu.memory_space<vmem>>)
      %mul3A_933 = arith.constant 64 : i32
      %mul3A_934 = arith.muli %scan3A_177, %mul3A_933 : i32
      %dma_wait3A_935 = arith.constant 23 : i32
      %dma_wait3A_936 = arith.constant 23 : i32
      %dma_wait3A_937 = arith.constant 7 : i32
      %dma_wait3A_938 = arith.constant 0 : i32
      %dma_wait3A_939 = arith.constant 0 : i32
      %dma_wait3A_940 = tpu.memref_slice %arg6[%dma_wait3A_937, %dma_wait3A_938, %dma_wait3A_939] : memref<10x64x128xf32, #tpu.memory_space<vmem>> -> memref<1x64x128xf32, #tpu.memory_space<vmem>>
      %dma_wait3A_941 = tpu.memref_squeeze %dma_wait3A_940 : memref<1x64x128xf32, #tpu.memory_space<vmem>> -> memref<64x128xf32, #tpu.memory_space<vmem>>
      %dma_wait3A_942 = tpu.memref_slice %arg5[%dma_wait3A_936, %mul3A_934] : memref<26x512xi32, #tpu.memory_space<vmem>> -> memref<1x64xi32, #tpu.memory_space<vmem>>
      %dma_wait3A_943 = tpu.memref_squeeze %dma_wait3A_942 : memref<1x64xi32, #tpu.memory_space<vmem>> -> memref<64xi32, #tpu.memory_space<vmem>>
      %dma_wait3A_944 = arith.constant 0 : i32
      %dma_wait3A_945 = arith.constant 0 : i32
      %dma_wait3A_946 = tpu.memref_slice %arg3[%dma_wait3A_935, %dma_wait3A_944, %dma_wait3A_945] : memref<26x100001x128xf32, #tpu.memory_space<hbm>> -> memref<1x100001x128xf32, #tpu.memory_space<hbm>>
      %dma_wait3A_947 = tpu.memref_squeeze %dma_wait3A_946 : memref<1x100001x128xf32, #tpu.memory_space<hbm>> -> memref<100001x128xf32, #tpu.memory_space<hbm>>
      %dma_wait3A_948 = arith.constant 0 : i32
      %dma_wait3A_949 = arith.constant 0 : i32
      %dma_wait3A_950 = tpu.memref_slice %dma_wait3A_947[%dma_wait3A_948, %dma_wait3A_949] : memref<100001x128xf32, #tpu.memory_space<hbm>> -> memref<100001x128xf32, #tpu.memory_space<hbm>>
      tpu.wait_indirect_dma semaphore(%arg15 : memref<!tpu.dma_semaphore, #tpu.memory_space<semaphore_mem>>) src(%dma_wait3A_950 : memref<100001x128xf32, #tpu.memory_space<hbm>>) dst(%dma_wait3A_941 : memref<64x128xf32, #tpu.memory_space<vmem>>)
      %scan3A_951 = arith.constant 0 : i32
      %scan3A_952 = arith.constant 4 : i32
      %scan3A_953 = arith.constant 5 : i32
      %scan3A_954 = arith.constant 6 : i32
      %scan3A_955 = arith.constant 7 : i32
      %scan3A_956 = arith.constant 0 : i32
      %scan3A_957 = arith.constant 64 : i32
      %scan3A_958 = arith.addi %scan3A_956, %scan3A_957 : i32
      %scan3A_959 = arith.constant 1 : i32
      scf.for %scan3A_1022 = %scan3A_956 to %scan3A_958 step %scan3A_959  : i32 {
        %get3A = arith.constant 0 : i32
        %get3A_1023 = arith.constant 0 : i32
        %get3A_1024 = tpu.memref_slice %arg6[%scan3A_952, %get3A, %get3A_1023] : memref<10x64x128xf32, #tpu.memory_space<vmem>> -> memref<1x64x128xf32, #tpu.memory_space<vmem>>
        %get3A_1025 = tpu.memref_squeeze %get3A_1024 : memref<1x64x128xf32, #tpu.memory_space<vmem>> -> memref<64x128xf32, #tpu.memory_space<vmem>>
        %get3A_1026 = arith.index_cast %scan3A_1022 : i32 to index
        %get3A_1027 = arith.constant 0 : index
        %get3A_1028 = tpu.vector_load %get3A_1025[%get3A_1026, %get3A_1027] {strides = array<i32>} : memref<64x128xf32, #tpu.memory_space<vmem>>, vector<1x16xf32>,
        %get3A_1029 = vector.shape_cast %get3A_1028 : vector<1x16xf32> to vector<16xf32>
        %get3A_1030 = arith.constant 0 : i32
        %get3A_1031 = arith.constant 0 : i32
        %get3A_1032 = tpu.memref_slice %arg6[%scan3A_953, %get3A_1030, %get3A_1031] : memref<10x64x128xf32, #tpu.memory_space<vmem>> -> memref<1x64x128xf32, #tpu.memory_space<vmem>>
        %get3A_1033 = tpu.memref_squeeze %get3A_1032 : memref<1x64x128xf32, #tpu.memory_space<vmem>> -> memref<64x128xf32, #tpu.memory_space<vmem>>
        %get3A_1034 = arith.index_cast %scan3A_1022 : i32 to index
        %get3A_1035 = arith.constant 0 : index
        %get3A_1036 = tpu.vector_load %get3A_1033[%get3A_1034, %get3A_1035] {strides = array<i32>} : memref<64x128xf32, #tpu.memory_space<vmem>>, vector<1x16xf32>,
        %get3A_1037 = vector.shape_cast %get3A_1036 : vector<1x16xf32> to vector<16xf32>
        %get3A_1038 = arith.constant 0 : i32
        %get3A_1039 = arith.constant 0 : i32
        %get3A_1040 = tpu.memref_slice %arg6[%scan3A_954, %get3A_1038, %get3A_1039] : memref<10x64x128xf32, #tpu.memory_space<vmem>> -> memref<1x64x128xf32, #tpu.memory_space<vmem>>
        %get3A_1041 = tpu.memref_squeeze %get3A_1040 : memref<1x64x128xf32, #tpu.memory_space<vmem>> -> memref<64x128xf32, #tpu.memory_space<vmem>>
        %get3A_1042 = arith.index_cast %scan3A_1022 : i32 to index
        %get3A_1043 = arith.constant 0 : index
        %get3A_1044 = tpu.vector_load %get3A_1041[%get3A_1042, %get3A_1043] {strides = array<i32>} : memref<64x128xf32, #tpu.memory_space<vmem>>, vector<1x16xf32>,
        %get3A_1045 = vector.shape_cast %get3A_1044 : vector<1x16xf32> to vector<16xf32>
        %get3A_1046 = arith.constant 0 : i32
        %get3A_1047 = arith.constant 0 : i32
        %get3A_1048 = tpu.memref_slice %arg6[%scan3A_955, %get3A_1046, %get3A_1047] : memref<10x64x128xf32, #tpu.memory_space<vmem>> -> memref<1x64x128xf32, #tpu.memory_space<vmem>>
        %get3A_1049 = tpu.memref_squeeze %get3A_1048 : memref<1x64x128xf32, #tpu.memory_space<vmem>> -> memref<64x128xf32, #tpu.memory_space<vmem>>
        %get3A_1050 = arith.index_cast %scan3A_1022 : i32 to index
        %get3A_1051 = arith.constant 0 : index
        %get3A_1052 = tpu.vector_load %get3A_1049[%get3A_1050, %get3A_1051] {strides = array<i32>} : memref<64x128xf32, #tpu.memory_space<vmem>>, vector<1x16xf32>,
        %get3A_1053 = vector.shape_cast %get3A_1052 : vector<1x16xf32> to vector<16xf32>
        %add3A_1054 = arith.addf %get3A_1029, %get3A_1037 : vector<16xf32>
        %add3A_1055 = arith.addf %get3A_1045, %get3A_1053 : vector<16xf32>
        %add3A_1056 = arith.addf %add3A_1054, %add3A_1055 : vector<16xf32>
        %swap3A = arith.index_cast %scan3A_1022 : i32 to index
        %swap3A_1057 = arith.constant 0 : index
        %swap3A_1058 = tpu.vector_load %arg7[%swap3A, %swap3A_1057] {strides = array<i32>} : memref<64x128xf32, #tpu.memory_space<vmem>>, vector<1x16xf32>,
        %swap3A_1059 = vector.shape_cast %swap3A_1058 : vector<1x16xf32> to vector<16xf32>
        %swap3A_1060 = vector.shape_cast %add3A_1056 : vector<16xf32> to vector<1x16xf32>
        tpu.vector_store %arg7[%swap3A, %swap3A_1057], %swap3A_1060 {add = true, strides = array<i32>} : memref<64x128xf32, #tpu.memory_space<vmem>>, vector<1x16xf32>,
        %get3A_1061 = arith.constant 0 : i32
        %get3A_1062 = arith.constant 0 : i32
        %get3A_1063 = tpu.memref_slice %arg6[%scan3A_952, %get3A_1061, %get3A_1062] : memref<10x64x128xf32, #tpu.memory_space<vmem>> -> memref<1x64x128xf32, #tpu.memory_space<vmem>>
        %get3A_1064 = tpu.memref_squeeze %get3A_1063 : memref<1x64x128xf32, #tpu.memory_space<vmem>> -> memref<64x128xf32, #tpu.memory_space<vmem>>
        %get3A_1065 = arith.index_cast %scan3A_1022 : i32 to index
        %get3A_1066 = arith.constant 16 : index
        %get3A_1067 = tpu.vector_load %get3A_1064[%get3A_1065, %get3A_1066] {strides = array<i32>} : memref<64x128xf32, #tpu.memory_space<vmem>>, vector<1x16xf32>,
        %get3A_1068 = vector.shape_cast %get3A_1067 : vector<1x16xf32> to vector<16xf32>
        %get3A_1069 = arith.constant 0 : i32
        %get3A_1070 = arith.constant 0 : i32
        %get3A_1071 = tpu.memref_slice %arg6[%scan3A_953, %get3A_1069, %get3A_1070] : memref<10x64x128xf32, #tpu.memory_space<vmem>> -> memref<1x64x128xf32, #tpu.memory_space<vmem>>
        %get3A_1072 = tpu.memref_squeeze %get3A_1071 : memref<1x64x128xf32, #tpu.memory_space<vmem>> -> memref<64x128xf32, #tpu.memory_space<vmem>>
        %get3A_1073 = arith.index_cast %scan3A_1022 : i32 to index
        %get3A_1074 = arith.constant 16 : index
        %get3A_1075 = tpu.vector_load %get3A_1072[%get3A_1073, %get3A_1074] {strides = array<i32>} : memref<64x128xf32, #tpu.memory_space<vmem>>, vector<1x16xf32>,
        %get3A_1076 = vector.shape_cast %get3A_1075 : vector<1x16xf32> to vector<16xf32>
        %get3A_1077 = arith.constant 0 : i32
        %get3A_1078 = arith.constant 0 : i32
        %get3A_1079 = tpu.memref_slice %arg6[%scan3A_954, %get3A_1077, %get3A_1078] : memref<10x64x128xf32, #tpu.memory_space<vmem>> -> memref<1x64x128xf32, #tpu.memory_space<vmem>>
        %get3A_1080 = tpu.memref_squeeze %get3A_1079 : memref<1x64x128xf32, #tpu.memory_space<vmem>> -> memref<64x128xf32, #tpu.memory_space<vmem>>
        %get3A_1081 = arith.index_cast %scan3A_1022 : i32 to index
        %get3A_1082 = arith.constant 16 : index
        %get3A_1083 = tpu.vector_load %get3A_1080[%get3A_1081, %get3A_1082] {strides = array<i32>} : memref<64x128xf32, #tpu.memory_space<vmem>>, vector<1x16xf32>,
        %get3A_1084 = vector.shape_cast %get3A_1083 : vector<1x16xf32> to vector<16xf32>
        %get3A_1085 = arith.constant 0 : i32
        %get3A_1086 = arith.constant 0 : i32
        %get3A_1087 = tpu.memref_slice %arg6[%scan3A_955, %get3A_1085, %get3A_1086] : memref<10x64x128xf32, #tpu.memory_space<vmem>> -> memref<1x64x128xf32, #tpu.memory_space<vmem>>
        %get3A_1088 = tpu.memref_squeeze %get3A_1087 : memref<1x64x128xf32, #tpu.memory_space<vmem>> -> memref<64x128xf32, #tpu.memory_space<vmem>>
        %get3A_1089 = arith.index_cast %scan3A_1022 : i32 to index
        %get3A_1090 = arith.constant 16 : index
        %get3A_1091 = tpu.vector_load %get3A_1088[%get3A_1089, %get3A_1090] {strides = array<i32>} : memref<64x128xf32, #tpu.memory_space<vmem>>, vector<1x16xf32>,
        %get3A_1092 = vector.shape_cast %get3A_1091 : vector<1x16xf32> to vector<16xf32>
        %add3A_1093 = arith.addf %get3A_1068, %get3A_1076 : vector<16xf32>
        %add3A_1094 = arith.addf %get3A_1084, %get3A_1092 : vector<16xf32>
        %add3A_1095 = arith.addf %add3A_1093, %add3A_1094 : vector<16xf32>
        %swap3A_1096 = arith.index_cast %scan3A_1022 : i32 to index
        %swap3A_1097 = arith.constant 16 : index
        %swap3A_1098 = tpu.vector_load %arg7[%swap3A_1096, %swap3A_1097] {strides = array<i32>} : memref<64x128xf32, #tpu.memory_space<vmem>>, vector<1x16xf32>,
        %swap3A_1099 = vector.shape_cast %swap3A_1098 : vector<1x16xf32> to vector<16xf32>
        %swap3A_1100 = vector.shape_cast %add3A_1095 : vector<16xf32> to vector<1x16xf32>
        tpu.vector_store %arg7[%swap3A_1096, %swap3A_1097], %swap3A_1100 {add = true, strides = array<i32>} : memref<64x128xf32, #tpu.memory_space<vmem>>, vector<1x16xf32>,
        %get3A_1101 = arith.constant 0 : i32
        %get3A_1102 = arith.constant 0 : i32
        %get3A_1103 = tpu.memref_slice %arg6[%scan3A_952, %get3A_1101, %get3A_1102] : memref<10x64x128xf32, #tpu.memory_space<vmem>> -> memref<1x64x128xf32, #tpu.memory_space<vmem>>
        %get3A_1104 = tpu.memref_squeeze %get3A_1103 : memref<1x64x128xf32, #tpu.memory_space<vmem>> -> memref<64x128xf32, #tpu.memory_space<vmem>>
        %get3A_1105 = arith.index_cast %scan3A_1022 : i32 to index
        %get3A_1106 = arith.constant 32 : index
        %get3A_1107 = tpu.vector_load %get3A_1104[%get3A_1105, %get3A_1106] {strides = array<i32>} : memref<64x128xf32, #tpu.memory_space<vmem>>, vector<1x16xf32>,
        %get3A_1108 = vector.shape_cast %get3A_1107 : vector<1x16xf32> to vector<16xf32>
        %get3A_1109 = arith.constant 0 : i32
        %get3A_1110 = arith.constant 0 : i32
        %get3A_1111 = tpu.memref_slice %arg6[%scan3A_953, %get3A_1109, %get3A_1110] : memref<10x64x128xf32, #tpu.memory_space<vmem>> -> memref<1x64x128xf32, #tpu.memory_space<vmem>>
        %get3A_1112 = tpu.memref_squeeze %get3A_1111 : memref<1x64x128xf32, #tpu.memory_space<vmem>> -> memref<64x128xf32, #tpu.memory_space<vmem>>
        %get3A_1113 = arith.index_cast %scan3A_1022 : i32 to index
        %get3A_1114 = arith.constant 32 : index
        %get3A_1115 = tpu.vector_load %get3A_1112[%get3A_1113, %get3A_1114] {strides = array<i32>} : memref<64x128xf32, #tpu.memory_space<vmem>>, vector<1x16xf32>,
        %get3A_1116 = vector.shape_cast %get3A_1115 : vector<1x16xf32> to vector<16xf32>
        %get3A_1117 = arith.constant 0 : i32
        %get3A_1118 = arith.constant 0 : i32
        %get3A_1119 = tpu.memref_slice %arg6[%scan3A_954, %get3A_1117, %get3A_1118] : memref<10x64x128xf32, #tpu.memory_space<vmem>> -> memref<1x64x128xf32, #tpu.memory_space<vmem>>
        %get3A_1120 = tpu.memref_squeeze %get3A_1119 : memref<1x64x128xf32, #tpu.memory_space<vmem>> -> memref<64x128xf32, #tpu.memory_space<vmem>>
        %get3A_1121 = arith.index_cast %scan3A_1022 : i32 to index
        %get3A_1122 = arith.constant 32 : index
        %get3A_1123 = tpu.vector_load %get3A_1120[%get3A_1121, %get3A_1122] {strides = array<i32>} : memref<64x128xf32, #tpu.memory_space<vmem>>, vector<1x16xf32>,
        %get3A_1124 = vector.shape_cast %get3A_1123 : vector<1x16xf32> to vector<16xf32>
        %get3A_1125 = arith.constant 0 : i32
        %get3A_1126 = arith.constant 0 : i32
        %get3A_1127 = tpu.memref_slice %arg6[%scan3A_955, %get3A_1125, %get3A_1126] : memref<10x64x128xf32, #tpu.memory_space<vmem>> -> memref<1x64x128xf32, #tpu.memory_space<vmem>>
        %get3A_1128 = tpu.memref_squeeze %get3A_1127 : memref<1x64x128xf32, #tpu.memory_space<vmem>> -> memref<64x128xf32, #tpu.memory_space<vmem>>
        %get3A_1129 = arith.index_cast %scan3A_1022 : i32 to index
        %get3A_1130 = arith.constant 32 : index
        %get3A_1131 = tpu.vector_load %get3A_1128[%get3A_1129, %get3A_1130] {strides = array<i32>} : memref<64x128xf32, #tpu.memory_space<vmem>>, vector<1x16xf32>,
        %get3A_1132 = vector.shape_cast %get3A_1131 : vector<1x16xf32> to vector<16xf32>
        %add3A_1133 = arith.addf %get3A_1108, %get3A_1116 : vector<16xf32>
        %add3A_1134 = arith.addf %get3A_1124, %get3A_1132 : vector<16xf32>
        %add3A_1135 = arith.addf %add3A_1133, %add3A_1134 : vector<16xf32>
        %swap3A_1136 = arith.index_cast %scan3A_1022 : i32 to index
        %swap3A_1137 = arith.constant 32 : index
        %swap3A_1138 = tpu.vector_load %arg7[%swap3A_1136, %swap3A_1137] {strides = array<i32>} : memref<64x128xf32, #tpu.memory_space<vmem>>, vector<1x16xf32>,
        %swap3A_1139 = vector.shape_cast %swap3A_1138 : vector<1x16xf32> to vector<16xf32>
        %swap3A_1140 = vector.shape_cast %add3A_1135 : vector<16xf32> to vector<1x16xf32>
        tpu.vector_store %arg7[%swap3A_1136, %swap3A_1137], %swap3A_1140 {add = true, strides = array<i32>} : memref<64x128xf32, #tpu.memory_space<vmem>>, vector<1x16xf32>,
        %get3A_1141 = arith.constant 0 : i32
        %get3A_1142 = arith.constant 0 : i32
        %get3A_1143 = tpu.memref_slice %arg6[%scan3A_952, %get3A_1141, %get3A_1142] : memref<10x64x128xf32, #tpu.memory_space<vmem>> -> memref<1x64x128xf32, #tpu.memory_space<vmem>>
        %get3A_1144 = tpu.memref_squeeze %get3A_1143 : memref<1x64x128xf32, #tpu.memory_space<vmem>> -> memref<64x128xf32, #tpu.memory_space<vmem>>
        %get3A_1145 = arith.index_cast %scan3A_1022 : i32 to index
        %get3A_1146 = arith.constant 48 : index
        %get3A_1147 = tpu.vector_load %get3A_1144[%get3A_1145, %get3A_1146] {strides = array<i32>} : memref<64x128xf32, #tpu.memory_space<vmem>>, vector<1x16xf32>,
        %get3A_1148 = vector.shape_cast %get3A_1147 : vector<1x16xf32> to vector<16xf32>
        %get3A_1149 = arith.constant 0 : i32
        %get3A_1150 = arith.constant 0 : i32
        %get3A_1151 = tpu.memref_slice %arg6[%scan3A_953, %get3A_1149, %get3A_1150] : memref<10x64x128xf32, #tpu.memory_space<vmem>> -> memref<1x64x128xf32, #tpu.memory_space<vmem>>
        %get3A_1152 = tpu.memref_squeeze %get3A_1151 : memref<1x64x128xf32, #tpu.memory_space<vmem>> -> memref<64x128xf32, #tpu.memory_space<vmem>>
        %get3A_1153 = arith.index_cast %scan3A_1022 : i32 to index
        %get3A_1154 = arith.constant 48 : index
        %get3A_1155 = tpu.vector_load %get3A_1152[%get3A_1153, %get3A_1154] {strides = array<i32>} : memref<64x128xf32, #tpu.memory_space<vmem>>, vector<1x16xf32>,
        %get3A_1156 = vector.shape_cast %get3A_1155 : vector<1x16xf32> to vector<16xf32>
        %get3A_1157 = arith.constant 0 : i32
        %get3A_1158 = arith.constant 0 : i32
        %get3A_1159 = tpu.memref_slice %arg6[%scan3A_954, %get3A_1157, %get3A_1158] : memref<10x64x128xf32, #tpu.memory_space<vmem>> -> memref<1x64x128xf32, #tpu.memory_space<vmem>>
        %get3A_1160 = tpu.memref_squeeze %get3A_1159 : memref<1x64x128xf32, #tpu.memory_space<vmem>> -> memref<64x128xf32, #tpu.memory_space<vmem>>
        %get3A_1161 = arith.index_cast %scan3A_1022 : i32 to index
        %get3A_1162 = arith.constant 48 : index
        %get3A_1163 = tpu.vector_load %get3A_1160[%get3A_1161, %get3A_1162] {strides = array<i32>} : memref<64x128xf32, #tpu.memory_space<vmem>>, vector<1x16xf32>,
        %get3A_1164 = vector.shape_cast %get3A_1163 : vector<1x16xf32> to vector<16xf32>
        %get3A_1165 = arith.constant 0 : i32
        %get3A_1166 = arith.constant 0 : i32
        %get3A_1167 = tpu.memref_slice %arg6[%scan3A_955, %get3A_1165, %get3A_1166] : memref<10x64x128xf32, #tpu.memory_space<vmem>> -> memref<1x64x128xf32, #tpu.memory_space<vmem>>
        %get3A_1168 = tpu.memref_squeeze %get3A_1167 : memref<1x64x128xf32, #tpu.memory_space<vmem>> -> memref<64x128xf32, #tpu.memory_space<vmem>>
        %get3A_1169 = arith.index_cast %scan3A_1022 : i32 to index
        %get3A_1170 = arith.constant 48 : index
        %get3A_1171 = tpu.vector_load %get3A_1168[%get3A_1169, %get3A_1170] {strides = array<i32>} : memref<64x128xf32, #tpu.memory_space<vmem>>, vector<1x16xf32>,
        %get3A_1172 = vector.shape_cast %get3A_1171 : vector<1x16xf32> to vector<16xf32>
        %add3A_1173 = arith.addf %get3A_1148, %get3A_1156 : vector<16xf32>
        %add3A_1174 = arith.addf %get3A_1164, %get3A_1172 : vector<16xf32>
        %add3A_1175 = arith.addf %add3A_1173, %add3A_1174 : vector<16xf32>
        %swap3A_1176 = arith.index_cast %scan3A_1022 : i32 to index
        %swap3A_1177 = arith.constant 48 : index
        %swap3A_1178 = tpu.vector_load %arg7[%swap3A_1176, %swap3A_1177] {strides = array<i32>} : memref<64x128xf32, #tpu.memory_space<vmem>>, vector<1x16xf32>,
        %swap3A_1179 = vector.shape_cast %swap3A_1178 : vector<1x16xf32> to vector<16xf32>
        %swap3A_1180 = vector.shape_cast %add3A_1175 : vector<16xf32> to vector<1x16xf32>
        tpu.vector_store %arg7[%swap3A_1176, %swap3A_1177], %swap3A_1180 {add = true, strides = array<i32>} : memref<64x128xf32, #tpu.memory_space<vmem>>, vector<1x16xf32>,
        %get3A_1181 = arith.constant 0 : i32
        %get3A_1182 = arith.constant 0 : i32
        %get3A_1183 = tpu.memref_slice %arg6[%scan3A_952, %get3A_1181, %get3A_1182] : memref<10x64x128xf32, #tpu.memory_space<vmem>> -> memref<1x64x128xf32, #tpu.memory_space<vmem>>
        %get3A_1184 = tpu.memref_squeeze %get3A_1183 : memref<1x64x128xf32, #tpu.memory_space<vmem>> -> memref<64x128xf32, #tpu.memory_space<vmem>>
        %get3A_1185 = arith.index_cast %scan3A_1022 : i32 to index
        %get3A_1186 = arith.constant 64 : index
        %get3A_1187 = tpu.vector_load %get3A_1184[%get3A_1185, %get3A_1186] {strides = array<i32>} : memref<64x128xf32, #tpu.memory_space<vmem>>, vector<1x16xf32>,
        %get3A_1188 = vector.shape_cast %get3A_1187 : vector<1x16xf32> to vector<16xf32>
        %get3A_1189 = arith.constant 0 : i32
        %get3A_1190 = arith.constant 0 : i32
        %get3A_1191 = tpu.memref_slice %arg6[%scan3A_953, %get3A_1189, %get3A_1190] : memref<10x64x128xf32, #tpu.memory_space<vmem>> -> memref<1x64x128xf32, #tpu.memory_space<vmem>>
        %get3A_1192 = tpu.memref_squeeze %get3A_1191 : memref<1x64x128xf32, #tpu.memory_space<vmem>> -> memref<64x128xf32, #tpu.memory_space<vmem>>
        %get3A_1193 = arith.index_cast %scan3A_1022 : i32 to index
        %get3A_1194 = arith.constant 64 : index
        %get3A_1195 = tpu.vector_load %get3A_1192[%get3A_1193, %get3A_1194] {strides = array<i32>} : memref<64x128xf32, #tpu.memory_space<vmem>>, vector<1x16xf32>,
        %get3A_1196 = vector.shape_cast %get3A_1195 : vector<1x16xf32> to vector<16xf32>
        %get3A_1197 = arith.constant 0 : i32
        %get3A_1198 = arith.constant 0 : i32
        %get3A_1199 = tpu.memref_slice %arg6[%scan3A_954, %get3A_1197, %get3A_1198] : memref<10x64x128xf32, #tpu.memory_space<vmem>> -> memref<1x64x128xf32, #tpu.memory_space<vmem>>
        %get3A_1200 = tpu.memref_squeeze %get3A_1199 : memref<1x64x128xf32, #tpu.memory_space<vmem>> -> memref<64x128xf32, #tpu.memory_space<vmem>>
        %get3A_1201 = arith.index_cast %scan3A_1022 : i32 to index
        %get3A_1202 = arith.constant 64 : index
        %get3A_1203 = tpu.vector_load %get3A_1200[%get3A_1201, %get3A_1202] {strides = array<i32>} : memref<64x128xf32, #tpu.memory_space<vmem>>, vector<1x16xf32>,
        %get3A_1204 = vector.shape_cast %get3A_1203 : vector<1x16xf32> to vector<16xf32>
        %get3A_1205 = arith.constant 0 : i32
        %get3A_1206 = arith.constant 0 : i32
        %get3A_1207 = tpu.memref_slice %arg6[%scan3A_955, %get3A_1205, %get3A_1206] : memref<10x64x128xf32, #tpu.memory_space<vmem>> -> memref<1x64x128xf32, #tpu.memory_space<vmem>>
        %get3A_1208 = tpu.memref_squeeze %get3A_1207 : memref<1x64x128xf32, #tpu.memory_space<vmem>> -> memref<64x128xf32, #tpu.memory_space<vmem>>
        %get3A_1209 = arith.index_cast %scan3A_1022 : i32 to index
        %get3A_1210 = arith.constant 64 : index
        %get3A_1211 = tpu.vector_load %get3A_1208[%get3A_1209, %get3A_1210] {strides = array<i32>} : memref<64x128xf32, #tpu.memory_space<vmem>>, vector<1x16xf32>,
        %get3A_1212 = vector.shape_cast %get3A_1211 : vector<1x16xf32> to vector<16xf32>
        %add3A_1213 = arith.addf %get3A_1188, %get3A_1196 : vector<16xf32>
        %add3A_1214 = arith.addf %get3A_1204, %get3A_1212 : vector<16xf32>
        %add3A_1215 = arith.addf %add3A_1213, %add3A_1214 : vector<16xf32>
        %swap3A_1216 = arith.index_cast %scan3A_1022 : i32 to index
        %swap3A_1217 = arith.constant 64 : index
        %swap3A_1218 = tpu.vector_load %arg7[%swap3A_1216, %swap3A_1217] {strides = array<i32>} : memref<64x128xf32, #tpu.memory_space<vmem>>, vector<1x16xf32>,
        %swap3A_1219 = vector.shape_cast %swap3A_1218 : vector<1x16xf32> to vector<16xf32>
        %swap3A_1220 = vector.shape_cast %add3A_1215 : vector<16xf32> to vector<1x16xf32>
        tpu.vector_store %arg7[%swap3A_1216, %swap3A_1217], %swap3A_1220 {add = true, strides = array<i32>} : memref<64x128xf32, #tpu.memory_space<vmem>>, vector<1x16xf32>,
        %get3A_1221 = arith.constant 0 : i32
        %get3A_1222 = arith.constant 0 : i32
        %get3A_1223 = tpu.memref_slice %arg6[%scan3A_952, %get3A_1221, %get3A_1222] : memref<10x64x128xf32, #tpu.memory_space<vmem>> -> memref<1x64x128xf32, #tpu.memory_space<vmem>>
        %get3A_1224 = tpu.memref_squeeze %get3A_1223 : memref<1x64x128xf32, #tpu.memory_space<vmem>> -> memref<64x128xf32, #tpu.memory_space<vmem>>
        %get3A_1225 = arith.index_cast %scan3A_1022 : i32 to index
        %get3A_1226 = arith.constant 80 : index
        %get3A_1227 = tpu.vector_load %get3A_1224[%get3A_1225, %get3A_1226] {strides = array<i32>} : memref<64x128xf32, #tpu.memory_space<vmem>>, vector<1x16xf32>,
        %get3A_1228 = vector.shape_cast %get3A_1227 : vector<1x16xf32> to vector<16xf32>
        %get3A_1229 = arith.constant 0 : i32
        %get3A_1230 = arith.constant 0 : i32
        %get3A_1231 = tpu.memref_slice %arg6[%scan3A_953, %get3A_1229, %get3A_1230] : memref<10x64x128xf32, #tpu.memory_space<vmem>> -> memref<1x64x128xf32, #tpu.memory_space<vmem>>
        %get3A_1232 = tpu.memref_squeeze %get3A_1231 : memref<1x64x128xf32, #tpu.memory_space<vmem>> -> memref<64x128xf32, #tpu.memory_space<vmem>>
        %get3A_1233 = arith.index_cast %scan3A_1022 : i32 to index
        %get3A_1234 = arith.constant 80 : index
        %get3A_1235 = tpu.vector_load %get3A_1232[%get3A_1233, %get3A_1234] {strides = array<i32>} : memref<64x128xf32, #tpu.memory_space<vmem>>, vector<1x16xf32>,
        %get3A_1236 = vector.shape_cast %get3A_1235 : vector<1x16xf32> to vector<16xf32>
        %get3A_1237 = arith.constant 0 : i32
        %get3A_1238 = arith.constant 0 : i32
        %get3A_1239 = tpu.memref_slice %arg6[%scan3A_954, %get3A_1237, %get3A_1238] : memref<10x64x128xf32, #tpu.memory_space<vmem>> -> memref<1x64x128xf32, #tpu.memory_space<vmem>>
        %get3A_1240 = tpu.memref_squeeze %get3A_1239 : memref<1x64x128xf32, #tpu.memory_space<vmem>> -> memref<64x128xf32, #tpu.memory_space<vmem>>
        %get3A_1241 = arith.index_cast %scan3A_1022 : i32 to index
        %get3A_1242 = arith.constant 80 : index
        %get3A_1243 = tpu.vector_load %get3A_1240[%get3A_1241, %get3A_1242] {strides = array<i32>} : memref<64x128xf32, #tpu.memory_space<vmem>>, vector<1x16xf32>,
        %get3A_1244 = vector.shape_cast %get3A_1243 : vector<1x16xf32> to vector<16xf32>
        %get3A_1245 = arith.constant 0 : i32
        %get3A_1246 = arith.constant 0 : i32
        %get3A_1247 = tpu.memref_slice %arg6[%scan3A_955, %get3A_1245, %get3A_1246] : memref<10x64x128xf32, #tpu.memory_space<vmem>> -> memref<1x64x128xf32, #tpu.memory_space<vmem>>
        %get3A_1248 = tpu.memref_squeeze %get3A_1247 : memref<1x64x128xf32, #tpu.memory_space<vmem>> -> memref<64x128xf32, #tpu.memory_space<vmem>>
        %get3A_1249 = arith.index_cast %scan3A_1022 : i32 to index
        %get3A_1250 = arith.constant 80 : index
        %get3A_1251 = tpu.vector_load %get3A_1248[%get3A_1249, %get3A_1250] {strides = array<i32>} : memref<64x128xf32, #tpu.memory_space<vmem>>, vector<1x16xf32>,
        %get3A_1252 = vector.shape_cast %get3A_1251 : vector<1x16xf32> to vector<16xf32>
        %add3A_1253 = arith.addf %get3A_1228, %get3A_1236 : vector<16xf32>
        %add3A_1254 = arith.addf %get3A_1244, %get3A_1252 : vector<16xf32>
        %add3A_1255 = arith.addf %add3A_1253, %add3A_1254 : vector<16xf32>
        %swap3A_1256 = arith.index_cast %scan3A_1022 : i32 to index
        %swap3A_1257 = arith.constant 80 : index
        %swap3A_1258 = tpu.vector_load %arg7[%swap3A_1256, %swap3A_1257] {strides = array<i32>} : memref<64x128xf32, #tpu.memory_space<vmem>>, vector<1x16xf32>,
        %swap3A_1259 = vector.shape_cast %swap3A_1258 : vector<1x16xf32> to vector<16xf32>
        %swap3A_1260 = vector.shape_cast %add3A_1255 : vector<16xf32> to vector<1x16xf32>
        tpu.vector_store %arg7[%swap3A_1256, %swap3A_1257], %swap3A_1260 {add = true, strides = array<i32>} : memref<64x128xf32, #tpu.memory_space<vmem>>, vector<1x16xf32>,
        %get3A_1261 = arith.constant 0 : i32
        %get3A_1262 = arith.constant 0 : i32
        %get3A_1263 = tpu.memref_slice %arg6[%scan3A_952, %get3A_1261, %get3A_1262] : memref<10x64x128xf32, #tpu.memory_space<vmem>> -> memref<1x64x128xf32, #tpu.memory_space<vmem>>
        %get3A_1264 = tpu.memref_squeeze %get3A_1263 : memref<1x64x128xf32, #tpu.memory_space<vmem>> -> memref<64x128xf32, #tpu.memory_space<vmem>>
        %get3A_1265 = arith.index_cast %scan3A_1022 : i32 to index
        %get3A_1266 = arith.constant 96 : index
        %get3A_1267 = tpu.vector_load %get3A_1264[%get3A_1265, %get3A_1266] {strides = array<i32>} : memref<64x128xf32, #tpu.memory_space<vmem>>, vector<1x16xf32>,
        %get3A_1268 = vector.shape_cast %get3A_1267 : vector<1x16xf32> to vector<16xf32>
        %get3A_1269 = arith.constant 0 : i32
        %get3A_1270 = arith.constant 0 : i32
        %get3A_1271 = tpu.memref_slice %arg6[%scan3A_953, %get3A_1269, %get3A_1270] : memref<10x64x128xf32, #tpu.memory_space<vmem>> -> memref<1x64x128xf32, #tpu.memory_space<vmem>>
        %get3A_1272 = tpu.memref_squeeze %get3A_1271 : memref<1x64x128xf32, #tpu.memory_space<vmem>> -> memref<64x128xf32, #tpu.memory_space<vmem>>
        %get3A_1273 = arith.index_cast %scan3A_1022 : i32 to index
        %get3A_1274 = arith.constant 96 : index
        %get3A_1275 = tpu.vector_load %get3A_1272[%get3A_1273, %get3A_1274] {strides = array<i32>} : memref<64x128xf32, #tpu.memory_space<vmem>>, vector<1x16xf32>,
        %get3A_1276 = vector.shape_cast %get3A_1275 : vector<1x16xf32> to vector<16xf32>
        %get3A_1277 = arith.constant 0 : i32
        %get3A_1278 = arith.constant 0 : i32
        %get3A_1279 = tpu.memref_slice %arg6[%scan3A_954, %get3A_1277, %get3A_1278] : memref<10x64x128xf32, #tpu.memory_space<vmem>> -> memref<1x64x128xf32, #tpu.memory_space<vmem>>
        %get3A_1280 = tpu.memref_squeeze %get3A_1279 : memref<1x64x128xf32, #tpu.memory_space<vmem>> -> memref<64x128xf32, #tpu.memory_space<vmem>>
        %get3A_1281 = arith.index_cast %scan3A_1022 : i32 to index
        %get3A_1282 = arith.constant 96 : index
        %get3A_1283 = tpu.vector_load %get3A_1280[%get3A_1281, %get3A_1282] {strides = array<i32>} : memref<64x128xf32, #tpu.memory_space<vmem>>, vector<1x16xf32>,
        %get3A_1284 = vector.shape_cast %get3A_1283 : vector<1x16xf32> to vector<16xf32>
        %get3A_1285 = arith.constant 0 : i32
        %get3A_1286 = arith.constant 0 : i32
        %get3A_1287 = tpu.memref_slice %arg6[%scan3A_955, %get3A_1285, %get3A_1286] : memref<10x64x128xf32, #tpu.memory_space<vmem>> -> memref<1x64x128xf32, #tpu.memory_space<vmem>>
        %get3A_1288 = tpu.memref_squeeze %get3A_1287 : memref<1x64x128xf32, #tpu.memory_space<vmem>> -> memref<64x128xf32, #tpu.memory_space<vmem>>
        %get3A_1289 = arith.index_cast %scan3A_1022 : i32 to index
        %get3A_1290 = arith.constant 96 : index
        %get3A_1291 = tpu.vector_load %get3A_1288[%get3A_1289, %get3A_1290] {strides = array<i32>} : memref<64x128xf32, #tpu.memory_space<vmem>>, vector<1x16xf32>,
        %get3A_1292 = vector.shape_cast %get3A_1291 : vector<1x16xf32> to vector<16xf32>
        %add3A_1293 = arith.addf %get3A_1268, %get3A_1276 : vector<16xf32>
        %add3A_1294 = arith.addf %get3A_1284, %get3A_1292 : vector<16xf32>
        %add3A_1295 = arith.addf %add3A_1293, %add3A_1294 : vector<16xf32>
        %swap3A_1296 = arith.index_cast %scan3A_1022 : i32 to index
        %swap3A_1297 = arith.constant 96 : index
        %swap3A_1298 = tpu.vector_load %arg7[%swap3A_1296, %swap3A_1297] {strides = array<i32>} : memref<64x128xf32, #tpu.memory_space<vmem>>, vector<1x16xf32>,
        %swap3A_1299 = vector.shape_cast %swap3A_1298 : vector<1x16xf32> to vector<16xf32>
        %swap3A_1300 = vector.shape_cast %add3A_1295 : vector<16xf32> to vector<1x16xf32>
        tpu.vector_store %arg7[%swap3A_1296, %swap3A_1297], %swap3A_1300 {add = true, strides = array<i32>} : memref<64x128xf32, #tpu.memory_space<vmem>>, vector<1x16xf32>,
        %get3A_1301 = arith.constant 0 : i32
        %get3A_1302 = arith.constant 0 : i32
        %get3A_1303 = tpu.memref_slice %arg6[%scan3A_952, %get3A_1301, %get3A_1302] : memref<10x64x128xf32, #tpu.memory_space<vmem>> -> memref<1x64x128xf32, #tpu.memory_space<vmem>>
        %get3A_1304 = tpu.memref_squeeze %get3A_1303 : memref<1x64x128xf32, #tpu.memory_space<vmem>> -> memref<64x128xf32, #tpu.memory_space<vmem>>
        %get3A_1305 = arith.index_cast %scan3A_1022 : i32 to index
        %get3A_1306 = arith.constant 112 : index
        %get3A_1307 = tpu.vector_load %get3A_1304[%get3A_1305, %get3A_1306] {strides = array<i32>} : memref<64x128xf32, #tpu.memory_space<vmem>>, vector<1x16xf32>,
        %get3A_1308 = vector.shape_cast %get3A_1307 : vector<1x16xf32> to vector<16xf32>
        %get3A_1309 = arith.constant 0 : i32
        %get3A_1310 = arith.constant 0 : i32
        %get3A_1311 = tpu.memref_slice %arg6[%scan3A_953, %get3A_1309, %get3A_1310] : memref<10x64x128xf32, #tpu.memory_space<vmem>> -> memref<1x64x128xf32, #tpu.memory_space<vmem>>
        %get3A_1312 = tpu.memref_squeeze %get3A_1311 : memref<1x64x128xf32, #tpu.memory_space<vmem>> -> memref<64x128xf32, #tpu.memory_space<vmem>>
        %get3A_1313 = arith.index_cast %scan3A_1022 : i32 to index
        %get3A_1314 = arith.constant 112 : index
        %get3A_1315 = tpu.vector_load %get3A_1312[%get3A_1313, %get3A_1314] {strides = array<i32>} : memref<64x128xf32, #tpu.memory_space<vmem>>, vector<1x16xf32>,
        %get3A_1316 = vector.shape_cast %get3A_1315 : vector<1x16xf32> to vector<16xf32>
        %get3A_1317 = arith.constant 0 : i32
        %get3A_1318 = arith.constant 0 : i32
        %get3A_1319 = tpu.memref_slice %arg6[%scan3A_954, %get3A_1317, %get3A_1318] : memref<10x64x128xf32, #tpu.memory_space<vmem>> -> memref<1x64x128xf32, #tpu.memory_space<vmem>>
        %get3A_1320 = tpu.memref_squeeze %get3A_1319 : memref<1x64x128xf32, #tpu.memory_space<vmem>> -> memref<64x128xf32, #tpu.memory_space<vmem>>
        %get3A_1321 = arith.index_cast %scan3A_1022 : i32 to index
        %get3A_1322 = arith.constant 112 : index
        %get3A_1323 = tpu.vector_load %get3A_1320[%get3A_1321, %get3A_1322] {strides = array<i32>} : memref<64x128xf32, #tpu.memory_space<vmem>>, vector<1x16xf32>,
        %get3A_1324 = vector.shape_cast %get3A_1323 : vector<1x16xf32> to vector<16xf32>
        %get3A_1325 = arith.constant 0 : i32
        %get3A_1326 = arith.constant 0 : i32
        %get3A_1327 = tpu.memref_slice %arg6[%scan3A_955, %get3A_1325, %get3A_1326] : memref<10x64x128xf32, #tpu.memory_space<vmem>> -> memref<1x64x128xf32, #tpu.memory_space<vmem>>
        %get3A_1328 = tpu.memref_squeeze %get3A_1327 : memref<1x64x128xf32, #tpu.memory_space<vmem>> -> memref<64x128xf32, #tpu.memory_space<vmem>>
        %get3A_1329 = arith.index_cast %scan3A_1022 : i32 to index
        %get3A_1330 = arith.constant 112 : index
        %get3A_1331 = tpu.vector_load %get3A_1328[%get3A_1329, %get3A_1330] {strides = array<i32>} : memref<64x128xf32, #tpu.memory_space<vmem>>, vector<1x16xf32>,
        %get3A_1332 = vector.shape_cast %get3A_1331 : vector<1x16xf32> to vector<16xf32>
        %add3A_1333 = arith.addf %get3A_1308, %get3A_1316 : vector<16xf32>
        %add3A_1334 = arith.addf %get3A_1324, %get3A_1332 : vector<16xf32>
        %add3A_1335 = arith.addf %add3A_1333, %add3A_1334 : vector<16xf32>
        %swap3A_1336 = arith.index_cast %scan3A_1022 : i32 to index
        %swap3A_1337 = arith.constant 112 : index
        %swap3A_1338 = tpu.vector_load %arg7[%swap3A_1336, %swap3A_1337] {strides = array<i32>} : memref<64x128xf32, #tpu.memory_space<vmem>>, vector<1x16xf32>,
        %swap3A_1339 = vector.shape_cast %swap3A_1338 : vector<1x16xf32> to vector<16xf32>
        %swap3A_1340 = vector.shape_cast %add3A_1335 : vector<16xf32> to vector<1x16xf32>
        tpu.vector_store %arg7[%swap3A_1336, %swap3A_1337], %swap3A_1340 {add = true, strides = array<i32>} : memref<64x128xf32, #tpu.memory_space<vmem>>, vector<1x16xf32>,
      }
      %scan3A_960 = arith.constant 64 : i32
      %add3A_961 = arith.constant 1 : i32
      %add3A_962 = arith.addi %scan3A_177, %add3A_961 : i32
      %lt3A_963 = arith.constant 8 : i32
      %lt3A_964 = arith.cmpi slt, %add3A_962, %lt3A_963 : i32
      %convert_element_type3A_965 = arith.extui %lt3A_964 : i1 to i32
      %cond3A_966 = arith.constant 0 : i32
      %cond3A_967 = arith.cmpi ne, %convert_element_type3A_965, %cond3A_966 : i32
      scf.if %cond3A_967 {
        %add3A_1022 = arith.constant 1 : i32
        %add3A_1023 = arith.addi %scan3A_177, %add3A_1022 : i32
        %mul3A_1024 = arith.constant 64 : i32
        %mul3A_1025 = arith.muli %add3A_1023, %mul3A_1024 : i32
        %dma_start3A_1026 = arith.constant 4 : i32
        %dma_start3A_1027 = arith.constant 4 : i32
        %dma_start3A_1028 = arith.constant 4 : i32
        %dma_start3A_1029 = arith.constant 0 : i32
        %dma_start3A_1030 = arith.constant 0 : i32
        %dma_start3A_1031 = tpu.memref_slice %arg6[%dma_start3A_1028, %dma_start3A_1029, %dma_start3A_1030] : memref<10x64x128xf32, #tpu.memory_space<vmem>> -> memref<1x64x128xf32, #tpu.memory_space<vmem>>
        %dma_start3A_1032 = tpu.memref_squeeze %dma_start3A_1031 : memref<1x64x128xf32, #tpu.memory_space<vmem>> -> memref<64x128xf32, #tpu.memory_space<vmem>>
        %dma_start3A_1033 = tpu.memref_slice %arg5[%dma_start3A_1027, %mul3A_1025] : memref<26x512xi32, #tpu.memory_space<vmem>> -> memref<1x64xi32, #tpu.memory_space<vmem>>
        %dma_start3A_1034 = tpu.memref_squeeze %dma_start3A_1033 : memref<1x64xi32, #tpu.memory_space<vmem>> -> memref<64xi32, #tpu.memory_space<vmem>>
        %dma_start3A_1035 = arith.constant 0 : i32
        %dma_start3A_1036 = arith.constant 0 : i32
        %dma_start3A_1037 = tpu.memref_slice %arg3[%dma_start3A_1026, %dma_start3A_1035, %dma_start3A_1036] : memref<26x100001x128xf32, #tpu.memory_space<hbm>> -> memref<1x100001x128xf32, #tpu.memory_space<hbm>>
        %dma_start3A_1038 = tpu.memref_squeeze %dma_start3A_1037 : memref<1x100001x128xf32, #tpu.memory_space<hbm>> -> memref<100001x128xf32, #tpu.memory_space<hbm>>
        %dma_start3A_1039 = arith.constant 0 : i32
        %dma_start3A_1040 = arith.constant 0 : i32
        %dma_start3A_1041 = tpu.memref_slice %dma_start3A_1038[%dma_start3A_1039, %dma_start3A_1040] : memref<100001x128xf32, #tpu.memory_space<hbm>> -> memref<100001x128xf32, #tpu.memory_space<hbm>>
        tpu.enqueue_indirect_dma source(%dma_start3A_1041 : memref<100001x128xf32, #tpu.memory_space<hbm>>) target(%dma_start3A_1032 : memref<64x128xf32, #tpu.memory_space<vmem>>) offsets(%dma_start3A_1034 : memref<64xi32, #tpu.memory_space<vmem>>) semaphore(%arg12 : memref<!tpu.dma_semaphore, #tpu.memory_space<semaphore_mem>>)
        %add3A_1042 = arith.constant 1 : i32
        %add3A_1043 = arith.addi %scan3A_177, %add3A_1042 : i32
        %mul3A_1044 = arith.constant 64 : i32
        %mul3A_1045 = arith.muli %add3A_1043, %mul3A_1044 : i32
        %dma_start3A_1046 = arith.constant 5 : i32
        %dma_start3A_1047 = arith.constant 5 : i32
        %dma_start3A_1048 = arith.constant 5 : i32
        %dma_start3A_1049 = arith.constant 0 : i32
        %dma_start3A_1050 = arith.constant 0 : i32
        %dma_start3A_1051 = tpu.memref_slice %arg6[%dma_start3A_1048, %dma_start3A_1049, %dma_start3A_1050] : memref<10x64x128xf32, #tpu.memory_space<vmem>> -> memref<1x64x128xf32, #tpu.memory_space<vmem>>
        %dma_start3A_1052 = tpu.memref_squeeze %dma_start3A_1051 : memref<1x64x128xf32, #tpu.memory_space<vmem>> -> memref<64x128xf32, #tpu.memory_space<vmem>>
        %dma_start3A_1053 = tpu.memref_slice %arg5[%dma_start3A_1047, %mul3A_1045] : memref<26x512xi32, #tpu.memory_space<vmem>> -> memref<1x64xi32, #tpu.memory_space<vmem>>
        %dma_start3A_1054 = tpu.memref_squeeze %dma_start3A_1053 : memref<1x64xi32, #tpu.memory_space<vmem>> -> memref<64xi32, #tpu.memory_space<vmem>>
        %dma_start3A_1055 = arith.constant 0 : i32
        %dma_start3A_1056 = arith.constant 0 : i32
        %dma_start3A_1057 = tpu.memref_slice %arg3[%dma_start3A_1046, %dma_start3A_1055, %dma_start3A_1056] : memref<26x100001x128xf32, #tpu.memory_space<hbm>> -> memref<1x100001x128xf32, #tpu.memory_space<hbm>>
        %dma_start3A_1058 = tpu.memref_squeeze %dma_start3A_1057 : memref<1x100001x128xf32, #tpu.memory_space<hbm>> -> memref<100001x128xf32, #tpu.memory_space<hbm>>
        %dma_start3A_1059 = arith.constant 0 : i32
        %dma_start3A_1060 = arith.constant 0 : i32
        %dma_start3A_1061 = tpu.memref_slice %dma_start3A_1058[%dma_start3A_1059, %dma_start3A_1060] : memref<100001x128xf32, #tpu.memory_space<hbm>> -> memref<100001x128xf32, #tpu.memory_space<hbm>>
        tpu.enqueue_indirect_dma source(%dma_start3A_1061 : memref<100001x128xf32, #tpu.memory_space<hbm>>) target(%dma_start3A_1052 : memref<64x128xf32, #tpu.memory_space<vmem>>) offsets(%dma_start3A_1054 : memref<64xi32, #tpu.memory_space<vmem>>) semaphore(%arg13 : memref<!tpu.dma_semaphore, #tpu.memory_space<semaphore_mem>>)
        %add3A_1062 = arith.constant 1 : i32
        %add3A_1063 = arith.addi %scan3A_177, %add3A_1062 : i32
        %mul3A_1064 = arith.constant 64 : i32
        %mul3A_1065 = arith.muli %add3A_1063, %mul3A_1064 : i32
        %dma_start3A_1066 = arith.constant 6 : i32
        %dma_start3A_1067 = arith.constant 6 : i32
        %dma_start3A_1068 = arith.constant 6 : i32
        %dma_start3A_1069 = arith.constant 0 : i32
        %dma_start3A_1070 = arith.constant 0 : i32
        %dma_start3A_1071 = tpu.memref_slice %arg6[%dma_start3A_1068, %dma_start3A_1069, %dma_start3A_1070] : memref<10x64x128xf32, #tpu.memory_space<vmem>> -> memref<1x64x128xf32, #tpu.memory_space<vmem>>
        %dma_start3A_1072 = tpu.memref_squeeze %dma_start3A_1071 : memref<1x64x128xf32, #tpu.memory_space<vmem>> -> memref<64x128xf32, #tpu.memory_space<vmem>>
        %dma_start3A_1073 = tpu.memref_slice %arg5[%dma_start3A_1067, %mul3A_1065] : memref<26x512xi32, #tpu.memory_space<vmem>> -> memref<1x64xi32, #tpu.memory_space<vmem>>
        %dma_start3A_1074 = tpu.memref_squeeze %dma_start3A_1073 : memref<1x64xi32, #tpu.memory_space<vmem>> -> memref<64xi32, #tpu.memory_space<vmem>>
        %dma_start3A_1075 = arith.constant 0 : i32
        %dma_start3A_1076 = arith.constant 0 : i32
        %dma_start3A_1077 = tpu.memref_slice %arg3[%dma_start3A_1066, %dma_start3A_1075, %dma_start3A_1076] : memref<26x100001x128xf32, #tpu.memory_space<hbm>> -> memref<1x100001x128xf32, #tpu.memory_space<hbm>>
        %dma_start3A_1078 = tpu.memref_squeeze %dma_start3A_1077 : memref<1x100001x128xf32, #tpu.memory_space<hbm>> -> memref<100001x128xf32, #tpu.memory_space<hbm>>
        %dma_start3A_1079 = arith.constant 0 : i32
        %dma_start3A_1080 = arith.constant 0 : i32
        %dma_start3A_1081 = tpu.memref_slice %dma_start3A_1078[%dma_start3A_1079, %dma_start3A_1080] : memref<100001x128xf32, #tpu.memory_space<hbm>> -> memref<100001x128xf32, #tpu.memory_space<hbm>>
        tpu.enqueue_indirect_dma source(%dma_start3A_1081 : memref<100001x128xf32, #tpu.memory_space<hbm>>) target(%dma_start3A_1072 : memref<64x128xf32, #tpu.memory_space<vmem>>) offsets(%dma_start3A_1074 : memref<64xi32, #tpu.memory_space<vmem>>) semaphore(%arg14 : memref<!tpu.dma_semaphore, #tpu.memory_space<semaphore_mem>>)
        %add3A_1082 = arith.constant 1 : i32
        %add3A_1083 = arith.addi %scan3A_177, %add3A_1082 : i32
        %mul3A_1084 = arith.constant 64 : i32
        %mul3A_1085 = arith.muli %add3A_1083, %mul3A_1084 : i32
        %dma_start3A_1086 = arith.constant 7 : i32
        %dma_start3A_1087 = arith.constant 7 : i32
        %dma_start3A_1088 = arith.constant 7 : i32
        %dma_start3A_1089 = arith.constant 0 : i32
        %dma_start3A_1090 = arith.constant 0 : i32
        %dma_start3A_1091 = tpu.memref_slice %arg6[%dma_start3A_1088, %dma_start3A_1089, %dma_start3A_1090] : memref<10x64x128xf32, #tpu.memory_space<vmem>> -> memref<1x64x128xf32, #tpu.memory_space<vmem>>
        %dma_start3A_1092 = tpu.memref_squeeze %dma_start3A_1091 : memref<1x64x128xf32, #tpu.memory_space<vmem>> -> memref<64x128xf32, #tpu.memory_space<vmem>>
        %dma_start3A_1093 = tpu.memref_slice %arg5[%dma_start3A_1087, %mul3A_1085] : memref<26x512xi32, #tpu.memory_space<vmem>> -> memref<1x64xi32, #tpu.memory_space<vmem>>
        %dma_start3A_1094 = tpu.memref_squeeze %dma_start3A_1093 : memref<1x64xi32, #tpu.memory_space<vmem>> -> memref<64xi32, #tpu.memory_space<vmem>>
        %dma_start3A_1095 = arith.constant 0 : i32
        %dma_start3A_1096 = arith.constant 0 : i32
        %dma_start3A_1097 = tpu.memref_slice %arg3[%dma_start3A_1086, %dma_start3A_1095, %dma_start3A_1096] : memref<26x100001x128xf32, #tpu.memory_space<hbm>> -> memref<1x100001x128xf32, #tpu.memory_space<hbm>>
        %dma_start3A_1098 = tpu.memref_squeeze %dma_start3A_1097 : memref<1x100001x128xf32, #tpu.memory_space<hbm>> -> memref<100001x128xf32, #tpu.memory_space<hbm>>
        %dma_start3A_1099 = arith.constant 0 : i32
        %dma_start3A_1100 = arith.constant 0 : i32
        %dma_start3A_1101 = tpu.memref_slice %dma_start3A_1098[%dma_start3A_1099, %dma_start3A_1100] : memref<100001x128xf32, #tpu.memory_space<hbm>> -> memref<100001x128xf32, #tpu.memory_space<hbm>>
        tpu.enqueue_indirect_dma source(%dma_start3A_1101 : memref<100001x128xf32, #tpu.memory_space<hbm>>) target(%dma_start3A_1092 : memref<64x128xf32, #tpu.memory_space<vmem>>) offsets(%dma_start3A_1094 : memref<64xi32, #tpu.memory_space<vmem>>) semaphore(%arg15 : memref<!tpu.dma_semaphore, #tpu.memory_space<semaphore_mem>>)
      } else {
      }
      %mul3A_968 = arith.constant 64 : i32
      %mul3A_969 = arith.muli %scan3A_177, %mul3A_968 : i32
      %dma_wait3A_970 = arith.constant 24 : i32
      %dma_wait3A_971 = arith.constant 24 : i32
      %dma_wait3A_972 = arith.constant 8 : i32
      %dma_wait3A_973 = arith.constant 0 : i32
      %dma_wait3A_974 = arith.constant 0 : i32
      %dma_wait3A_975 = tpu.memref_slice %arg6[%dma_wait3A_972, %dma_wait3A_973, %dma_wait3A_974] : memref<10x64x128xf32, #tpu.memory_space<vmem>> -> memref<1x64x128xf32, #tpu.memory_space<vmem>>
      %dma_wait3A_976 = tpu.memref_squeeze %dma_wait3A_975 : memref<1x64x128xf32, #tpu.memory_space<vmem>> -> memref<64x128xf32, #tpu.memory_space<vmem>>
      %dma_wait3A_977 = tpu.memref_slice %arg5[%dma_wait3A_971, %mul3A_969] : memref<26x512xi32, #tpu.memory_space<vmem>> -> memref<1x64xi32, #tpu.memory_space<vmem>>
      %dma_wait3A_978 = tpu.memref_squeeze %dma_wait3A_977 : memref<1x64xi32, #tpu.memory_space<vmem>> -> memref<64xi32, #tpu.memory_space<vmem>>
      %dma_wait3A_979 = arith.constant 0 : i32
      %dma_wait3A_980 = arith.constant 0 : i32
      %dma_wait3A_981 = tpu.memref_slice %arg3[%dma_wait3A_970, %dma_wait3A_979, %dma_wait3A_980] : memref<26x100001x128xf32, #tpu.memory_space<hbm>> -> memref<1x100001x128xf32, #tpu.memory_space<hbm>>
      %dma_wait3A_982 = tpu.memref_squeeze %dma_wait3A_981 : memref<1x100001x128xf32, #tpu.memory_space<hbm>> -> memref<100001x128xf32, #tpu.memory_space<hbm>>
      %dma_wait3A_983 = arith.constant 0 : i32
      %dma_wait3A_984 = arith.constant 0 : i32
      %dma_wait3A_985 = tpu.memref_slice %dma_wait3A_982[%dma_wait3A_983, %dma_wait3A_984] : memref<100001x128xf32, #tpu.memory_space<hbm>> -> memref<100001x128xf32, #tpu.memory_space<hbm>>
      tpu.wait_indirect_dma semaphore(%arg16 : memref<!tpu.dma_semaphore, #tpu.memory_space<semaphore_mem>>) src(%dma_wait3A_985 : memref<100001x128xf32, #tpu.memory_space<hbm>>) dst(%dma_wait3A_976 : memref<64x128xf32, #tpu.memory_space<vmem>>)
      %mul3A_986 = arith.constant 64 : i32
      %mul3A_987 = arith.muli %scan3A_177, %mul3A_986 : i32
      %dma_wait3A_988 = arith.constant 25 : i32
      %dma_wait3A_989 = arith.constant 25 : i32
      %dma_wait3A_990 = arith.constant 9 : i32
      %dma_wait3A_991 = arith.constant 0 : i32
      %dma_wait3A_992 = arith.constant 0 : i32
      %dma_wait3A_993 = tpu.memref_slice %arg6[%dma_wait3A_990, %dma_wait3A_991, %dma_wait3A_992] : memref<10x64x128xf32, #tpu.memory_space<vmem>> -> memref<1x64x128xf32, #tpu.memory_space<vmem>>
      %dma_wait3A_994 = tpu.memref_squeeze %dma_wait3A_993 : memref<1x64x128xf32, #tpu.memory_space<vmem>> -> memref<64x128xf32, #tpu.memory_space<vmem>>
      %dma_wait3A_995 = tpu.memref_slice %arg5[%dma_wait3A_989, %mul3A_987] : memref<26x512xi32, #tpu.memory_space<vmem>> -> memref<1x64xi32, #tpu.memory_space<vmem>>
      %dma_wait3A_996 = tpu.memref_squeeze %dma_wait3A_995 : memref<1x64xi32, #tpu.memory_space<vmem>> -> memref<64xi32, #tpu.memory_space<vmem>>
      %dma_wait3A_997 = arith.constant 0 : i32
      %dma_wait3A_998 = arith.constant 0 : i32
      %dma_wait3A_999 = tpu.memref_slice %arg3[%dma_wait3A_988, %dma_wait3A_997, %dma_wait3A_998] : memref<26x100001x128xf32, #tpu.memory_space<hbm>> -> memref<1x100001x128xf32, #tpu.memory_space<hbm>>
      %dma_wait3A_1000 = tpu.memref_squeeze %dma_wait3A_999 : memref<1x100001x128xf32, #tpu.memory_space<hbm>> -> memref<100001x128xf32, #tpu.memory_space<hbm>>
      %dma_wait3A_1001 = arith.constant 0 : i32
      %dma_wait3A_1002 = arith.constant 0 : i32
      %dma_wait3A_1003 = tpu.memref_slice %dma_wait3A_1000[%dma_wait3A_1001, %dma_wait3A_1002] : memref<100001x128xf32, #tpu.memory_space<hbm>> -> memref<100001x128xf32, #tpu.memory_space<hbm>>
      tpu.wait_indirect_dma semaphore(%arg17 : memref<!tpu.dma_semaphore, #tpu.memory_space<semaphore_mem>>) src(%dma_wait3A_1003 : memref<100001x128xf32, #tpu.memory_space<hbm>>) dst(%dma_wait3A_994 : memref<64x128xf32, #tpu.memory_space<vmem>>)
      %scan3A_1004 = arith.constant 0 : i32
      %scan3A_1005 = arith.constant 8 : i32
      %scan3A_1006 = arith.constant 9 : i32
      %scan3A_1007 = arith.constant 0 : i32
      %scan3A_1008 = arith.constant 64 : i32
      %scan3A_1009 = arith.addi %scan3A_1007, %scan3A_1008 : i32
      %scan3A_1010 = arith.constant 1 : i32
      scf.for %scan3A_1022 = %scan3A_1007 to %scan3A_1009 step %scan3A_1010  : i32 {
        %get3A = arith.constant 0 : i32
        %get3A_1023 = arith.constant 0 : i32
        %get3A_1024 = tpu.memref_slice %arg6[%scan3A_1005, %get3A, %get3A_1023] : memref<10x64x128xf32, #tpu.memory_space<vmem>> -> memref<1x64x128xf32, #tpu.memory_space<vmem>>
        %get3A_1025 = tpu.memref_squeeze %get3A_1024 : memref<1x64x128xf32, #tpu.memory_space<vmem>> -> memref<64x128xf32, #tpu.memory_space<vmem>>
        %get3A_1026 = arith.index_cast %scan3A_1022 : i32 to index
        %get3A_1027 = arith.constant 0 : index
        %get3A_1028 = tpu.vector_load %get3A_1025[%get3A_1026, %get3A_1027] {strides = array<i32>} : memref<64x128xf32, #tpu.memory_space<vmem>>, vector<1x16xf32>,
        %get3A_1029 = vector.shape_cast %get3A_1028 : vector<1x16xf32> to vector<16xf32>
        %get3A_1030 = arith.constant 0 : i32
        %get3A_1031 = arith.constant 0 : i32
        %get3A_1032 = tpu.memref_slice %arg6[%scan3A_1006, %get3A_1030, %get3A_1031] : memref<10x64x128xf32, #tpu.memory_space<vmem>> -> memref<1x64x128xf32, #tpu.memory_space<vmem>>
        %get3A_1033 = tpu.memref_squeeze %get3A_1032 : memref<1x64x128xf32, #tpu.memory_space<vmem>> -> memref<64x128xf32, #tpu.memory_space<vmem>>
        %get3A_1034 = arith.index_cast %scan3A_1022 : i32 to index
        %get3A_1035 = arith.constant 0 : index
        %get3A_1036 = tpu.vector_load %get3A_1033[%get3A_1034, %get3A_1035] {strides = array<i32>} : memref<64x128xf32, #tpu.memory_space<vmem>>, vector<1x16xf32>,
        %get3A_1037 = vector.shape_cast %get3A_1036 : vector<1x16xf32> to vector<16xf32>
        %add3A_1038 = arith.addf %get3A_1029, %get3A_1037 : vector<16xf32>
        %swap3A = arith.index_cast %scan3A_1022 : i32 to index
        %swap3A_1039 = arith.constant 0 : index
        %swap3A_1040 = tpu.vector_load %arg7[%swap3A, %swap3A_1039] {strides = array<i32>} : memref<64x128xf32, #tpu.memory_space<vmem>>, vector<1x16xf32>,
        %swap3A_1041 = vector.shape_cast %swap3A_1040 : vector<1x16xf32> to vector<16xf32>
        %swap3A_1042 = vector.shape_cast %add3A_1038 : vector<16xf32> to vector<1x16xf32>
        tpu.vector_store %arg7[%swap3A, %swap3A_1039], %swap3A_1042 {add = true, strides = array<i32>} : memref<64x128xf32, #tpu.memory_space<vmem>>, vector<1x16xf32>,
        %get3A_1043 = arith.constant 0 : i32
        %get3A_1044 = arith.constant 0 : i32
        %get3A_1045 = tpu.memref_slice %arg6[%scan3A_1005, %get3A_1043, %get3A_1044] : memref<10x64x128xf32, #tpu.memory_space<vmem>> -> memref<1x64x128xf32, #tpu.memory_space<vmem>>
        %get3A_1046 = tpu.memref_squeeze %get3A_1045 : memref<1x64x128xf32, #tpu.memory_space<vmem>> -> memref<64x128xf32, #tpu.memory_space<vmem>>
        %get3A_1047 = arith.index_cast %scan3A_1022 : i32 to index
        %get3A_1048 = arith.constant 16 : index
        %get3A_1049 = tpu.vector_load %get3A_1046[%get3A_1047, %get3A_1048] {strides = array<i32>} : memref<64x128xf32, #tpu.memory_space<vmem>>, vector<1x16xf32>,
        %get3A_1050 = vector.shape_cast %get3A_1049 : vector<1x16xf32> to vector<16xf32>
        %get3A_1051 = arith.constant 0 : i32
        %get3A_1052 = arith.constant 0 : i32
        %get3A_1053 = tpu.memref_slice %arg6[%scan3A_1006, %get3A_1051, %get3A_1052] : memref<10x64x128xf32, #tpu.memory_space<vmem>> -> memref<1x64x128xf32, #tpu.memory_space<vmem>>
        %get3A_1054 = tpu.memref_squeeze %get3A_1053 : memref<1x64x128xf32, #tpu.memory_space<vmem>> -> memref<64x128xf32, #tpu.memory_space<vmem>>
        %get3A_1055 = arith.index_cast %scan3A_1022 : i32 to index
        %get3A_1056 = arith.constant 16 : index
        %get3A_1057 = tpu.vector_load %get3A_1054[%get3A_1055, %get3A_1056] {strides = array<i32>} : memref<64x128xf32, #tpu.memory_space<vmem>>, vector<1x16xf32>,
        %get3A_1058 = vector.shape_cast %get3A_1057 : vector<1x16xf32> to vector<16xf32>
        %add3A_1059 = arith.addf %get3A_1050, %get3A_1058 : vector<16xf32>
        %swap3A_1060 = arith.index_cast %scan3A_1022 : i32 to index
        %swap3A_1061 = arith.constant 16 : index
        %swap3A_1062 = tpu.vector_load %arg7[%swap3A_1060, %swap3A_1061] {strides = array<i32>} : memref<64x128xf32, #tpu.memory_space<vmem>>, vector<1x16xf32>,
        %swap3A_1063 = vector.shape_cast %swap3A_1062 : vector<1x16xf32> to vector<16xf32>
        %swap3A_1064 = vector.shape_cast %add3A_1059 : vector<16xf32> to vector<1x16xf32>
        tpu.vector_store %arg7[%swap3A_1060, %swap3A_1061], %swap3A_1064 {add = true, strides = array<i32>} : memref<64x128xf32, #tpu.memory_space<vmem>>, vector<1x16xf32>,
        %get3A_1065 = arith.constant 0 : i32
        %get3A_1066 = arith.constant 0 : i32
        %get3A_1067 = tpu.memref_slice %arg6[%scan3A_1005, %get3A_1065, %get3A_1066] : memref<10x64x128xf32, #tpu.memory_space<vmem>> -> memref<1x64x128xf32, #tpu.memory_space<vmem>>
        %get3A_1068 = tpu.memref_squeeze %get3A_1067 : memref<1x64x128xf32, #tpu.memory_space<vmem>> -> memref<64x128xf32, #tpu.memory_space<vmem>>
        %get3A_1069 = arith.index_cast %scan3A_1022 : i32 to index
        %get3A_1070 = arith.constant 32 : index
        %get3A_1071 = tpu.vector_load %get3A_1068[%get3A_1069, %get3A_1070] {strides = array<i32>} : memref<64x128xf32, #tpu.memory_space<vmem>>, vector<1x16xf32>,
        %get3A_1072 = vector.shape_cast %get3A_1071 : vector<1x16xf32> to vector<16xf32>
        %get3A_1073 = arith.constant 0 : i32
        %get3A_1074 = arith.constant 0 : i32
        %get3A_1075 = tpu.memref_slice %arg6[%scan3A_1006, %get3A_1073, %get3A_1074] : memref<10x64x128xf32, #tpu.memory_space<vmem>> -> memref<1x64x128xf32, #tpu.memory_space<vmem>>
        %get3A_1076 = tpu.memref_squeeze %get3A_1075 : memref<1x64x128xf32, #tpu.memory_space<vmem>> -> memref<64x128xf32, #tpu.memory_space<vmem>>
        %get3A_1077 = arith.index_cast %scan3A_1022 : i32 to index
        %get3A_1078 = arith.constant 32 : index
        %get3A_1079 = tpu.vector_load %get3A_1076[%get3A_1077, %get3A_1078] {strides = array<i32>} : memref<64x128xf32, #tpu.memory_space<vmem>>, vector<1x16xf32>,
        %get3A_1080 = vector.shape_cast %get3A_1079 : vector<1x16xf32> to vector<16xf32>
        %add3A_1081 = arith.addf %get3A_1072, %get3A_1080 : vector<16xf32>
        %swap3A_1082 = arith.index_cast %scan3A_1022 : i32 to index
        %swap3A_1083 = arith.constant 32 : index
        %swap3A_1084 = tpu.vector_load %arg7[%swap3A_1082, %swap3A_1083] {strides = array<i32>} : memref<64x128xf32, #tpu.memory_space<vmem>>, vector<1x16xf32>,
        %swap3A_1085 = vector.shape_cast %swap3A_1084 : vector<1x16xf32> to vector<16xf32>
        %swap3A_1086 = vector.shape_cast %add3A_1081 : vector<16xf32> to vector<1x16xf32>
        tpu.vector_store %arg7[%swap3A_1082, %swap3A_1083], %swap3A_1086 {add = true, strides = array<i32>} : memref<64x128xf32, #tpu.memory_space<vmem>>, vector<1x16xf32>,
        %get3A_1087 = arith.constant 0 : i32
        %get3A_1088 = arith.constant 0 : i32
        %get3A_1089 = tpu.memref_slice %arg6[%scan3A_1005, %get3A_1087, %get3A_1088] : memref<10x64x128xf32, #tpu.memory_space<vmem>> -> memref<1x64x128xf32, #tpu.memory_space<vmem>>
        %get3A_1090 = tpu.memref_squeeze %get3A_1089 : memref<1x64x128xf32, #tpu.memory_space<vmem>> -> memref<64x128xf32, #tpu.memory_space<vmem>>
        %get3A_1091 = arith.index_cast %scan3A_1022 : i32 to index
        %get3A_1092 = arith.constant 48 : index
        %get3A_1093 = tpu.vector_load %get3A_1090[%get3A_1091, %get3A_1092] {strides = array<i32>} : memref<64x128xf32, #tpu.memory_space<vmem>>, vector<1x16xf32>,
        %get3A_1094 = vector.shape_cast %get3A_1093 : vector<1x16xf32> to vector<16xf32>
        %get3A_1095 = arith.constant 0 : i32
        %get3A_1096 = arith.constant 0 : i32
        %get3A_1097 = tpu.memref_slice %arg6[%scan3A_1006, %get3A_1095, %get3A_1096] : memref<10x64x128xf32, #tpu.memory_space<vmem>> -> memref<1x64x128xf32, #tpu.memory_space<vmem>>
        %get3A_1098 = tpu.memref_squeeze %get3A_1097 : memref<1x64x128xf32, #tpu.memory_space<vmem>> -> memref<64x128xf32, #tpu.memory_space<vmem>>
        %get3A_1099 = arith.index_cast %scan3A_1022 : i32 to index
        %get3A_1100 = arith.constant 48 : index
        %get3A_1101 = tpu.vector_load %get3A_1098[%get3A_1099, %get3A_1100] {strides = array<i32>} : memref<64x128xf32, #tpu.memory_space<vmem>>, vector<1x16xf32>,
        %get3A_1102 = vector.shape_cast %get3A_1101 : vector<1x16xf32> to vector<16xf32>
        %add3A_1103 = arith.addf %get3A_1094, %get3A_1102 : vector<16xf32>
        %swap3A_1104 = arith.index_cast %scan3A_1022 : i32 to index
        %swap3A_1105 = arith.constant 48 : index
        %swap3A_1106 = tpu.vector_load %arg7[%swap3A_1104, %swap3A_1105] {strides = array<i32>} : memref<64x128xf32, #tpu.memory_space<vmem>>, vector<1x16xf32>,
        %swap3A_1107 = vector.shape_cast %swap3A_1106 : vector<1x16xf32> to vector<16xf32>
        %swap3A_1108 = vector.shape_cast %add3A_1103 : vector<16xf32> to vector<1x16xf32>
        tpu.vector_store %arg7[%swap3A_1104, %swap3A_1105], %swap3A_1108 {add = true, strides = array<i32>} : memref<64x128xf32, #tpu.memory_space<vmem>>, vector<1x16xf32>,
        %get3A_1109 = arith.constant 0 : i32
        %get3A_1110 = arith.constant 0 : i32
        %get3A_1111 = tpu.memref_slice %arg6[%scan3A_1005, %get3A_1109, %get3A_1110] : memref<10x64x128xf32, #tpu.memory_space<vmem>> -> memref<1x64x128xf32, #tpu.memory_space<vmem>>
        %get3A_1112 = tpu.memref_squeeze %get3A_1111 : memref<1x64x128xf32, #tpu.memory_space<vmem>> -> memref<64x128xf32, #tpu.memory_space<vmem>>
        %get3A_1113 = arith.index_cast %scan3A_1022 : i32 to index
        %get3A_1114 = arith.constant 64 : index
        %get3A_1115 = tpu.vector_load %get3A_1112[%get3A_1113, %get3A_1114] {strides = array<i32>} : memref<64x128xf32, #tpu.memory_space<vmem>>, vector<1x16xf32>,
        %get3A_1116 = vector.shape_cast %get3A_1115 : vector<1x16xf32> to vector<16xf32>
        %get3A_1117 = arith.constant 0 : i32
        %get3A_1118 = arith.constant 0 : i32
        %get3A_1119 = tpu.memref_slice %arg6[%scan3A_1006, %get3A_1117, %get3A_1118] : memref<10x64x128xf32, #tpu.memory_space<vmem>> -> memref<1x64x128xf32, #tpu.memory_space<vmem>>
        %get3A_1120 = tpu.memref_squeeze %get3A_1119 : memref<1x64x128xf32, #tpu.memory_space<vmem>> -> memref<64x128xf32, #tpu.memory_space<vmem>>
        %get3A_1121 = arith.index_cast %scan3A_1022 : i32 to index
        %get3A_1122 = arith.constant 64 : index
        %get3A_1123 = tpu.vector_load %get3A_1120[%get3A_1121, %get3A_1122] {strides = array<i32>} : memref<64x128xf32, #tpu.memory_space<vmem>>, vector<1x16xf32>,
        %get3A_1124 = vector.shape_cast %get3A_1123 : vector<1x16xf32> to vector<16xf32>
        %add3A_1125 = arith.addf %get3A_1116, %get3A_1124 : vector<16xf32>
        %swap3A_1126 = arith.index_cast %scan3A_1022 : i32 to index
        %swap3A_1127 = arith.constant 64 : index
        %swap3A_1128 = tpu.vector_load %arg7[%swap3A_1126, %swap3A_1127] {strides = array<i32>} : memref<64x128xf32, #tpu.memory_space<vmem>>, vector<1x16xf32>,
        %swap3A_1129 = vector.shape_cast %swap3A_1128 : vector<1x16xf32> to vector<16xf32>
        %swap3A_1130 = vector.shape_cast %add3A_1125 : vector<16xf32> to vector<1x16xf32>
        tpu.vector_store %arg7[%swap3A_1126, %swap3A_1127], %swap3A_1130 {add = true, strides = array<i32>} : memref<64x128xf32, #tpu.memory_space<vmem>>, vector<1x16xf32>,
        %get3A_1131 = arith.constant 0 : i32
        %get3A_1132 = arith.constant 0 : i32
        %get3A_1133 = tpu.memref_slice %arg6[%scan3A_1005, %get3A_1131, %get3A_1132] : memref<10x64x128xf32, #tpu.memory_space<vmem>> -> memref<1x64x128xf32, #tpu.memory_space<vmem>>
        %get3A_1134 = tpu.memref_squeeze %get3A_1133 : memref<1x64x128xf32, #tpu.memory_space<vmem>> -> memref<64x128xf32, #tpu.memory_space<vmem>>
        %get3A_1135 = arith.index_cast %scan3A_1022 : i32 to index
        %get3A_1136 = arith.constant 80 : index
        %get3A_1137 = tpu.vector_load %get3A_1134[%get3A_1135, %get3A_1136] {strides = array<i32>} : memref<64x128xf32, #tpu.memory_space<vmem>>, vector<1x16xf32>,
        %get3A_1138 = vector.shape_cast %get3A_1137 : vector<1x16xf32> to vector<16xf32>
        %get3A_1139 = arith.constant 0 : i32
        %get3A_1140 = arith.constant 0 : i32
        %get3A_1141 = tpu.memref_slice %arg6[%scan3A_1006, %get3A_1139, %get3A_1140] : memref<10x64x128xf32, #tpu.memory_space<vmem>> -> memref<1x64x128xf32, #tpu.memory_space<vmem>>
        %get3A_1142 = tpu.memref_squeeze %get3A_1141 : memref<1x64x128xf32, #tpu.memory_space<vmem>> -> memref<64x128xf32, #tpu.memory_space<vmem>>
        %get3A_1143 = arith.index_cast %scan3A_1022 : i32 to index
        %get3A_1144 = arith.constant 80 : index
        %get3A_1145 = tpu.vector_load %get3A_1142[%get3A_1143, %get3A_1144] {strides = array<i32>} : memref<64x128xf32, #tpu.memory_space<vmem>>, vector<1x16xf32>,
        %get3A_1146 = vector.shape_cast %get3A_1145 : vector<1x16xf32> to vector<16xf32>
        %add3A_1147 = arith.addf %get3A_1138, %get3A_1146 : vector<16xf32>
        %swap3A_1148 = arith.index_cast %scan3A_1022 : i32 to index
        %swap3A_1149 = arith.constant 80 : index
        %swap3A_1150 = tpu.vector_load %arg7[%swap3A_1148, %swap3A_1149] {strides = array<i32>} : memref<64x128xf32, #tpu.memory_space<vmem>>, vector<1x16xf32>,
        %swap3A_1151 = vector.shape_cast %swap3A_1150 : vector<1x16xf32> to vector<16xf32>
        %swap3A_1152 = vector.shape_cast %add3A_1147 : vector<16xf32> to vector<1x16xf32>
        tpu.vector_store %arg7[%swap3A_1148, %swap3A_1149], %swap3A_1152 {add = true, strides = array<i32>} : memref<64x128xf32, #tpu.memory_space<vmem>>, vector<1x16xf32>,
        %get3A_1153 = arith.constant 0 : i32
        %get3A_1154 = arith.constant 0 : i32
        %get3A_1155 = tpu.memref_slice %arg6[%scan3A_1005, %get3A_1153, %get3A_1154] : memref<10x64x128xf32, #tpu.memory_space<vmem>> -> memref<1x64x128xf32, #tpu.memory_space<vmem>>
        %get3A_1156 = tpu.memref_squeeze %get3A_1155 : memref<1x64x128xf32, #tpu.memory_space<vmem>> -> memref<64x128xf32, #tpu.memory_space<vmem>>
        %get3A_1157 = arith.index_cast %scan3A_1022 : i32 to index
        %get3A_1158 = arith.constant 96 : index
        %get3A_1159 = tpu.vector_load %get3A_1156[%get3A_1157, %get3A_1158] {strides = array<i32>} : memref<64x128xf32, #tpu.memory_space<vmem>>, vector<1x16xf32>,
        %get3A_1160 = vector.shape_cast %get3A_1159 : vector<1x16xf32> to vector<16xf32>
        %get3A_1161 = arith.constant 0 : i32
        %get3A_1162 = arith.constant 0 : i32
        %get3A_1163 = tpu.memref_slice %arg6[%scan3A_1006, %get3A_1161, %get3A_1162] : memref<10x64x128xf32, #tpu.memory_space<vmem>> -> memref<1x64x128xf32, #tpu.memory_space<vmem>>
        %get3A_1164 = tpu.memref_squeeze %get3A_1163 : memref<1x64x128xf32, #tpu.memory_space<vmem>> -> memref<64x128xf32, #tpu.memory_space<vmem>>
        %get3A_1165 = arith.index_cast %scan3A_1022 : i32 to index
        %get3A_1166 = arith.constant 96 : index
        %get3A_1167 = tpu.vector_load %get3A_1164[%get3A_1165, %get3A_1166] {strides = array<i32>} : memref<64x128xf32, #tpu.memory_space<vmem>>, vector<1x16xf32>,
        %get3A_1168 = vector.shape_cast %get3A_1167 : vector<1x16xf32> to vector<16xf32>
        %add3A_1169 = arith.addf %get3A_1160, %get3A_1168 : vector<16xf32>
        %swap3A_1170 = arith.index_cast %scan3A_1022 : i32 to index
        %swap3A_1171 = arith.constant 96 : index
        %swap3A_1172 = tpu.vector_load %arg7[%swap3A_1170, %swap3A_1171] {strides = array<i32>} : memref<64x128xf32, #tpu.memory_space<vmem>>, vector<1x16xf32>,
        %swap3A_1173 = vector.shape_cast %swap3A_1172 : vector<1x16xf32> to vector<16xf32>
        %swap3A_1174 = vector.shape_cast %add3A_1169 : vector<16xf32> to vector<1x16xf32>
        tpu.vector_store %arg7[%swap3A_1170, %swap3A_1171], %swap3A_1174 {add = true, strides = array<i32>} : memref<64x128xf32, #tpu.memory_space<vmem>>, vector<1x16xf32>,
        %get3A_1175 = arith.constant 0 : i32
        %get3A_1176 = arith.constant 0 : i32
        %get3A_1177 = tpu.memref_slice %arg6[%scan3A_1005, %get3A_1175, %get3A_1176] : memref<10x64x128xf32, #tpu.memory_space<vmem>> -> memref<1x64x128xf32, #tpu.memory_space<vmem>>
        %get3A_1178 = tpu.memref_squeeze %get3A_1177 : memref<1x64x128xf32, #tpu.memory_space<vmem>> -> memref<64x128xf32, #tpu.memory_space<vmem>>
        %get3A_1179 = arith.index_cast %scan3A_1022 : i32 to index
        %get3A_1180 = arith.constant 112 : index
        %get3A_1181 = tpu.vector_load %get3A_1178[%get3A_1179, %get3A_1180] {strides = array<i32>} : memref<64x128xf32, #tpu.memory_space<vmem>>, vector<1x16xf32>,
        %get3A_1182 = vector.shape_cast %get3A_1181 : vector<1x16xf32> to vector<16xf32>
        %get3A_1183 = arith.constant 0 : i32
        %get3A_1184 = arith.constant 0 : i32
        %get3A_1185 = tpu.memref_slice %arg6[%scan3A_1006, %get3A_1183, %get3A_1184] : memref<10x64x128xf32, #tpu.memory_space<vmem>> -> memref<1x64x128xf32, #tpu.memory_space<vmem>>
        %get3A_1186 = tpu.memref_squeeze %get3A_1185 : memref<1x64x128xf32, #tpu.memory_space<vmem>> -> memref<64x128xf32, #tpu.memory_space<vmem>>
        %get3A_1187 = arith.index_cast %scan3A_1022 : i32 to index
        %get3A_1188 = arith.constant 112 : index
        %get3A_1189 = tpu.vector_load %get3A_1186[%get3A_1187, %get3A_1188] {strides = array<i32>} : memref<64x128xf32, #tpu.memory_space<vmem>>, vector<1x16xf32>,
        %get3A_1190 = vector.shape_cast %get3A_1189 : vector<1x16xf32> to vector<16xf32>
        %add3A_1191 = arith.addf %get3A_1182, %get3A_1190 : vector<16xf32>
        %swap3A_1192 = arith.index_cast %scan3A_1022 : i32 to index
        %swap3A_1193 = arith.constant 112 : index
        %swap3A_1194 = tpu.vector_load %arg7[%swap3A_1192, %swap3A_1193] {strides = array<i32>} : memref<64x128xf32, #tpu.memory_space<vmem>>, vector<1x16xf32>,
        %swap3A_1195 = vector.shape_cast %swap3A_1194 : vector<1x16xf32> to vector<16xf32>
        %swap3A_1196 = vector.shape_cast %add3A_1191 : vector<16xf32> to vector<1x16xf32>
        tpu.vector_store %arg7[%swap3A_1192, %swap3A_1193], %swap3A_1196 {add = true, strides = array<i32>} : memref<64x128xf32, #tpu.memory_space<vmem>>, vector<1x16xf32>,
      }
      %scan3A_1011 = arith.constant 64 : i32
      %add3A_1012 = arith.constant 1 : i32
      %add3A_1013 = arith.addi %scan3A_177, %add3A_1012 : i32
      %lt3A_1014 = arith.constant 8 : i32
      %lt3A_1015 = arith.cmpi slt, %add3A_1013, %lt3A_1014 : i32
      %convert_element_type3A_1016 = arith.extui %lt3A_1015 : i1 to i32
      %cond3A_1017 = arith.constant 0 : i32
      %cond3A_1018 = arith.cmpi ne, %convert_element_type3A_1016, %cond3A_1017 : i32
      scf.if %cond3A_1018 {
        %add3A_1022 = arith.constant 1 : i32
        %add3A_1023 = arith.addi %scan3A_177, %add3A_1022 : i32
        %mul3A_1024 = arith.constant 64 : i32
        %mul3A_1025 = arith.muli %add3A_1023, %mul3A_1024 : i32
        %dma_start3A_1026 = arith.constant 24 : i32
        %dma_start3A_1027 = arith.constant 24 : i32
        %dma_start3A_1028 = arith.constant 8 : i32
        %dma_start3A_1029 = arith.constant 0 : i32
        %dma_start3A_1030 = arith.constant 0 : i32
        %dma_start3A_1031 = tpu.memref_slice %arg6[%dma_start3A_1028, %dma_start3A_1029, %dma_start3A_1030] : memref<10x64x128xf32, #tpu.memory_space<vmem>> -> memref<1x64x128xf32, #tpu.memory_space<vmem>>
        %dma_start3A_1032 = tpu.memref_squeeze %dma_start3A_1031 : memref<1x64x128xf32, #tpu.memory_space<vmem>> -> memref<64x128xf32, #tpu.memory_space<vmem>>
        %dma_start3A_1033 = tpu.memref_slice %arg5[%dma_start3A_1027, %mul3A_1025] : memref<26x512xi32, #tpu.memory_space<vmem>> -> memref<1x64xi32, #tpu.memory_space<vmem>>
        %dma_start3A_1034 = tpu.memref_squeeze %dma_start3A_1033 : memref<1x64xi32, #tpu.memory_space<vmem>> -> memref<64xi32, #tpu.memory_space<vmem>>
        %dma_start3A_1035 = arith.constant 0 : i32
        %dma_start3A_1036 = arith.constant 0 : i32
        %dma_start3A_1037 = tpu.memref_slice %arg3[%dma_start3A_1026, %dma_start3A_1035, %dma_start3A_1036] : memref<26x100001x128xf32, #tpu.memory_space<hbm>> -> memref<1x100001x128xf32, #tpu.memory_space<hbm>>
        %dma_start3A_1038 = tpu.memref_squeeze %dma_start3A_1037 : memref<1x100001x128xf32, #tpu.memory_space<hbm>> -> memref<100001x128xf32, #tpu.memory_space<hbm>>
        %dma_start3A_1039 = arith.constant 0 : i32
        %dma_start3A_1040 = arith.constant 0 : i32
        %dma_start3A_1041 = tpu.memref_slice %dma_start3A_1038[%dma_start3A_1039, %dma_start3A_1040] : memref<100001x128xf32, #tpu.memory_space<hbm>> -> memref<100001x128xf32, #tpu.memory_space<hbm>>
        tpu.enqueue_indirect_dma source(%dma_start3A_1041 : memref<100001x128xf32, #tpu.memory_space<hbm>>) target(%dma_start3A_1032 : memref<64x128xf32, #tpu.memory_space<vmem>>) offsets(%dma_start3A_1034 : memref<64xi32, #tpu.memory_space<vmem>>) semaphore(%arg16 : memref<!tpu.dma_semaphore, #tpu.memory_space<semaphore_mem>>)
        %add3A_1042 = arith.constant 1 : i32
        %add3A_1043 = arith.addi %scan3A_177, %add3A_1042 : i32
        %mul3A_1044 = arith.constant 64 : i32
        %mul3A_1045 = arith.muli %add3A_1043, %mul3A_1044 : i32
        %dma_start3A_1046 = arith.constant 25 : i32
        %dma_start3A_1047 = arith.constant 25 : i32
        %dma_start3A_1048 = arith.constant 9 : i32
        %dma_start3A_1049 = arith.constant 0 : i32
        %dma_start3A_1050 = arith.constant 0 : i32
        %dma_start3A_1051 = tpu.memref_slice %arg6[%dma_start3A_1048, %dma_start3A_1049, %dma_start3A_1050] : memref<10x64x128xf32, #tpu.memory_space<vmem>> -> memref<1x64x128xf32, #tpu.memory_space<vmem>>
        %dma_start3A_1052 = tpu.memref_squeeze %dma_start3A_1051 : memref<1x64x128xf32, #tpu.memory_space<vmem>> -> memref<64x128xf32, #tpu.memory_space<vmem>>
        %dma_start3A_1053 = tpu.memref_slice %arg5[%dma_start3A_1047, %mul3A_1045] : memref<26x512xi32, #tpu.memory_space<vmem>> -> memref<1x64xi32, #tpu.memory_space<vmem>>
        %dma_start3A_1054 = tpu.memref_squeeze %dma_start3A_1053 : memref<1x64xi32, #tpu.memory_space<vmem>> -> memref<64xi32, #tpu.memory_space<vmem>>
        %dma_start3A_1055 = arith.constant 0 : i32
        %dma_start3A_1056 = arith.constant 0 : i32
        %dma_start3A_1057 = tpu.memref_slice %arg3[%dma_start3A_1046, %dma_start3A_1055, %dma_start3A_1056] : memref<26x100001x128xf32, #tpu.memory_space<hbm>> -> memref<1x100001x128xf32, #tpu.memory_space<hbm>>
        %dma_start3A_1058 = tpu.memref_squeeze %dma_start3A_1057 : memref<1x100001x128xf32, #tpu.memory_space<hbm>> -> memref<100001x128xf32, #tpu.memory_space<hbm>>
        %dma_start3A_1059 = arith.constant 0 : i32
        %dma_start3A_1060 = arith.constant 0 : i32
        %dma_start3A_1061 = tpu.memref_slice %dma_start3A_1058[%dma_start3A_1059, %dma_start3A_1060] : memref<100001x128xf32, #tpu.memory_space<hbm>> -> memref<100001x128xf32, #tpu.memory_space<hbm>>
        tpu.enqueue_indirect_dma source(%dma_start3A_1061 : memref<100001x128xf32, #tpu.memory_space<hbm>>) target(%dma_start3A_1052 : memref<64x128xf32, #tpu.memory_space<vmem>>) offsets(%dma_start3A_1054 : memref<64xi32, #tpu.memory_space<vmem>>) semaphore(%arg17 : memref<!tpu.dma_semaphore, #tpu.memory_space<semaphore_mem>>)
      } else {
      }
      %mul3A_1019 = arith.constant 64 : i32
      %mul3A_1020 = arith.muli %scan3A_177, %mul3A_1019 : i32
      %add3A_1021 = arith.addi %mul3A_2, %mul3A_1020 : i32
      "tpu.region"() ({
        %run_scoped3A = tpu.sem_alloc : memref<!tpu.dma_semaphore, #tpu.memory_space<semaphore_mem>>
        %dma_start3A_1022 = arith.constant 0 : i32
        %dma_start3A_1023 = tpu.memref_slice %arg4[%add3A_1021, %dma_start3A_1022] : memref<16384x128xf32, #tpu.memory_space<hbm>> -> memref<64x128xf32, #tpu.memory_space<hbm>>
        %dma_start3A_1024 = arith.constant 0 : i32
        %dma_start3A_1025 = tpu.memref_slice %arg4[%add3A_1021, %dma_start3A_1024] : memref<16384x128xf32, #tpu.memory_space<hbm>> -> memref<64x128xf32, #tpu.memory_space<hbm>>
        tpu.enqueue_dma source(%arg7 : memref<64x128xf32, #tpu.memory_space<vmem>>) target(%dma_start3A_1025 : memref<64x128xf32, #tpu.memory_space<hbm>>) target_semaphore(%run_scoped3A : memref<!tpu.dma_semaphore, #tpu.memory_space<semaphore_mem>>)
        %dma_wait3A_1026 = arith.constant 0 : i32
        %dma_wait3A_1027 = tpu.memref_slice %arg4[%add3A_1021, %dma_wait3A_1026] : memref<16384x128xf32, #tpu.memory_space<hbm>> -> memref<64x128xf32, #tpu.memory_space<hbm>>
        %dma_wait3A_1028 = arith.constant 0 : i32
        %dma_wait3A_1029 = tpu.memref_slice %arg4[%add3A_1021, %dma_wait3A_1028] : memref<16384x128xf32, #tpu.memory_space<hbm>> -> memref<64x128xf32, #tpu.memory_space<hbm>>
        tpu.wait_dma2 semaphore(%run_scoped3A : memref<!tpu.dma_semaphore, #tpu.memory_space<semaphore_mem>>) src(%arg7 : memref<64x128xf32, #tpu.memory_space<vmem>>) dst(%dma_wait3A_1029 : memref<64x128xf32, #tpu.memory_space<hbm>>)
        tpu.yield
      }) : () -> ()
    }
    %scan3A_176 = arith.constant 8 : i32
    return
  }
}

</mosaic_0001>

<sc_bundles>
// kernel: kernel.3.cloned.1.call-start
scs
__scs_entry_jumppad:
0x0: {  	(pc) =	sbr.rel $0x88, $3  }
0x1: {  	(tag) =	ssettag $0x0;
	lr =	simm.s32 $0x1  }
0x2: {  	[smem:$0x3F9F] =	sst lr;
	_ =	strace $0xD0000000  }
0x3: {  	_ = 	snop  }
0x4: {  	_ = 	snop  }
0x5: {  	_ = 	snop  }
0x6: {  	_ = 	snop  }
0x7: {  	_ = 	snop  }
__scs_overlays_trampoline_lowered:
0x8: {  	[smem:$0x3FAE] =	sst s0  }
0x9: {  	[smem:$0x3FAF] =	sst s1  }
0xa: {  	[smem:$0x3FB0] =	sst s2  }
0xb: {  	[smem:$0x3FB1] =	sst s3  }
0xc: {  	[smem:$0x3FB2] =	sst s4  }
0xd: {  	[smem:$0x3FB3] =	sst s5  }
0xe: {  	[smem:$0x3FB4] =	sst s6  }
0xf: {  	[smem:$0x3FB5] =	sst s7  }
0x10: {  	[smem:$0x3FB6] =	sst s8  }
0x11: {  	[smem:$0x3FB7] =	sst s9;
	s0 =	simm.s32 @!p0 $0x0  }
0x12: {  	s1 =	sld [smem:$0x3F9D];
	s0 =	simm.s32 @p0 $0x1  }
0x13: {  	[smem:$0x3FB8] =	sst s0;
	s0 =	simm.s32 @!p1 $0x0  }
0x14: {  	s2 =	sld [smem:$0x3F9C];
	s0 =	simm.s32 @p1 $0x1  }
0x15: {  	[smem:$0x3FB9] =	sst s0;
	s0 =	simm.s32 @!p2 $0x0  }
0x16: {  	s3 =	sld [smem:$0x3FDB];
	s0 =	simm.s32 @p2 $0x1  }
0x17: {  	s4 =	simm.s32 $0x1BF5;
	[smem:$0x3FBB] =	sst s0  }
0x18: {  	s0 =	sld [smem:$0x3F9E];
	_ =	swait.ge [sflag:s4], $0x0  }
0x19: {  	s7 =	sld [smem:$0x3F9F]  }
0x1a: {  	s8 =	sadd.s32 $0xFFFFE003, lr  }
0x1b: {  	s9 =	sadd.s32 $0xFFFFFEF7, lr;
	s5 =	simm.s32 $0xFFFFFFFF;
	p2 =	slt.u32 s8, $0xFFFFF086  }
0x1c: {  	p1 =	slt.u32 s9, $0xF7A;
	s5 =	simm.s32 @!p2 $0x0  }
0x1d: {  	s5 =	simm.s32 @p1 $0x1;
	p0 =	seq.s32 s7, s2  }
0x1e: {  	s7 =	smul.u32 @!p0 $0xF7A, s2;
	p2 =	seq.s32 @!p0 s5, $0x0  }
0x1f: {  	s9 =	smul.u32 $0xF7A, s1;
	s8 =	simm.s32 @!p0 $0x1BF5;
	p2 =	por !p2, p0  }
0x20: {  	[sflag:s8] =	ssyncset.s32 @!p0 $0xFFFFF086;
	s6 =	sadd.s32 @!p0 s3, s7;
	s7 =	simm.s32 @!p0 $0x108  }
0x21: {  	s3 =	sadd.s32 s3, s9;
	s6 =	sadd.s32 @!p0 $0x88, s6;
	s7 =	simm.s32 @p2 $0x1082  }
0x22: {  	[simem:s7], [sflag:s8] =	dma.local @!p0 [hbm:s6], $0xF7A  }
0x23: {  	s9 =	sor.u32 $0xD0000000, s2;
	s6 =	simm.s32 $0x108;
	_ =	swait.ge @!p0 [sflag:s8], $0x0  }
0x24: {  	s3 =	sadd.s32 $0x88, s3;
	s6 =	simm.s32 @!p1 $0x1082;
	[sflag:s4] =	ssyncset.s32 $0xFFFFF086  }
0x25: {  	[simem:s6], [sflag:s4] =	dma.local [hbm:s3], $0xF7A  }
0x26: {  	[smem:$0x3F9F] =	sst s1;
	(tag) =	ssettag s2;
	_ =	strace s9  }
0x27: {  	s1 =	sld [smem:$0x3FAF]  }
0x28: {  	s2 =	sld [smem:$0x3FB0]  }
0x29: {  	s4 =	sld [smem:$0x3FB2]  }
0x2a: {  	p0 =	seq.s32 s5, $0x0;
	s5 =	sld [smem:$0x3FB3]  }
0x2b: {  	s6 =	sld [smem:$0x3FB4]  }
0x2c: {  	s7 =	sld [smem:$0x3FB5]  }
0x2d: {  	s3 =	simm.s32 $0x108;
	s8 =	sld [smem:$0x3FB6]  }
0x2e: {  	s3 =	simm.s32 @!p0 $0x1082;
	s9 =	sld [smem:$0x3FB7]  }
0x2f: {  	lr =	sadd.s32 s0, s3;
	s0 =	sld [smem:$0x3FAE]  }
0x30: {  	s3 =	sld [smem:$0x3FB1]  }
0x31: {  	[smem:$0x3FBA] =	sst s10  }
0x32: {  	s10 =	sld [smem:$0x3FB8];
	_ =	sdelay $0x3  }
0x33: {  	p0 =	seq.s32 s10, $0x1;
	s10 =	sld [smem:$0x3FBA];
	_ =	sdelay $0x3  }
0x34: {  	[smem:$0x3FBA] =	sst s10  }
0x35: {  	s10 =	sld [smem:$0x3FB9];
	_ =	sdelay $0x3  }
0x36: {  	p1 =	seq.s32 s10, $0x1;
	s10 =	sld [smem:$0x3FBA];
	_ =	sdelay $0x3  }
0x37: {  	[smem:$0x3FBA] =	sst s10  }
0x38: {  	s10 =	sld [smem:$0x3FBB]  }
0x39: {  	_ = 	snop;
	(pc) =	sbr.ind lr, $3  }
0x3a: {  	_ = 	snop  }
0x3b: {  	_ = 	snop  }
0x3c: {  	p2 =	seq.s32 s10, $0x1;
	s10 =	sld [smem:$0x3FBA]  }
0x3d: {  	_ =	shalt  }
0x3e: {  	_ =	shalt  }
0x3f: {  	_ =	shalt  }
0x40: {  	_ =	shalt  }
0x41: {  	_ =	shalt  }
0x42: {  	_ =	shalt  }
0x43: {  	_ =	shalt  }
0x44: {  	_ =	shalt  }
0x45: {  	_ =	shalt  }
0x46: {  	_ =	shalt  }
0x47: {  	_ =	shalt  }
0x48: {  	_ =	shalt  }
0x49: {  	_ =	shalt  }
0x4a: {  	_ =	shalt  }
0x4b: {  	_ =	shalt  }
0x4c: {  	_ =	shalt  }
0x4d: {  	_ =	shalt  }
0x4e: {  	_ =	shalt  }
0x4f: {  	_ =	shalt  }
0x50: {  	_ =	shalt  }
0x51: {  	_ =	shalt  }
0x52: {  	_ =	shalt  }
0x53: {  	_ =	shalt  }
0x54: {  	_ =	shalt  }
0x55: {  	_ =	shalt  }
0x56: {  	_ =	shalt  }
0x57: {  	_ =	shalt  }
0x58: {  	_ =	shalt  }
0x59: {  	_ =	shalt  }
0x5a: {  	_ =	shalt  }
0x5b: {  	_ =	shalt  }
0x5c: {  	_ =	shalt  }
0x5d: {  	_ =	shalt  }
0x5e: {  	_ =	shalt  }
0x5f: {  	_ =	shalt  }
0x60: {  	_ =	shalt  }
0x61: {  	_ =	shalt  }
0x62: {  	_ =	shalt  }
0x63: {  	_ =	shalt  }
0x64: {  	_ =	shalt  }
0x65: {  	_ =	shalt  }
0x66: {  	_ =	shalt  }
0x67: {  	_ =	shalt  }
0x68: {  	_ =	shalt  }
0x69: {  	_ =	shalt  }
0x6a: {  	_ =	shalt  }
0x6b: {  	_ =	shalt  }
0x6c: {  	_ =	shalt  }
0x6d: {  	_ =	shalt  }
0x6e: {  	_ =	shalt  }
0x6f: {  	_ =	shalt  }
0x70: {  	_ =	shalt  }
0x71: {  	_ =	shalt  }
0x72: {  	_ =	shalt  }
0x73: {  	_ =	shalt  }
0x74: {  	_ =	shalt  }
0x75: {  	_ =	shalt  }
0x76: {  	_ =	shalt  }
0x77: {  	_ =	shalt  }
0x78: {  	_ =	shalt  }
0x79: {  	_ =	shalt  }
0x7a: {  	_ =	shalt  }
0x7b: {  	_ =	shalt  }
0x7c: {  	_ =	shalt  }
0x7d: {  	_ =	shalt  }
0x7e: {  	_ =	shalt  }
0x7f: {  	_ =	shalt  }
0x80: {  	_ =	shalt  }
0x81: {  	_ =	shalt  }
0x82: {  	_ =	shalt  }
0x83: {  	_ =	shalt  }
0x84: {  	_ =	shalt  }
0x85: {  	_ =	shalt  }
0x86: {  	_ =	shalt  }
0x87: {  	_ =	shalt  }
.Lfunc_end0:
.L_simem_size_0:
called_computation_lowered:
.L_overlay_start_0:
0x88: {  	s2 =	sld [smem:$0x3FD9]  }
0x89: {  	s3 =	sld [smem:$0x3FFE];
	_ =	sdelay $0x1  }
0x8a: {  	s1 =	srdreg.scid  }
0x8b: {  	s0 =	sand.u32 $0x1, s1  }
0x8c: {  	s18 =	sshll.u32 s0, $0xA;
	s2 =	sadd.s32 s3, s2  }
0x8d: {  	s2 =	sadd.s32 s2, s18  }
0x8e: {  	[smem:$0x3FC6] =	sst s2  }
0x8f: {  	_ = 	snop  }
0x90: {  	s2 =	sld [smem:$0x3FC9]  }
0x91: {  	s19 =	sld [smem:$0x3FC8]  }
0x92: {  	s4 =	sld [smem:$0x3FD0];
	(tm) =	ssettm $0x1  }
0x93: {  	s5 =	sld [smem:$0x3FFB];
	_ =	sdelay $0x3  }
0x94: {  	_ =	strace s5  }
0x95: {  	s5 =	sld [smem:$0x3FFC];
	_ =	sdelay $0x3  }
0x96: {  	_ =	strace s5  }
0x97: {  	s5 =	sld [smem:$0x3FFD];
	_ =	sdelay $0x3  }
0x98: {  	_ =	strace s5  }
0x99: {  	_ =	strace $0x8FFFFFFF  }
0x9a: {  	s20 =	sld [smem:$0x3FDB];
	_ =	sdelay $0x1  }
0x9b: {  	s6 =	simm.s32 $_scs_section_size  }
0x9c: {  	s7 =	simm.s32 $_size__tile_overlayer_lowered;
	s8 =	simm.s32 $_tile_overlayer_lowered  }
0x9d: {  	s23 =	simm.s32 $0x1BFF;
	s22 =	sshll.u32 s8, $0x1;
	s5 =	sadd.s32 s6, s20  }
0x9e: {  	s9 =	simm.s32 $0x0;
	s21 =	sshll.u32 s7, $0x1;
	s7 =	sadd.s32 s22, s5  }
0x9f: {  	[timem:s9], [sflag:s23] =	dma.local [hbm:s7], s21  }
0xa0: {  	_ =	swait.ge [sflag:s23], s21  }
0xa1: {  	s6 =	ssub.s32 $0x0, s21;
	[sflag:s23] =	ssyncset.done $0x0  }
0xa2: {  	[sflag:s23] =	ssyncadd.s32 s6;
	_ =	sdelay $0x1  }
0xa3: {  	s24 =	simm.s32 $0x1B8B  }
0xa4: {  	_ =	swait.ge [sflag:s24], $0x1  }
0xa5: {  	[sflag:s24] =	ssyncset.done $0x0  }
0xa6: {  	s25 =	simm.s32 $0x1B8E;
	[sflag:s24] =	ssyncadd.s32 $0xFFFFFFFF  }
0xa7: {  	s26 =	simm.s32 $execute0_lowered;
	[smem:$0x3FD2] =	sst s25  }
0xa8: {  	s6 =	sshll.u32 s26, $0x1;
	_ =	strace $0x80000046;
	[dreg:$0x1] =	wrdreg $0xFFFFFFFF  }
0xa9: {  	s28 =	simm.s32 $_size_execute0_lowered;
	s5 =	sadd.s32 s5, s6;
	[dreg:$0x0] =	wrdreg $0x0  }
0xaa: {  	s6 =	sshll.u32 s28, $0x1;
	[dreg:$0x2] =	wrdreg s5  }
0xab: {  	[dreg:$0x3] =	wrdreg s6  }
0xac: {  	[dreg:$0x4] =	wrdreg $0xC0  }
0xad: {  	_ =	task [dreg:s9], $0x5FFFF  }
0xae: {  	[dreg:$0x1] =	wrdreg $0xFFFFFFFF  }
0xaf: {  	[dreg:$0x0] =	wrdreg $0x60  }
0xb0: {  	[dreg:$0x2] =	wrdreg s2  }
0xb1: {  	[dreg:$0x3] =	wrdreg s19  }
0xb2: {  	[dreg:$0x4] =	wrdreg s4  }
0xb3: {  	[dreg:$0x5] =	wrdreg $0x9  }
0xb4: {  	_ =	task.clear_ibuf [dreg:s9], $0x6FFFF;
	_ =	strace $0x90000046  }
0xb5: {  	s29 =	simm.s32 $0x9;
	_ =	strace $0x80000048  }
0xb6: {  	_ =	swait.ge [sflag:s29], $0x1  }
0xb7: {  	[sflag:s29] =	ssyncadd.s32 $0xFFFFFFFF  }
0xb8: {  	_ =	strace $0x90000048  }
0xb9: {  	_ =	sfence  }
0xba: {  	s30 =	sld [smem:$0x0];
	_ =	sdelay $0x2  }
0xbb: {  	s31 =	sshll.u32 s1, $0xD;
	s1 =	sshrl.u32 s1, $0x2  }
0xbc: {  	s3 =	sand.u32 $0x4000, s31;
	s1 =	sadd.s32 s1, s30  }
0xbd: {  	s0 =	sor.u32 s3, s0;
	s1 =	sshll.u32 s1, $0x11  }
0xbe: {  	s0 =	sor.u32 s1, s0  }
0xbf: {  	s0 =	sadd.s32 $0x8F2B, s0  }
0xc0: {  	[sflag:s0] =	ssyncadd.remote.s32 $0x1  }
0xc1: {  	_ =	sfence.sel $0xFFFF  }
0xc2: {  	[dreg:$0x0] =	wrdreg $0xFFFFFFFF;
	(pc) =	sbr.abs _section_cstart, $3  }
0xc3: {  	[dreg:$0x1] =	wrdreg $0xFFFFFFFF  }
0xc4: {  	_ =	task.clear_ibuf [dreg:s9], $0x2FFFF;
	_ =	strace $0x9FFFFFFF  }
0xc5: {  	(tm) =	ssettm $0x7FFFFFFF  }
tec
execute0_lowered:
.L_overlay_start_1:
0x0: {  	(tag) =	ssettag $0x1  }
0x1: {  	s0 =	rddreg [dreg:$0x0]  }
0x2: {  	s5 =	rddreg [dreg:$0x1];
	s2 =	simm.s32 $0x0  }
0x3: {  	[smem:$0x7FF] =	sst s2;
	s4 =	sadd.s32 $0x186A80, s5  }
0x4: {  	s23 =	sadd.s32 $0x30D500, s5;
	_ =	strace $0x80000047;
	[dreg:$0x4] =	wrdreg s4  }
0x5: {  	s24 =	sadd.s32 $0x493F80, s5;
	[dreg:$0x5] =	wrdreg s23  }
0x6: {  	s25 =	sadd.s32 $0x61AA00, s5;
	[dreg:$0x6] =	wrdreg s24  }
0x7: {  	s26 =	sadd.s32 $0x7A1480, s5;
	[dreg:$0x7] =	wrdreg s25  }
0x8: {  	s6 =	sadd.s32 $0x927F00, s5;
	[dreg:$0x8] =	wrdreg s26  }
0x9: {  	s1 =	srdreg.scid;
	s7 =	sadd.s32 $0xAAE980, s5;
	[dreg:$0x9] =	wrdreg s6  }
0xa: {  	s22 =	stileid.u32;
	s8 =	sadd.s32 $0xC35400, s5;
	[dreg:$0xa] =	wrdreg s7  }
0xb: {  	s30 =	simm.s32 $0x40;
	s9 =	sadd.s32 $0xDBBE80, s5;
	[dreg:$0xb] =	wrdreg s8  }
0xc: {  	s28 =	simm.s32 $0x8;
	s10 =	sadd.s32 $0xF42900, s5;
	[dreg:$0xc] =	wrdreg s9  }
0xd: {  	s29 =	simm.s32 $0x9;
	s11 =	sadd.s32 $0x10C9380, s5;
	[dreg:$0xd] =	wrdreg s10  }
0xe: {  	s31 =	simm.s32 $0xA;
	s14 =	sadd.s32 $0x124FE00, s5;
	[dreg:$0xe] =	wrdreg s11  }
0xf: {  	s1 =	sand.u32 $0x1, s1;
	s16 =	sadd.s32 $0x155D300, s5;
	[dreg:$0xf] =	wrdreg s14  }
0x10: {  	s2 =	sshll.u32 s22, $0xA;
	s17 =	sadd.s32 $0x16E3D80, s5;
	[dreg:$0x11] =	wrdreg s16  }
0x11: {  	s12 =	sadd.s32 $0x249FC00, s5;
	s18 =	sadd.s32 $0x186A800, s5;
	[dreg:$0x12] =	wrdreg s17  }
0x12: {  	s13 =	sadd.s32 $0x2626680, s5;
	s19 =	sadd.s32 $0x19F1280, s5;
	[dreg:$0x13] =	wrdreg s18  }
0x13: {  	s20 =	sadd.s32 $0x1B77D00, s5;
	s21 =	sadd.s32 $0x1CFE780, s5;
	[dreg:$0x15] =	wrdreg s19  }
0x14: {  	s22 =	sadd.s32 $0x1E85200, s5;
	s3 =	sshll.u32 s1, $0x9;
	[dreg:$0x16] =	wrdreg s20  }
0x15: {  	s1 =	ssub.s32 $0x2, s1;
	s6 =	sadd.s32 $0x13D6880, s5;
	[dreg:$0x18] =	wrdreg s21  }
0x16: {  	[dreg:$0x19] =	wrdreg s22;
	s24 =	sadd.s32 $0x200BC80, s5;
	s25 =	sadd.s32 $0x2192700, s5  }
0x17: {  	s26 =	sadd.s32 $0x2319180, s5;
	s10 =	simm.s32 $0x4000;
	s4 =	simm.s32 $0x8000  }
0x18: {  	s14 =	simm.s32 $0xA000;
	s16 =	simm.s32 $0xE000;
	s17 =	simm.s32 $0x10000  }
0x19: {  	s18 =	simm.s32 $0x12000;
	s19 =	simm.s32 $0x1;
	[dreg:$0x10] =	wrdreg s6  }
0x1a: {  	s20 =	simm.s32 $0x2;
	s21 =	simm.s32 $0x3;
	[dreg:$0x1b] =	wrdreg s24  }
0x1b: {  	s22 =	simm.s32 $0x4;
	s15 =	sshrl.u32 s1, $0x1;
	[dreg:$0x1c] =	wrdreg s25  }
0x1c: {  	s2 =	sor.u32 s3, s2;
	[dreg:$0x1d] =	wrdreg s26;
	s26 =	simm.s32 $0xB  }
0x1d: {  	s24 =	simm.s32 $0x5;
	s25 =	simm.s32 $0x7;
	s1 =	ssub.s32 s1, s15  }
0x1e: {  	[dreg:$0x14] =	wrdreg s2;
	s0 =	sadd.s32 s0, s2;
	s15 =	simm.s32 $0xC000  }
0x1f: {  	s2 =	simm.s32 $0x0;
	[dreg:$0x17] =	wrdreg s0;
	s23 =	smax.u32 s1, $0x1  }
0x20: {  	s1 =	simm.s32 $0x6000;
	[dreg:$0x1a] =	wrdreg s23;
	s23 =	simm.s32 $0x6  }
.LBB2_1:
0x21: {  	[dreg:$0x1e] =	wrdreg s2;
	s3 =	simm.s32 $0x0  }
0x22: {  	s0 =	rddreg [dreg:$0x17];
	s7 =	simm.s32 $0x1000;
	s5 =	simm.s32 $0x20000  }
0x23: {  	[tilespmem:s3], [sflag:$0xB] =	stream.strided.gather [hbm4b:s0+s7], $0x4000, s5, s7, $0x38;
	[tilespmem:$0x1A000] =	vst v63  }
0x24: {  	_ =	swait.ge [sflag:s26], $0x4000  }
0x25: {  	[sflag:s26] =	ssyncset.done $0x0  }
0x26: {  	[sflag:s26] =	ssyncadd.s32 $0xFFFFC000  }
0x27: {  	s8 =	rddreg [dreg:$0x1]  }
0x28: {  	[tilespmem:s10], [sflag:$0x1] =	stream.indirect.gather [hbm4b:s8+s30], $0x80, s3, s30, $0xb8;
	[tilespmem:$0x1A000] =	vst v63  }
0x29: {  	s11 =	simm.s32 $0x80;
	s9 =	rddreg [dreg:$0x4]  }
0x2a: {  	[tilespmem:s1], [sflag:$0x2] =	stream.indirect.gather [hbm4b:s9+s30], $0x80, s11, s30, $0xb8;
	[tilespmem:$0x1A000] =	vst v63  }
0x2b: {  	s2 =	rddreg [dreg:$0x5];
	s3 =	simm.s32 $0x100  }
0x2c: {  	[tilespmem:s4], [sflag:$0x3] =	stream.indirect.gather [hbm4b:s2+s30], $0x80, s3, s30, $0xb8;
	[tilespmem:$0x1A000] =	vst v63  }
0x2d: {  	s6 =	simm.s32 $0x180;
	s5 =	rddreg [dreg:$0x6]  }
0x2e: {  	[tilespmem:s14], [sflag:$0x4] =	stream.indirect.gather [hbm4b:s5+s30], $0x80, s6, s30, $0xb8;
	[tilespmem:$0x1A000] =	vst v63  }
0x2f: {  	s7 =	rddreg [dreg:$0x7];
	s8 =	simm.s32 $0x200  }
0x30: {  	[tilespmem:s15], [sflag:$0x5] =	stream.indirect.gather [hbm4b:s7+s30], $0x80, s8, s30, $0xb8;
	[tilespmem:$0x1A000] =	vst v63  }
0x31: {  	s9 =	rddreg [dreg:$0x8];
	s11 =	simm.s32 $0x280  }
0x32: {  	[tilespmem:s16], [sflag:$0x6] =	stream.indirect.gather [hbm4b:s9+s30], $0x80, s11, s30, $0xb8;
	[tilespmem:$0x1A000] =	vst v63  }
0x33: {  	s2 =	rddreg [dreg:$0x9];
	s3 =	simm.s32 $0x300  }
0x34: {  	[tilespmem:s17], [sflag:$0x7] =	stream.indirect.gather [hbm4b:s2+s30], $0x80, s3, s30, $0xb8;
	[tilespmem:$0x1A000] =	vst v63  }
0x35: {  	s5 =	rddreg [dreg:$0xa];
	s6 =	simm.s32 $0x380  }
0x36: {  	[tilespmem:s18], [sflag:$0x8] =	stream.indirect.gather [hbm4b:s5+s30], $0x80, s6, s30, $0xb8;
	[tilespmem:$0x1A000] =	vst v63  }
0x37: {  	s7 =	simm.s32 $0x3000;
	s8 =	simm.s32 $0x14000  }
0x38: {  	[tilespmem:s8], [sflag:$0x9] =	stream.indirect.gather [hbm4b:s12+s30], $0x80, s7, s30, $0xb8;
	[tilespmem:$0x1A000] =	vst v63  }
0x39: {  	s9 =	simm.s32 $0x3080;
	s11 =	simm.s32 $0x16000;
	s3 =	simm.s32 $0x0  }
0x3a: {  	[tilespmem:s11], [sflag:$0xA] =	stream.indirect.gather [hbm4b:s13+s30], $0x80, s9, s30, $0xb8;
	[tilespmem:$0x1A000] =	vst v63  }
.LBB2_2:
0x3b: {  	_ =	swait.ge [sflag:s19], $0x2000  }
0x3c: {  	[sflag:s19] =	ssyncset.done $0x0  }
0x3d: {  	[sflag:s19] =	ssyncadd.s32 $0xFFFFE000  }
0x3e: {  	_ =	swait.ge [sflag:s20], $0x2000  }
0x3f: {  	[sflag:s20] =	ssyncset.done $0x0  }
0x40: {  	[sflag:s20] =	ssyncadd.s32 $0xFFFFE000  }
0x41: {  	_ =	swait.ge [sflag:s21], $0x2000  }
0x42: {  	[sflag:s21] =	ssyncset.done $0x0  }
0x43: {  	[sflag:s21] =	ssyncadd.s32 $0xFFFFE000  }
0x44: {  	_ =	swait.ge [sflag:s22], $0x2000  }
0x45: {  	[sflag:s22] =	ssyncset.done $0x0  }
0x46: {  	s0 =	simm.s32 $0x0;
	[sflag:s22] =	ssyncadd.s32 $0xFFFFE000  }
0x47: {  	v0 =	vld [tilespmem:s0+$0x4070]  }
0x48: {  	v1 =	vld [tilespmem:s0+$0x6070]  }
0x49: {  	v2 =	vld [tilespmem:s0+$0x8070]  }
0x4a: {  	v3 =	vld [tilespmem:s0+$0xA070]  }
0x4b: {  	v4 =	vld [tilespmem:s0+$0x4000]  }
0x4c: {  	v5 =	vld [tilespmem:s0+$0x6000]  }
0x4d: {  	v6 =	vld [tilespmem:s0+$0x8000]  }
0x4e: {  	v7 =	vld [tilespmem:s0+$0xA000]  }
0x4f: {  	v8 =	vld [tilespmem:s0+$0x4010]  }
0x50: {  	v0 =	vadd.f32 v1, v0;
	v1 =	vadd.f32 v3, v2;
	v2 =	vld [tilespmem:s0+$0x6010]  }
0x51: {  	v3 =	vld [tilespmem:s0+$0x8010]  }
0x52: {  	v0 =	vadd.f32 v1, v0;
	v1 =	vld [tilespmem:s0+$0xA010]  }
0x53: {  	v9 =	vld [tilespmem:s0+$0x4020];
	v4 =	vadd.f32 v5, v4;
	v5 =	vadd.f32 v7, v6  }
0x54: {  	v6 =	vld [tilespmem:s0+$0xA020]  }
0x55: {  	v4 =	vadd.f32 v5, v4;
	v5 =	vld [tilespmem:s0+$0x8020]  }
0x56: {  	[tilespmem:s0+$0x18070] =	vst v0;
	v0 =	vld [tilespmem:s0+$0x6020]  }
0x57: {  	v7 =	vld [tilespmem:s0+$0xA030];
	v2 =	vadd.f32 v2, v8;
	v1 =	vadd.f32 v1, v3  }
0x58: {  	[tilespmem:s0+$0x18000] =	vst v4;
	v4 =	vld [tilespmem:s0+$0x6030]  }
0x59: {  	v3 =	vld [tilespmem:s0+$0x4030];
	v1 =	vadd.f32 v1, v2  }
0x5a: {  	v2 =	vld [tilespmem:s0+$0x8030]  }
0x5b: {  	v8 =	vld [tilespmem:s0+$0xA040];
	v0 =	vadd.f32 v0, v9;
	[tilespmem:s0+$0x18010] =	vst v1;
	v1 =	vadd.f32 v6, v5  }
0x5c: {  	v5 =	vld [tilespmem:s0+$0x4040]  }
0x5d: {  	v6 =	vld [tilespmem:s0+$0x6040];
	v0 =	vadd.f32 v1, v0  }
0x5e: {  	v1 =	vld [tilespmem:s0+$0x8040]  }
0x5f: {  	v63 =	vld [tilespmem:s0+$0xA050];
	v2 =	vadd.f32 v7, v2;
	[tilespmem:s0+$0x18020] =	vst v0;
	v0 =	vadd.f32 v4, v3  }
0x60: {  	v7 =	vld [tilespmem:s0+$0x6050]  }
0x61: {  	v3 =	vld [tilespmem:s0+$0x4050];
	v0 =	vadd.f32 v2, v0  }
0x62: {  	v2 =	vld [tilespmem:s0+$0x8050]  }
0x63: {  	v10 =	vld [tilespmem:s0+$0x4060];
	v4 =	vadd.f32 v8, v1;
	[tilespmem:s0+$0x18030] =	vst v0;
	v0 =	vadd.f32 v6, v5  }
0x64: {  	v5 =	vld [tilespmem:s0+$0x6060]  }
0x65: {  	v1 =	vld [tilespmem:s0+$0x8060];
	v6 =	vadd.f32 v4, v0  }
0x66: {  	s7 =	simm.s32 $0x80;
	v4 =	vld [tilespmem:s0+$0xA060]  }
0x67: {  	v7 =	vadd.f32 v7, v3;
	v0 =	vld [tilespmem:s7+$0x4070];
	[tilespmem:s0+$0x18040] =	vst v6;
	v6 =	vadd.f32 v63, v2  }
0x68: {  	v2 =	vld [tilespmem:s7+$0x6070]  }
0x69: {  	s5 =	simm.s32 $0x400;
	v3 =	vld [tilespmem:s7+$0x8070];
	v5 =	vadd.f32 v5, v10;
	v6 =	vadd.f32 v6, v7  }
.LBB2_3:
0x6a: {  	p0 =	sne.s32 s5, $0x7E00;
	v7 =	vld [tilespmem:s7+$0xA070]  }
0x6b: {  	v8 =	vld [tilespmem:s7+$0x4000];
	[tilespmem:s0+$0x18050] =	vst v6;
	v1 =	vadd.f32 v4, v1  }
0x6c: {  	v4 =	vld [tilespmem:s7+$0x6000]  }
0x6d: {  	v6 =	vld [tilespmem:s7+$0x8000];
	v1 =	vadd.f32 v1, v5  }
0x6e: {  	v5 =	vld [tilespmem:s7+$0xA000]  }
0x6f: {  	v0 =	vadd.f32 v2, v0;
	v9 =	vld [tilespmem:s7+$0x4010];
	v2 =	vadd.f32 v7, v3;
	[tilespmem:s0+$0x18060] =	vst v1;
	s0 =	smov.u32 s7  }
0x70: {  	v1 =	vld [tilespmem:s0+$0x6010]  }
0x71: {  	v3 =	vadd.f32 v4, v8;
	v4 =	vld [tilespmem:s0+$0x8010];
	v0 =	vadd.f32 v2, v0  }
0x72: {  	v2 =	vld [tilespmem:s0+$0xA010]  }
0x73: {  	v5 =	vadd.f32 v5, v6;
	v6 =	vld [tilespmem:s0+$0x4020];
	[tilespmem:s0+$0x18070] =	vst v0  }
0x74: {  	v0 =	vld [tilespmem:s0+$0x6020]  }
0x75: {  	v3 =	vadd.f32 v5, v3;
	v1 =	vadd.f32 v1, v9;
	v5 =	vld [tilespmem:s0+$0x8020]  }
0x76: {  	v7 =	vld [tilespmem:s0+$0xA020]  }
0x77: {  	[tilespmem:s0+$0x18000] =	vst v3;
	v2 =	vadd.f32 v2, v4;
	v3 =	vld [tilespmem:s0+$0x4030]  }
0x78: {  	v4 =	vld [tilespmem:s0+$0x6030]  }
0x79: {  	v1 =	vadd.f32 v2, v1;
	v0 =	vadd.f32 v0, v6;
	v2 =	vld [tilespmem:s0+$0x8030]  }
0x7a: {  	v6 =	vld [tilespmem:s0+$0xA030]  }
0x7b: {  	[tilespmem:s0+$0x18010] =	vst v1;
	v1 =	vadd.f32 v7, v5;
	v5 =	vld [tilespmem:s0+$0x4040]  }
0x7c: {  	v7 =	vld [tilespmem:s0+$0x6040]  }
0x7d: {  	v0 =	vadd.f32 v1, v0;
	v1 =	vadd.f32 v4, v3;
	v3 =	vld [tilespmem:s0+$0x8040]  }
0x7e: {  	v4 =	vld [tilespmem:s0+$0xA040]  }
0x7f: {  	[tilespmem:s0+$0x18020] =	vst v0;
	v0 =	vadd.f32 v6, v2;
	v2 =	vld [tilespmem:s0+$0x4050]  }
0x80: {  	v6 =	vld [tilespmem:s0+$0x6050]  }
0x81: {  	v0 =	vadd.f32 v0, v1;
	v1 =	vadd.f32 v7, v5;
	v5 =	vld [tilespmem:s0+$0x8050]  }
0x82: {  	v7 =	vld [tilespmem:s0+$0xA050]  }
0x83: {  	[tilespmem:s0+$0x18030] =	vst v0;
	v0 =	vadd.f32 v4, v3;
	v8 =	vld [tilespmem:s0+$0x4060]  }
0x84: {  	v9 =	vld [tilespmem:s0+$0x6060]  }
.Ltmp0:
0x85: {  	v3 =	vadd.f32 v0, v1;
	v6 =	vadd.f32 v6, v2;
	v1 =	vld [tilespmem:s0+$0x8060];
	(pc) =	sbr.rel @p0 .LBB2_3-.Ltmp0, $4  }
0x86: {  	s7 =	sshra.s32 s5, $0x2;
	v4 =	vld [tilespmem:s0+$0xA060]  }
0x87: {  	v0 =	vld [tilespmem:s7+$0x4070];
	[tilespmem:s0+$0x18040] =	vst v3;
	v5 =	vadd.f32 v7, v5  }
0x88: {  	v2 =	vld [tilespmem:s7+$0x6070]  }
0x89: {  	s5 =	sadd.s32 $0x200, s5;
	v3 =	vld [tilespmem:s7+$0x8070];
	v6 =	vadd.f32 v5, v6;
	v5 =	vadd.f32 v9, v8  }
0x8a: {  	v7 =	vld [tilespmem:s7+$0xA070]  }
0x8b: {  	v8 =	vld [tilespmem:s7+$0x4000];
	[tilespmem:s0+$0x18050] =	vst v6;
	v1 =	vadd.f32 v4, v1  }
0x8c: {  	v4 =	vld [tilespmem:s7+$0x6000]  }
0x8d: {  	v6 =	vld [tilespmem:s7+$0x8000];
	v1 =	vadd.f32 v1, v5  }
0x8e: {  	v9 =	vld [tilespmem:s7+$0x4010]  }
0x8f: {  	v5 =	vld [tilespmem:s7+$0xA000];
	[tilespmem:s0+$0x18060] =	vst v1  }
0x90: {  	v0 =	vadd.f32 v2, v0;
	v2 =	vld [tilespmem:s7+$0x6010]  }
0x91: {  	v1 =	vadd.f32 v7, v3;
	v3 =	vld [tilespmem:s7+$0x8010]  }
0x92: {  	v42 =	vld [tilespmem:s7+$0x4020]  }
0x93: {  	v43 =	vld [tilespmem:s7+$0xA020]  }
0x94: {  	v44 =	vld [tilespmem:s7+$0xA030]  }
0x95: {  	v0 =	vadd.f32 v1, v0;
	v1 =	vld [tilespmem:s7+$0xA010]  }
0x96: {  	v45 =	vld [tilespmem:s7+$0x6040]  }
0x97: {  	v46 =	vld [tilespmem:s7+$0xA040];
	v4 =	vadd.f32 v4, v8;
	v5 =	vadd.f32 v5, v6  }
0x98: {  	[tilespmem:s7+$0x18070] =	vst v0;
	v0 =	vld [tilespmem:s7+$0x6020]  }
0x99: {  	v4 =	vadd.f32 v5, v4;
	v5 =	vld [tilespmem:s7+$0x8020]  }
0x9a: {  	v47 =	vld [tilespmem:s7+$0xA050];
	v2 =	vadd.f32 v2, v9;
	v1 =	vadd.f32 v1, v3  }
0x9b: {  	v3 =	vld [tilespmem:s7+$0x4030]  }
0x9c: {  	[tilespmem:s7+$0x18000] =	vst v4;
	v4 =	vld [tilespmem:s7+$0x6030];
	v1 =	vadd.f32 v1, v2  }
0x9d: {  	v2 =	vld [tilespmem:s7+$0x8030]  }
0x9e: {  	v48 =	vld [tilespmem:s7+$0x6060];
	v0 =	vadd.f32 v0, v42;
	[tilespmem:s7+$0x18010] =	vst v1;
	v1 =	vadd.f32 v43, v5  }
0x9f: {  	v10 =	vld [tilespmem:s7+$0x8060]  }
0xa0: {  	v11 =	vld [tilespmem:s7+$0xA060];
	v0 =	vadd.f32 v1, v0  }
0xa1: {  	v5 =	vld [tilespmem:s7+$0x4040]  }
0xa2: {  	v1 =	vld [tilespmem:s7+$0x8040];
	v2 =	vadd.f32 v44, v2;
	[tilespmem:s7+$0x18020] =	vst v0;
	v0 =	vadd.f32 v4, v3  }
0xa3: {  	v3 =	vld [tilespmem:s7+$0x4050]  }
0xa4: {  	v4 =	vld [tilespmem:s7+$0x6050];
	v0 =	vadd.f32 v2, v0  }
0xa5: {  	v2 =	vld [tilespmem:s7+$0x8050]  }
0xa6: {  	[tilespmem:s7+$0x18030] =	vst v0;
	v0 =	vld [tilespmem:s7+$0x4060]  }
0xa7: {  	v5 =	vadd.f32 v45, v5;
	v1 =	vadd.f32 v46, v1;
	_ =	sdelay $0x1  }
0xa8: {  	v1 =	vadd.f32 v1, v5  }
0xa9: {  	v3 =	vadd.f32 v4, v3;
	v2 =	vadd.f32 v47, v2  }
0xaa: {  	v4 =	vadd.f32 v11, v10;
	v0 =	vadd.f32 v48, v0  }
0xab: {  	s6 =	sshll.u32 s3, $0x9;
	s0 =	sshll.u32 s3, $0x6;
	v2 =	vadd.f32 v2, v3  }
0xac: {  	s6 =	sand.u32 $0xC00, s6;
	s5 =	sand.u32 $0x40, s0;
	[tilespmem:s7+$0x18040] =	vst v1;
	v0 =	vadd.f32 v4, v0  }
0xad: {  	s8 =	sor.u32 s5, s6;
	[tilespmem:s7+$0x18050] =	vst v2  }
0xae: {  	s2 =	rddreg [dreg:$0xb];
	s11 =	sor.u32 $0x1000, s8;
	[tilespmem:s7+$0x18060] =	vst v0  }
0xaf: {  	[tilespmem:s10], [sflag:$0x1] =	stream.indirect.gather [hbm4b:s2+s30], $0x80, s11, s30, $0xb8;
	[tilespmem:$0x1A000] =	vst v63  }
0xb0: {  	s9 =	sor.u32 $0x1080, s8;
	s11 =	rddreg [dreg:$0xc]  }
0xb1: {  	[tilespmem:s1], [sflag:$0x2] =	stream.indirect.gather [hbm4b:s11+s30], $0x80, s9, s30, $0xb8;
	[tilespmem:$0x1A000] =	vst v63  }
0xb2: {  	s9 =	sor.u32 $0x1100, s8;
	s11 =	rddreg [dreg:$0xd]  }
0xb3: {  	[tilespmem:s4], [sflag:$0x3] =	stream.indirect.gather [hbm4b:s11+s30], $0x80, s9, s30, $0xb8;
	[tilespmem:$0x1A000] =	vst v63  }
0xb4: {  	s9 =	sor.u32 $0x1180, s8;
	s11 =	rddreg [dreg:$0xe]  }
0xb5: {  	[tilespmem:s14], [sflag:$0x4] =	stream.indirect.gather [hbm4b:s11+s30], $0x80, s9, s30, $0xb8;
	[tilespmem:$0x1A000] =	vst v63  }
0xb6: {  	_ =	swait.ge [sflag:s24], $0x2000  }
0xb7: {  	[sflag:s24] =	ssyncset.done $0x0  }
0xb8: {  	[sflag:s24] =	ssyncadd.s32 $0xFFFFE000  }
0xb9: {  	_ =	swait.ge [sflag:s23], $0x2000  }
0xba: {  	[sflag:s23] =	ssyncset.done $0x0  }
0xbb: {  	[sflag:s23] =	ssyncadd.s32 $0xFFFFE000  }
0xbc: {  	_ =	swait.ge [sflag:s25], $0x2000  }
0xbd: {  	[sflag:s25] =	ssyncset.done $0x0  }
0xbe: {  	[sflag:s25] =	ssyncadd.s32 $0xFFFFE000  }
0xbf: {  	_ =	swait.ge [sflag:s28], $0x2000  }
0xc0: {  	[sflag:s28] =	ssyncset.done $0x0  }
0xc1: {  	s7 =	simm.s32 $0x0;
	[sflag:s28] =	ssyncadd.s32 $0xFFFFE000  }
0xc2: {  	v0 =	vld [tilespmem:s7+$0xC070]  }
0xc3: {  	v1 =	vld [tilespmem:s7+$0xE070]  }
0xc4: {  	v2 =	vld [tilespmem:s7+$0x10070]  }
0xc5: {  	v3 =	vld [tilespmem:s7+$0x12070]  }
0xc6: {  	v4 =	vld [tilespmem:s7+$0xC000]  }
0xc7: {  	v5 =	vld [tilespmem:s7+$0xE000]  }
0xc8: {  	v49 =	vld [tilespmem:s7+$0x10000]  }
0xc9: {  	v50 =	vld [tilespmem:s7+$0x12000]  }
0xca: {  	v51 =	vld [tilespmem:s7+$0xC010]  }
0xcb: {  	v52 =	vld [tilespmem:s7+$0xE020]  }
0xcc: {  	v53 =	vld [tilespmem:s7+$0x10020]  }
0xcd: {  	v54 =	vld [tilespmem:s7+$0x12020]  }
0xce: {  	v12 =	vld [tilespmem:s7+$0xC030]  }
0xcf: {  	v13 =	vld [tilespmem:s7+$0xE030]  }
0xd0: {  	v14 =	vld [tilespmem:s7+$0x10030]  }
0xd1: {  	v15 =	vld [tilespmem:s7+$0x12030]  }
0xd2: {  	v16 =	vld [tilespmem:s7+$0xC040]  }
0xd3: {  	v17 =	vld [tilespmem:s7+$0xE040]  }
0xd4: {  	v18 =	vld [tilespmem:s7+$0x10040]  }
0xd5: {  	v19 =	vld [tilespmem:s7+$0x12040]  }
0xd6: {  	v20 =	vld [tilespmem:s7+$0xC050]  }
0xd7: {  	v21 =	vld [tilespmem:s7+$0xE050]  }
0xd8: {  	v55 =	vld [tilespmem:s7+$0x10050];
	v0 =	vadd.f32 v1, v0;
	v1 =	vadd.f32 v3, v2  }
0xd9: {  	v3 =	vld [tilespmem:s7+$0x10010]  }
0xda: {  	v0 =	vadd.f32 v1, v0;
	v1 =	vld [tilespmem:s7+$0x12010]  }
0xdb: {  	v2 =	vld [tilespmem:s7+$0xE010]  }
0xdc: {  	[tilespmem:s7+$0x18070] =	vst.add.f32.msk $0xffff, v0  }
0xdd: {  	v4 =	vadd.f32 v5, v4;
	v5 =	vadd.f32 v50, v49;
	v0 =	vld [tilespmem:s7+$0xC020]  }
0xde: {  	v57 =	vld [tilespmem:s7+$0xC060];
	v56 =	vadd.f32 v54, v53;
	v58 =	vadd.f32 v13, v12  }
0xdf: {  	v59 =	vadd.f32 v15, v14;
	v1 =	vadd.f32 v1, v3;
	v3 =	vld [tilespmem:s7+$0x12050]  }
0xe0: {  	v60 =	vld [tilespmem:s7+$0xE060];
	v62 =	vadd.f32 v17, v16;
	v4 =	vadd.f32 v5, v4  }
0xe1: {  	v61 =	vld [tilespmem:s7+$0x12060];
	v5 =	vadd.f32 v59, v58;
	v2 =	vadd.f32 v2, v51  }
0xe2: {  	v63 =	vadd.f32 v19, v18;
	[tilespmem:s7+$0x18000] =	vst.add.f32.msk $0xffff, v4;
	v0 =	vadd.f32 v52, v0  }
0xe3: {  	v4 =	vadd.f32 v21, v20;
	[tilespmem:s7+$0x18030] =	vst.add.f32.msk $0xffff, v5;
	v1 =	vadd.f32 v1, v2  }
0xe4: {  	v2 =	vld [tilespmem:s7+$0x10060];
	v0 =	vadd.f32 v56, v0;
	v3 =	vadd.f32 v3, v55  }
0xe5: {  	[tilespmem:s7+$0x18010] =	vst.add.f32.msk $0xffff, v1;
	v1 =	vadd.f32 v63, v62  }
0xe6: {  	[tilespmem:s7+$0x18020] =	vst.add.f32.msk $0xffff, v0;
	v0 =	vadd.f32 v3, v4  }
0xe7: {  	[tilespmem:s7+$0x18040] =	vst.add.f32.msk $0xffff, v1  }
0xe8: {  	s8 =	simm.s32 $0x80;
	[tilespmem:s7+$0x18050] =	vst.add.f32.msk $0xffff, v0  }
0xe9: {  	v3 =	vadd.f32 v61, v2;
	v0 =	vadd.f32 v60, v57;
	v1 =	vld [tilespmem:s8+$0xC070]  }
0xea: {  	v2 =	vld [tilespmem:s8+$0xE070]  }
0xeb: {  	s9 =	simm.s32 $0x400;
	v0 =	vadd.f32 v3, v0;
	v3 =	vld [tilespmem:s8+$0x10070]  }
.LBB2_5:
0xec: {  	p0 =	sne.s32 s9, $0x7E00;
	v4 =	vld [tilespmem:s8+$0x12070]  }
0xed: {  	v5 =	vld [tilespmem:s8+$0xC000]  }
0xee: {  	v6 =	vld [tilespmem:s8+$0xE000]  }
0xef: {  	v7 =	vld [tilespmem:s8+$0x10000]  }
0xf0: {  	v8 =	vld [tilespmem:s8+$0x12000]  }
0xf1: {  	v1 =	vadd.f32 v2, v1;
	v9 =	vld [tilespmem:s8+$0xC010];
	v2 =	vadd.f32 v4, v3  }
0xf2: {  	v3 =	vld [tilespmem:s8+$0xE010]  }
0xf3: {  	v4 =	vadd.f32 v6, v5;
	v5 =	vld [tilespmem:s8+$0x10010];
	v1 =	vadd.f32 v2, v1  }
0xf4: {  	v2 =	vld [tilespmem:s8+$0x12010]  }
0xf5: {  	v6 =	vadd.f32 v8, v7;
	[tilespmem:s8+$0x18070] =	vst.add.f32.msk $0xffff, v1  }
0xf6: {  	v1 =	vld [tilespmem:s8+$0xC020]  }
0xf7: {  	v4 =	vadd.f32 v6, v4;
	v3 =	vadd.f32 v3, v9;
	v6 =	vld [tilespmem:s8+$0xE020]  }
0xf8: {  	v7 =	vld [tilespmem:s8+$0x10020]  }
0xf9: {  	v2 =	vadd.f32 v2, v5;
	v5 =	vld [tilespmem:s8+$0x12020]  }
0xfa: {  	v8 =	vld [tilespmem:s8+$0xC030]  }
0xfb: {  	v2 =	vadd.f32 v2, v3;
	v3 =	vld [tilespmem:s8+$0xE030]  }
0xfc: {  	v1 =	vadd.f32 v6, v1;
	v6 =	vld [tilespmem:s8+$0x10030]  }
0xfd: {  	v9 =	vld [tilespmem:s8+$0x12030]  }
0xfe: {  	v5 =	vadd.f32 v5, v7;
	v7 =	vld [tilespmem:s8+$0xC040]  }
0xff: {  	v10 =	vld [tilespmem:s8+$0xE040]  }
0x100: {  	v1 =	vadd.f32 v5, v1;
	v3 =	vadd.f32 v3, v8;
	v5 =	vld [tilespmem:s8+$0x10040]  }
0x101: {  	v8 =	vld [tilespmem:s8+$0x12040]  }
0x102: {  	v6 =	vadd.f32 v9, v6;
	v9 =	vld [tilespmem:s8+$0xC050]  }
0x103: {  	v11 =	vld [tilespmem:s8+$0xE050]  }
0x104: {  	v3 =	vadd.f32 v6, v3;
	v6 =	vadd.f32 v10, v7;
	v7 =	vld [tilespmem:s8+$0x10050]  }
0x105: {  	v10 =	vld [tilespmem:s8+$0x12050]  }
0x106: {  	v5 =	vadd.f32 v8, v5;
	v8 =	vld [tilespmem:s8+$0xC060]  }
0x107: {  	v12 =	vld [tilespmem:s8+$0xE060]  }
0x108: {  	v5 =	vadd.f32 v5, v6;
	v6 =	vadd.f32 v11, v9;
	v9 =	vld [tilespmem:s8+$0x10060]  }
0x109: {  	v11 =	vld [tilespmem:s8+$0x12060]  }
0x10a: {  	[tilespmem:s8+$0x18000] =	vst.add.f32.msk $0xffff, v4;
	v4 =	vadd.f32 v10, v7  }
0x10b: {  	[tilespmem:s8+$0x18010] =	vst.add.f32.msk $0xffff, v2  }
0x10c: {  	[tilespmem:s8+$0x18020] =	vst.add.f32.msk $0xffff, v1;
	v1 =	vadd.f32 v4, v6;
	v2 =	vadd.f32 v12, v8  }
0x10d: {  	[tilespmem:s8+$0x18030] =	vst.add.f32.msk $0xffff, v3  }
0x10e: {  	[tilespmem:s8+$0x18040] =	vst.add.f32.msk $0xffff, v5;
	v3 =	vadd.f32 v11, v9  }
.Ltmp1:
0x10f: {  	[tilespmem:s8+$0x18050] =	vst.add.f32.msk $0xffff, v1;
	(pc) =	sbr.rel @p0 .LBB2_5-.Ltmp1, $4  }
0x110: {  	[tilespmem:s7+$0x18060] =	vst.add.f32.msk $0xffff, v0;
	v0 =	vadd.f32 v3, v2;
	s7 =	smov.u32 s8;
	s8 =	sshra.s32 s9, $0x2  }
0x111: {  	v1 =	vld [tilespmem:s8+$0xC070]  }
0x112: {  	v2 =	vld [tilespmem:s8+$0xE070]  }
0x113: {  	s9 =	sadd.s32 $0x200, s9;
	v3 =	vld [tilespmem:s8+$0x10070]  }
0x114: {  	v4 =	vld [tilespmem:s8+$0x12070]  }
0x115: {  	v5 =	vld [tilespmem:s8+$0xC000]  }
0x116: {  	v6 =	vld [tilespmem:s8+$0xE000]  }
0x117: {  	v7 =	vld [tilespmem:s8+$0x10000]  }
0x118: {  	v8 =	vld [tilespmem:s8+$0x12000]  }
0x119: {  	v9 =	vld [tilespmem:s8+$0xC010]  }
0x11a: {  	v10 =	vld [tilespmem:s8+$0xE020]  }
0x11b: {  	v11 =	vld [tilespmem:s8+$0x10020]  }
0x11c: {  	v12 =	vld [tilespmem:s8+$0x12020]  }
0x11d: {  	v13 =	vld [tilespmem:s8+$0xC030]  }
0x11e: {  	v14 =	vld [tilespmem:s8+$0xE030]  }
0x11f: {  	v15 =	vld [tilespmem:s8+$0x10030]  }
0x120: {  	v16 =	vld [tilespmem:s8+$0x12030]  }
0x121: {  	v17 =	vld [tilespmem:s8+$0xC040]  }
0x122: {  	v18 =	vld [tilespmem:s8+$0xE040]  }
0x123: {  	v19 =	vld [tilespmem:s8+$0x10040]  }
0x124: {  	v20 =	vld [tilespmem:s8+$0x12040]  }
0x125: {  	v21 =	vld [tilespmem:s8+$0xC050]  }
0x126: {  	v22 =	vld [tilespmem:s8+$0xE050]  }
0x127: {  	v29 =	vld [tilespmem:s8+$0x10050];
	v1 =	vadd.f32 v2, v1;
	v2 =	vadd.f32 v4, v3  }
0x128: {  	v4 =	vld [tilespmem:s8+$0x10010]  }
0x129: {  	v1 =	vadd.f32 v2, v1;
	v2 =	vld [tilespmem:s8+$0x12010]  }
0x12a: {  	v3 =	vld [tilespmem:s8+$0xE010]  }
0x12b: {  	[tilespmem:s8+$0x18070] =	vst.add.f32.msk $0xffff, v1  }
0x12c: {  	v5 =	vadd.f32 v6, v5;
	v1 =	vld [tilespmem:s8+$0xC020]  }
0x12d: {  	v31 =	vld [tilespmem:s8+$0xC060];
	v28 =	vadd.f32 v8, v7;
	v30 =	vadd.f32 v12, v11  }
0x12e: {  	v33 =	vadd.f32 v14, v13;
	v2 =	vadd.f32 v2, v4;
	v4 =	vld [tilespmem:s8+$0x12050]  }
0x12f: {  	v32 =	vld [tilespmem:s8+$0xE060];
	v34 =	vadd.f32 v16, v15;
	v3 =	vadd.f32 v3, v9  }
0x130: {  	v35 =	vld [tilespmem:s8+$0x12060];
	v36 =	vadd.f32 v18, v17;
	v5 =	vadd.f32 v28, v5  }
0x131: {  	v1 =	vadd.f32 v10, v1;
	v2 =	vadd.f32 v2, v3;
	v3 =	vld [tilespmem:s8+$0x10060]  }
0x132: {  	v37 =	vadd.f32 v20, v19;
	v38 =	vadd.f32 v22, v21  }
0x133: {  	[tilespmem:s8+$0x18000] =	vst.add.f32.msk $0xffff, v5;
	v1 =	vadd.f32 v30, v1;
	v4 =	vadd.f32 v4, v29  }
0x134: {  	v5 =	vadd.f32 v34, v33;
	[tilespmem:s8+$0x18010] =	vst.add.f32.msk $0xffff, v2  }
0x135: {  	v2 =	vadd.f32 v37, v36;
	[tilespmem:s8+$0x18020] =	vst.add.f32.msk $0xffff, v1;
	v1 =	vadd.f32 v4, v38  }
0x136: {  	[tilespmem:s8+$0x18030] =	vst.add.f32.msk $0xffff, v5;
	v4 =	vadd.f32 v32, v31;
	v3 =	vadd.f32 v35, v3  }
0x137: {  	[tilespmem:s8+$0x18040] =	vst.add.f32.msk $0xffff, v2  }
0x138: {  	[tilespmem:s8+$0x18050] =	vst.add.f32.msk $0xffff, v1;
	v1 =	vadd.f32 v3, v4  }
0x139: {  	s5 =	sadd.s32 s5, s6;
	[tilespmem:s7+$0x18060] =	vst.add.f32.msk $0xffff, v0  }
0x13a: {  	s2 =	rddreg [dreg:$0xf];
	s6 =	sadd.s32 $0x1200, s5;
	[tilespmem:s8+$0x18060] =	vst.add.f32.msk $0xffff, v1  }
0x13b: {  	[tilespmem:s15], [sflag:$0x5] =	stream.indirect.gather [hbm4b:s2+s30], $0x80, s6, s30, $0xb8;
	[tilespmem:$0x1A000] =	vst v63  }
0x13c: {  	s11 =	rddreg [dreg:$0x10];
	s9 =	sadd.s32 $0x1280, s5  }
0x13d: {  	[tilespmem:s16], [sflag:$0x6] =	stream.indirect.gather [hbm4b:s11+s30], $0x80, s9, s30, $0xb8;
	[tilespmem:$0x1A000] =	vst v63  }
0x13e: {  	s7 =	sadd.s32 $0x1300, s5;
	s8 =	rddreg [dreg:$0x11]  }
0x13f: {  	[tilespmem:s17], [sflag:$0x7] =	stream.indirect.gather [hbm4b:s8+s30], $0x80, s7, s30, $0xb8;
	[tilespmem:$0x1A000] =	vst v63  }
0x140: {  	s9 =	sadd.s32 $0x1380, s5;
	s11 =	rddreg [dreg:$0x12]  }
0x141: {  	[tilespmem:s18], [sflag:$0x8] =	stream.indirect.gather [hbm4b:s11+s30], $0x80, s9, s30, $0xb8;
	[tilespmem:$0x1A000] =	vst v63  }
0x142: {  	_ =	swait.ge [sflag:s19], $0x2000  }
0x143: {  	[sflag:s19] =	ssyncset.done $0x0  }
0x144: {  	[sflag:s19] =	ssyncadd.s32 $0xFFFFE000  }
0x145: {  	_ =	swait.ge [sflag:s20], $0x2000  }
0x146: {  	[sflag:s20] =	ssyncset.done $0x0  }
0x147: {  	[sflag:s20] =	ssyncadd.s32 $0xFFFFE000  }
0x148: {  	_ =	swait.ge [sflag:s21], $0x2000  }
0x149: {  	[sflag:s21] =	ssyncset.done $0x0  }
0x14a: {  	[sflag:s21] =	ssyncadd.s32 $0xFFFFE000  }
0x14b: {  	_ =	swait.ge [sflag:s22], $0x2000  }
0x14c: {  	[sflag:s22] =	ssyncset.done $0x0  }
0x14d: {  	s6 =	simm.s32 $0x0;
	[sflag:s22] =	ssyncadd.s32 $0xFFFFE000  }
0x14e: {  	v0 =	vld [tilespmem:s6+$0x4070]  }
0x14f: {  	v1 =	vld [tilespmem:s6+$0x6070]  }
0x150: {  	v2 =	vld [tilespmem:s6+$0x8070]  }
0x151: {  	v3 =	vld [tilespmem:s6+$0xA070]  }
0x152: {  	v4 =	vld [tilespmem:s6+$0x4000]  }
0x153: {  	v5 =	vld [tilespmem:s6+$0x6000]  }
0x154: {  	v39 =	vld [tilespmem:s6+$0x8000]  }
0x155: {  	v40 =	vld [tilespmem:s6+$0xA000]  }
0x156: {  	v41 =	vld [tilespmem:s6+$0x4010]  }
0x157: {  	v42 =	vld [tilespmem:s6+$0x6020]  }
0x158: {  	v43 =	vld [tilespmem:s6+$0x8020]  }
0x159: {  	v44 =	vld [tilespmem:s6+$0xA020]  }
0x15a: {  	v45 =	vld [tilespmem:s6+$0x4030]  }
0x15b: {  	v46 =	vld [tilespmem:s6+$0x6030]  }
0x15c: {  	v47 =	vld [tilespmem:s6+$0x8030]  }
0x15d: {  	v48 =	vld [tilespmem:s6+$0xA030]  }
0x15e: {  	v49 =	vld [tilespmem:s6+$0x4040]  }
0x15f: {  	v50 =	vld [tilespmem:s6+$0x6040]  }
0x160: {  	v51 =	vld [tilespmem:s6+$0x8040]  }
0x161: {  	v52 =	vld [tilespmem:s6+$0xA040]  }
0x162: {  	v53 =	vld [tilespmem:s6+$0x4050]  }
0x163: {  	v54 =	vld [tilespmem:s6+$0x6050]  }
0x164: {  	v55 =	vld [tilespmem:s6+$0x8050];
	v0 =	vadd.f32 v1, v0;
	v1 =	vadd.f32 v3, v2  }
0x165: {  	v3 =	vld [tilespmem:s6+$0x8010]  }
0x166: {  	v0 =	vadd.f32 v1, v0;
	v1 =	vld [tilespmem:s6+$0xA010]  }
0x167: {  	v2 =	vld [tilespmem:s6+$0x6010]  }
0x168: {  	[tilespmem:s6+$0x18070] =	vst.add.f32.msk $0xffff, v0  }
0x169: {  	v4 =	vadd.f32 v5, v4;
	v5 =	vadd.f32 v40, v39;
	v0 =	vld [tilespmem:s6+$0x4020]  }
0x16a: {  	v57 =	vld [tilespmem:s6+$0x4060];
	v56 =	vadd.f32 v44, v43;
	v58 =	vadd.f32 v46, v45  }
0x16b: {  	v59 =	vadd.f32 v48, v47;
	v1 =	vadd.f32 v1, v3;
	v3 =	vld [tilespmem:s6+$0xA050]  }
0x16c: {  	v60 =	vld [tilespmem:s6+$0x6060];
	v62 =	vadd.f32 v50, v49;
	v4 =	vadd.f32 v5, v4  }
0x16d: {  	v61 =	vld [tilespmem:s6+$0xA060];
	v5 =	vadd.f32 v59, v58;
	v2 =	vadd.f32 v2, v41  }
0x16e: {  	v63 =	vadd.f32 v52, v51;
	[tilespmem:s6+$0x18000] =	vst.add.f32.msk $0xffff, v4;
	v0 =	vadd.f32 v42, v0  }
0x16f: {  	v4 =	vadd.f32 v54, v53;
	[tilespmem:s6+$0x18030] =	vst.add.f32.msk $0xffff, v5;
	v1 =	vadd.f32 v1, v2  }
0x170: {  	v2 =	vld [tilespmem:s6+$0x8060];
	v0 =	vadd.f32 v56, v0;
	v3 =	vadd.f32 v3, v55  }
0x171: {  	[tilespmem:s6+$0x18010] =	vst.add.f32.msk $0xffff, v1;
	v1 =	vadd.f32 v63, v62  }
0x172: {  	[tilespmem:s6+$0x18020] =	vst.add.f32.msk $0xffff, v0;
	v0 =	vadd.f32 v3, v4  }
0x173: {  	[tilespmem:s6+$0x18040] =	vst.add.f32.msk $0xffff, v1  }
0x174: {  	s7 =	simm.s32 $0x80;
	[tilespmem:s6+$0x18050] =	vst.add.f32.msk $0xffff, v0  }
0x175: {  	v3 =	vadd.f32 v61, v2;
	v0 =	vadd.f32 v60, v57;
	v1 =	vld [tilespmem:s7+$0x4070]  }
0x176: {  	v2 =	vld [tilespmem:s7+$0x6070]  }
0x177: {  	s8 =	simm.s32 $0x400;
	v0 =	vadd.f32 v3, v0;
	v3 =	vld [tilespmem:s7+$0x8070]  }
.LBB2_7:
0x178: {  	p0 =	sne.s32 s8, $0x7E00;
	v4 =	vld [tilespmem:s7+$0xA070]  }
0x179: {  	v5 =	vld [tilespmem:s7+$0x4000]  }
0x17a: {  	v6 =	vld [tilespmem:s7+$0x6000]  }
0x17b: {  	v7 =	vld [tilespmem:s7+$0x8000]  }
0x17c: {  	v8 =	vld [tilespmem:s7+$0xA000]  }
0x17d: {  	v1 =	vadd.f32 v2, v1;
	v9 =	vld [tilespmem:s7+$0x4010];
	v2 =	vadd.f32 v4, v3  }
0x17e: {  	v3 =	vld [tilespmem:s7+$0x6010]  }
0x17f: {  	v4 =	vadd.f32 v6, v5;
	v5 =	vld [tilespmem:s7+$0x8010];
	v1 =	vadd.f32 v2, v1  }
0x180: {  	v2 =	vld [tilespmem:s7+$0xA010]  }
0x181: {  	v6 =	vadd.f32 v8, v7;
	[tilespmem:s7+$0x18070] =	vst.add.f32.msk $0xffff, v1  }
0x182: {  	v1 =	vld [tilespmem:s7+$0x4020]  }
0x183: {  	v4 =	vadd.f32 v6, v4;
	v3 =	vadd.f32 v3, v9;
	v6 =	vld [tilespmem:s7+$0x6020]  }
0x184: {  	v7 =	vld [tilespmem:s7+$0x8020]  }
0x185: {  	v2 =	vadd.f32 v2, v5;
	v5 =	vld [tilespmem:s7+$0xA020]  }
0x186: {  	v8 =	vld [tilespmem:s7+$0x4030]  }
0x187: {  	v2 =	vadd.f32 v2, v3;
	v3 =	vld [tilespmem:s7+$0x6030]  }
0x188: {  	v1 =	vadd.f32 v6, v1;
	v6 =	vld [tilespmem:s7+$0x8030]  }
0x189: {  	v9 =	vld [tilespmem:s7+$0xA030]  }
0x18a: {  	v5 =	vadd.f32 v5, v7;
	v7 =	vld [tilespmem:s7+$0x4040]  }
0x18b: {  	v10 =	vld [tilespmem:s7+$0x6040]  }
0x18c: {  	v1 =	vadd.f32 v5, v1;
	v3 =	vadd.f32 v3, v8;
	v5 =	vld [tilespmem:s7+$0x8040]  }
0x18d: {  	v8 =	vld [tilespmem:s7+$0xA040]  }
0x18e: {  	v6 =	vadd.f32 v9, v6;
	v9 =	vld [tilespmem:s7+$0x4050]  }
0x18f: {  	v11 =	vld [tilespmem:s7+$0x6050]  }
0x190: {  	v3 =	vadd.f32 v6, v3;
	v6 =	vadd.f32 v10, v7;
	v7 =	vld [tilespmem:s7+$0x8050]  }
0x191: {  	v10 =	vld [tilespmem:s7+$0xA050]  }
0x192: {  	v5 =	vadd.f32 v8, v5;
	v8 =	vld [tilespmem:s7+$0x4060]  }
0x193: {  	v12 =	vld [tilespmem:s7+$0x6060]  }
0x194: {  	v5 =	vadd.f32 v5, v6;
	v6 =	vadd.f32 v11, v9;
	v9 =	vld [tilespmem:s7+$0x8060]  }
0x195: {  	v11 =	vld [tilespmem:s7+$0xA060]  }
0x196: {  	[tilespmem:s7+$0x18000] =	vst.add.f32.msk $0xffff, v4;
	v4 =	vadd.f32 v10, v7  }
0x197: {  	[tilespmem:s7+$0x18010] =	vst.add.f32.msk $0xffff, v2  }
0x198: {  	[tilespmem:s7+$0x18020] =	vst.add.f32.msk $0xffff, v1;
	v1 =	vadd.f32 v4, v6;
	v2 =	vadd.f32 v12, v8  }
0x199: {  	[tilespmem:s7+$0x18030] =	vst.add.f32.msk $0xffff, v3  }
0x19a: {  	[tilespmem:s7+$0x18040] =	vst.add.f32.msk $0xffff, v5;
	v3 =	vadd.f32 v11, v9  }
.Ltmp2:
0x19b: {  	[tilespmem:s7+$0x18050] =	vst.add.f32.msk $0xffff, v1;
	(pc) =	sbr.rel @p0 .LBB2_7-.Ltmp2, $4  }
0x19c: {  	[tilespmem:s6+$0x18060] =	vst.add.f32.msk $0xffff, v0;
	v0 =	vadd.f32 v3, v2;
	s6 =	smov.u32 s7;
	s7 =	sshra.s32 s8, $0x2  }
0x19d: {  	v1 =	vld [tilespmem:s7+$0x4070]  }
0x19e: {  	v2 =	vld [tilespmem:s7+$0x6070]  }
0x19f: {  	s8 =	sadd.s32 $0x200, s8;
	v3 =	vld [tilespmem:s7+$0x8070]  }
0x1a0: {  	v4 =	vld [tilespmem:s7+$0xA070]  }
0x1a1: {  	v5 =	vld [tilespmem:s7+$0x4000]  }
0x1a2: {  	v6 =	vld [tilespmem:s7+$0x6000]  }
0x1a3: {  	v7 =	vld [tilespmem:s7+$0x8000]  }
0x1a4: {  	v8 =	vld [tilespmem:s7+$0xA000]  }
0x1a5: {  	v9 =	vld [tilespmem:s7+$0x4010]  }
0x1a6: {  	v10 =	vld [tilespmem:s7+$0x6020]  }
0x1a7: {  	v11 =	vld [tilespmem:s7+$0x8020]  }
0x1a8: {  	v12 =	vld [tilespmem:s7+$0xA020]  }
0x1a9: {  	v13 =	vld [tilespmem:s7+$0x4030]  }
0x1aa: {  	v14 =	vld [tilespmem:s7+$0x6030]  }
0x1ab: {  	v15 =	vld [tilespmem:s7+$0x8030]  }
0x1ac: {  	v16 =	vld [tilespmem:s7+$0xA030]  }
0x1ad: {  	v17 =	vld [tilespmem:s7+$0x4040]  }
0x1ae: {  	v18 =	vld [tilespmem:s7+$0x6040]  }
0x1af: {  	v19 =	vld [tilespmem:s7+$0x8040]  }
0x1b0: {  	v20 =	vld [tilespmem:s7+$0xA040]  }
0x1b1: {  	v21 =	vld [tilespmem:s7+$0x4050]  }
0x1b2: {  	v22 =	vld [tilespmem:s7+$0x6050]  }
0x1b3: {  	v29 =	vld [tilespmem:s7+$0x8050];
	v1 =	vadd.f32 v2, v1;
	v2 =	vadd.f32 v4, v3  }
0x1b4: {  	v4 =	vld [tilespmem:s7+$0x8010]  }
0x1b5: {  	v1 =	vadd.f32 v2, v1;
	v2 =	vld [tilespmem:s7+$0xA010]  }
0x1b6: {  	v3 =	vld [tilespmem:s7+$0x6010]  }
0x1b7: {  	[tilespmem:s7+$0x18070] =	vst.add.f32.msk $0xffff, v1  }
0x1b8: {  	v5 =	vadd.f32 v6, v5;
	v1 =	vld [tilespmem:s7+$0x4020]  }
0x1b9: {  	v31 =	vld [tilespmem:s7+$0x4060];
	v28 =	vadd.f32 v8, v7;
	v30 =	vadd.f32 v12, v11  }
0x1ba: {  	v33 =	vadd.f32 v14, v13;
	v2 =	vadd.f32 v2, v4;
	v4 =	vld [tilespmem:s7+$0xA050]  }
0x1bb: {  	v32 =	vld [tilespmem:s7+$0x6060];
	v34 =	vadd.f32 v16, v15;
	v3 =	vadd.f32 v3, v9  }
0x1bc: {  	v35 =	vld [tilespmem:s7+$0xA060];
	v36 =	vadd.f32 v18, v17;
	v5 =	vadd.f32 v28, v5  }
0x1bd: {  	v1 =	vadd.f32 v10, v1;
	v2 =	vadd.f32 v2, v3;
	v3 =	vld [tilespmem:s7+$0x8060]  }
0x1be: {  	v37 =	vadd.f32 v20, v19;
	v38 =	vadd.f32 v22, v21  }
0x1bf: {  	[tilespmem:s7+$0x18000] =	vst.add.f32.msk $0xffff, v5;
	v1 =	vadd.f32 v30, v1;
	v4 =	vadd.f32 v4, v29  }
0x1c0: {  	v5 =	vadd.f32 v34, v33;
	[tilespmem:s7+$0x18010] =	vst.add.f32.msk $0xffff, v2  }
0x1c1: {  	v2 =	vadd.f32 v37, v36;
	[tilespmem:s7+$0x18020] =	vst.add.f32.msk $0xffff, v1;
	v1 =	vadd.f32 v4, v38  }
0x1c2: {  	[tilespmem:s7+$0x18030] =	vst.add.f32.msk $0xffff, v5;
	v4 =	vadd.f32 v32, v31;
	v3 =	vadd.f32 v35, v3  }
0x1c3: {  	[tilespmem:s7+$0x18040] =	vst.add.f32.msk $0xffff, v2  }
0x1c4: {  	[tilespmem:s7+$0x18050] =	vst.add.f32.msk $0xffff, v1;
	v1 =	vadd.f32 v3, v4  }
0x1c5: {  	[tilespmem:s6+$0x18060] =	vst.add.f32.msk $0xffff, v0  }
0x1c6: {  	s11 =	sor.u32 $0x2000, s5;
	s2 =	rddreg [dreg:$0x13];
	[tilespmem:s7+$0x18060] =	vst.add.f32.msk $0xffff, v1  }
0x1c7: {  	[tilespmem:s10], [sflag:$0x1] =	stream.indirect.gather [hbm4b:s2+s30], $0x80, s11, s30, $0xb8;
	[tilespmem:$0x1A000] =	vst v63  }
0x1c8: {  	s7 =	rddreg [dreg:$0x15];
	s2 =	sadd.s32 $0x2080, s5  }
0x1c9: {  	[tilespmem:s1], [sflag:$0x2] =	stream.indirect.gather [hbm4b:s7+s30], $0x80, s2, s30, $0xb8;
	[tilespmem:$0x1A000] =	vst v63  }
0x1ca: {  	s8 =	sadd.s32 $0x2100, s5;
	s9 =	rddreg [dreg:$0x16]  }
0x1cb: {  	[tilespmem:s4], [sflag:$0x3] =	stream.indirect.gather [hbm4b:s9+s30], $0x80, s8, s30, $0xb8;
	[tilespmem:$0x1A000] =	vst v63  }
0x1cc: {  	s10 =	sadd.s32 $0x2180, s5;
	s11 =	rddreg [dreg:$0x18]  }
0x1cd: {  	[tilespmem:s14], [sflag:$0x4] =	stream.indirect.gather [hbm4b:s11+s30], $0x80, s10, s30, $0xb8;
	[tilespmem:$0x1A000] =	vst v63  }
0x1ce: {  	_ =	swait.ge [sflag:s24], $0x2000  }
0x1cf: {  	[sflag:s24] =	ssyncset.done $0x0  }
0x1d0: {  	[sflag:s24] =	ssyncadd.s32 $0xFFFFE000  }
0x1d1: {  	_ =	swait.ge [sflag:s23], $0x2000  }
0x1d2: {  	[sflag:s23] =	ssyncset.done $0x0  }
0x1d3: {  	[sflag:s23] =	ssyncadd.s32 $0xFFFFE000  }
0x1d4: {  	_ =	swait.ge [sflag:s25], $0x2000  }
0x1d5: {  	[sflag:s25] =	ssyncset.done $0x0  }
0x1d6: {  	[sflag:s25] =	ssyncadd.s32 $0xFFFFE000  }
0x1d7: {  	_ =	swait.ge [sflag:s28], $0x2000  }
0x1d8: {  	[sflag:s28] =	ssyncset.done $0x0  }
0x1d9: {  	s6 =	simm.s32 $0x0;
	[sflag:s28] =	ssyncadd.s32 $0xFFFFE000  }
0x1da: {  	v0 =	vld [tilespmem:s6+$0xC070]  }
0x1db: {  	v1 =	vld [tilespmem:s6+$0xE070]  }
0x1dc: {  	v2 =	vld [tilespmem:s6+$0x10070]  }
0x1dd: {  	v3 =	vld [tilespmem:s6+$0x12070]  }
0x1de: {  	v4 =	vld [tilespmem:s6+$0xC000]  }
0x1df: {  	v5 =	vld [tilespmem:s6+$0xE000]  }
0x1e0: {  	v39 =	vld [tilespmem:s6+$0x10000]  }
0x1e1: {  	v40 =	vld [tilespmem:s6+$0x12000]  }
0x1e2: {  	v41 =	vld [tilespmem:s6+$0xC010]  }
0x1e3: {  	v42 =	vld [tilespmem:s6+$0xE020]  }
0x1e4: {  	v43 =	vld [tilespmem:s6+$0x10020]  }
0x1e5: {  	v44 =	vld [tilespmem:s6+$0x12020]  }
0x1e6: {  	v45 =	vld [tilespmem:s6+$0xC030]  }
0x1e7: {  	v46 =	vld [tilespmem:s6+$0xE030]  }
0x1e8: {  	v47 =	vld [tilespmem:s6+$0x10030]  }
0x1e9: {  	v48 =	vld [tilespmem:s6+$0x12030]  }
0x1ea: {  	v49 =	vld [tilespmem:s6+$0xC040]  }
0x1eb: {  	v50 =	vld [tilespmem:s6+$0xE040]  }
0x1ec: {  	v51 =	vld [tilespmem:s6+$0x10040]  }
0x1ed: {  	v52 =	vld [tilespmem:s6+$0x12040]  }
0x1ee: {  	v53 =	vld [tilespmem:s6+$0xC050]  }
0x1ef: {  	v54 =	vld [tilespmem:s6+$0xE050]  }
0x1f0: {  	v55 =	vld [tilespmem:s6+$0x10050];
	v0 =	vadd.f32 v1, v0;
	v1 =	vadd.f32 v3, v2  }
0x1f1: {  	v3 =	vld [tilespmem:s6+$0x10010]  }
0x1f2: {  	v0 =	vadd.f32 v1, v0;
	v1 =	vld [tilespmem:s6+$0x12010]  }
0x1f3: {  	v2 =	vld [tilespmem:s6+$0xE010]  }
0x1f4: {  	[tilespmem:s6+$0x18070] =	vst.add.f32.msk $0xffff, v0  }
0x1f5: {  	v4 =	vadd.f32 v5, v4;
	v5 =	vadd.f32 v40, v39;
	v0 =	vld [tilespmem:s6+$0xC020]  }
0x1f6: {  	v57 =	vld [tilespmem:s6+$0xC060];
	v56 =	vadd.f32 v44, v43;
	v58 =	vadd.f32 v46, v45  }
0x1f7: {  	v59 =	vadd.f32 v48, v47;
	v1 =	vadd.f32 v1, v3;
	v3 =	vld [tilespmem:s6+$0x12050]  }
0x1f8: {  	v60 =	vld [tilespmem:s6+$0xE060];
	v62 =	vadd.f32 v50, v49;
	v4 =	vadd.f32 v5, v4  }
0x1f9: {  	v61 =	vld [tilespmem:s6+$0x12060];
	v5 =	vadd.f32 v59, v58;
	v2 =	vadd.f32 v2, v41  }
0x1fa: {  	v63 =	vadd.f32 v52, v51;
	[tilespmem:s6+$0x18000] =	vst.add.f32.msk $0xffff, v4;
	v0 =	vadd.f32 v42, v0  }
0x1fb: {  	v4 =	vadd.f32 v54, v53;
	[tilespmem:s6+$0x18030] =	vst.add.f32.msk $0xffff, v5;
	v1 =	vadd.f32 v1, v2  }
0x1fc: {  	v2 =	vld [tilespmem:s6+$0x10060];
	v0 =	vadd.f32 v56, v0;
	v3 =	vadd.f32 v3, v55  }
0x1fd: {  	[tilespmem:s6+$0x18010] =	vst.add.f32.msk $0xffff, v1;
	v1 =	vadd.f32 v63, v62  }
0x1fe: {  	[tilespmem:s6+$0x18020] =	vst.add.f32.msk $0xffff, v0;
	v0 =	vadd.f32 v3, v4  }
0x1ff: {  	[tilespmem:s6+$0x18040] =	vst.add.f32.msk $0xffff, v1  }
0x200: {  	s7 =	simm.s32 $0x80;
	[tilespmem:s6+$0x18050] =	vst.add.f32.msk $0xffff, v0  }
0x201: {  	v3 =	vadd.f32 v61, v2;
	v0 =	vadd.f32 v60, v57;
	v1 =	vld [tilespmem:s7+$0xC070]  }
0x202: {  	v2 =	vld [tilespmem:s7+$0xE070]  }
0x203: {  	s8 =	simm.s32 $0x400;
	v0 =	vadd.f32 v3, v0;
	v3 =	vld [tilespmem:s7+$0x10070]  }
.LBB2_9:
0x204: {  	p0 =	sne.s32 s8, $0x7E00;
	v4 =	vld [tilespmem:s7+$0x12070]  }
0x205: {  	v5 =	vld [tilespmem:s7+$0xC000]  }
0x206: {  	v6 =	vld [tilespmem:s7+$0xE000]  }
0x207: {  	v7 =	vld [tilespmem:s7+$0x10000]  }
0x208: {  	v8 =	vld [tilespmem:s7+$0x12000]  }
0x209: {  	v1 =	vadd.f32 v2, v1;
	v9 =	vld [tilespmem:s7+$0xC010];
	v2 =	vadd.f32 v4, v3  }
0x20a: {  	v3 =	vld [tilespmem:s7+$0xE010]  }
0x20b: {  	v4 =	vadd.f32 v6, v5;
	v5 =	vld [tilespmem:s7+$0x10010];
	v1 =	vadd.f32 v2, v1  }
0x20c: {  	v2 =	vld [tilespmem:s7+$0x12010]  }
0x20d: {  	v6 =	vadd.f32 v8, v7;
	[tilespmem:s7+$0x18070] =	vst.add.f32.msk $0xffff, v1  }
0x20e: {  	v1 =	vld [tilespmem:s7+$0xC020]  }
0x20f: {  	v4 =	vadd.f32 v6, v4;
	v3 =	vadd.f32 v3, v9;
	v6 =	vld [tilespmem:s7+$0xE020]  }
0x210: {  	v7 =	vld [tilespmem:s7+$0x10020]  }
0x211: {  	v2 =	vadd.f32 v2, v5;
	v5 =	vld [tilespmem:s7+$0x12020]  }
0x212: {  	v8 =	vld [tilespmem:s7+$0xC030]  }
0x213: {  	v2 =	vadd.f32 v2, v3;
	v3 =	vld [tilespmem:s7+$0xE030]  }
0x214: {  	v1 =	vadd.f32 v6, v1;
	v6 =	vld [tilespmem:s7+$0x10030]  }
0x215: {  	v9 =	vld [tilespmem:s7+$0x12030]  }
0x216: {  	v5 =	vadd.f32 v5, v7;
	v7 =	vld [tilespmem:s7+$0xC040]  }
0x217: {  	v10 =	vld [tilespmem:s7+$0xE040]  }
0x218: {  	v1 =	vadd.f32 v5, v1;
	v3 =	vadd.f32 v3, v8;
	v5 =	vld [tilespmem:s7+$0x10040]  }
0x219: {  	v8 =	vld [tilespmem:s7+$0x12040]  }
0x21a: {  	v6 =	vadd.f32 v9, v6;
	v9 =	vld [tilespmem:s7+$0xC050]  }
0x21b: {  	v11 =	vld [tilespmem:s7+$0xE050]  }
0x21c: {  	v3 =	vadd.f32 v6, v3;
	v6 =	vadd.f32 v10, v7;
	v7 =	vld [tilespmem:s7+$0x10050]  }
0x21d: {  	v10 =	vld [tilespmem:s7+$0x12050]  }
0x21e: {  	v5 =	vadd.f32 v8, v5;
	v8 =	vld [tilespmem:s7+$0xC060]  }
0x21f: {  	v12 =	vld [tilespmem:s7+$0xE060]  }
0x220: {  	v5 =	vadd.f32 v5, v6;
	v6 =	vadd.f32 v11, v9;
	v9 =	vld [tilespmem:s7+$0x10060]  }
0x221: {  	v11 =	vld [tilespmem:s7+$0x12060]  }
0x222: {  	[tilespmem:s7+$0x18000] =	vst.add.f32.msk $0xffff, v4;
	v4 =	vadd.f32 v10, v7  }
0x223: {  	[tilespmem:s7+$0x18010] =	vst.add.f32.msk $0xffff, v2  }
0x224: {  	[tilespmem:s7+$0x18020] =	vst.add.f32.msk $0xffff, v1;
	v1 =	vadd.f32 v4, v6;
	v2 =	vadd.f32 v12, v8  }
0x225: {  	[tilespmem:s7+$0x18030] =	vst.add.f32.msk $0xffff, v3  }
0x226: {  	[tilespmem:s7+$0x18040] =	vst.add.f32.msk $0xffff, v5;
	v3 =	vadd.f32 v11, v9  }
.Ltmp3:
0x227: {  	[tilespmem:s7+$0x18050] =	vst.add.f32.msk $0xffff, v1;
	(pc) =	sbr.rel @p0 .LBB2_9-.Ltmp3, $4  }
0x228: {  	[tilespmem:s6+$0x18060] =	vst.add.f32.msk $0xffff, v0;
	v0 =	vadd.f32 v3, v2;
	s6 =	smov.u32 s7;
	s7 =	sshra.s32 s8, $0x2  }
0x229: {  	v1 =	vld [tilespmem:s7+$0xC070]  }
0x22a: {  	v2 =	vld [tilespmem:s7+$0xE070]  }
0x22b: {  	s8 =	sadd.s32 $0x200, s8;
	v3 =	vld [tilespmem:s7+$0x10070]  }
0x22c: {  	v4 =	vld [tilespmem:s7+$0x12070]  }
0x22d: {  	v5 =	vld [tilespmem:s7+$0xC000]  }
0x22e: {  	v6 =	vld [tilespmem:s7+$0xE000]  }
0x22f: {  	v7 =	vld [tilespmem:s7+$0x10000]  }
0x230: {  	v8 =	vld [tilespmem:s7+$0x12000]  }
0x231: {  	v9 =	vld [tilespmem:s7+$0xC010]  }
0x232: {  	v10 =	vld [tilespmem:s7+$0xE020]  }
0x233: {  	v11 =	vld [tilespmem:s7+$0x10020]  }
0x234: {  	v12 =	vld [tilespmem:s7+$0x12020]  }
0x235: {  	v13 =	vld [tilespmem:s7+$0xC030]  }
0x236: {  	v14 =	vld [tilespmem:s7+$0xE030]  }
0x237: {  	v15 =	vld [tilespmem:s7+$0x10030]  }
0x238: {  	v16 =	vld [tilespmem:s7+$0x12030]  }
0x239: {  	v17 =	vld [tilespmem:s7+$0xC040]  }
0x23a: {  	v18 =	vld [tilespmem:s7+$0xE040]  }
0x23b: {  	v19 =	vld [tilespmem:s7+$0x10040]  }
0x23c: {  	v20 =	vld [tilespmem:s7+$0x12040]  }
0x23d: {  	v21 =	vld [tilespmem:s7+$0xC050]  }
0x23e: {  	v22 =	vld [tilespmem:s7+$0xE050]  }
0x23f: {  	v29 =	vld [tilespmem:s7+$0x10050];
	v1 =	vadd.f32 v2, v1;
	v2 =	vadd.f32 v4, v3  }
0x240: {  	v4 =	vld [tilespmem:s7+$0x10010]  }
0x241: {  	v1 =	vadd.f32 v2, v1;
	v2 =	vld [tilespmem:s7+$0x12010]  }
0x242: {  	v3 =	vld [tilespmem:s7+$0xE010]  }
0x243: {  	[tilespmem:s7+$0x18070] =	vst.add.f32.msk $0xffff, v1  }
0x244: {  	v5 =	vadd.f32 v6, v5;
	v1 =	vld [tilespmem:s7+$0xC020]  }
0x245: {  	v31 =	vld [tilespmem:s7+$0xC060];
	v28 =	vadd.f32 v8, v7;
	v30 =	vadd.f32 v12, v11  }
0x246: {  	v33 =	vadd.f32 v14, v13;
	v2 =	vadd.f32 v2, v4;
	v4 =	vld [tilespmem:s7+$0x12050]  }
0x247: {  	v32 =	vld [tilespmem:s7+$0xE060];
	v34 =	vadd.f32 v16, v15;
	v3 =	vadd.f32 v3, v9  }
0x248: {  	v35 =	vld [tilespmem:s7+$0x12060];
	v36 =	vadd.f32 v18, v17;
	v5 =	vadd.f32 v28, v5  }
0x249: {  	v1 =	vadd.f32 v10, v1;
	v2 =	vadd.f32 v2, v3;
	v3 =	vld [tilespmem:s7+$0x10060]  }
0x24a: {  	v37 =	vadd.f32 v20, v19;
	v38 =	vadd.f32 v22, v21  }
0x24b: {  	[tilespmem:s7+$0x18000] =	vst.add.f32.msk $0xffff, v5;
	v1 =	vadd.f32 v30, v1;
	v4 =	vadd.f32 v4, v29  }
0x24c: {  	v5 =	vadd.f32 v34, v33;
	[tilespmem:s7+$0x18010] =	vst.add.f32.msk $0xffff, v2  }
0x24d: {  	v2 =	vadd.f32 v37, v36;
	[tilespmem:s7+$0x18020] =	vst.add.f32.msk $0xffff, v1;
	v1 =	vadd.f32 v4, v38  }
0x24e: {  	[tilespmem:s7+$0x18030] =	vst.add.f32.msk $0xffff, v5;
	v4 =	vadd.f32 v32, v31;
	v3 =	vadd.f32 v35, v3  }
0x24f: {  	[tilespmem:s7+$0x18040] =	vst.add.f32.msk $0xffff, v2  }
0x250: {  	[tilespmem:s7+$0x18050] =	vst.add.f32.msk $0xffff, v1;
	v1 =	vadd.f32 v3, v4  }
0x251: {  	[tilespmem:s6+$0x18060] =	vst.add.f32.msk $0xffff, v0  }
0x252: {  	s11 =	sadd.s32 $0x2200, s5;
	s2 =	rddreg [dreg:$0x19];
	[tilespmem:s7+$0x18060] =	vst.add.f32.msk $0xffff, v1  }
0x253: {  	[tilespmem:s15], [sflag:$0x5] =	stream.indirect.gather [hbm4b:s2+s30], $0x80, s11, s30, $0xb8;
	[tilespmem:$0x1A000] =	vst v63  }
0x254: {  	s7 =	rddreg [dreg:$0x1b];
	s2 =	sadd.s32 $0x2280, s5  }
0x255: {  	[tilespmem:s16], [sflag:$0x6] =	stream.indirect.gather [hbm4b:s7+s30], $0x80, s2, s30, $0xb8;
	[tilespmem:$0x1A000] =	vst v63  }
0x256: {  	s8 =	sadd.s32 $0x2300, s5;
	s9 =	rddreg [dreg:$0x1c]  }
0x257: {  	[tilespmem:s17], [sflag:$0x7] =	stream.indirect.gather [hbm4b:s9+s30], $0x80, s8, s30, $0xb8;
	[tilespmem:$0x1A000] =	vst v63  }
0x258: {  	s10 =	sadd.s32 $0x2380, s5;
	s11 =	rddreg [dreg:$0x1d]  }
0x259: {  	[tilespmem:s18], [sflag:$0x8] =	stream.indirect.gather [hbm4b:s11+s30], $0x80, s10, s30, $0xb8;
	[tilespmem:$0x1A000] =	vst v63  }
0x25a: {  	_ =	swait.ge [sflag:s19], $0x2000  }
0x25b: {  	[sflag:s19] =	ssyncset.done $0x0  }
0x25c: {  	[sflag:s19] =	ssyncadd.s32 $0xFFFFE000  }
0x25d: {  	_ =	swait.ge [sflag:s20], $0x2000  }
0x25e: {  	[sflag:s20] =	ssyncset.done $0x0  }
0x25f: {  	[sflag:s20] =	ssyncadd.s32 $0xFFFFE000  }
0x260: {  	_ =	swait.ge [sflag:s21], $0x2000  }
0x261: {  	[sflag:s21] =	ssyncset.done $0x0  }
0x262: {  	[sflag:s21] =	ssyncadd.s32 $0xFFFFE000  }
0x263: {  	_ =	swait.ge [sflag:s22], $0x2000  }
0x264: {  	[sflag:s22] =	ssyncset.done $0x0  }
0x265: {  	s8 =	simm.s32 $0x0;
	[sflag:s22] =	ssyncadd.s32 $0xFFFFE000  }
0x266: {  	v0 =	vld [tilespmem:s8+$0x4070]  }
0x267: {  	v1 =	vld [tilespmem:s8+$0x6070]  }
0x268: {  	v2 =	vld [tilespmem:s8+$0x8070]  }
0x269: {  	v3 =	vld [tilespmem:s8+$0xA070]  }
0x26a: {  	v4 =	vld [tilespmem:s8+$0x4000]  }
0x26b: {  	v5 =	vld [tilespmem:s8+$0x6000]  }
0x26c: {  	v39 =	vld [tilespmem:s8+$0x8000]  }
0x26d: {  	v40 =	vld [tilespmem:s8+$0xA000]  }
0x26e: {  	v41 =	vld [tilespmem:s8+$0x4010]  }
0x26f: {  	v42 =	vld [tilespmem:s8+$0x6020]  }
0x270: {  	v43 =	vld [tilespmem:s8+$0x8020]  }
0x271: {  	v44 =	vld [tilespmem:s8+$0xA020]  }
0x272: {  	v45 =	vld [tilespmem:s8+$0x4030]  }
0x273: {  	v46 =	vld [tilespmem:s8+$0x6030]  }
0x274: {  	v47 =	vld [tilespmem:s8+$0x8030]  }
0x275: {  	v48 =	vld [tilespmem:s8+$0xA030]  }
0x276: {  	v49 =	vld [tilespmem:s8+$0x4040]  }
0x277: {  	v50 =	vld [tilespmem:s8+$0x6040]  }
0x278: {  	v51 =	vld [tilespmem:s8+$0x8040]  }
0x279: {  	v52 =	vld [tilespmem:s8+$0xA040]  }
0x27a: {  	v53 =	vld [tilespmem:s8+$0x4050]  }
0x27b: {  	v54 =	vld [tilespmem:s8+$0x6050]  }
0x27c: {  	v55 =	vld [tilespmem:s8+$0x8050];
	v0 =	vadd.f32 v1, v0;
	v1 =	vadd.f32 v3, v2  }
0x27d: {  	v3 =	vld [tilespmem:s8+$0x8010]  }
0x27e: {  	v0 =	vadd.f32 v1, v0;
	v1 =	vld [tilespmem:s8+$0xA010]  }
0x27f: {  	v2 =	vld [tilespmem:s8+$0x6010]  }
0x280: {  	[tilespmem:s8+$0x18070] =	vst.add.f32.msk $0xffff, v0  }
0x281: {  	v4 =	vadd.f32 v5, v4;
	v5 =	vadd.f32 v40, v39;
	v0 =	vld [tilespmem:s8+$0x4020]  }
0x282: {  	v57 =	vld [tilespmem:s8+$0x4060];
	v56 =	vadd.f32 v44, v43;
	v58 =	vadd.f32 v46, v45  }
0x283: {  	v59 =	vadd.f32 v48, v47;
	v1 =	vadd.f32 v1, v3;
	v3 =	vld [tilespmem:s8+$0xA050]  }
0x284: {  	v60 =	vld [tilespmem:s8+$0x6060];
	v62 =	vadd.f32 v50, v49;
	v4 =	vadd.f32 v5, v4  }
0x285: {  	v61 =	vld [tilespmem:s8+$0xA060];
	v5 =	vadd.f32 v59, v58;
	v2 =	vadd.f32 v2, v41  }
0x286: {  	v63 =	vadd.f32 v52, v51;
	[tilespmem:s8+$0x18000] =	vst.add.f32.msk $0xffff, v4;
	v0 =	vadd.f32 v42, v0  }
0x287: {  	v4 =	vadd.f32 v54, v53;
	[tilespmem:s8+$0x18030] =	vst.add.f32.msk $0xffff, v5;
	v1 =	vadd.f32 v1, v2  }
0x288: {  	v2 =	vld [tilespmem:s8+$0x8060];
	v0 =	vadd.f32 v56, v0;
	v3 =	vadd.f32 v3, v55  }
0x289: {  	[tilespmem:s8+$0x18010] =	vst.add.f32.msk $0xffff, v1;
	v1 =	vadd.f32 v63, v62  }
0x28a: {  	[tilespmem:s8+$0x18020] =	vst.add.f32.msk $0xffff, v0;
	v0 =	vadd.f32 v3, v4  }
0x28b: {  	[tilespmem:s8+$0x18040] =	vst.add.f32.msk $0xffff, v1  }
0x28c: {  	s9 =	simm.s32 $0x80;
	[tilespmem:s8+$0x18050] =	vst.add.f32.msk $0xffff, v0  }
0x28d: {  	v3 =	vadd.f32 v61, v2;
	v0 =	vadd.f32 v60, v57;
	v1 =	vld [tilespmem:s9+$0x4070]  }
0x28e: {  	v2 =	vld [tilespmem:s9+$0x6070]  }
0x28f: {  	s5 =	simm.s32 $0x400;
	v0 =	vadd.f32 v3, v0;
	v3 =	vld [tilespmem:s9+$0x8070]  }
.LBB2_11:
0x290: {  	p0 =	sne.s32 s5, $0x7E00;
	v4 =	vld [tilespmem:s9+$0xA070]  }
0x291: {  	v5 =	vld [tilespmem:s9+$0x4000]  }
0x292: {  	v6 =	vld [tilespmem:s9+$0x6000]  }
0x293: {  	v7 =	vld [tilespmem:s9+$0x8000]  }
0x294: {  	v8 =	vld [tilespmem:s9+$0xA000]  }
0x295: {  	v1 =	vadd.f32 v2, v1;
	v9 =	vld [tilespmem:s9+$0x4010];
	v2 =	vadd.f32 v4, v3  }
0x296: {  	v3 =	vld [tilespmem:s9+$0x6010]  }
0x297: {  	v4 =	vadd.f32 v6, v5;
	v5 =	vld [tilespmem:s9+$0x8010];
	v1 =	vadd.f32 v2, v1  }
0x298: {  	v2 =	vld [tilespmem:s9+$0xA010]  }
0x299: {  	v6 =	vadd.f32 v8, v7;
	[tilespmem:s9+$0x18070] =	vst.add.f32.msk $0xffff, v1  }
0x29a: {  	v1 =	vld [tilespmem:s9+$0x4020]  }
0x29b: {  	v4 =	vadd.f32 v6, v4;
	v3 =	vadd.f32 v3, v9;
	v6 =	vld [tilespmem:s9+$0x6020]  }
0x29c: {  	v7 =	vld [tilespmem:s9+$0x8020]  }
0x29d: {  	v2 =	vadd.f32 v2, v5;
	v5 =	vld [tilespmem:s9+$0xA020]  }
0x29e: {  	v8 =	vld [tilespmem:s9+$0x4030]  }
0x29f: {  	v2 =	vadd.f32 v2, v3;
	v3 =	vld [tilespmem:s9+$0x6030]  }
0x2a0: {  	v1 =	vadd.f32 v6, v1;
	v6 =	vld [tilespmem:s9+$0x8030]  }
0x2a1: {  	v9 =	vld [tilespmem:s9+$0xA030]  }
0x2a2: {  	v5 =	vadd.f32 v5, v7;
	v7 =	vld [tilespmem:s9+$0x4040]  }
0x2a3: {  	v10 =	vld [tilespmem:s9+$0x6040]  }
0x2a4: {  	v1 =	vadd.f32 v5, v1;
	v3 =	vadd.f32 v3, v8;
	v5 =	vld [tilespmem:s9+$0x8040]  }
0x2a5: {  	v8 =	vld [tilespmem:s9+$0xA040]  }
0x2a6: {  	v6 =	vadd.f32 v9, v6;
	v9 =	vld [tilespmem:s9+$0x4050]  }
0x2a7: {  	v11 =	vld [tilespmem:s9+$0x6050]  }
0x2a8: {  	v3 =	vadd.f32 v6, v3;
	v6 =	vadd.f32 v10, v7;
	v7 =	vld [tilespmem:s9+$0x8050]  }
0x2a9: {  	v10 =	vld [tilespmem:s9+$0xA050]  }
0x2aa: {  	v5 =	vadd.f32 v8, v5;
	v8 =	vld [tilespmem:s9+$0x4060]  }
0x2ab: {  	v12 =	vld [tilespmem:s9+$0x6060]  }
0x2ac: {  	v5 =	vadd.f32 v5, v6;
	v6 =	vadd.f32 v11, v9;
	v9 =	vld [tilespmem:s9+$0x8060]  }
0x2ad: {  	v11 =	vld [tilespmem:s9+$0xA060]  }
0x2ae: {  	[tilespmem:s9+$0x18000] =	vst.add.f32.msk $0xffff, v4;
	v4 =	vadd.f32 v10, v7  }
0x2af: {  	[tilespmem:s9+$0x18010] =	vst.add.f32.msk $0xffff, v2  }
0x2b0: {  	[tilespmem:s9+$0x18020] =	vst.add.f32.msk $0xffff, v1;
	v1 =	vadd.f32 v4, v6;
	v2 =	vadd.f32 v12, v8  }
0x2b1: {  	[tilespmem:s9+$0x18030] =	vst.add.f32.msk $0xffff, v3  }
0x2b2: {  	[tilespmem:s9+$0x18040] =	vst.add.f32.msk $0xffff, v5;
	v3 =	vadd.f32 v11, v9  }
.Ltmp4:
0x2b3: {  	[tilespmem:s9+$0x18050] =	vst.add.f32.msk $0xffff, v1;
	(pc) =	sbr.rel @p0 .LBB2_11-.Ltmp4, $4  }
0x2b4: {  	[tilespmem:s8+$0x18060] =	vst.add.f32.msk $0xffff, v0;
	v0 =	vadd.f32 v3, v2;
	s8 =	smov.u32 s9;
	s9 =	sshra.s32 s5, $0x2  }
0x2b5: {  	v1 =	vld [tilespmem:s9+$0x4070]  }
0x2b6: {  	v2 =	vld [tilespmem:s9+$0x6070]  }
0x2b7: {  	s5 =	sadd.s32 $0x200, s5;
	v3 =	vld [tilespmem:s9+$0x8070]  }
0x2b8: {  	v4 =	vld [tilespmem:s9+$0xA070]  }
0x2b9: {  	v5 =	vld [tilespmem:s9+$0x4000]  }
0x2ba: {  	v6 =	vld [tilespmem:s9+$0x6000]  }
0x2bb: {  	v7 =	vld [tilespmem:s9+$0x8000]  }
0x2bc: {  	v8 =	vld [tilespmem:s9+$0xA000]  }
0x2bd: {  	v9 =	vld [tilespmem:s9+$0x4010]  }
0x2be: {  	v10 =	vld [tilespmem:s9+$0x6020]  }
0x2bf: {  	v11 =	vld [tilespmem:s9+$0x8020]  }
0x2c0: {  	v12 =	vld [tilespmem:s9+$0xA020]  }
0x2c1: {  	v13 =	vld [tilespmem:s9+$0x4030]  }
0x2c2: {  	v14 =	vld [tilespmem:s9+$0x6030]  }
0x2c3: {  	v15 =	vld [tilespmem:s9+$0x8030]  }
0x2c4: {  	v16 =	vld [tilespmem:s9+$0xA030]  }
0x2c5: {  	v17 =	vld [tilespmem:s9+$0x4040]  }
0x2c6: {  	v18 =	vld [tilespmem:s9+$0x6040]  }
0x2c7: {  	v19 =	vld [tilespmem:s9+$0x8040]  }
0x2c8: {  	v20 =	vld [tilespmem:s9+$0xA040]  }
0x2c9: {  	v21 =	vld [tilespmem:s9+$0x4050]  }
0x2ca: {  	v22 =	vld [tilespmem:s9+$0x6050]  }
0x2cb: {  	v29 =	vld [tilespmem:s9+$0x8050];
	v1 =	vadd.f32 v2, v1;
	v2 =	vadd.f32 v4, v3  }
0x2cc: {  	v4 =	vld [tilespmem:s9+$0x8010]  }
0x2cd: {  	v1 =	vadd.f32 v2, v1;
	v2 =	vld [tilespmem:s9+$0xA010]  }
0x2ce: {  	v3 =	vld [tilespmem:s9+$0x6010]  }
0x2cf: {  	[tilespmem:s9+$0x18070] =	vst.add.f32.msk $0xffff, v1  }
0x2d0: {  	v5 =	vadd.f32 v6, v5;
	v1 =	vld [tilespmem:s9+$0x4020]  }
0x2d1: {  	v31 =	vld [tilespmem:s9+$0x4060];
	v28 =	vadd.f32 v8, v7;
	v30 =	vadd.f32 v12, v11  }
0x2d2: {  	v33 =	vadd.f32 v14, v13;
	v2 =	vadd.f32 v2, v4;
	v4 =	vld [tilespmem:s9+$0xA050]  }
0x2d3: {  	v32 =	vld [tilespmem:s9+$0x6060];
	v34 =	vadd.f32 v16, v15;
	v3 =	vadd.f32 v3, v9  }
0x2d4: {  	v35 =	vld [tilespmem:s9+$0xA060];
	v36 =	vadd.f32 v18, v17;
	v5 =	vadd.f32 v28, v5  }
0x2d5: {  	v1 =	vadd.f32 v10, v1;
	v2 =	vadd.f32 v2, v3;
	v3 =	vld [tilespmem:s9+$0x8060]  }
0x2d6: {  	v37 =	vadd.f32 v20, v19;
	v38 =	vadd.f32 v22, v21  }
0x2d7: {  	[tilespmem:s9+$0x18000] =	vst.add.f32.msk $0xffff, v5;
	v1 =	vadd.f32 v30, v1;
	v4 =	vadd.f32 v4, v29  }
0x2d8: {  	v5 =	vadd.f32 v34, v33;
	[tilespmem:s9+$0x18010] =	vst.add.f32.msk $0xffff, v2  }
0x2d9: {  	v2 =	vadd.f32 v37, v36;
	[tilespmem:s9+$0x18020] =	vst.add.f32.msk $0xffff, v1;
	v1 =	vadd.f32 v4, v38  }
0x2da: {  	[tilespmem:s9+$0x18030] =	vst.add.f32.msk $0xffff, v5;
	v4 =	vadd.f32 v32, v31;
	v3 =	vadd.f32 v35, v3  }
0x2db: {  	s5 =	sadd.s32 $0x1, s3;
	p0 =	seq.s32 s3, $0x7;
	[tilespmem:s9+$0x18040] =	vst.add.f32.msk $0xffff, v2  }
0x2dc: {  	s6 =	sshll.u32 @!p0 s5, $0x6;
	s7 =	sshll.u32 @!p0 s5, $0x9;
	[tilespmem:s9+$0x18050] =	vst.add.f32.msk $0xffff, v1;
	v1 =	vadd.f32 v3, v4  }
0x2dd: {  	s11 =	rddreg [dreg:$0x1];
	s3 =	sand.u32 @!p0 $0x1C00, s7;
	[tilespmem:s8+$0x18060] =	vst.add.f32.msk $0xffff, v0;
	s8 =	sand.u32 @!p0 $0x40, s6  }
0x2de: {  	s10 =	simm.s32 @!p0 $0x4000;
	[tilespmem:s9+$0x18060] =	vst.add.f32.msk $0xffff, v1;
	s3 =	sor.u32 @!p0 s8, s3;
	s9 =	simm.s32 @!p0 $0x40  }
0x2df: {  	[tilespmem:s10], [sflag:$0x1] =	stream.indirect.gather @!p0 [hbm4b:s11+s9], $0x80, s3, s9, $0xb8;
	[tilespmem:$0x1A000] =	vst v63  }
0x2e0: {  	s2 =	rddreg [dreg:$0x4];
	s10 =	sor.u32 @!p0 $0x80, s3;
	s11 =	simm.s32 @!p0 $0x6000  }
0x2e1: {  	[tilespmem:s11], [sflag:$0x2] =	stream.indirect.gather @!p0 [hbm4b:s2+s9], $0x80, s10, s9, $0xb8;
	[tilespmem:$0x1A000] =	vst v63  }
0x2e2: {  	s10 =	sor.u32 @!p0 $0x100, s3;
	s11 =	simm.s32 @!p0 $0x8000;
	s2 =	rddreg [dreg:$0x5]  }
0x2e3: {  	[tilespmem:s11], [sflag:$0x3] =	stream.indirect.gather @!p0 [hbm4b:s2+s9], $0x80, s10, s9, $0xb8;
	[tilespmem:$0x1A000] =	vst v63  }
0x2e4: {  	s10 =	sor.u32 @!p0 $0x180, s3;
	s11 =	simm.s32 @!p0 $0xA000;
	s2 =	rddreg [dreg:$0x6]  }
0x2e5: {  	[tilespmem:s11], [sflag:$0x4] =	stream.indirect.gather @!p0 [hbm4b:s2+s9], $0x80, s10, s9, $0xb8;
	[tilespmem:$0x1A000] =	vst v63  }
0x2e6: {  	_ =	swait.ge [sflag:s24], $0x2000  }
0x2e7: {  	[sflag:s24] =	ssyncset.done $0x0  }
0x2e8: {  	[sflag:s24] =	ssyncadd.s32 $0xFFFFE000  }
0x2e9: {  	_ =	swait.ge [sflag:s23], $0x2000  }
0x2ea: {  	[sflag:s23] =	ssyncset.done $0x0  }
0x2eb: {  	[sflag:s23] =	ssyncadd.s32 $0xFFFFE000  }
0x2ec: {  	_ =	swait.ge [sflag:s25], $0x2000  }
0x2ed: {  	[sflag:s25] =	ssyncset.done $0x0  }
0x2ee: {  	[sflag:s25] =	ssyncadd.s32 $0xFFFFE000  }
0x2ef: {  	_ =	swait.ge [sflag:s28], $0x2000  }
0x2f0: {  	[sflag:s28] =	ssyncset.done $0x0  }
0x2f1: {  	s9 =	simm.s32 $0x0;
	[sflag:s28] =	ssyncadd.s32 $0xFFFFE000  }
0x2f2: {  	v0 =	vld [tilespmem:s9+$0xC070]  }
0x2f3: {  	v1 =	vld [tilespmem:s9+$0xE070]  }
0x2f4: {  	v2 =	vld [tilespmem:s9+$0x10070]  }
0x2f5: {  	v3 =	vld [tilespmem:s9+$0x12070]  }
0x2f6: {  	v4 =	vld [tilespmem:s9+$0xC000]  }
0x2f7: {  	v5 =	vld [tilespmem:s9+$0xE000]  }
0x2f8: {  	v39 =	vld [tilespmem:s9+$0x10000]  }
0x2f9: {  	v40 =	vld [tilespmem:s9+$0x12000]  }
0x2fa: {  	v41 =	vld [tilespmem:s9+$0xC010]  }
0x2fb: {  	v42 =	vld [tilespmem:s9+$0xE020]  }
0x2fc: {  	v43 =	vld [tilespmem:s9+$0x10020]  }
0x2fd: {  	v44 =	vld [tilespmem:s9+$0x12020]  }
0x2fe: {  	v45 =	vld [tilespmem:s9+$0xC030]  }
0x2ff: {  	v46 =	vld [tilespmem:s9+$0xE030]  }
0x300: {  	v47 =	vld [tilespmem:s9+$0x10030]  }
0x301: {  	v48 =	vld [tilespmem:s9+$0x12030]  }
0x302: {  	v49 =	vld [tilespmem:s9+$0xC040]  }
0x303: {  	v50 =	vld [tilespmem:s9+$0xE040]  }
0x304: {  	v51 =	vld [tilespmem:s9+$0x10040]  }
0x305: {  	v52 =	vld [tilespmem:s9+$0x12040]  }
0x306: {  	v53 =	vld [tilespmem:s9+$0xC050]  }
0x307: {  	v54 =	vld [tilespmem:s9+$0xE050]  }
0x308: {  	v55 =	vld [tilespmem:s9+$0x10050];
	v0 =	vadd.f32 v1, v0;
	v1 =	vadd.f32 v3, v2  }
0x309: {  	v3 =	vld [tilespmem:s9+$0x10010]  }
0x30a: {  	v0 =	vadd.f32 v1, v0;
	v1 =	vld [tilespmem:s9+$0x12010]  }
0x30b: {  	v2 =	vld [tilespmem:s9+$0xE010]  }
0x30c: {  	[tilespmem:s9+$0x18070] =	vst.add.f32.msk $0xffff, v0  }
0x30d: {  	v4 =	vadd.f32 v5, v4;
	v5 =	vadd.f32 v40, v39;
	v0 =	vld [tilespmem:s9+$0xC020]  }
0x30e: {  	v57 =	vld [tilespmem:s9+$0xC060];
	v56 =	vadd.f32 v44, v43;
	v58 =	vadd.f32 v46, v45  }
0x30f: {  	v59 =	vadd.f32 v48, v47;
	v1 =	vadd.f32 v1, v3;
	v3 =	vld [tilespmem:s9+$0x12050]  }
0x310: {  	v60 =	vld [tilespmem:s9+$0xE060];
	v62 =	vadd.f32 v50, v49;
	v4 =	vadd.f32 v5, v4  }
0x311: {  	v61 =	vld [tilespmem:s9+$0x12060];
	v5 =	vadd.f32 v59, v58;
	v2 =	vadd.f32 v2, v41  }
0x312: {  	v63 =	vadd.f32 v52, v51;
	[tilespmem:s9+$0x18000] =	vst.add.f32.msk $0xffff, v4;
	v0 =	vadd.f32 v42, v0  }
0x313: {  	v4 =	vadd.f32 v54, v53;
	[tilespmem:s9+$0x18030] =	vst.add.f32.msk $0xffff, v5;
	v1 =	vadd.f32 v1, v2  }
0x314: {  	v2 =	vld [tilespmem:s9+$0x10060];
	v0 =	vadd.f32 v56, v0;
	v3 =	vadd.f32 v3, v55  }
0x315: {  	[tilespmem:s9+$0x18010] =	vst.add.f32.msk $0xffff, v1;
	v1 =	vadd.f32 v63, v62  }
0x316: {  	[tilespmem:s9+$0x18020] =	vst.add.f32.msk $0xffff, v0;
	v0 =	vadd.f32 v3, v4  }
0x317: {  	[tilespmem:s9+$0x18040] =	vst.add.f32.msk $0xffff, v1  }
0x318: {  	s10 =	simm.s32 $0x80;
	[tilespmem:s9+$0x18050] =	vst.add.f32.msk $0xffff, v0  }
0x319: {  	v3 =	vadd.f32 v61, v2;
	v0 =	vadd.f32 v60, v57;
	v1 =	vld [tilespmem:s10+$0xC070]  }
0x31a: {  	v2 =	vld [tilespmem:s10+$0xE070]  }
0x31b: {  	s11 =	simm.s32 $0x400;
	v0 =	vadd.f32 v3, v0;
	v3 =	vld [tilespmem:s10+$0x10070]  }
.LBB2_13:
0x31c: {  	p1 =	sne.s32 s11, $0x7E00;
	v4 =	vld [tilespmem:s10+$0x12070]  }
0x31d: {  	v5 =	vld [tilespmem:s10+$0xC000]  }
0x31e: {  	v6 =	vld [tilespmem:s10+$0xE000]  }
0x31f: {  	v7 =	vld [tilespmem:s10+$0x10000]  }
0x320: {  	v8 =	vld [tilespmem:s10+$0x12000]  }
0x321: {  	v1 =	vadd.f32 v2, v1;
	v9 =	vld [tilespmem:s10+$0xC010];
	v2 =	vadd.f32 v4, v3  }
0x322: {  	v3 =	vld [tilespmem:s10+$0xE010]  }
0x323: {  	v4 =	vadd.f32 v6, v5;
	v5 =	vld [tilespmem:s10+$0x10010];
	v1 =	vadd.f32 v2, v1  }
0x324: {  	v2 =	vld [tilespmem:s10+$0x12010]  }
0x325: {  	v6 =	vadd.f32 v8, v7;
	[tilespmem:s10+$0x18070] =	vst.add.f32.msk $0xffff, v1  }
0x326: {  	v1 =	vld [tilespmem:s10+$0xC020]  }
0x327: {  	v4 =	vadd.f32 v6, v4;
	v3 =	vadd.f32 v3, v9;
	v6 =	vld [tilespmem:s10+$0xE020]  }
0x328: {  	v7 =	vld [tilespmem:s10+$0x10020]  }
0x329: {  	v2 =	vadd.f32 v2, v5;
	v5 =	vld [tilespmem:s10+$0x12020]  }
0x32a: {  	v8 =	vld [tilespmem:s10+$0xC030]  }
0x32b: {  	v2 =	vadd.f32 v2, v3;
	v3 =	vld [tilespmem:s10+$0xE030]  }
0x32c: {  	v1 =	vadd.f32 v6, v1;
	v6 =	vld [tilespmem:s10+$0x10030]  }
0x32d: {  	v9 =	vld [tilespmem:s10+$0x12030]  }
0x32e: {  	v5 =	vadd.f32 v5, v7;
	v7 =	vld [tilespmem:s10+$0xC040]  }
0x32f: {  	v10 =	vld [tilespmem:s10+$0xE040]  }
0x330: {  	v1 =	vadd.f32 v5, v1;
	v3 =	vadd.f32 v3, v8;
	v5 =	vld [tilespmem:s10+$0x10040]  }
0x331: {  	v8 =	vld [tilespmem:s10+$0x12040]  }
0x332: {  	v6 =	vadd.f32 v9, v6;
	v9 =	vld [tilespmem:s10+$0xC050]  }
0x333: {  	v11 =	vld [tilespmem:s10+$0xE050]  }
0x334: {  	v3 =	vadd.f32 v6, v3;
	v6 =	vadd.f32 v10, v7;
	v7 =	vld [tilespmem:s10+$0x10050]  }
0x335: {  	v10 =	vld [tilespmem:s10+$0x12050]  }
0x336: {  	v5 =	vadd.f32 v8, v5;
	v8 =	vld [tilespmem:s10+$0xC060]  }
0x337: {  	v12 =	vld [tilespmem:s10+$0xE060]  }
0x338: {  	v5 =	vadd.f32 v5, v6;
	v6 =	vadd.f32 v11, v9;
	v9 =	vld [tilespmem:s10+$0x10060]  }
0x339: {  	v11 =	vld [tilespmem:s10+$0x12060]  }
0x33a: {  	[tilespmem:s10+$0x18000] =	vst.add.f32.msk $0xffff, v4;
	v4 =	vadd.f32 v10, v7  }
0x33b: {  	[tilespmem:s10+$0x18010] =	vst.add.f32.msk $0xffff, v2  }
0x33c: {  	[tilespmem:s10+$0x18020] =	vst.add.f32.msk $0xffff, v1;
	v1 =	vadd.f32 v4, v6;
	v2 =	vadd.f32 v12, v8  }
0x33d: {  	[tilespmem:s10+$0x18030] =	vst.add.f32.msk $0xffff, v3  }
0x33e: {  	[tilespmem:s10+$0x18040] =	vst.add.f32.msk $0xffff, v5;
	v3 =	vadd.f32 v11, v9  }
.Ltmp5:
0x33f: {  	[tilespmem:s10+$0x18050] =	vst.add.f32.msk $0xffff, v1;
	(pc) =	sbr.rel @p1 .LBB2_13-.Ltmp5, $4  }
0x340: {  	[tilespmem:s9+$0x18060] =	vst.add.f32.msk $0xffff, v0;
	v0 =	vadd.f32 v3, v2;
	s9 =	smov.u32 s10;
	s10 =	sshra.s32 s11, $0x2  }
0x341: {  	v1 =	vld [tilespmem:s10+$0xC070]  }
0x342: {  	v2 =	vld [tilespmem:s10+$0xE070]  }
0x343: {  	s11 =	sadd.s32 $0x200, s11;
	v3 =	vld [tilespmem:s10+$0x10070]  }
0x344: {  	v4 =	vld [tilespmem:s10+$0x12070]  }
0x345: {  	v5 =	vld [tilespmem:s10+$0xC000]  }
0x346: {  	v6 =	vld [tilespmem:s10+$0xE000]  }
0x347: {  	v7 =	vld [tilespmem:s10+$0x10000]  }
0x348: {  	v8 =	vld [tilespmem:s10+$0x12000]  }
0x349: {  	v9 =	vld [tilespmem:s10+$0xC010]  }
0x34a: {  	v49 =	vld [tilespmem:s10+$0x10010]  }
0x34b: {  	v10 =	vld [tilespmem:s10+$0xE020]  }
0x34c: {  	v11 =	vld [tilespmem:s10+$0x10020]  }
0x34d: {  	v12 =	vld [tilespmem:s10+$0x12020]  }
0x34e: {  	v13 =	vld [tilespmem:s10+$0xC030]  }
0x34f: {  	v14 =	vld [tilespmem:s10+$0xE030]  }
0x350: {  	v15 =	vld [tilespmem:s10+$0x10030]  }
0x351: {  	v16 =	vld [tilespmem:s10+$0x12030]  }
0x352: {  	v17 =	vld [tilespmem:s10+$0xC040]  }
0x353: {  	v18 =	vld [tilespmem:s10+$0xE040]  }
0x354: {  	v19 =	vld [tilespmem:s10+$0x10040]  }
0x355: {  	v20 =	vld [tilespmem:s10+$0x12040]  }
0x356: {  	v21 =	vld [tilespmem:s10+$0xC050]  }
0x357: {  	v22 =	vld [tilespmem:s10+$0xE050]  }
0x358: {  	v51 =	vld [tilespmem:s10+$0x10050];
	v1 =	vadd.f32 v2, v1;
	v2 =	vadd.f32 v4, v3  }
0x359: {  	v3 =	vld [tilespmem:s10+$0xE010]  }
0x35a: {  	v1 =	vadd.f32 v2, v1;
	v2 =	vld [tilespmem:s10+$0x12010]  }
0x35b: {  	v52 =	vld [tilespmem:s10+$0x12050]  }
0x35c: {  	[tilespmem:s10+$0x18070] =	vst.add.f32.msk $0xffff, v1  }
0x35d: {  	v5 =	vadd.f32 v6, v5;
	v50 =	vadd.f32 v8, v7;
	v1 =	vld [tilespmem:s10+$0xC020]  }
0x35e: {  	v54 =	vld [tilespmem:s10+$0xC060];
	v53 =	vadd.f32 v12, v11;
	v56 =	vadd.f32 v14, v13  }
0x35f: {  	v55 =	vld [tilespmem:s10+$0xE060];
	v3 =	vadd.f32 v3, v9;
	v2 =	vadd.f32 v2, v49  }
0x360: {  	v58 =	vld [tilespmem:s10+$0x12060];
	v57 =	vadd.f32 v16, v15;
	v59 =	vadd.f32 v18, v17  }
0x361: {  	v5 =	vadd.f32 v50, v5;
	v2 =	vadd.f32 v2, v3;
	v3 =	vld [tilespmem:s10+$0x10060]  }
0x362: {  	v62 =	vadd.f32 v57, v56;
	v1 =	vadd.f32 v10, v1  }
0x363: {  	v60 =	vadd.f32 v20, v19;
	v61 =	vadd.f32 v22, v21;
	[tilespmem:s10+$0x18000] =	vst.add.f32.msk $0xffff, v5  }
0x364: {  	v4 =	vadd.f32 v52, v51;
	[tilespmem:s10+$0x18030] =	vst.add.f32.msk $0xffff, v62;
	v1 =	vadd.f32 v53, v1  }
0x365: {  	v63 =	vadd.f32 v55, v54;
	[tilespmem:s10+$0x18010] =	vst.add.f32.msk $0xffff, v2;
	v2 =	vadd.f32 v60, v59  }
0x366: {  	[tilespmem:s10+$0x18020] =	vst.add.f32.msk $0xffff, v1;
	v1 =	vadd.f32 v4, v61;
	v3 =	vadd.f32 v58, v3  }
0x367: {  	[tilespmem:s10+$0x18040] =	vst.add.f32.msk $0xffff, v2  }
0x368: {  	[tilespmem:s10+$0x18050] =	vst.add.f32.msk $0xffff, v1;
	v1 =	vadd.f32 v3, v63  }
0x369: {  	s8 =	sor.u32 @!p0 s7, s8;
	s11 =	simm.s32 @!p0 $0xC000;
	s2 =	rddreg [dreg:$0x7];
	[tilespmem:s9+$0x18060] =	vst.add.f32.msk $0xffff, v0  }
0x36a: {  	s6 =	sor.u32 @!p0 s7, s6;
	s9 =	sor.u32 @!p0 $0x200, s8;
	[tilespmem:s10+$0x18060] =	vst.add.f32.msk $0xffff, v1;
	s10 =	simm.s32 @!p0 $0x40  }
0x36b: {  	[tilespmem:s11], [sflag:$0x5] =	stream.indirect.gather @!p0 [hbm4b:s2+s10], $0x80, s9, s10, $0xb8;
	[tilespmem:$0x1A000] =	vst v63  }
0x36c: {  	s9 =	sor.u32 @!p0 $0x280, s8;
	s11 =	simm.s32 @!p0 $0xE000;
	s2 =	rddreg [dreg:$0x8]  }
0x36d: {  	[tilespmem:s11], [sflag:$0x6] =	stream.indirect.gather @!p0 [hbm4b:s2+s10], $0x80, s9, s10, $0xb8;
	[tilespmem:$0x1A000] =	vst v63  }
0x36e: {  	s8 =	sor.u32 @!p0 $0x300, s8;
	s9 =	simm.s32 @!p0 $0x10000;
	s2 =	rddreg [dreg:$0x9]  }
0x36f: {  	[tilespmem:s9], [sflag:$0x7] =	stream.indirect.gather @!p0 [hbm4b:s2+s10], $0x80, s8, s10, $0xb8;
	[tilespmem:$0x1A000] =	vst v63  }
0x370: {  	s7 =	simm.s32 @!p0 $0x12000;
	s6 =	sor.u32 @!p0 $0x380, s6;
	s2 =	rddreg [dreg:$0xa]  }
0x371: {  	[tilespmem:s7], [sflag:$0x8] =	stream.indirect.gather @!p0 [hbm4b:s2+s10], $0x80, s6, s10, $0xb8;
	[tilespmem:$0x1A000] =	vst v63  }
0x372: {  	_ =	swait.ge [sflag:s29], $0x2000  }
0x373: {  	[sflag:s29] =	ssyncset.done $0x0  }
0x374: {  	[sflag:s29] =	ssyncadd.s32 $0xFFFFE000  }
0x375: {  	_ =	swait.ge [sflag:s31], $0x2000  }
0x376: {  	[sflag:s31] =	ssyncset.done $0x0  }
0x377: {  	s6 =	simm.s32 $0x0;
	[sflag:s31] =	ssyncadd.s32 $0xFFFFE000  }
0x378: {  	s7 =	simm.s32 $0x200;
	v0 =	vld [tilespmem:s6+$0x14070]  }
.LBB2_15:
0x379: {  	p1 =	sne.s32 s7, $0x7E00;
	v1 =	vld [tilespmem:s6+$0x16070]  }
0x37a: {  	v2 =	vld [tilespmem:s6+$0x14000]  }
0x37b: {  	v3 =	vld [tilespmem:s6+$0x16000]  }
0x37c: {  	v4 =	vld [tilespmem:s6+$0x14010]  }
0x37d: {  	v5 =	vld [tilespmem:s6+$0x16010]  }
0x37e: {  	v6 =	vld [tilespmem:s6+$0x14020];
	v0 =	vadd.f32 v1, v0  }
0x37f: {  	v1 =	vld [tilespmem:s6+$0x16020]  }
0x380: {  	v2 =	vadd.f32 v3, v2;
	[tilespmem:s6+$0x18070] =	vst.add.f32.msk $0xffff, v0  }
0x381: {  	v0 =	vld [tilespmem:s6+$0x14030]  }
0x382: {  	v3 =	vadd.f32 v5, v4;
	v4 =	vld [tilespmem:s6+$0x16030]  }
0x383: {  	v5 =	vld [tilespmem:s6+$0x14040]  }
0x384: {  	v1 =	vadd.f32 v1, v6;
	v6 =	vld [tilespmem:s6+$0x16040]  }
0x385: {  	v7 =	vld [tilespmem:s6+$0x14050]  }
0x386: {  	v8 =	vld [tilespmem:s6+$0x16050]  }
0x387: {  	v0 =	vadd.f32 v4, v0;
	v4 =	vld [tilespmem:s6+$0x14060]  }
0x388: {  	v9 =	vld [tilespmem:s6+$0x16060]  }
0x389: {  	[tilespmem:s6+$0x18000] =	vst.add.f32.msk $0xffff, v2;
	v2 =	vadd.f32 v6, v5  }
0x38a: {  	[tilespmem:s6+$0x18010] =	vst.add.f32.msk $0xffff, v3  }
0x38b: {  	[tilespmem:s6+$0x18020] =	vst.add.f32.msk $0xffff, v1;
	v1 =	vadd.f32 v8, v7  }
.Ltmp6:
0x38c: {  	[tilespmem:s6+$0x18030] =	vst.add.f32.msk $0xffff, v0;
	(pc) =	sbr.rel @p1 .LBB2_15-.Ltmp6, $4  }
0x38d: {  	[tilespmem:s6+$0x18040] =	vst.add.f32.msk $0xffff, v2;
	v0 =	vadd.f32 v9, v4  }
0x38e: {  	[tilespmem:s6+$0x18050] =	vst.add.f32.msk $0xffff, v1  }
0x38f: {  	[tilespmem:s6+$0x18060] =	vst.add.f32.msk $0xffff, v0;
	s6 =	sshra.s32 s7, $0x2  }
0x390: {  	s7 =	sadd.s32 $0x200, s7;
	v0 =	vld [tilespmem:s6+$0x14070]  }
0x391: {  	v1 =	vld [tilespmem:s6+$0x16070]  }
0x392: {  	v2 =	vld [tilespmem:s6+$0x14000]  }
0x393: {  	v3 =	vld [tilespmem:s6+$0x16000]  }
0x394: {  	v4 =	vld [tilespmem:s6+$0x14010]  }
0x395: {  	v5 =	vld [tilespmem:s6+$0x16010]  }
0x396: {  	v6 =	vld [tilespmem:s6+$0x14020]  }
0x397: {  	v57 =	vld [tilespmem:s6+$0x16020]  }
0x398: {  	v58 =	vld [tilespmem:s6+$0x14030]  }
0x399: {  	v7 =	vld [tilespmem:s6+$0x16030]  }
0x39a: {  	v8 =	vld [tilespmem:s6+$0x14040]  }
0x39b: {  	v9 =	vld [tilespmem:s6+$0x16040]  }
0x39c: {  	v10 =	vld [tilespmem:s6+$0x14050]  }
0x39d: {  	v11 =	vld [tilespmem:s6+$0x16050]  }
0x39e: {  	v59 =	vld [tilespmem:s6+$0x14060];
	v0 =	vadd.f32 v1, v0  }
0x39f: {  	v60 =	vld [tilespmem:s6+$0x16060];
	v2 =	vadd.f32 v3, v2  }
0x3a0: {  	v4 =	vadd.f32 v5, v4;
	[tilespmem:s6+$0x18070] =	vst.add.f32.msk $0xffff, v0  }
0x3a1: {  	v1 =	vadd.f32 v57, v6;
	[tilespmem:s6+$0x18000] =	vst.add.f32.msk $0xffff, v2  }
0x3a2: {  	v61 =	vadd.f32 v9, v8;
	[tilespmem:s6+$0x18010] =	vst.add.f32.msk $0xffff, v4  }
0x3a3: {  	v62 =	vadd.f32 v11, v10;
	[tilespmem:s6+$0x18020] =	vst.add.f32.msk $0xffff, v1  }
0x3a4: {  	v63 =	vadd.f32 v60, v59;
	[tilespmem:s6+$0x18040] =	vst.add.f32.msk $0xffff, v61  }
0x3a5: {  	v0 =	vadd.f32 v7, v58;
	[tilespmem:s6+$0x18050] =	vst.add.f32.msk $0xffff, v62  }
0x3a6: {  	s7 =	simm.s32 @!p0 $0x40;
	s2 =	rddreg [dreg:$0x14];
	[tilespmem:s6+$0x18060] =	vst.add.f32.msk $0xffff, v63  }
0x3a7: {  	s8 =	simm.s32 @!p0 $0x14000;
	s9 =	rddreg [dreg:$0x2];
	[tilespmem:s6+$0x18030] =	vst.add.f32.msk $0xffff, v0;
	s6 =	sadd.s32 @!p0 $0x3000, s3  }
0x3a8: {  	[tilespmem:s8], [sflag:$0x9] =	stream.indirect.gather @!p0 [hbm4b:s12+s7], $0x80, s6, s7, $0xb8;
	[tilespmem:$0x1A000] =	vst v63  }
0x3a9: {  	s0 =	sadd.s32 s2, s0;
	s3 =	sadd.s32 @!p0 $0x3080, s3;
	s6 =	simm.s32 @!p0 $0x16000  }
0x3aa: {  	[tilespmem:s6], [sflag:$0xA] =	stream.indirect.gather @!p0 [hbm4b:s13+s7], $0x80, s3, s7, $0xb8;
	[tilespmem:$0x1A000] =	vst v63  }
0x3ab: {  	s10 =	simm.s32 $0x0;
	s0 =	sshll.u32 s0, $0x4;
	p0 =	sne.s32 s5, $0x8  }
.Ltmp7:
0x3ac: {  	s11 =	simm.s32 $0x18000;
	s0 =	sadd.s32 s9, s0;
	(pc) =	sbr.rel @p0 .LBB2_2-.Ltmp7, $4  }
0x3ad: {  	[hbm4b:s0+s10] =	stream.linear.scatter [tilespmem:s11], [sflag:$0xB], $0x2000, $0x38;
	[tilespmem:$0x1A000] =	vst v63  }
0x3ae: {  	_ =	swait.ge [sflag:s26], $0x2000  }
0x3af: {  	[sflag:s26] =	ssyncset.done $0x0  }
0x3b0: {  	s3 =	smov.u32 s5;
	s10 =	simm.s32 $0x4000;
	[sflag:s26] =	ssyncadd.s32 $0xFFFFE000  }
0x3b1: {  	s2 =	rddreg [dreg:$0x1e]  }
0x3b2: {  	s0 =	rddreg [dreg:$0x1a];
	s2 =	sadd.s32 $0x1, s2  }
0x3b3: {  	p0 =	sne.s32 s2, s0  }
.Ltmp8:
0x3b4: {  	_ = 	snop;
	(pc) =	sbr.rel @p0 .LBB2_1-.Ltmp8, $1  }
0x3b5: {  	_ =	sdelay $0x3  }
0x3b6: {  	_ =	sfence.sel $0x180000  }
0x3b7: {  	[bflag:$0x0] =	sbarrier.arrive $0xFFFF  }
0x3b8: {  	_ =	strace $0x90000047  }
0x3b9: {  	s0 =	stileid.u32;
	[bflag:$0x2] =	sbarrier.arrive $0xFFFF  }
0x3ba: {  	p0 =	sne.s32 s0, $0x0;
	s0 =	rddreg [dreg:$0x3]  }
0x3bb: {  	s0 =	sadd.s32 @!p0 $0x100000, s0  }
0x3bc: {  	[sflag:s0] =	ssyncadd.tile.s32 @!p0 $0x1;
	_ =	shalt  }
.Lfunc_end2:
_tile_overlayer_lowered:
.L_overlay_start_2:
0x3bd: {  	(tag) =	ssettag $0x2  }
0x3be: {  	s0 =	rddreg [dreg:$0x0];
	s2 =	stileid.u32  }
0x3bf: {  	s1 =	rddreg [dreg:$0x1];
	p0 =	sne.s32 s2, $0x0  }
0x3c0: {  	s3 =	rddreg [dreg:$0x2];
	[bflag:$0x3] =	sbarrier.arrive $0xFFFF;
	s2 =	simm.s32 @!p0 $0x1C0B  }
0x3c1: {  	[timem:s3], [sflag:s2] =	dma.local @!p0 [hbm:s0], s1  }
0x3c2: {  	s0 =	simm.s32 @!p0 $0xB  }
0x3c3: {  	_ =	swait.ge @!p0 [sflag:s0], s1  }
0x3c4: {  	s1 =	ssub.s32 @!p0 $0x0, s1;
	[sflag:s0] =	ssyncset.done @!p0 $0x0  }
0x3c5: {  	[sflag:s0] =	ssyncadd.s32 @!p0 s1  }
0x3c6: {  	[bflag:$0x3] =	sbarrier.arrive $0xFFFF  }
0x3c7: {  	_ =	shalt  }

</sc_bundles>
